<compile_context>
chip_gen: v7x
topology: tpu7x:2x2x1
jax: 0.10.2.dev20260603
libtpu: 0.0.44.dev20260713+nightly
codegen_flags: <defaults>
</compile_context>

<pallas_src>
import jax
import jax.numpy as jnp
from jax.experimental import pallas as pl
from jax.experimental.pallas import tpu as pltpu
from jax.experimental.pallas import tpu_sc as plsc

VOCAB = 215680
ROWS = VOCAB // 128
W_ROW0 = 1184
W_LO = W_ROW0 * 128
WIN_ROWS = ROWS - W_ROW0
PAD_ROWS = 504
BAND_LO = 117
BAND_HI = 64117
EOS_LOC = 93
TOP_K = 50
CAP = 64
NR = 16
MIN_P = 0.05
TOP_P = 0.9
TEMPERATURE = 0.85
PAD_IDX = 0x7FFFFFFF
PAD_BASE = 0x40000000
F32_TINY = float(jnp.finfo(jnp.float32).tiny)


def _threefry_bits(gi_u32):
    x0 = jnp.zeros_like(gi_u32)
    x1 = gi_u32
    ks0 = jnp.uint32(0)
    ks1 = jnp.uint32(1)
    ks2 = jnp.uint32(0x1BD11BDA) ^ ks0 ^ ks1
    rot1 = (13, 15, 26, 6)
    rot2 = (17, 29, 16, 24)
    x0 = x0 + ks0
    x1 = x1 + ks1
    ks = (ks1, ks2, ks0)
    for g in range(5):
        for r in (rot1 if g % 2 == 0 else rot2):
            x0 = x0 + x1
            x1 = (x1 << jnp.uint32(r)) | (x1 >> jnp.uint32(32 - r))
            x1 = x1 ^ x0
        x0 = x0 + ks[g % 3]
        x1 = x1 + ks[(g + 1) % 3] + jnp.uint32(g + 1)
    return x0 ^ x1


def _tc_body(x_ref, pk_ref, ik_ref, tok_ref, key_ref, psk_ref, psi_ref):
    f32 = jnp.float32
    i32 = jnp.int32
    u32 = jnp.uint32
    neg_inf = f32(-jnp.inf)

    c = x_ref[0, W_ROW0:, :]
    u = x_ref[1, W_ROW0:, :]
    cfg = u + f32(2.0) * (c - u)
    ridx = jax.lax.broadcasted_iota(i32, (WIN_ROWS, 128), 0)
    lidx = jax.lax.broadcasted_iota(i32, (WIN_ROWS, 128), 1)
    flat = ridx * 128 + lidx
    valid = ((flat >= BAND_LO) & (flat < BAND_HI)) | (flat == EOS_LOC)
    w = jnp.where(valid, cfg + f32(0.0), neg_inf)
    b = jax.lax.bitcast_convert_type(w, u32)
    key = jnp.where((b >> u32(31)) == u32(1), ~b, b | u32(0x80000000))
    key_ref[0:WIN_ROWS, :] = key
    key_ref[WIN_ROWS:, :] = jnp.zeros((PAD_ROWS - WIN_ROWS, 128), u32)

    def bit_step(i, t):
        sh = u32(30) - u32(2) * i.astype(u32)
        b1 = u32(2) << sh
        b2 = u32(1) << sh
        ka = key_ref[...]
        c1 = jnp.sum((ka >= (t | b1)).astype(i32))
        c2 = jnp.sum((ka >= (t | b2)).astype(i32))
        c3 = jnp.sum((ka >= (t | b1 | b2)).astype(i32))
        hi_ok = c1 >= TOP_K
        t2 = jnp.where(hi_ok, t | b1, t)
        lo_cnt = jnp.where(hi_ok, c3, c2)
        return jnp.where(lo_cnt >= TOP_K, t2 | b2, t2)

    t = jax.lax.fori_loop(0, 16, bit_step, u32(0))

    riota504 = jax.lax.broadcasted_iota(i32, (PAD_ROWS, 128), 0)
    lane1 = jax.lax.broadcasted_iota(i32, (1, 128), 1)
    n_surv = jnp.sum((key_ref[...] >= t).astype(i32))

    def round_r(r):
        ka = key_ref[...]
        alive = ka >= t
        rowidx = jnp.min(jnp.where(alive, riota504, i32(1 << 20)),
                         axis=0, keepdims=True)
        eq = (riota504 == rowidx) & alive
        ka_i = jax.lax.bitcast_convert_type(ka, i32)
        kk = jax.lax.bitcast_convert_type(
            jnp.sum(jnp.where(eq, ka_i, i32(0)), axis=0, keepdims=True), u32)
        live = kk > u32(0)
        pidx = jnp.where(live, rowidx * 128 + lane1,
                         i32(PAD_BASE) + r * 128 + lane1)
        key_ref[...] = jnp.where(eq, u32(0), ka)
        psk_ref[r:r + 1, :] = kk
        psi_ref[r:r + 1, :] = pidx
        return jnp.sum(live.astype(i32))

    got = i32(0)
    for r in range(4):
        got = got + round_r(r)
    riota16 = jax.lax.broadcasted_iota(i32, (NR, 128), 0)
    liota16 = jax.lax.broadcasted_iota(i32, (NR, 128), 1)
    psk_ref[4:NR, :] = jnp.zeros((NR - 4, 128), u32)
    psi_ref[4:NR, :] = (i32(PAD_BASE) + riota16 * 128 + liota16)[4:NR, :]

    @pl.when(got < n_surv)
    def _():
        for r in range(4, NR):
            round_r(r)

    psk = psk_ref[...]
    psi = psi_ref[...]

    live = psk > u32(0)
    vb = jnp.where(psk >= u32(0x80000000), psk ^ u32(0x80000000), ~psk)
    psv = jnp.where(live, jax.lax.bitcast_convert_type(vb, f32), neg_inf)

    riota = jax.lax.broadcasted_iota(i32, (NR, 128), 0)
    liota = jax.lax.broadcasted_iota(i32, (NR, 128), 1)
    fr = riota * 128 + liota
    N = NR * 128

    def roll_rows(x, d):
        return jnp.concatenate([x[d:], x[:d]], axis=0)

    k2 = 2
    while k2 <= N:
        dirdesc = (fr & k2) == 0
        j = k2 // 2
        while j >= 1:
            lobit = (fr & j) == 0
            if j < 128:
                up_v = pltpu.roll(psv, 128 - j, axis=1)
                dn_v = pltpu.roll(psv, j, axis=1)
                up_i = pltpu.roll(psi, 128 - j, axis=1)
                dn_i = pltpu.roll(psi, j, axis=1)
            else:
                d = j // 128
                up_v, dn_v = roll_rows(psv, d), roll_rows(psv, NR - d)
                up_i, dn_i = roll_rows(psi, d), roll_rows(psi, NR - d)
            svp = jnp.where(lobit, up_v, dn_v)
            sip = jnp.where(lobit, up_i, dn_i)
            afirst = (psv > svp) | ((psv == svp) & (psi < sip))
            take_self = ((afirst == lobit) == dirdesc)
            psv = jnp.where(take_self, psv, svp)
            psi = jnp.where(take_self, psi, sip)
            j //= 2
        k2 *= 2

    lane1i = jax.lax.broadcasted_iota(i32, (1, 128), 1)
    keepcap = lane1i < CAP
    pv0 = jnp.where(keepcap, psv[0:1, :], neg_inf)
    pi0 = jnp.where(keepcap, psi[0:1, :], i32(PAD_BASE) + lane1i)

    m = jnp.max(pv0)
    e = jnp.exp(pv0 - m)
    z1 = jnp.sum(e)
    p = e / z1
    pmax = f32(1.0) / z1
    keep1 = p >= f32(MIN_P) * pmax
    v1 = jnp.where(keep1, pv0, neg_inf)

    e2 = jnp.exp(v1 - m)
    z2 = jnp.sum(e2)
    p2 = e2 / z2
    cs = p2
    d = 1
    while d < 128:
        sh = pltpu.roll(cs, d, axis=1)
        cs = cs + jnp.where(lane1i >= d, sh, f32(0.0))
        d *= 2
    csh = pltpu.roll(cs, 1, axis=1)
    csh = jnp.where(lane1i == 0, f32(0.0), csh)
    keep2 = csh <= f32(TOP_P)
    v2 = jnp.where(keep2, v1, neg_inf)

    s = v2 / f32(TEMPERATURE)
    m3 = m / f32(TEMPERATURE)
    e3 = jnp.exp(s - m3)
    z3 = jnp.sum(e3)
    pf = e3 / z3

    gi = jnp.where(pi0 >= i32(PAD_BASE), i32(0), i32(W_LO) + pi0)
    bits = _threefry_bits(jax.lax.bitcast_convert_type(gi, u32))
    fb = (bits >> u32(9)) | u32(0x3F800000)
    frac = jax.lax.bitcast_convert_type(fb, f32) - f32(1.0)
    uu = jnp.maximum(f32(F32_TINY), frac + f32(F32_TINY))
    g = -jnp.log(-jnp.log(uu))
    score = s + g
    msc = jnp.max(score)
    tokv = jnp.min(jnp.where(score == msc, gi, i32(PAD_IDX)))
    tok_ref[0, 0] = tokv

    gvi = jnp.where(pi0 >= i32(PAD_BASE), i32(PAD_IDX), i32(W_LO) + pi0)
    pk_ref[...] = pf
    ik_ref[...] = gvi


def _run_tc(x3):
    return pl.pallas_call(
        _tc_body,
        out_shape=(jax.ShapeDtypeStruct((1, 128), jnp.float32),
                   jax.ShapeDtypeStruct((1, 128), jnp.int32),
                   jax.ShapeDtypeStruct((1, 1), jnp.int32)),
        in_specs=[pl.BlockSpec(memory_space=pltpu.VMEM)],
        out_specs=(pl.BlockSpec(memory_space=pltpu.VMEM),
                   pl.BlockSpec(memory_space=pltpu.VMEM),
                   pl.BlockSpec(memory_space=pltpu.SMEM)),
        scratch_shapes=[
            pltpu.VMEM((PAD_ROWS, 128), jnp.uint32),
            pltpu.VMEM((NR, 128), jnp.uint32),
            pltpu.VMEM((NR, 128), jnp.int32),
        ],
        compiler_params=pltpu.CompilerParams(allow_input_fusion=[True]),
    )(x3)


SC_NW = 32
SC_CHUNK = 6784
SC_LAST = VOCAB - (SC_NW - 1) * SC_CHUNK


def _sc_body(pk_hbm, ik_hbm, out_hbm, pv_ref, iv_ref, zbuf_ref):
    wid = jax.lax.axis_index("s") * 2 + jax.lax.axis_index("c")
    pltpu.sync_copy(pk_hbm, pv_ref)
    pltpu.sync_copy(ik_hbm, iv_ref)
    lo = wid * SC_CHUNK

    def assemble(nwords):
        def zstep(i, carry):
            for q in range(8):
                zbuf_ref[pl.ds(i * 128 + q * 16, 16)] = (
                    jnp.zeros((16,), jnp.float32))
            return carry

        jax.lax.fori_loop(0, nwords // 128, zstep, 0)
        for jj in range(CAP // 16):
            ivv = iv_ref[0, pl.ds(jj * 16, 16)]
            pvv = pv_ref[0, pl.ds(jj * 16, 16)]
            msk = (ivv >= lo) & (ivv < lo + nwords)
            plsc.store_scatter(zbuf_ref, [ivv - lo], pvv, mask=msk)
        pltpu.sync_copy(zbuf_ref.at[pl.ds(0, nwords)],
                        out_hbm.at[pl.ds(lo, nwords)])

    @pl.when(wid < SC_NW - 1)
    def _():
        assemble(SC_CHUNK)

    @pl.when(wid == SC_NW - 1)
    def _():
        assemble(SC_LAST)


def _run_sc(pk_flat, ik_flat):
    return pl.kernel(
        _sc_body,
        mesh=plsc.VectorSubcoreMesh(core_axis_name="c", subcore_axis_name="s"),
        out_type=jax.ShapeDtypeStruct((VOCAB,), jnp.float32),
        scratch_types=[
            pltpu.VMEM((1, 128), jnp.float32),
            pltpu.VMEM((1, 128), jnp.int32),
            pltpu.VMEM((SC_CHUNK,), jnp.float32),
        ],
        compiler_params=pltpu.CompilerParams(needs_layout_passes=False),
    )(pk_flat, ik_flat)


def kernel(next_token_logits):
    x3 = next_token_logits.reshape(2, ROWS, 128)
    pk, ik, tok = _run_tc(x3)
    probs = _run_sc(pk, ik)
    return probs.reshape(1, VOCAB), tok.reshape(1)

# --- scband reference (transcript-rebuilt; emitter-appended) ---
"""Pipeline reference for scband-ace15-temodel-62216896249906 (READ-ONLY COPY).

The authoritative reference and input builder live on the scoring server;
editing this copy changes nothing except your own understanding.
"""

import jax, jax.numpy as jnp
import numpy as np

CFG_SCALE = 2.0
TEMPERATURE = 0.85
TOP_P = 0.9
TOP_K = 50
MIN_P = 0.05
AUDIO_START_ID = 151669
AUDIO_END_ID = 215669
EOS_TOKEN_ID = 151645
VOCAB = 215680


def setup_inputs(seed: int = 0) -> dict:
    key = jax.random.key(seed)
    next_token_logits = jax.random.normal(key, (2, VOCAB), dtype=jnp.float32)
    return {"next_token_logits": next_token_logits}


def _sample_step(next_token_logits):
    # CFG combination: row 0 = cond, row 1 = uncond
    cond_logits = next_token_logits[0:1]
    uncond_logits = next_token_logits[1:2]
    cfg_logits = uncond_logits + CFG_SCALE * (cond_logits - uncond_logits)

    neg = jnp.finfo(cfg_logits.dtype).min

    # use_eos_score branch (eos_token_id < audio_start_id, step > min_tokens)
    eos_score = cfg_logits[:, EOS_TOKEN_ID]

    vocab_ids = jnp.arange(cfg_logits.shape[-1])
    band_mask = (vocab_ids < AUDIO_START_ID) | (vocab_ids >= AUDIO_END_ID)
    cfg_logits = jnp.where(band_mask[None, :], neg, cfg_logits)
    cfg_logits = cfg_logits.at[:, EOS_TOKEN_ID].set(eos_score)

    # top-k filtering
    top_k_vals, _ = jax.lax.top_k(cfg_logits, TOP_K)
    min_val = top_k_vals[..., -1:]
    cfg_logits = jnp.where(cfg_logits < min_val, neg, cfg_logits)

    # min-p filtering
    probs = jax.nn.softmax(cfg_logits, axis=-1)
    p_max = jnp.max(probs, axis=-1, keepdims=True)
    cfg_logits = jnp.where(probs < MIN_P * p_max, neg, cfg_logits)

    # top-p (nucleus) filtering
    order = jnp.argsort(-cfg_logits, axis=-1)
    sorted_logits = jnp.take_along_axis(cfg_logits, order, axis=-1)
    cumulative_probs = jnp.cumsum(jax.nn.softmax(sorted_logits, axis=-1), axis=-1)
    sorted_remove = cumulative_probs > TOP_P
    sorted_remove = jnp.concatenate(
        [jnp.zeros_like(sorted_remove[..., :1]), sorted_remove[..., :-1]], axis=-1
    )
    rows = jnp.arange(cfg_logits.shape[0])[:, None]
    indices_to_remove = jnp.zeros_like(sorted_remove).at[rows, order].set(sorted_remove)
    cfg_logits = jnp.where(indices_to_remove, neg, cfg_logits)

    # temperature + softmax
    cfg_logits = cfg_logits / TEMPERATURE
    final_probs = jax.nn.softmax(cfg_logits, axis=-1)
    return final_probs, cfg_logits


def reference(next_token_logits):
    final_probs, scaled_logits = _sample_step(next_token_logits)
    # multinomial sampling (Gumbel / categorical), fixed seed like torch.Generator
    next_token = jax.random.categorical(jax.random.key(1), scaled_logits, axis=-1)
    return final_probs, next_token

if __name__ == "__main__":
    import jax
    _d = setup_inputs()
    print(jax.jit(kernel)(*tuple(_d.values())))

</pallas_src>

<mosaic_0001>
#map = affine_map<(d0, d1) -> (0, 0)>
#map1 = affine_map<(d0, d1) -> (0)>
module attributes {stable_mosaic.version = 14 : i64} {
  func.func @_sc_body(%arg0: i32, %arg1: i32, %arg2: memref<1x128xf32, #tpu.memory_space<hbm>>, %arg3: memref<1x128xi32, #tpu.memory_space<hbm>>, %arg4: memref<215680xf32, #tpu.memory_space<hbm>>, %arg5: memref<1x128xf32, #tpu.memory_space<vmem>>, %arg6: memref<1x128xi32, #tpu.memory_space<vmem>>, %arg7: memref<6784xf32, #tpu.memory_space<vmem>>) attributes {dimension_semantics = [#tpu.dimension_semantics<core_parallel>, #tpu.dimension_semantics<subcore_parallel>], iteration_bounds = array<i64: 2, 16>, scalar_prefetch = 0 : i64, scratch_operands = 3 : i64, tpu.core_type = #tpu.core_type<sc_vector_subcore>, window_params = [{transform_indices = #map}, {transform_indices = #map}, {transform_indices = #map1}]} {
    %mul3A = arith.constant 2 : i32
    %mul3A_0 = arith.muli %arg1, %mul3A : i32
    %add3A = arith.addi %mul3A_0, %arg0 : i32
    "tpu.region"() ({
      %run_scoped3A = tpu.sem_alloc : memref<!tpu.dma_semaphore, #tpu.memory_space<semaphore_mem>>
      tpu.enqueue_dma source(%arg2 : memref<1x128xf32, #tpu.memory_space<hbm>>) target(%arg5 : memref<1x128xf32, #tpu.memory_space<vmem>>) target_semaphore(%run_scoped3A : memref<!tpu.dma_semaphore, #tpu.memory_space<semaphore_mem>>)
      tpu.wait_dma2 semaphore(%run_scoped3A : memref<!tpu.dma_semaphore, #tpu.memory_space<semaphore_mem>>) src(%arg2 : memref<1x128xf32, #tpu.memory_space<hbm>>) dst(%arg5 : memref<1x128xf32, #tpu.memory_space<vmem>>)
      tpu.yield
    }) : () -> ()
    "tpu.region"() ({
      %run_scoped3A = tpu.sem_alloc : memref<!tpu.dma_semaphore, #tpu.memory_space<semaphore_mem>>
      tpu.enqueue_dma source(%arg3 : memref<1x128xi32, #tpu.memory_space<hbm>>) target(%arg6 : memref<1x128xi32, #tpu.memory_space<vmem>>) target_semaphore(%run_scoped3A : memref<!tpu.dma_semaphore, #tpu.memory_space<semaphore_mem>>)
      tpu.wait_dma2 semaphore(%run_scoped3A : memref<!tpu.dma_semaphore, #tpu.memory_space<semaphore_mem>>) src(%arg3 : memref<1x128xi32, #tpu.memory_space<hbm>>) dst(%arg6 : memref<1x128xi32, #tpu.memory_space<vmem>>)
      tpu.yield
    }) : () -> ()
    %mul3A_1 = arith.constant 6784 : i32
    %mul3A_2 = arith.muli %add3A, %mul3A_1 : i32
    %lt3A = arith.constant 31 : i32
    %lt3A_3 = arith.cmpi slt, %add3A, %lt3A : i32
    %convert_element_type3A = arith.extui %lt3A_3 : i1 to i32
    %cond3A = arith.constant 0 : i32
    %cond3A_4 = arith.cmpi ne, %convert_element_type3A, %cond3A : i32
    scf.if %cond3A_4 {
      %scan3A = arith.constant 0 : i32
      %scan3A_9 = arith.constant 0 : i32
      %scan3A_10 = arith.constant 53 : i32
      %scan3A_11 = arith.addi %scan3A_9, %scan3A_10 : i32
      %scan3A_12 = arith.constant 1 : i32
      scf.for %scan3A_78 = %scan3A_9 to %scan3A_11 step %scan3A_12  : i32 {
        %broadcast_in_dim3A = arith.constant 0.000000e+00 : f32
        %broadcast_in_dim3A_79 = vector.broadcast %broadcast_in_dim3A : f32 to vector<16xf32>
        %mul3A_80 = arith.constant 128 : i32
        %mul3A_81 = arith.muli %scan3A_78, %mul3A_80 : i32
        %add3A_82 = arith.constant 0 : i32
        %add3A_83 = arith.addi %mul3A_81, %add3A_82 : i32
        %swap3A = arith.index_cast %add3A_83 : i32 to index
        %swap3A_84 = tpu.vector_load %arg7[%swap3A] {strides = array<i32>} : memref<6784xf32, #tpu.memory_space<vmem>>, vector<16xf32>,
        tpu.vector_store %arg7[%swap3A], %broadcast_in_dim3A_79 {strides = array<i32>} : memref<6784xf32, #tpu.memory_space<vmem>>, vector<16xf32>,
        %broadcast_in_dim3A_85 = arith.constant 0.000000e+00 : f32
        %broadcast_in_dim3A_86 = vector.broadcast %broadcast_in_dim3A_85 : f32 to vector<16xf32>
        %mul3A_87 = arith.constant 128 : i32
        %mul3A_88 = arith.muli %scan3A_78, %mul3A_87 : i32
        %add3A_89 = arith.constant 16 : i32
        %add3A_90 = arith.addi %mul3A_88, %add3A_89 : i32
        %swap3A_91 = arith.index_cast %add3A_90 : i32 to index
        %swap3A_92 = tpu.vector_load %arg7[%swap3A_91] {strides = array<i32>} : memref<6784xf32, #tpu.memory_space<vmem>>, vector<16xf32>,
        tpu.vector_store %arg7[%swap3A_91], %broadcast_in_dim3A_86 {strides = array<i32>} : memref<6784xf32, #tpu.memory_space<vmem>>, vector<16xf32>,
        %broadcast_in_dim3A_93 = arith.constant 0.000000e+00 : f32
        %broadcast_in_dim3A_94 = vector.broadcast %broadcast_in_dim3A_93 : f32 to vector<16xf32>
        %mul3A_95 = arith.constant 128 : i32
        %mul3A_96 = arith.muli %scan3A_78, %mul3A_95 : i32
        %add3A_97 = arith.constant 32 : i32
        %add3A_98 = arith.addi %mul3A_96, %add3A_97 : i32
        %swap3A_99 = arith.index_cast %add3A_98 : i32 to index
        %swap3A_100 = tpu.vector_load %arg7[%swap3A_99] {strides = array<i32>} : memref<6784xf32, #tpu.memory_space<vmem>>, vector<16xf32>,
        tpu.vector_store %arg7[%swap3A_99], %broadcast_in_dim3A_94 {strides = array<i32>} : memref<6784xf32, #tpu.memory_space<vmem>>, vector<16xf32>,
        %broadcast_in_dim3A_101 = arith.constant 0.000000e+00 : f32
        %broadcast_in_dim3A_102 = vector.broadcast %broadcast_in_dim3A_101 : f32 to vector<16xf32>
        %mul3A_103 = arith.constant 128 : i32
        %mul3A_104 = arith.muli %scan3A_78, %mul3A_103 : i32
        %add3A_105 = arith.constant 48 : i32
        %add3A_106 = arith.addi %mul3A_104, %add3A_105 : i32
        %swap3A_107 = arith.index_cast %add3A_106 : i32 to index
        %swap3A_108 = tpu.vector_load %arg7[%swap3A_107] {strides = array<i32>} : memref<6784xf32, #tpu.memory_space<vmem>>, vector<16xf32>,
        tpu.vector_store %arg7[%swap3A_107], %broadcast_in_dim3A_102 {strides = array<i32>} : memref<6784xf32, #tpu.memory_space<vmem>>, vector<16xf32>,
        %broadcast_in_dim3A_109 = arith.constant 0.000000e+00 : f32
        %broadcast_in_dim3A_110 = vector.broadcast %broadcast_in_dim3A_109 : f32 to vector<16xf32>
        %mul3A_111 = arith.constant 128 : i32
        %mul3A_112 = arith.muli %scan3A_78, %mul3A_111 : i32
        %add3A_113 = arith.constant 64 : i32
        %add3A_114 = arith.addi %mul3A_112, %add3A_113 : i32
        %swap3A_115 = arith.index_cast %add3A_114 : i32 to index
        %swap3A_116 = tpu.vector_load %arg7[%swap3A_115] {strides = array<i32>} : memref<6784xf32, #tpu.memory_space<vmem>>, vector<16xf32>,
        tpu.vector_store %arg7[%swap3A_115], %broadcast_in_dim3A_110 {strides = array<i32>} : memref<6784xf32, #tpu.memory_space<vmem>>, vector<16xf32>,
        %broadcast_in_dim3A_117 = arith.constant 0.000000e+00 : f32
        %broadcast_in_dim3A_118 = vector.broadcast %broadcast_in_dim3A_117 : f32 to vector<16xf32>
        %mul3A_119 = arith.constant 128 : i32
        %mul3A_120 = arith.muli %scan3A_78, %mul3A_119 : i32
        %add3A_121 = arith.constant 80 : i32
        %add3A_122 = arith.addi %mul3A_120, %add3A_121 : i32
        %swap3A_123 = arith.index_cast %add3A_122 : i32 to index
        %swap3A_124 = tpu.vector_load %arg7[%swap3A_123] {strides = array<i32>} : memref<6784xf32, #tpu.memory_space<vmem>>, vector<16xf32>,
        tpu.vector_store %arg7[%swap3A_123], %broadcast_in_dim3A_118 {strides = array<i32>} : memref<6784xf32, #tpu.memory_space<vmem>>, vector<16xf32>,
        %broadcast_in_dim3A_125 = arith.constant 0.000000e+00 : f32
        %broadcast_in_dim3A_126 = vector.broadcast %broadcast_in_dim3A_125 : f32 to vector<16xf32>
        %mul3A_127 = arith.constant 128 : i32
        %mul3A_128 = arith.muli %scan3A_78, %mul3A_127 : i32
        %add3A_129 = arith.constant 96 : i32
        %add3A_130 = arith.addi %mul3A_128, %add3A_129 : i32
        %swap3A_131 = arith.index_cast %add3A_130 : i32 to index
        %swap3A_132 = tpu.vector_load %arg7[%swap3A_131] {strides = array<i32>} : memref<6784xf32, #tpu.memory_space<vmem>>, vector<16xf32>,
        tpu.vector_store %arg7[%swap3A_131], %broadcast_in_dim3A_126 {strides = array<i32>} : memref<6784xf32, #tpu.memory_space<vmem>>, vector<16xf32>,
        %broadcast_in_dim3A_133 = arith.constant 0.000000e+00 : f32
        %broadcast_in_dim3A_134 = vector.broadcast %broadcast_in_dim3A_133 : f32 to vector<16xf32>
        %mul3A_135 = arith.constant 128 : i32
        %mul3A_136 = arith.muli %scan3A_78, %mul3A_135 : i32
        %add3A_137 = arith.constant 112 : i32
        %add3A_138 = arith.addi %mul3A_136, %add3A_137 : i32
        %swap3A_139 = arith.index_cast %add3A_138 : i32 to index
        %swap3A_140 = tpu.vector_load %arg7[%swap3A_139] {strides = array<i32>} : memref<6784xf32, #tpu.memory_space<vmem>>, vector<16xf32>,
        tpu.vector_store %arg7[%swap3A_139], %broadcast_in_dim3A_134 {strides = array<i32>} : memref<6784xf32, #tpu.memory_space<vmem>>, vector<16xf32>,
      }
      %scan3A_13 = arith.constant 53 : i32
      %get3A = arith.constant 0 : i32
      %get3A_14 = arith.index_cast %get3A : i32 to index
      %get3A_15 = arith.constant 0 : index
      %get3A_16 = tpu.vector_load %arg6[%get3A_14, %get3A_15] {strides = array<i32>} : memref<1x128xi32, #tpu.memory_space<vmem>>, vector<16xi32>,
      %get3A_17 = arith.constant 0 : i32
      %get3A_18 = arith.index_cast %get3A_17 : i32 to index
      %get3A_19 = arith.constant 0 : index
      %get3A_20 = tpu.vector_load %arg5[%get3A_18, %get3A_19] {strides = array<i32>} : memref<1x128xf32, #tpu.memory_space<vmem>>, vector<16xf32>,
      %ge3A = vector.broadcast %mul3A_2 : i32 to vector<16xi32>
      %ge3A_21 = arith.cmpi sge, %get3A_16, %ge3A : vector<16xi32>
      %add3A_22 = arith.constant 6784 : i32
      %add3A_23 = arith.addi %mul3A_2, %add3A_22 : i32
      %lt3A_24 = vector.broadcast %add3A_23 : i32 to vector<16xi32>
      %lt3A_25 = arith.cmpi slt, %get3A_16, %lt3A_24 : vector<16xi32>
      %and3A = arith.andi %ge3A_21, %lt3A_25 : vector<16xi1>
      %sub3A = vector.broadcast %mul3A_2 : i32 to vector<16xi32>
      %sub3A_26 = arith.subi %get3A_16, %sub3A : vector<16xi32>
      tpu.vector_store_idx %arg7[%sub3A_26], %get3A_20 masked %and3A : memref<6784xf32, #tpu.memory_space<vmem>>[vector<16xi32>], vector<16xf32>, vector<16xi1>
      %get3A_27 = arith.constant 0 : i32
      %get3A_28 = arith.index_cast %get3A_27 : i32 to index
      %get3A_29 = arith.constant 16 : index
      %get3A_30 = tpu.vector_load %arg6[%get3A_28, %get3A_29] {strides = array<i32>} : memref<1x128xi32, #tpu.memory_space<vmem>>, vector<16xi32>,
      %get3A_31 = arith.constant 0 : i32
      %get3A_32 = arith.index_cast %get3A_31 : i32 to index
      %get3A_33 = arith.constant 16 : index
      %get3A_34 = tpu.vector_load %arg5[%get3A_32, %get3A_33] {strides = array<i32>} : memref<1x128xf32, #tpu.memory_space<vmem>>, vector<16xf32>,
      %ge3A_35 = vector.broadcast %mul3A_2 : i32 to vector<16xi32>
      %ge3A_36 = arith.cmpi sge, %get3A_30, %ge3A_35 : vector<16xi32>
      %add3A_37 = arith.constant 6784 : i32
      %add3A_38 = arith.addi %mul3A_2, %add3A_37 : i32
      %lt3A_39 = vector.broadcast %add3A_38 : i32 to vector<16xi32>
      %lt3A_40 = arith.cmpi slt, %get3A_30, %lt3A_39 : vector<16xi32>
      %and3A_41 = arith.andi %ge3A_36, %lt3A_40 : vector<16xi1>
      %sub3A_42 = vector.broadcast %mul3A_2 : i32 to vector<16xi32>
      %sub3A_43 = arith.subi %get3A_30, %sub3A_42 : vector<16xi32>
      tpu.vector_store_idx %arg7[%sub3A_43], %get3A_34 masked %and3A_41 : memref<6784xf32, #tpu.memory_space<vmem>>[vector<16xi32>], vector<16xf32>, vector<16xi1>
      %get3A_44 = arith.constant 0 : i32
      %get3A_45 = arith.index_cast %get3A_44 : i32 to index
      %get3A_46 = arith.constant 32 : index
      %get3A_47 = tpu.vector_load %arg6[%get3A_45, %get3A_46] {strides = array<i32>} : memref<1x128xi32, #tpu.memory_space<vmem>>, vector<16xi32>,
      %get3A_48 = arith.constant 0 : i32
      %get3A_49 = arith.index_cast %get3A_48 : i32 to index
      %get3A_50 = arith.constant 32 : index
      %get3A_51 = tpu.vector_load %arg5[%get3A_49, %get3A_50] {strides = array<i32>} : memref<1x128xf32, #tpu.memory_space<vmem>>, vector<16xf32>,
      %ge3A_52 = vector.broadcast %mul3A_2 : i32 to vector<16xi32>
      %ge3A_53 = arith.cmpi sge, %get3A_47, %ge3A_52 : vector<16xi32>
      %add3A_54 = arith.constant 6784 : i32
      %add3A_55 = arith.addi %mul3A_2, %add3A_54 : i32
      %lt3A_56 = vector.broadcast %add3A_55 : i32 to vector<16xi32>
      %lt3A_57 = arith.cmpi slt, %get3A_47, %lt3A_56 : vector<16xi32>
      %and3A_58 = arith.andi %ge3A_53, %lt3A_57 : vector<16xi1>
      %sub3A_59 = vector.broadcast %mul3A_2 : i32 to vector<16xi32>
      %sub3A_60 = arith.subi %get3A_47, %sub3A_59 : vector<16xi32>
      tpu.vector_store_idx %arg7[%sub3A_60], %get3A_51 masked %and3A_58 : memref<6784xf32, #tpu.memory_space<vmem>>[vector<16xi32>], vector<16xf32>, vector<16xi1>
      %get3A_61 = arith.constant 0 : i32
      %get3A_62 = arith.index_cast %get3A_61 : i32 to index
      %get3A_63 = arith.constant 48 : index
      %get3A_64 = tpu.vector_load %arg6[%get3A_62, %get3A_63] {strides = array<i32>} : memref<1x128xi32, #tpu.memory_space<vmem>>, vector<16xi32>,
      %get3A_65 = arith.constant 0 : i32
      %get3A_66 = arith.index_cast %get3A_65 : i32 to index
      %get3A_67 = arith.constant 48 : index
      %get3A_68 = tpu.vector_load %arg5[%get3A_66, %get3A_67] {strides = array<i32>} : memref<1x128xf32, #tpu.memory_space<vmem>>, vector<16xf32>,
      %ge3A_69 = vector.broadcast %mul3A_2 : i32 to vector<16xi32>
      %ge3A_70 = arith.cmpi sge, %get3A_64, %ge3A_69 : vector<16xi32>
      %add3A_71 = arith.constant 6784 : i32
      %add3A_72 = arith.addi %mul3A_2, %add3A_71 : i32
      %lt3A_73 = vector.broadcast %add3A_72 : i32 to vector<16xi32>
      %lt3A_74 = arith.cmpi slt, %get3A_64, %lt3A_73 : vector<16xi32>
      %and3A_75 = arith.andi %ge3A_70, %lt3A_74 : vector<16xi1>
      %sub3A_76 = vector.broadcast %mul3A_2 : i32 to vector<16xi32>
      %sub3A_77 = arith.subi %get3A_64, %sub3A_76 : vector<16xi32>
      tpu.vector_store_idx %arg7[%sub3A_77], %get3A_68 masked %and3A_75 : memref<6784xf32, #tpu.memory_space<vmem>>[vector<16xi32>], vector<16xf32>, vector<16xi1>
      "tpu.region"() ({
        %run_scoped3A = tpu.sem_alloc : memref<!tpu.dma_semaphore, #tpu.memory_space<semaphore_mem>>
        %dma_start3A = arith.constant 0 : i32
        %dma_start3A_78 = tpu.memref_slice %arg7[%dma_start3A] : memref<6784xf32, #tpu.memory_space<vmem>> -> memref<6784xf32, #tpu.memory_space<vmem>>
        %dma_start3A_79 = tpu.memref_slice %arg4[%mul3A_2] : memref<215680xf32, #tpu.memory_space<hbm>> -> memref<6784xf32, #tpu.memory_space<hbm>>
        %dma_start3A_80 = tpu.memref_slice %arg4[%mul3A_2] : memref<215680xf32, #tpu.memory_space<hbm>> -> memref<6784xf32, #tpu.memory_space<hbm>>
        %dma_start3A_81 = arith.constant 0 : i32
        %dma_start3A_82 = tpu.memref_slice %arg7[%dma_start3A_81] : memref<6784xf32, #tpu.memory_space<vmem>> -> memref<6784xf32, #tpu.memory_space<vmem>>
        tpu.enqueue_dma source(%dma_start3A_82 : memref<6784xf32, #tpu.memory_space<vmem>>) target(%dma_start3A_80 : memref<6784xf32, #tpu.memory_space<hbm>>) target_semaphore(%run_scoped3A : memref<!tpu.dma_semaphore, #tpu.memory_space<semaphore_mem>>)
        %dma_wait3A = arith.constant 0 : i32
        %dma_wait3A_83 = tpu.memref_slice %arg7[%dma_wait3A] : memref<6784xf32, #tpu.memory_space<vmem>> -> memref<6784xf32, #tpu.memory_space<vmem>>
        %dma_wait3A_84 = tpu.memref_slice %arg4[%mul3A_2] : memref<215680xf32, #tpu.memory_space<hbm>> -> memref<6784xf32, #tpu.memory_space<hbm>>
        %dma_wait3A_85 = tpu.memref_slice %arg4[%mul3A_2] : memref<215680xf32, #tpu.memory_space<hbm>> -> memref<6784xf32, #tpu.memory_space<hbm>>
        %dma_wait3A_86 = arith.constant 0 : i32
        %dma_wait3A_87 = tpu.memref_slice %arg7[%dma_wait3A_86] : memref<6784xf32, #tpu.memory_space<vmem>> -> memref<6784xf32, #tpu.memory_space<vmem>>
        tpu.wait_dma2 semaphore(%run_scoped3A : memref<!tpu.dma_semaphore, #tpu.memory_space<semaphore_mem>>) src(%dma_wait3A_87 : memref<6784xf32, #tpu.memory_space<vmem>>) dst(%dma_wait3A_85 : memref<6784xf32, #tpu.memory_space<hbm>>)
        tpu.yield
      }) : () -> ()
    } else {
    }
    %eq3A = arith.constant 31 : i32
    %eq3A_5 = arith.cmpi eq, %add3A, %eq3A : i32
    %convert_element_type3A_6 = arith.extui %eq3A_5 : i1 to i32
    %cond3A_7 = arith.constant 0 : i32
    %cond3A_8 = arith.cmpi ne, %convert_element_type3A_6, %cond3A_7 : i32
    scf.if %cond3A_8 {
      %scan3A = arith.constant 0 : i32
      %scan3A_9 = arith.constant 0 : i32
      %scan3A_10 = arith.constant 42 : i32
      %scan3A_11 = arith.addi %scan3A_9, %scan3A_10 : i32
      %scan3A_12 = arith.constant 1 : i32
      scf.for %scan3A_78 = %scan3A_9 to %scan3A_11 step %scan3A_12  : i32 {
        %broadcast_in_dim3A = arith.constant 0.000000e+00 : f32
        %broadcast_in_dim3A_79 = vector.broadcast %broadcast_in_dim3A : f32 to vector<16xf32>
        %mul3A_80 = arith.constant 128 : i32
        %mul3A_81 = arith.muli %scan3A_78, %mul3A_80 : i32
        %add3A_82 = arith.constant 0 : i32
        %add3A_83 = arith.addi %mul3A_81, %add3A_82 : i32
        %swap3A = arith.index_cast %add3A_83 : i32 to index
        %swap3A_84 = tpu.vector_load %arg7[%swap3A] {strides = array<i32>} : memref<6784xf32, #tpu.memory_space<vmem>>, vector<16xf32>,
        tpu.vector_store %arg7[%swap3A], %broadcast_in_dim3A_79 {strides = array<i32>} : memref<6784xf32, #tpu.memory_space<vmem>>, vector<16xf32>,
        %broadcast_in_dim3A_85 = arith.constant 0.000000e+00 : f32
        %broadcast_in_dim3A_86 = vector.broadcast %broadcast_in_dim3A_85 : f32 to vector<16xf32>
        %mul3A_87 = arith.constant 128 : i32
        %mul3A_88 = arith.muli %scan3A_78, %mul3A_87 : i32
        %add3A_89 = arith.constant 16 : i32
        %add3A_90 = arith.addi %mul3A_88, %add3A_89 : i32
        %swap3A_91 = arith.index_cast %add3A_90 : i32 to index
        %swap3A_92 = tpu.vector_load %arg7[%swap3A_91] {strides = array<i32>} : memref<6784xf32, #tpu.memory_space<vmem>>, vector<16xf32>,
        tpu.vector_store %arg7[%swap3A_91], %broadcast_in_dim3A_86 {strides = array<i32>} : memref<6784xf32, #tpu.memory_space<vmem>>, vector<16xf32>,
        %broadcast_in_dim3A_93 = arith.constant 0.000000e+00 : f32
        %broadcast_in_dim3A_94 = vector.broadcast %broadcast_in_dim3A_93 : f32 to vector<16xf32>
        %mul3A_95 = arith.constant 128 : i32
        %mul3A_96 = arith.muli %scan3A_78, %mul3A_95 : i32
        %add3A_97 = arith.constant 32 : i32
        %add3A_98 = arith.addi %mul3A_96, %add3A_97 : i32
        %swap3A_99 = arith.index_cast %add3A_98 : i32 to index
        %swap3A_100 = tpu.vector_load %arg7[%swap3A_99] {strides = array<i32>} : memref<6784xf32, #tpu.memory_space<vmem>>, vector<16xf32>,
        tpu.vector_store %arg7[%swap3A_99], %broadcast_in_dim3A_94 {strides = array<i32>} : memref<6784xf32, #tpu.memory_space<vmem>>, vector<16xf32>,
        %broadcast_in_dim3A_101 = arith.constant 0.000000e+00 : f32
        %broadcast_in_dim3A_102 = vector.broadcast %broadcast_in_dim3A_101 : f32 to vector<16xf32>
        %mul3A_103 = arith.constant 128 : i32
        %mul3A_104 = arith.muli %scan3A_78, %mul3A_103 : i32
        %add3A_105 = arith.constant 48 : i32
        %add3A_106 = arith.addi %mul3A_104, %add3A_105 : i32
        %swap3A_107 = arith.index_cast %add3A_106 : i32 to index
        %swap3A_108 = tpu.vector_load %arg7[%swap3A_107] {strides = array<i32>} : memref<6784xf32, #tpu.memory_space<vmem>>, vector<16xf32>,
        tpu.vector_store %arg7[%swap3A_107], %broadcast_in_dim3A_102 {strides = array<i32>} : memref<6784xf32, #tpu.memory_space<vmem>>, vector<16xf32>,
        %broadcast_in_dim3A_109 = arith.constant 0.000000e+00 : f32
        %broadcast_in_dim3A_110 = vector.broadcast %broadcast_in_dim3A_109 : f32 to vector<16xf32>
        %mul3A_111 = arith.constant 128 : i32
        %mul3A_112 = arith.muli %scan3A_78, %mul3A_111 : i32
        %add3A_113 = arith.constant 64 : i32
        %add3A_114 = arith.addi %mul3A_112, %add3A_113 : i32
        %swap3A_115 = arith.index_cast %add3A_114 : i32 to index
        %swap3A_116 = tpu.vector_load %arg7[%swap3A_115] {strides = array<i32>} : memref<6784xf32, #tpu.memory_space<vmem>>, vector<16xf32>,
        tpu.vector_store %arg7[%swap3A_115], %broadcast_in_dim3A_110 {strides = array<i32>} : memref<6784xf32, #tpu.memory_space<vmem>>, vector<16xf32>,
        %broadcast_in_dim3A_117 = arith.constant 0.000000e+00 : f32
        %broadcast_in_dim3A_118 = vector.broadcast %broadcast_in_dim3A_117 : f32 to vector<16xf32>
        %mul3A_119 = arith.constant 128 : i32
        %mul3A_120 = arith.muli %scan3A_78, %mul3A_119 : i32
        %add3A_121 = arith.constant 80 : i32
        %add3A_122 = arith.addi %mul3A_120, %add3A_121 : i32
        %swap3A_123 = arith.index_cast %add3A_122 : i32 to index
        %swap3A_124 = tpu.vector_load %arg7[%swap3A_123] {strides = array<i32>} : memref<6784xf32, #tpu.memory_space<vmem>>, vector<16xf32>,
        tpu.vector_store %arg7[%swap3A_123], %broadcast_in_dim3A_118 {strides = array<i32>} : memref<6784xf32, #tpu.memory_space<vmem>>, vector<16xf32>,
        %broadcast_in_dim3A_125 = arith.constant 0.000000e+00 : f32
        %broadcast_in_dim3A_126 = vector.broadcast %broadcast_in_dim3A_125 : f32 to vector<16xf32>
        %mul3A_127 = arith.constant 128 : i32
        %mul3A_128 = arith.muli %scan3A_78, %mul3A_127 : i32
        %add3A_129 = arith.constant 96 : i32
        %add3A_130 = arith.addi %mul3A_128, %add3A_129 : i32
        %swap3A_131 = arith.index_cast %add3A_130 : i32 to index
        %swap3A_132 = tpu.vector_load %arg7[%swap3A_131] {strides = array<i32>} : memref<6784xf32, #tpu.memory_space<vmem>>, vector<16xf32>,
        tpu.vector_store %arg7[%swap3A_131], %broadcast_in_dim3A_126 {strides = array<i32>} : memref<6784xf32, #tpu.memory_space<vmem>>, vector<16xf32>,
        %broadcast_in_dim3A_133 = arith.constant 0.000000e+00 : f32
        %broadcast_in_dim3A_134 = vector.broadcast %broadcast_in_dim3A_133 : f32 to vector<16xf32>
        %mul3A_135 = arith.constant 128 : i32
        %mul3A_136 = arith.muli %scan3A_78, %mul3A_135 : i32
        %add3A_137 = arith.constant 112 : i32
        %add3A_138 = arith.addi %mul3A_136, %add3A_137 : i32
        %swap3A_139 = arith.index_cast %add3A_138 : i32 to index
        %swap3A_140 = tpu.vector_load %arg7[%swap3A_139] {strides = array<i32>} : memref<6784xf32, #tpu.memory_space<vmem>>, vector<16xf32>,
        tpu.vector_store %arg7[%swap3A_139], %broadcast_in_dim3A_134 {strides = array<i32>} : memref<6784xf32, #tpu.memory_space<vmem>>, vector<16xf32>,
      }
      %scan3A_13 = arith.constant 42 : i32
      %get3A = arith.constant 0 : i32
      %get3A_14 = arith.index_cast %get3A : i32 to index
      %get3A_15 = arith.constant 0 : index
      %get3A_16 = tpu.vector_load %arg6[%get3A_14, %get3A_15] {strides = array<i32>} : memref<1x128xi32, #tpu.memory_space<vmem>>, vector<16xi32>,
      %get3A_17 = arith.constant 0 : i32
      %get3A_18 = arith.index_cast %get3A_17 : i32 to index
      %get3A_19 = arith.constant 0 : index
      %get3A_20 = tpu.vector_load %arg5[%get3A_18, %get3A_19] {strides = array<i32>} : memref<1x128xf32, #tpu.memory_space<vmem>>, vector<16xf32>,
      %ge3A = vector.broadcast %mul3A_2 : i32 to vector<16xi32>
      %ge3A_21 = arith.cmpi sge, %get3A_16, %ge3A : vector<16xi32>
      %add3A_22 = arith.constant 5376 : i32
      %add3A_23 = arith.addi %mul3A_2, %add3A_22 : i32
      %lt3A_24 = vector.broadcast %add3A_23 : i32 to vector<16xi32>
      %lt3A_25 = arith.cmpi slt, %get3A_16, %lt3A_24 : vector<16xi32>
      %and3A = arith.andi %ge3A_21, %lt3A_25 : vector<16xi1>
      %sub3A = vector.broadcast %mul3A_2 : i32 to vector<16xi32>
      %sub3A_26 = arith.subi %get3A_16, %sub3A : vector<16xi32>
      tpu.vector_store_idx %arg7[%sub3A_26], %get3A_20 masked %and3A : memref<6784xf32, #tpu.memory_space<vmem>>[vector<16xi32>], vector<16xf32>, vector<16xi1>
      %get3A_27 = arith.constant 0 : i32
      %get3A_28 = arith.index_cast %get3A_27 : i32 to index
      %get3A_29 = arith.constant 16 : index
      %get3A_30 = tpu.vector_load %arg6[%get3A_28, %get3A_29] {strides = array<i32>} : memref<1x128xi32, #tpu.memory_space<vmem>>, vector<16xi32>,
      %get3A_31 = arith.constant 0 : i32
      %get3A_32 = arith.index_cast %get3A_31 : i32 to index
      %get3A_33 = arith.constant 16 : index
      %get3A_34 = tpu.vector_load %arg5[%get3A_32, %get3A_33] {strides = array<i32>} : memref<1x128xf32, #tpu.memory_space<vmem>>, vector<16xf32>,
      %ge3A_35 = vector.broadcast %mul3A_2 : i32 to vector<16xi32>
      %ge3A_36 = arith.cmpi sge, %get3A_30, %ge3A_35 : vector<16xi32>
      %add3A_37 = arith.constant 5376 : i32
      %add3A_38 = arith.addi %mul3A_2, %add3A_37 : i32
      %lt3A_39 = vector.broadcast %add3A_38 : i32 to vector<16xi32>
      %lt3A_40 = arith.cmpi slt, %get3A_30, %lt3A_39 : vector<16xi32>
      %and3A_41 = arith.andi %ge3A_36, %lt3A_40 : vector<16xi1>
      %sub3A_42 = vector.broadcast %mul3A_2 : i32 to vector<16xi32>
      %sub3A_43 = arith.subi %get3A_30, %sub3A_42 : vector<16xi32>
      tpu.vector_store_idx %arg7[%sub3A_43], %get3A_34 masked %and3A_41 : memref<6784xf32, #tpu.memory_space<vmem>>[vector<16xi32>], vector<16xf32>, vector<16xi1>
      %get3A_44 = arith.constant 0 : i32
      %get3A_45 = arith.index_cast %get3A_44 : i32 to index
      %get3A_46 = arith.constant 32 : index
      %get3A_47 = tpu.vector_load %arg6[%get3A_45, %get3A_46] {strides = array<i32>} : memref<1x128xi32, #tpu.memory_space<vmem>>, vector<16xi32>,
      %get3A_48 = arith.constant 0 : i32
      %get3A_49 = arith.index_cast %get3A_48 : i32 to index
      %get3A_50 = arith.constant 32 : index
      %get3A_51 = tpu.vector_load %arg5[%get3A_49, %get3A_50] {strides = array<i32>} : memref<1x128xf32, #tpu.memory_space<vmem>>, vector<16xf32>,
      %ge3A_52 = vector.broadcast %mul3A_2 : i32 to vector<16xi32>
      %ge3A_53 = arith.cmpi sge, %get3A_47, %ge3A_52 : vector<16xi32>
      %add3A_54 = arith.constant 5376 : i32
      %add3A_55 = arith.addi %mul3A_2, %add3A_54 : i32
      %lt3A_56 = vector.broadcast %add3A_55 : i32 to vector<16xi32>
      %lt3A_57 = arith.cmpi slt, %get3A_47, %lt3A_56 : vector<16xi32>
      %and3A_58 = arith.andi %ge3A_53, %lt3A_57 : vector<16xi1>
      %sub3A_59 = vector.broadcast %mul3A_2 : i32 to vector<16xi32>
      %sub3A_60 = arith.subi %get3A_47, %sub3A_59 : vector<16xi32>
      tpu.vector_store_idx %arg7[%sub3A_60], %get3A_51 masked %and3A_58 : memref<6784xf32, #tpu.memory_space<vmem>>[vector<16xi32>], vector<16xf32>, vector<16xi1>
      %get3A_61 = arith.constant 0 : i32
      %get3A_62 = arith.index_cast %get3A_61 : i32 to index
      %get3A_63 = arith.constant 48 : index
      %get3A_64 = tpu.vector_load %arg6[%get3A_62, %get3A_63] {strides = array<i32>} : memref<1x128xi32, #tpu.memory_space<vmem>>, vector<16xi32>,
      %get3A_65 = arith.constant 0 : i32
      %get3A_66 = arith.index_cast %get3A_65 : i32 to index
      %get3A_67 = arith.constant 48 : index
      %get3A_68 = tpu.vector_load %arg5[%get3A_66, %get3A_67] {strides = array<i32>} : memref<1x128xf32, #tpu.memory_space<vmem>>, vector<16xf32>,
      %ge3A_69 = vector.broadcast %mul3A_2 : i32 to vector<16xi32>
      %ge3A_70 = arith.cmpi sge, %get3A_64, %ge3A_69 : vector<16xi32>
      %add3A_71 = arith.constant 5376 : i32
      %add3A_72 = arith.addi %mul3A_2, %add3A_71 : i32
      %lt3A_73 = vector.broadcast %add3A_72 : i32 to vector<16xi32>
      %lt3A_74 = arith.cmpi slt, %get3A_64, %lt3A_73 : vector<16xi32>
      %and3A_75 = arith.andi %ge3A_70, %lt3A_74 : vector<16xi1>
      %sub3A_76 = vector.broadcast %mul3A_2 : i32 to vector<16xi32>
      %sub3A_77 = arith.subi %get3A_64, %sub3A_76 : vector<16xi32>
      tpu.vector_store_idx %arg7[%sub3A_77], %get3A_68 masked %and3A_75 : memref<6784xf32, #tpu.memory_space<vmem>>[vector<16xi32>], vector<16xf32>, vector<16xi1>
      "tpu.region"() ({
        %run_scoped3A = tpu.sem_alloc : memref<!tpu.dma_semaphore, #tpu.memory_space<semaphore_mem>>
        %dma_start3A = arith.constant 0 : i32
        %dma_start3A_78 = tpu.memref_slice %arg7[%dma_start3A] : memref<6784xf32, #tpu.memory_space<vmem>> -> memref<5376xf32, #tpu.memory_space<vmem>>
        %dma_start3A_79 = tpu.memref_slice %arg4[%mul3A_2] : memref<215680xf32, #tpu.memory_space<hbm>> -> memref<5376xf32, #tpu.memory_space<hbm>>
        %dma_start3A_80 = tpu.memref_slice %arg4[%mul3A_2] : memref<215680xf32, #tpu.memory_space<hbm>> -> memref<5376xf32, #tpu.memory_space<hbm>>
        %dma_start3A_81 = arith.constant 0 : i32
        %dma_start3A_82 = tpu.memref_slice %arg7[%dma_start3A_81] : memref<6784xf32, #tpu.memory_space<vmem>> -> memref<5376xf32, #tpu.memory_space<vmem>>
        tpu.enqueue_dma source(%dma_start3A_82 : memref<5376xf32, #tpu.memory_space<vmem>>) target(%dma_start3A_80 : memref<5376xf32, #tpu.memory_space<hbm>>) target_semaphore(%run_scoped3A : memref<!tpu.dma_semaphore, #tpu.memory_space<semaphore_mem>>)
        %dma_wait3A = arith.constant 0 : i32
        %dma_wait3A_83 = tpu.memref_slice %arg7[%dma_wait3A] : memref<6784xf32, #tpu.memory_space<vmem>> -> memref<5376xf32, #tpu.memory_space<vmem>>
        %dma_wait3A_84 = tpu.memref_slice %arg4[%mul3A_2] : memref<215680xf32, #tpu.memory_space<hbm>> -> memref<5376xf32, #tpu.memory_space<hbm>>
        %dma_wait3A_85 = tpu.memref_slice %arg4[%mul3A_2] : memref<215680xf32, #tpu.memory_space<hbm>> -> memref<5376xf32, #tpu.memory_space<hbm>>
        %dma_wait3A_86 = arith.constant 0 : i32
        %dma_wait3A_87 = tpu.memref_slice %arg7[%dma_wait3A_86] : memref<6784xf32, #tpu.memory_space<vmem>> -> memref<5376xf32, #tpu.memory_space<vmem>>
        tpu.wait_dma2 semaphore(%run_scoped3A : memref<!tpu.dma_semaphore, #tpu.memory_space<semaphore_mem>>) src(%dma_wait3A_87 : memref<5376xf32, #tpu.memory_space<vmem>>) dst(%dma_wait3A_85 : memref<5376xf32, #tpu.memory_space<hbm>>)
        tpu.yield
      }) : () -> ()
    } else {
    }
    return
  }
}

module attributes {stable_mosaic.version = 14 : i64} {
  func.func @_tc_body(%arg0: memref<2x1685x128xf32, #tpu.memory_space<vmem>>, %arg1: memref<1x128xf32, #tpu.memory_space<vmem>>, %arg2: memref<1x128xi32, #tpu.memory_space<vmem>>, %arg3: memref<1x1xi32, #tpu.memory_space<smem>>, %arg4: memref<504x128xi32, #tpu.memory_space<vmem>>, %arg5: memref<16x128xi32, #tpu.memory_space<vmem>>, %arg6: memref<16x128xi32, #tpu.memory_space<vmem>>) attributes {dimension_semantics = [], scalar_prefetch = 0 : i64, scratch_operands = 3 : i64, tpu.core_type = #tpu.core_type<tc>} {
    %get3A = arith.constant 0 : index
    %get3A_0 = arith.constant 1184 : index
    %get3A_1 = arith.constant 0 : index
    %get3A_2 = vector.load %arg0[%get3A, %get3A_0, %get3A_1] : memref<2x1685x128xf32, #tpu.memory_space<vmem>>, vector<1x501x128xf32>
    %get3A_3 = vector.shape_cast %get3A_2 : vector<1x501x128xf32> to vector<501x128xf32>
    %get3A_4 = arith.constant 1 : index
    %get3A_5 = arith.constant 1184 : index
    %get3A_6 = arith.constant 0 : index
    %get3A_7 = vector.load %arg0[%get3A_4, %get3A_5, %get3A_6] : memref<2x1685x128xf32, #tpu.memory_space<vmem>>, vector<1x501x128xf32>
    %get3A_8 = vector.shape_cast %get3A_7 : vector<1x501x128xf32> to vector<501x128xf32>
    %sub3A = arith.subf %get3A_3, %get3A_8 : vector<501x128xf32>
    %mul3A = arith.constant 2.000000e+00 : f32
    %mul3A_9 = vector.broadcast %mul3A : f32 to vector<501x128xf32>
    %mul3A_10 = arith.mulf %mul3A_9, %sub3A : vector<501x128xf32>
    %add3A = arith.addf %get3A_8, %mul3A_10 : vector<501x128xf32>
    %iota3A = tpu.iota {dimensions = array<i32: 0>} : vector<501x128xi32>
    %iota3A_11 = tpu.iota {dimensions = array<i32: 1>} : vector<501x128xi32>
    %mul3A_12 = arith.constant 128 : i32
    %mul3A_13 = vector.broadcast %mul3A_12 : i32 to vector<501x128xi32>
    %mul3A_14 = arith.muli %iota3A, %mul3A_13 : vector<501x128xi32>
    %add3A_15 = arith.addi %mul3A_14, %iota3A_11 : vector<501x128xi32>
    %ge3A = arith.constant 117 : i32
    %ge3A_16 = vector.broadcast %ge3A : i32 to vector<501x128xi32>
    %ge3A_17 = arith.cmpi sge, %add3A_15, %ge3A_16 : vector<501x128xi32>
    %lt3A = arith.constant 64117 : i32
    %lt3A_18 = vector.broadcast %lt3A : i32 to vector<501x128xi32>
    %lt3A_19 = arith.cmpi slt, %add3A_15, %lt3A_18 : vector<501x128xi32>
    %and3A = arith.andi %ge3A_17, %lt3A_19 : vector<501x128xi1>
    %eq3A = arith.constant 93 : i32
    %eq3A_20 = vector.broadcast %eq3A : i32 to vector<501x128xi32>
    %eq3A_21 = arith.cmpi eq, %add3A_15, %eq3A_20 : vector<501x128xi32>
    %or3A = arith.ori %and3A, %eq3A_21 : vector<501x128xi1>
    %add3A_22 = arith.constant 0.000000e+00 : f32
    %add3A_23 = vector.broadcast %add3A_22 : f32 to vector<501x128xf32>
    %add3A_24 = arith.addf %add3A, %add3A_23 : vector<501x128xf32>
    %jit3A = arith.constant 0xFF800000 : f32
    %broadcast_in_dim3A = vector.broadcast %jit3A : f32 to vector<501x128xf32>
    %select_n3A = arith.select %or3A, %add3A_24, %broadcast_in_dim3A : vector<501x128xi1>, vector<501x128xf32>
    %bitcast_convert_type3A = tpu.bitcast %select_n3A : vector<501x128xf32> -> vector<501x128xi32>
    %shift_right_logical3A = arith.constant 31 : i32
    %shift_right_logical3A_25 = vector.broadcast %shift_right_logical3A : i32 to vector<501x128xi32>
    %shift_right_logical3A_26 = arith.shrui %bitcast_convert_type3A, %shift_right_logical3A_25 : vector<501x128xi32>
    %eq3A_27 = arith.constant 1 : i32
    %eq3A_28 = vector.broadcast %eq3A_27 : i32 to vector<501x128xi32>
    %eq3A_29 = arith.cmpi eq, %shift_right_logical3A_26, %eq3A_28 : vector<501x128xi32>
    %not3A = arith.constant dense<-1> : vector<501x128xi32>
    %not3A_30 = arith.xori %bitcast_convert_type3A, %not3A : vector<501x128xi32>
    %or3A_31 = arith.constant -2147483648 : i32
    %or3A_32 = vector.broadcast %or3A_31 : i32 to vector<501x128xi32>
    %or3A_33 = arith.ori %bitcast_convert_type3A, %or3A_32 : vector<501x128xi32>
    %select_n3A_34 = arith.select %eq3A_29, %not3A_30, %or3A_33 : vector<501x128xi1>, vector<501x128xi32>
    %swap3A = arith.constant 0 : index
    %swap3A_35 = arith.constant 0 : index
    %swap3A_36 = vector.load %arg4[%swap3A, %swap3A_35] : memref<504x128xi32, #tpu.memory_space<vmem>>, vector<501x128xi32>
    tpu.vector_store %arg4[%swap3A, %swap3A_35], %select_n3A_34 {strides = array<i32>} : memref<504x128xi32, #tpu.memory_space<vmem>>, vector<501x128xi32>,
    %broadcast_in_dim3A_37 = arith.constant 0 : i32
    %broadcast_in_dim3A_38 = vector.broadcast %broadcast_in_dim3A_37 : i32 to vector<3x128xi32>
    %swap3A_39 = arith.constant 501 : index
    %swap3A_40 = arith.constant 0 : index
    %swap3A_41 = vector.load %arg4[%swap3A_39, %swap3A_40] : memref<504x128xi32, #tpu.memory_space<vmem>>, vector<3x128xi32>
    tpu.vector_store %arg4[%swap3A_39, %swap3A_40], %broadcast_in_dim3A_38 {strides = array<i32>} : memref<504x128xi32, #tpu.memory_space<vmem>>, vector<3x128xi32>,
    %scan3A = arith.constant 0 : i32
    %scan3A_42 = arith.constant 0 : i32
    %scan3A_43 = arith.constant 16 : i32
    %scan3A_44 = arith.addi %scan3A_42, %scan3A_43 : i32
    %scan3A_45 = arith.constant 1 : i32
    %scan3A_46 = scf.for %scan3A_2773 = %scan3A_42 to %scan3A_44 step %scan3A_45 iter_args(%scan3A_2774 = %scan3A) -> (i32)  : i32 {
      %mul3A_2775 = arith.constant 2 : i32
      %mul3A_2776 = arith.muli %mul3A_2775, %scan3A_2773 : i32
      %sub3A_2777 = arith.constant 30 : i32
      %sub3A_2778 = arith.subi %sub3A_2777, %mul3A_2776 : i32
      %shift_left3A_2779 = arith.constant 2 : i32
      %shift_left3A_2780 = arith.shli %shift_left3A_2779, %sub3A_2778 : i32
      %shift_left3A_2781 = arith.constant 1 : i32
      %shift_left3A_2782 = arith.shli %shift_left3A_2781, %sub3A_2778 : i32
      %get3A_2783 = arith.constant 0 : index
      %get3A_2784 = arith.constant 0 : index
      %get3A_2785 = vector.load %arg4[%get3A_2783, %get3A_2784] : memref<504x128xi32, #tpu.memory_space<vmem>>, vector<504x128xi32>
      %or3A_2786 = arith.ori %scan3A_2774, %shift_left3A_2780 : i32
      %ge3A_2787 = vector.broadcast %or3A_2786 : i32 to vector<504x128xi32>
      %ge3A_2788 = arith.cmpi uge, %get3A_2785, %ge3A_2787 : vector<504x128xi32>
      %convert_element_type3A_2789 = arith.extui %ge3A_2788 : vector<504x128xi1> to vector<504x128xi32>
      %reduce_sum3A_2790 = vector.shape_cast %convert_element_type3A_2789 : vector<504x128xi32> to vector<1x504x128xi32>
      %reduce_sum3A_2791 = arith.constant dense<0> : vector<1xi32>
      %reduce_sum3A_2792 = vector.multi_reduction <add>, %reduce_sum3A_2790, %reduce_sum3A_2791 [1, 2] : vector<1x504x128xi32> to vector<1xi32>
      %reduce_sum3A_2793 = vector.shape_cast %reduce_sum3A_2792 : vector<1xi32> to vector<1x1x1xi32>
      %reduce_sum3A_2794 = vector.extract %reduce_sum3A_2793[0, 0, 0] : i32 from vector<1x1x1xi32>
      %or3A_2795 = arith.ori %scan3A_2774, %shift_left3A_2782 : i32
      %ge3A_2796 = vector.broadcast %or3A_2795 : i32 to vector<504x128xi32>
      %ge3A_2797 = arith.cmpi uge, %get3A_2785, %ge3A_2796 : vector<504x128xi32>
      %convert_element_type3A_2798 = arith.extui %ge3A_2797 : vector<504x128xi1> to vector<504x128xi32>
      %reduce_sum3A_2799 = vector.shape_cast %convert_element_type3A_2798 : vector<504x128xi32> to vector<1x504x128xi32>
      %reduce_sum3A_2800 = arith.constant dense<0> : vector<1xi32>
      %reduce_sum3A_2801 = vector.multi_reduction <add>, %reduce_sum3A_2799, %reduce_sum3A_2800 [1, 2] : vector<1x504x128xi32> to vector<1xi32>
      %reduce_sum3A_2802 = vector.shape_cast %reduce_sum3A_2801 : vector<1xi32> to vector<1x1x1xi32>
      %reduce_sum3A_2803 = vector.extract %reduce_sum3A_2802[0, 0, 0] : i32 from vector<1x1x1xi32>
      %or3A_2804 = arith.ori %scan3A_2774, %shift_left3A_2780 : i32
      %or3A_2805 = arith.ori %or3A_2804, %shift_left3A_2782 : i32
      %ge3A_2806 = vector.broadcast %or3A_2805 : i32 to vector<504x128xi32>
      %ge3A_2807 = arith.cmpi uge, %get3A_2785, %ge3A_2806 : vector<504x128xi32>
      %convert_element_type3A_2808 = arith.extui %ge3A_2807 : vector<504x128xi1> to vector<504x128xi32>
      %reduce_sum3A_2809 = vector.shape_cast %convert_element_type3A_2808 : vector<504x128xi32> to vector<1x504x128xi32>
      %reduce_sum3A_2810 = arith.constant dense<0> : vector<1xi32>
      %reduce_sum3A_2811 = vector.multi_reduction <add>, %reduce_sum3A_2809, %reduce_sum3A_2810 [1, 2] : vector<1x504x128xi32> to vector<1xi32>
      %reduce_sum3A_2812 = vector.shape_cast %reduce_sum3A_2811 : vector<1xi32> to vector<1x1x1xi32>
      %reduce_sum3A_2813 = vector.extract %reduce_sum3A_2812[0, 0, 0] : i32 from vector<1x1x1xi32>
      %ge3A_2814 = arith.constant 50 : i32
      %ge3A_2815 = arith.cmpi sge, %reduce_sum3A_2794, %ge3A_2814 : i32
      %or3A_2816 = arith.ori %scan3A_2774, %shift_left3A_2780 : i32
      %select_n3A_2817 = arith.select %ge3A_2815, %or3A_2816, %scan3A_2774 : i32
      %select_n3A_2818 = arith.select %ge3A_2815, %reduce_sum3A_2813, %reduce_sum3A_2803 : i32
      %ge3A_2819 = arith.constant 50 : i32
      %ge3A_2820 = arith.cmpi sge, %select_n3A_2818, %ge3A_2819 : i32
      %or3A_2821 = arith.ori %select_n3A_2817, %shift_left3A_2782 : i32
      %select_n3A_2822 = arith.select %ge3A_2820, %or3A_2821, %select_n3A_2817 : i32
      scf.yield %select_n3A_2822 : i32
    }
    %scan3A_47 = arith.constant 16 : i32
    %iota3A_48 = tpu.iota {dimensions = array<i32: 0>} : vector<504x128xi32>
    %iota3A_49 = tpu.iota {dimensions = array<i32: 1>} : vector<1x128xi32>
    %get3A_50 = arith.constant 0 : index
    %get3A_51 = arith.constant 0 : index
    %get3A_52 = vector.load %arg4[%get3A_50, %get3A_51] : memref<504x128xi32, #tpu.memory_space<vmem>>, vector<504x128xi32>
    %ge3A_53 = vector.broadcast %scan3A_46 : i32 to vector<504x128xi32>
    %ge3A_54 = arith.cmpi uge, %get3A_52, %ge3A_53 : vector<504x128xi32>
    %convert_element_type3A = arith.extui %ge3A_54 : vector<504x128xi1> to vector<504x128xi32>
    %reduce_sum3A = vector.shape_cast %convert_element_type3A : vector<504x128xi32> to vector<1x504x128xi32>
    %reduce_sum3A_55 = arith.constant dense<0> : vector<1xi32>
    %reduce_sum3A_56 = vector.multi_reduction <add>, %reduce_sum3A, %reduce_sum3A_55 [1, 2] : vector<1x504x128xi32> to vector<1xi32>
    %reduce_sum3A_57 = vector.shape_cast %reduce_sum3A_56 : vector<1xi32> to vector<1x1x1xi32>
    %reduce_sum3A_58 = vector.extract %reduce_sum3A_57[0, 0, 0] : i32 from vector<1x1x1xi32>
    %get3A_59 = arith.constant 0 : index
    %get3A_60 = arith.constant 0 : index
    %get3A_61 = vector.load %arg4[%get3A_59, %get3A_60] : memref<504x128xi32, #tpu.memory_space<vmem>>, vector<504x128xi32>
    %ge3A_62 = vector.broadcast %scan3A_46 : i32 to vector<504x128xi32>
    %ge3A_63 = arith.cmpi uge, %get3A_61, %ge3A_62 : vector<504x128xi32>
    %jit3A_64 = arith.constant 1048576 : i32
    %broadcast_in_dim3A_65 = vector.broadcast %jit3A_64 : i32 to vector<504x128xi32>
    %select_n3A_66 = arith.select %ge3A_63, %iota3A_48, %broadcast_in_dim3A_65 : vector<504x128xi1>, vector<504x128xi32>
    %reduce_min3A = arith.constant dense<2147483647> : vector<128xi32>
    %reduce_min3A_67 = vector.multi_reduction <minsi>, %select_n3A_66, %reduce_min3A [0] : vector<504x128xi32> to vector<128xi32>
    %broadcast_in_dim3A_68 = vector.shape_cast %reduce_min3A_67 : vector<128xi32> to vector<1x128xi32>
    %eq3A_69 = vector.broadcast %broadcast_in_dim3A_68 : vector<1x128xi32> to vector<504x128xi32>
    %eq3A_70 = arith.cmpi eq, %iota3A_48, %eq3A_69 : vector<504x128xi32>
    %and3A_71 = arith.andi %eq3A_70, %ge3A_63 : vector<504x128xi1>
    %bitcast_convert_type3A_72 = tpu.bitcast %get3A_61 : vector<504x128xi32> -> vector<504x128xi32>
    %jit3A_73 = arith.constant 0 : i32
    %broadcast_in_dim3A_74 = vector.broadcast %jit3A_73 : i32 to vector<504x128xi32>
    %select_n3A_75 = arith.select %and3A_71, %bitcast_convert_type3A_72, %broadcast_in_dim3A_74 : vector<504x128xi1>, vector<504x128xi32>
    %reduce_sum3A_76 = arith.constant dense<0> : vector<128xi32>
    %reduce_sum3A_77 = vector.multi_reduction <add>, %select_n3A_75, %reduce_sum3A_76 [0] : vector<504x128xi32> to vector<128xi32>
    %broadcast_in_dim3A_78 = vector.shape_cast %reduce_sum3A_77 : vector<128xi32> to vector<1x128xi32>
    %bitcast_convert_type3A_79 = tpu.bitcast %broadcast_in_dim3A_78 : vector<1x128xi32> -> vector<1x128xi32>
    %gt3A = arith.constant 0 : i32
    %gt3A_80 = vector.broadcast %gt3A : i32 to vector<1x128xi32>
    %gt3A_81 = arith.cmpi ugt, %bitcast_convert_type3A_79, %gt3A_80 : vector<1x128xi32>
    %mul3A_82 = arith.constant 128 : i32
    %mul3A_83 = vector.broadcast %mul3A_82 : i32 to vector<1x128xi32>
    %mul3A_84 = arith.muli %broadcast_in_dim3A_68, %mul3A_83 : vector<1x128xi32>
    %add3A_85 = arith.addi %mul3A_84, %iota3A_49 : vector<1x128xi32>
    %add3A_86 = arith.constant 1073741824 : i32
    %add3A_87 = arith.constant 0 : i32
    %add3A_88 = arith.addi %add3A_86, %add3A_87 : i32
    %add3A_89 = vector.broadcast %add3A_88 : i32 to vector<1x128xi32>
    %add3A_90 = arith.addi %add3A_89, %iota3A_49 : vector<1x128xi32>
    %select_n3A_91 = arith.select %gt3A_81, %add3A_85, %add3A_90 : vector<1x128xi1>, vector<1x128xi32>
    %jit3A_92 = arith.constant 0 : i32
    %broadcast_in_dim3A_93 = vector.broadcast %jit3A_92 : i32 to vector<504x128xi32>
    %select_n3A_94 = arith.select %and3A_71, %broadcast_in_dim3A_93, %get3A_61 : vector<504x128xi1>, vector<504x128xi32>
    %swap3A_95 = arith.constant 0 : index
    %swap3A_96 = arith.constant 0 : index
    %swap3A_97 = vector.load %arg4[%swap3A_95, %swap3A_96] : memref<504x128xi32, #tpu.memory_space<vmem>>, vector<504x128xi32>
    tpu.vector_store %arg4[%swap3A_95, %swap3A_96], %select_n3A_94 {strides = array<i32>} : memref<504x128xi32, #tpu.memory_space<vmem>>, vector<504x128xi32>,
    %swap3A_98 = arith.constant 0 : index
    %swap3A_99 = arith.constant 0 : index
    %swap3A_100 = vector.load %arg5[%swap3A_98, %swap3A_99] : memref<16x128xi32, #tpu.memory_space<vmem>>, vector<1x128xi32>
    tpu.vector_store %arg5[%swap3A_98, %swap3A_99], %bitcast_convert_type3A_79 {strides = array<i32>} : memref<16x128xi32, #tpu.memory_space<vmem>>, vector<1x128xi32>,
    %swap3A_101 = arith.constant 0 : index
    %swap3A_102 = arith.constant 0 : index
    %swap3A_103 = vector.load %arg6[%swap3A_101, %swap3A_102] : memref<16x128xi32, #tpu.memory_space<vmem>>, vector<1x128xi32>
    tpu.vector_store %arg6[%swap3A_101, %swap3A_102], %select_n3A_91 {strides = array<i32>} : memref<16x128xi32, #tpu.memory_space<vmem>>, vector<1x128xi32>,
    %convert_element_type3A_104 = arith.extui %gt3A_81 : vector<1x128xi1> to vector<1x128xi32>
    %reduce_sum3A_105 = vector.shape_cast %convert_element_type3A_104 : vector<1x128xi32> to vector<1x1x128xi32>
    %reduce_sum3A_106 = arith.constant dense<0> : vector<1xi32>
    %reduce_sum3A_107 = vector.multi_reduction <add>, %reduce_sum3A_105, %reduce_sum3A_106 [1, 2] : vector<1x1x128xi32> to vector<1xi32>
    %reduce_sum3A_108 = vector.shape_cast %reduce_sum3A_107 : vector<1xi32> to vector<1x1x1xi32>
    %reduce_sum3A_109 = vector.extract %reduce_sum3A_108[0, 0, 0] : i32 from vector<1x1x1xi32>
    %add3A_110 = arith.constant 0 : i32
    %add3A_111 = arith.addi %add3A_110, %reduce_sum3A_109 : i32
    %get3A_112 = arith.constant 0 : index
    %get3A_113 = arith.constant 0 : index
    %get3A_114 = vector.load %arg4[%get3A_112, %get3A_113] : memref<504x128xi32, #tpu.memory_space<vmem>>, vector<504x128xi32>
    %ge3A_115 = vector.broadcast %scan3A_46 : i32 to vector<504x128xi32>
    %ge3A_116 = arith.cmpi uge, %get3A_114, %ge3A_115 : vector<504x128xi32>
    %jit3A_117 = arith.constant 1048576 : i32
    %broadcast_in_dim3A_118 = vector.broadcast %jit3A_117 : i32 to vector<504x128xi32>
    %select_n3A_119 = arith.select %ge3A_116, %iota3A_48, %broadcast_in_dim3A_118 : vector<504x128xi1>, vector<504x128xi32>
    %reduce_min3A_120 = arith.constant dense<2147483647> : vector<128xi32>
    %reduce_min3A_121 = vector.multi_reduction <minsi>, %select_n3A_119, %reduce_min3A_120 [0] : vector<504x128xi32> to vector<128xi32>
    %broadcast_in_dim3A_122 = vector.shape_cast %reduce_min3A_121 : vector<128xi32> to vector<1x128xi32>
    %eq3A_123 = vector.broadcast %broadcast_in_dim3A_122 : vector<1x128xi32> to vector<504x128xi32>
    %eq3A_124 = arith.cmpi eq, %iota3A_48, %eq3A_123 : vector<504x128xi32>
    %and3A_125 = arith.andi %eq3A_124, %ge3A_116 : vector<504x128xi1>
    %bitcast_convert_type3A_126 = tpu.bitcast %get3A_114 : vector<504x128xi32> -> vector<504x128xi32>
    %jit3A_127 = arith.constant 0 : i32
    %broadcast_in_dim3A_128 = vector.broadcast %jit3A_127 : i32 to vector<504x128xi32>
    %select_n3A_129 = arith.select %and3A_125, %bitcast_convert_type3A_126, %broadcast_in_dim3A_128 : vector<504x128xi1>, vector<504x128xi32>
    %reduce_sum3A_130 = arith.constant dense<0> : vector<128xi32>
    %reduce_sum3A_131 = vector.multi_reduction <add>, %select_n3A_129, %reduce_sum3A_130 [0] : vector<504x128xi32> to vector<128xi32>
    %broadcast_in_dim3A_132 = vector.shape_cast %reduce_sum3A_131 : vector<128xi32> to vector<1x128xi32>
    %bitcast_convert_type3A_133 = tpu.bitcast %broadcast_in_dim3A_132 : vector<1x128xi32> -> vector<1x128xi32>
    %gt3A_134 = arith.constant 0 : i32
    %gt3A_135 = vector.broadcast %gt3A_134 : i32 to vector<1x128xi32>
    %gt3A_136 = arith.cmpi ugt, %bitcast_convert_type3A_133, %gt3A_135 : vector<1x128xi32>
    %mul3A_137 = arith.constant 128 : i32
    %mul3A_138 = vector.broadcast %mul3A_137 : i32 to vector<1x128xi32>
    %mul3A_139 = arith.muli %broadcast_in_dim3A_122, %mul3A_138 : vector<1x128xi32>
    %add3A_140 = arith.addi %mul3A_139, %iota3A_49 : vector<1x128xi32>
    %add3A_141 = arith.constant 1073741824 : i32
    %add3A_142 = arith.constant 128 : i32
    %add3A_143 = arith.addi %add3A_141, %add3A_142 : i32
    %add3A_144 = vector.broadcast %add3A_143 : i32 to vector<1x128xi32>
    %add3A_145 = arith.addi %add3A_144, %iota3A_49 : vector<1x128xi32>
    %select_n3A_146 = arith.select %gt3A_136, %add3A_140, %add3A_145 : vector<1x128xi1>, vector<1x128xi32>
    %jit3A_147 = arith.constant 0 : i32
    %broadcast_in_dim3A_148 = vector.broadcast %jit3A_147 : i32 to vector<504x128xi32>
    %select_n3A_149 = arith.select %and3A_125, %broadcast_in_dim3A_148, %get3A_114 : vector<504x128xi1>, vector<504x128xi32>
    %swap3A_150 = arith.constant 0 : index
    %swap3A_151 = arith.constant 0 : index
    %swap3A_152 = vector.load %arg4[%swap3A_150, %swap3A_151] : memref<504x128xi32, #tpu.memory_space<vmem>>, vector<504x128xi32>
    tpu.vector_store %arg4[%swap3A_150, %swap3A_151], %select_n3A_149 {strides = array<i32>} : memref<504x128xi32, #tpu.memory_space<vmem>>, vector<504x128xi32>,
    %swap3A_153 = arith.constant 1 : index
    %swap3A_154 = arith.constant 0 : index
    %swap3A_155 = vector.load %arg5[%swap3A_153, %swap3A_154] : memref<16x128xi32, #tpu.memory_space<vmem>>, vector<1x128xi32>
    tpu.vector_store %arg5[%swap3A_153, %swap3A_154], %bitcast_convert_type3A_133 {strides = array<i32>} : memref<16x128xi32, #tpu.memory_space<vmem>>, vector<1x128xi32>,
    %swap3A_156 = arith.constant 1 : index
    %swap3A_157 = arith.constant 0 : index
    %swap3A_158 = vector.load %arg6[%swap3A_156, %swap3A_157] : memref<16x128xi32, #tpu.memory_space<vmem>>, vector<1x128xi32>
    tpu.vector_store %arg6[%swap3A_156, %swap3A_157], %select_n3A_146 {strides = array<i32>} : memref<16x128xi32, #tpu.memory_space<vmem>>, vector<1x128xi32>,
    %convert_element_type3A_159 = arith.extui %gt3A_136 : vector<1x128xi1> to vector<1x128xi32>
    %reduce_sum3A_160 = vector.shape_cast %convert_element_type3A_159 : vector<1x128xi32> to vector<1x1x128xi32>
    %reduce_sum3A_161 = arith.constant dense<0> : vector<1xi32>
    %reduce_sum3A_162 = vector.multi_reduction <add>, %reduce_sum3A_160, %reduce_sum3A_161 [1, 2] : vector<1x1x128xi32> to vector<1xi32>
    %reduce_sum3A_163 = vector.shape_cast %reduce_sum3A_162 : vector<1xi32> to vector<1x1x1xi32>
    %reduce_sum3A_164 = vector.extract %reduce_sum3A_163[0, 0, 0] : i32 from vector<1x1x1xi32>
    %add3A_165 = arith.addi %add3A_111, %reduce_sum3A_164 : i32
    %get3A_166 = arith.constant 0 : index
    %get3A_167 = arith.constant 0 : index
    %get3A_168 = vector.load %arg4[%get3A_166, %get3A_167] : memref<504x128xi32, #tpu.memory_space<vmem>>, vector<504x128xi32>
    %ge3A_169 = vector.broadcast %scan3A_46 : i32 to vector<504x128xi32>
    %ge3A_170 = arith.cmpi uge, %get3A_168, %ge3A_169 : vector<504x128xi32>
    %jit3A_171 = arith.constant 1048576 : i32
    %broadcast_in_dim3A_172 = vector.broadcast %jit3A_171 : i32 to vector<504x128xi32>
    %select_n3A_173 = arith.select %ge3A_170, %iota3A_48, %broadcast_in_dim3A_172 : vector<504x128xi1>, vector<504x128xi32>
    %reduce_min3A_174 = arith.constant dense<2147483647> : vector<128xi32>
    %reduce_min3A_175 = vector.multi_reduction <minsi>, %select_n3A_173, %reduce_min3A_174 [0] : vector<504x128xi32> to vector<128xi32>
    %broadcast_in_dim3A_176 = vector.shape_cast %reduce_min3A_175 : vector<128xi32> to vector<1x128xi32>
    %eq3A_177 = vector.broadcast %broadcast_in_dim3A_176 : vector<1x128xi32> to vector<504x128xi32>
    %eq3A_178 = arith.cmpi eq, %iota3A_48, %eq3A_177 : vector<504x128xi32>
    %and3A_179 = arith.andi %eq3A_178, %ge3A_170 : vector<504x128xi1>
    %bitcast_convert_type3A_180 = tpu.bitcast %get3A_168 : vector<504x128xi32> -> vector<504x128xi32>
    %jit3A_181 = arith.constant 0 : i32
    %broadcast_in_dim3A_182 = vector.broadcast %jit3A_181 : i32 to vector<504x128xi32>
    %select_n3A_183 = arith.select %and3A_179, %bitcast_convert_type3A_180, %broadcast_in_dim3A_182 : vector<504x128xi1>, vector<504x128xi32>
    %reduce_sum3A_184 = arith.constant dense<0> : vector<128xi32>
    %reduce_sum3A_185 = vector.multi_reduction <add>, %select_n3A_183, %reduce_sum3A_184 [0] : vector<504x128xi32> to vector<128xi32>
    %broadcast_in_dim3A_186 = vector.shape_cast %reduce_sum3A_185 : vector<128xi32> to vector<1x128xi32>
    %bitcast_convert_type3A_187 = tpu.bitcast %broadcast_in_dim3A_186 : vector<1x128xi32> -> vector<1x128xi32>
    %gt3A_188 = arith.constant 0 : i32
    %gt3A_189 = vector.broadcast %gt3A_188 : i32 to vector<1x128xi32>
    %gt3A_190 = arith.cmpi ugt, %bitcast_convert_type3A_187, %gt3A_189 : vector<1x128xi32>
    %mul3A_191 = arith.constant 128 : i32
    %mul3A_192 = vector.broadcast %mul3A_191 : i32 to vector<1x128xi32>
    %mul3A_193 = arith.muli %broadcast_in_dim3A_176, %mul3A_192 : vector<1x128xi32>
    %add3A_194 = arith.addi %mul3A_193, %iota3A_49 : vector<1x128xi32>
    %add3A_195 = arith.constant 1073741824 : i32
    %add3A_196 = arith.constant 256 : i32
    %add3A_197 = arith.addi %add3A_195, %add3A_196 : i32
    %add3A_198 = vector.broadcast %add3A_197 : i32 to vector<1x128xi32>
    %add3A_199 = arith.addi %add3A_198, %iota3A_49 : vector<1x128xi32>
    %select_n3A_200 = arith.select %gt3A_190, %add3A_194, %add3A_199 : vector<1x128xi1>, vector<1x128xi32>
    %jit3A_201 = arith.constant 0 : i32
    %broadcast_in_dim3A_202 = vector.broadcast %jit3A_201 : i32 to vector<504x128xi32>
    %select_n3A_203 = arith.select %and3A_179, %broadcast_in_dim3A_202, %get3A_168 : vector<504x128xi1>, vector<504x128xi32>
    %swap3A_204 = arith.constant 0 : index
    %swap3A_205 = arith.constant 0 : index
    %swap3A_206 = vector.load %arg4[%swap3A_204, %swap3A_205] : memref<504x128xi32, #tpu.memory_space<vmem>>, vector<504x128xi32>
    tpu.vector_store %arg4[%swap3A_204, %swap3A_205], %select_n3A_203 {strides = array<i32>} : memref<504x128xi32, #tpu.memory_space<vmem>>, vector<504x128xi32>,
    %swap3A_207 = arith.constant 2 : index
    %swap3A_208 = arith.constant 0 : index
    %swap3A_209 = vector.load %arg5[%swap3A_207, %swap3A_208] : memref<16x128xi32, #tpu.memory_space<vmem>>, vector<1x128xi32>
    tpu.vector_store %arg5[%swap3A_207, %swap3A_208], %bitcast_convert_type3A_187 {strides = array<i32>} : memref<16x128xi32, #tpu.memory_space<vmem>>, vector<1x128xi32>,
    %swap3A_210 = arith.constant 2 : index
    %swap3A_211 = arith.constant 0 : index
    %swap3A_212 = vector.load %arg6[%swap3A_210, %swap3A_211] : memref<16x128xi32, #tpu.memory_space<vmem>>, vector<1x128xi32>
    tpu.vector_store %arg6[%swap3A_210, %swap3A_211], %select_n3A_200 {strides = array<i32>} : memref<16x128xi32, #tpu.memory_space<vmem>>, vector<1x128xi32>,
    %convert_element_type3A_213 = arith.extui %gt3A_190 : vector<1x128xi1> to vector<1x128xi32>
    %reduce_sum3A_214 = vector.shape_cast %convert_element_type3A_213 : vector<1x128xi32> to vector<1x1x128xi32>
    %reduce_sum3A_215 = arith.constant dense<0> : vector<1xi32>
    %reduce_sum3A_216 = vector.multi_reduction <add>, %reduce_sum3A_214, %reduce_sum3A_215 [1, 2] : vector<1x1x128xi32> to vector<1xi32>
    %reduce_sum3A_217 = vector.shape_cast %reduce_sum3A_216 : vector<1xi32> to vector<1x1x1xi32>
    %reduce_sum3A_218 = vector.extract %reduce_sum3A_217[0, 0, 0] : i32 from vector<1x1x1xi32>
    %add3A_219 = arith.addi %add3A_165, %reduce_sum3A_218 : i32
    %get3A_220 = arith.constant 0 : index
    %get3A_221 = arith.constant 0 : index
    %get3A_222 = vector.load %arg4[%get3A_220, %get3A_221] : memref<504x128xi32, #tpu.memory_space<vmem>>, vector<504x128xi32>
    %ge3A_223 = vector.broadcast %scan3A_46 : i32 to vector<504x128xi32>
    %ge3A_224 = arith.cmpi uge, %get3A_222, %ge3A_223 : vector<504x128xi32>
    %jit3A_225 = arith.constant 1048576 : i32
    %broadcast_in_dim3A_226 = vector.broadcast %jit3A_225 : i32 to vector<504x128xi32>
    %select_n3A_227 = arith.select %ge3A_224, %iota3A_48, %broadcast_in_dim3A_226 : vector<504x128xi1>, vector<504x128xi32>
    %reduce_min3A_228 = arith.constant dense<2147483647> : vector<128xi32>
    %reduce_min3A_229 = vector.multi_reduction <minsi>, %select_n3A_227, %reduce_min3A_228 [0] : vector<504x128xi32> to vector<128xi32>
    %broadcast_in_dim3A_230 = vector.shape_cast %reduce_min3A_229 : vector<128xi32> to vector<1x128xi32>
    %eq3A_231 = vector.broadcast %broadcast_in_dim3A_230 : vector<1x128xi32> to vector<504x128xi32>
    %eq3A_232 = arith.cmpi eq, %iota3A_48, %eq3A_231 : vector<504x128xi32>
    %and3A_233 = arith.andi %eq3A_232, %ge3A_224 : vector<504x128xi1>
    %bitcast_convert_type3A_234 = tpu.bitcast %get3A_222 : vector<504x128xi32> -> vector<504x128xi32>
    %jit3A_235 = arith.constant 0 : i32
    %broadcast_in_dim3A_236 = vector.broadcast %jit3A_235 : i32 to vector<504x128xi32>
    %select_n3A_237 = arith.select %and3A_233, %bitcast_convert_type3A_234, %broadcast_in_dim3A_236 : vector<504x128xi1>, vector<504x128xi32>
    %reduce_sum3A_238 = arith.constant dense<0> : vector<128xi32>
    %reduce_sum3A_239 = vector.multi_reduction <add>, %select_n3A_237, %reduce_sum3A_238 [0] : vector<504x128xi32> to vector<128xi32>
    %broadcast_in_dim3A_240 = vector.shape_cast %reduce_sum3A_239 : vector<128xi32> to vector<1x128xi32>
    %bitcast_convert_type3A_241 = tpu.bitcast %broadcast_in_dim3A_240 : vector<1x128xi32> -> vector<1x128xi32>
    %gt3A_242 = arith.constant 0 : i32
    %gt3A_243 = vector.broadcast %gt3A_242 : i32 to vector<1x128xi32>
    %gt3A_244 = arith.cmpi ugt, %bitcast_convert_type3A_241, %gt3A_243 : vector<1x128xi32>
    %mul3A_245 = arith.constant 128 : i32
    %mul3A_246 = vector.broadcast %mul3A_245 : i32 to vector<1x128xi32>
    %mul3A_247 = arith.muli %broadcast_in_dim3A_230, %mul3A_246 : vector<1x128xi32>
    %add3A_248 = arith.addi %mul3A_247, %iota3A_49 : vector<1x128xi32>
    %add3A_249 = arith.constant 1073741824 : i32
    %add3A_250 = arith.constant 384 : i32
    %add3A_251 = arith.addi %add3A_249, %add3A_250 : i32
    %add3A_252 = vector.broadcast %add3A_251 : i32 to vector<1x128xi32>
    %add3A_253 = arith.addi %add3A_252, %iota3A_49 : vector<1x128xi32>
    %select_n3A_254 = arith.select %gt3A_244, %add3A_248, %add3A_253 : vector<1x128xi1>, vector<1x128xi32>
    %jit3A_255 = arith.constant 0 : i32
    %broadcast_in_dim3A_256 = vector.broadcast %jit3A_255 : i32 to vector<504x128xi32>
    %select_n3A_257 = arith.select %and3A_233, %broadcast_in_dim3A_256, %get3A_222 : vector<504x128xi1>, vector<504x128xi32>
    %swap3A_258 = arith.constant 0 : index
    %swap3A_259 = arith.constant 0 : index
    %swap3A_260 = vector.load %arg4[%swap3A_258, %swap3A_259] : memref<504x128xi32, #tpu.memory_space<vmem>>, vector<504x128xi32>
    tpu.vector_store %arg4[%swap3A_258, %swap3A_259], %select_n3A_257 {strides = array<i32>} : memref<504x128xi32, #tpu.memory_space<vmem>>, vector<504x128xi32>,
    %swap3A_261 = arith.constant 3 : index
    %swap3A_262 = arith.constant 0 : index
    %swap3A_263 = vector.load %arg5[%swap3A_261, %swap3A_262] : memref<16x128xi32, #tpu.memory_space<vmem>>, vector<1x128xi32>
    tpu.vector_store %arg5[%swap3A_261, %swap3A_262], %bitcast_convert_type3A_241 {strides = array<i32>} : memref<16x128xi32, #tpu.memory_space<vmem>>, vector<1x128xi32>,
    %swap3A_264 = arith.constant 3 : index
    %swap3A_265 = arith.constant 0 : index
    %swap3A_266 = vector.load %arg6[%swap3A_264, %swap3A_265] : memref<16x128xi32, #tpu.memory_space<vmem>>, vector<1x128xi32>
    tpu.vector_store %arg6[%swap3A_264, %swap3A_265], %select_n3A_254 {strides = array<i32>} : memref<16x128xi32, #tpu.memory_space<vmem>>, vector<1x128xi32>,
    %convert_element_type3A_267 = arith.extui %gt3A_244 : vector<1x128xi1> to vector<1x128xi32>
    %reduce_sum3A_268 = vector.shape_cast %convert_element_type3A_267 : vector<1x128xi32> to vector<1x1x128xi32>
    %reduce_sum3A_269 = arith.constant dense<0> : vector<1xi32>
    %reduce_sum3A_270 = vector.multi_reduction <add>, %reduce_sum3A_268, %reduce_sum3A_269 [1, 2] : vector<1x1x128xi32> to vector<1xi32>
    %reduce_sum3A_271 = vector.shape_cast %reduce_sum3A_270 : vector<1xi32> to vector<1x1x1xi32>
    %reduce_sum3A_272 = vector.extract %reduce_sum3A_271[0, 0, 0] : i32 from vector<1x1x1xi32>
    %add3A_273 = arith.addi %add3A_219, %reduce_sum3A_272 : i32
    %iota3A_274 = tpu.iota {dimensions = array<i32: 0>} : vector<16x128xi32>
    %iota3A_275 = tpu.iota {dimensions = array<i32: 1>} : vector<16x128xi32>
    %broadcast_in_dim3A_276 = arith.constant 0 : i32
    %broadcast_in_dim3A_277 = vector.broadcast %broadcast_in_dim3A_276 : i32 to vector<12x128xi32>
    %swap3A_278 = arith.constant 4 : index
    %swap3A_279 = arith.constant 0 : index
    %swap3A_280 = vector.load %arg5[%swap3A_278, %swap3A_279] : memref<16x128xi32, #tpu.memory_space<vmem>>, vector<12x128xi32>
    tpu.vector_store %arg5[%swap3A_278, %swap3A_279], %broadcast_in_dim3A_277 {strides = array<i32>} : memref<16x128xi32, #tpu.memory_space<vmem>>, vector<12x128xi32>,
    %mul3A_281 = arith.constant 128 : i32
    %mul3A_282 = vector.broadcast %mul3A_281 : i32 to vector<16x128xi32>
    %mul3A_283 = arith.muli %iota3A_274, %mul3A_282 : vector<16x128xi32>
    %add3A_284 = arith.constant 1073741824 : i32
    %add3A_285 = vector.broadcast %add3A_284 : i32 to vector<16x128xi32>
    %add3A_286 = arith.addi %add3A_285, %mul3A_283 : vector<16x128xi32>
    %add3A_287 = arith.addi %add3A_286, %iota3A_275 : vector<16x128xi32>
    %slice3A = vector.extract_strided_slice %add3A_287 {offsets = [4, 0], sizes = [12, 128], strides = [1, 1]} : vector<16x128xi32> to vector<12x128xi32>
    %swap3A_288 = arith.constant 4 : index
    %swap3A_289 = arith.constant 0 : index
    %swap3A_290 = vector.load %arg6[%swap3A_288, %swap3A_289] : memref<16x128xi32, #tpu.memory_space<vmem>>, vector<12x128xi32>
    tpu.vector_store %arg6[%swap3A_288, %swap3A_289], %slice3A {strides = array<i32>} : memref<16x128xi32, #tpu.memory_space<vmem>>, vector<12x128xi32>,
    %lt3A_291 = arith.cmpi slt, %add3A_273, %reduce_sum3A_58 : i32
    %convert_element_type3A_292 = arith.extui %lt3A_291 : i1 to i32
    %cond3A = arith.constant 0 : i32
    %cond3A_293 = arith.cmpi ne, %convert_element_type3A_292, %cond3A : i32
    scf.if %cond3A_293 {
      %get3A_2773 = arith.constant 0 : index
      %get3A_2774 = arith.constant 0 : index
      %get3A_2775 = vector.load %arg4[%get3A_2773, %get3A_2774] : memref<504x128xi32, #tpu.memory_space<vmem>>, vector<504x128xi32>
      %ge3A_2776 = vector.broadcast %scan3A_46 : i32 to vector<504x128xi32>
      %ge3A_2777 = arith.cmpi uge, %get3A_2775, %ge3A_2776 : vector<504x128xi32>
      %jit3A_2778 = arith.constant 1048576 : i32
      %broadcast_in_dim3A_2779 = vector.broadcast %jit3A_2778 : i32 to vector<504x128xi32>
      %select_n3A_2780 = arith.select %ge3A_2777, %iota3A_48, %broadcast_in_dim3A_2779 : vector<504x128xi1>, vector<504x128xi32>
      %reduce_min3A_2781 = arith.constant dense<2147483647> : vector<128xi32>
      %reduce_min3A_2782 = vector.multi_reduction <minsi>, %select_n3A_2780, %reduce_min3A_2781 [0] : vector<504x128xi32> to vector<128xi32>
      %broadcast_in_dim3A_2783 = vector.shape_cast %reduce_min3A_2782 : vector<128xi32> to vector<1x128xi32>
      %eq3A_2784 = vector.broadcast %broadcast_in_dim3A_2783 : vector<1x128xi32> to vector<504x128xi32>
      %eq3A_2785 = arith.cmpi eq, %iota3A_48, %eq3A_2784 : vector<504x128xi32>
      %and3A_2786 = arith.andi %eq3A_2785, %ge3A_2777 : vector<504x128xi1>
      %bitcast_convert_type3A_2787 = tpu.bitcast %get3A_2775 : vector<504x128xi32> -> vector<504x128xi32>
      %jit3A_2788 = arith.constant 0 : i32
      %broadcast_in_dim3A_2789 = vector.broadcast %jit3A_2788 : i32 to vector<504x128xi32>
      %select_n3A_2790 = arith.select %and3A_2786, %bitcast_convert_type3A_2787, %broadcast_in_dim3A_2789 : vector<504x128xi1>, vector<504x128xi32>
      %reduce_sum3A_2791 = arith.constant dense<0> : vector<128xi32>
      %reduce_sum3A_2792 = vector.multi_reduction <add>, %select_n3A_2790, %reduce_sum3A_2791 [0] : vector<504x128xi32> to vector<128xi32>
      %broadcast_in_dim3A_2793 = vector.shape_cast %reduce_sum3A_2792 : vector<128xi32> to vector<1x128xi32>
      %bitcast_convert_type3A_2794 = tpu.bitcast %broadcast_in_dim3A_2793 : vector<1x128xi32> -> vector<1x128xi32>
      %gt3A_2795 = arith.constant 0 : i32
      %gt3A_2796 = vector.broadcast %gt3A_2795 : i32 to vector<1x128xi32>
      %gt3A_2797 = arith.cmpi ugt, %bitcast_convert_type3A_2794, %gt3A_2796 : vector<1x128xi32>
      %mul3A_2798 = arith.constant 128 : i32
      %mul3A_2799 = vector.broadcast %mul3A_2798 : i32 to vector<1x128xi32>
      %mul3A_2800 = arith.muli %broadcast_in_dim3A_2783, %mul3A_2799 : vector<1x128xi32>
      %add3A_2801 = arith.addi %mul3A_2800, %iota3A_49 : vector<1x128xi32>
      %add3A_2802 = arith.constant 1073741824 : i32
      %add3A_2803 = arith.constant 512 : i32
      %add3A_2804 = arith.addi %add3A_2802, %add3A_2803 : i32
      %add3A_2805 = vector.broadcast %add3A_2804 : i32 to vector<1x128xi32>
      %add3A_2806 = arith.addi %add3A_2805, %iota3A_49 : vector<1x128xi32>
      %select_n3A_2807 = arith.select %gt3A_2797, %add3A_2801, %add3A_2806 : vector<1x128xi1>, vector<1x128xi32>
      %jit3A_2808 = arith.constant 0 : i32
      %broadcast_in_dim3A_2809 = vector.broadcast %jit3A_2808 : i32 to vector<504x128xi32>
      %select_n3A_2810 = arith.select %and3A_2786, %broadcast_in_dim3A_2809, %get3A_2775 : vector<504x128xi1>, vector<504x128xi32>
      %swap3A_2811 = arith.constant 0 : index
      %swap3A_2812 = arith.constant 0 : index
      %swap3A_2813 = vector.load %arg4[%swap3A_2811, %swap3A_2812] : memref<504x128xi32, #tpu.memory_space<vmem>>, vector<504x128xi32>
      tpu.vector_store %arg4[%swap3A_2811, %swap3A_2812], %select_n3A_2810 {strides = array<i32>} : memref<504x128xi32, #tpu.memory_space<vmem>>, vector<504x128xi32>,
      %swap3A_2814 = arith.constant 4 : index
      %swap3A_2815 = arith.constant 0 : index
      %swap3A_2816 = vector.load %arg5[%swap3A_2814, %swap3A_2815] : memref<16x128xi32, #tpu.memory_space<vmem>>, vector<1x128xi32>
      tpu.vector_store %arg5[%swap3A_2814, %swap3A_2815], %bitcast_convert_type3A_2794 {strides = array<i32>} : memref<16x128xi32, #tpu.memory_space<vmem>>, vector<1x128xi32>,
      %swap3A_2817 = arith.constant 4 : index
      %swap3A_2818 = arith.constant 0 : index
      %swap3A_2819 = vector.load %arg6[%swap3A_2817, %swap3A_2818] : memref<16x128xi32, #tpu.memory_space<vmem>>, vector<1x128xi32>
      tpu.vector_store %arg6[%swap3A_2817, %swap3A_2818], %select_n3A_2807 {strides = array<i32>} : memref<16x128xi32, #tpu.memory_space<vmem>>, vector<1x128xi32>,
      %get3A_2820 = arith.constant 0 : index
      %get3A_2821 = arith.constant 0 : index
      %get3A_2822 = vector.load %arg4[%get3A_2820, %get3A_2821] : memref<504x128xi32, #tpu.memory_space<vmem>>, vector<504x128xi32>
      %ge3A_2823 = vector.broadcast %scan3A_46 : i32 to vector<504x128xi32>
      %ge3A_2824 = arith.cmpi uge, %get3A_2822, %ge3A_2823 : vector<504x128xi32>
      %jit3A_2825 = arith.constant 1048576 : i32
      %broadcast_in_dim3A_2826 = vector.broadcast %jit3A_2825 : i32 to vector<504x128xi32>
      %select_n3A_2827 = arith.select %ge3A_2824, %iota3A_48, %broadcast_in_dim3A_2826 : vector<504x128xi1>, vector<504x128xi32>
      %reduce_min3A_2828 = arith.constant dense<2147483647> : vector<128xi32>
      %reduce_min3A_2829 = vector.multi_reduction <minsi>, %select_n3A_2827, %reduce_min3A_2828 [0] : vector<504x128xi32> to vector<128xi32>
      %broadcast_in_dim3A_2830 = vector.shape_cast %reduce_min3A_2829 : vector<128xi32> to vector<1x128xi32>
      %eq3A_2831 = vector.broadcast %broadcast_in_dim3A_2830 : vector<1x128xi32> to vector<504x128xi32>
      %eq3A_2832 = arith.cmpi eq, %iota3A_48, %eq3A_2831 : vector<504x128xi32>
      %and3A_2833 = arith.andi %eq3A_2832, %ge3A_2824 : vector<504x128xi1>
      %bitcast_convert_type3A_2834 = tpu.bitcast %get3A_2822 : vector<504x128xi32> -> vector<504x128xi32>
      %jit3A_2835 = arith.constant 0 : i32
      %broadcast_in_dim3A_2836 = vector.broadcast %jit3A_2835 : i32 to vector<504x128xi32>
      %select_n3A_2837 = arith.select %and3A_2833, %bitcast_convert_type3A_2834, %broadcast_in_dim3A_2836 : vector<504x128xi1>, vector<504x128xi32>
      %reduce_sum3A_2838 = arith.constant dense<0> : vector<128xi32>
      %reduce_sum3A_2839 = vector.multi_reduction <add>, %select_n3A_2837, %reduce_sum3A_2838 [0] : vector<504x128xi32> to vector<128xi32>
      %broadcast_in_dim3A_2840 = vector.shape_cast %reduce_sum3A_2839 : vector<128xi32> to vector<1x128xi32>
      %bitcast_convert_type3A_2841 = tpu.bitcast %broadcast_in_dim3A_2840 : vector<1x128xi32> -> vector<1x128xi32>
      %gt3A_2842 = arith.constant 0 : i32
      %gt3A_2843 = vector.broadcast %gt3A_2842 : i32 to vector<1x128xi32>
      %gt3A_2844 = arith.cmpi ugt, %bitcast_convert_type3A_2841, %gt3A_2843 : vector<1x128xi32>
      %mul3A_2845 = arith.constant 128 : i32
      %mul3A_2846 = vector.broadcast %mul3A_2845 : i32 to vector<1x128xi32>
      %mul3A_2847 = arith.muli %broadcast_in_dim3A_2830, %mul3A_2846 : vector<1x128xi32>
      %add3A_2848 = arith.addi %mul3A_2847, %iota3A_49 : vector<1x128xi32>
      %add3A_2849 = arith.constant 1073741824 : i32
      %add3A_2850 = arith.constant 640 : i32
      %add3A_2851 = arith.addi %add3A_2849, %add3A_2850 : i32
      %add3A_2852 = vector.broadcast %add3A_2851 : i32 to vector<1x128xi32>
      %add3A_2853 = arith.addi %add3A_2852, %iota3A_49 : vector<1x128xi32>
      %select_n3A_2854 = arith.select %gt3A_2844, %add3A_2848, %add3A_2853 : vector<1x128xi1>, vector<1x128xi32>
      %jit3A_2855 = arith.constant 0 : i32
      %broadcast_in_dim3A_2856 = vector.broadcast %jit3A_2855 : i32 to vector<504x128xi32>
      %select_n3A_2857 = arith.select %and3A_2833, %broadcast_in_dim3A_2856, %get3A_2822 : vector<504x128xi1>, vector<504x128xi32>
      %swap3A_2858 = arith.constant 0 : index
      %swap3A_2859 = arith.constant 0 : index
      %swap3A_2860 = vector.load %arg4[%swap3A_2858, %swap3A_2859] : memref<504x128xi32, #tpu.memory_space<vmem>>, vector<504x128xi32>
      tpu.vector_store %arg4[%swap3A_2858, %swap3A_2859], %select_n3A_2857 {strides = array<i32>} : memref<504x128xi32, #tpu.memory_space<vmem>>, vector<504x128xi32>,
      %swap3A_2861 = arith.constant 5 : index
      %swap3A_2862 = arith.constant 0 : index
      %swap3A_2863 = vector.load %arg5[%swap3A_2861, %swap3A_2862] : memref<16x128xi32, #tpu.memory_space<vmem>>, vector<1x128xi32>
      tpu.vector_store %arg5[%swap3A_2861, %swap3A_2862], %bitcast_convert_type3A_2841 {strides = array<i32>} : memref<16x128xi32, #tpu.memory_space<vmem>>, vector<1x128xi32>,
      %swap3A_2864 = arith.constant 5 : index
      %swap3A_2865 = arith.constant 0 : index
      %swap3A_2866 = vector.load %arg6[%swap3A_2864, %swap3A_2865] : memref<16x128xi32, #tpu.memory_space<vmem>>, vector<1x128xi32>
      tpu.vector_store %arg6[%swap3A_2864, %swap3A_2865], %select_n3A_2854 {strides = array<i32>} : memref<16x128xi32, #tpu.memory_space<vmem>>, vector<1x128xi32>,
      %get3A_2867 = arith.constant 0 : index
      %get3A_2868 = arith.constant 0 : index
      %get3A_2869 = vector.load %arg4[%get3A_2867, %get3A_2868] : memref<504x128xi32, #tpu.memory_space<vmem>>, vector<504x128xi32>
      %ge3A_2870 = vector.broadcast %scan3A_46 : i32 to vector<504x128xi32>
      %ge3A_2871 = arith.cmpi uge, %get3A_2869, %ge3A_2870 : vector<504x128xi32>
      %jit3A_2872 = arith.constant 1048576 : i32
      %broadcast_in_dim3A_2873 = vector.broadcast %jit3A_2872 : i32 to vector<504x128xi32>
      %select_n3A_2874 = arith.select %ge3A_2871, %iota3A_48, %broadcast_in_dim3A_2873 : vector<504x128xi1>, vector<504x128xi32>
      %reduce_min3A_2875 = arith.constant dense<2147483647> : vector<128xi32>
      %reduce_min3A_2876 = vector.multi_reduction <minsi>, %select_n3A_2874, %reduce_min3A_2875 [0] : vector<504x128xi32> to vector<128xi32>
      %broadcast_in_dim3A_2877 = vector.shape_cast %reduce_min3A_2876 : vector<128xi32> to vector<1x128xi32>
      %eq3A_2878 = vector.broadcast %broadcast_in_dim3A_2877 : vector<1x128xi32> to vector<504x128xi32>
      %eq3A_2879 = arith.cmpi eq, %iota3A_48, %eq3A_2878 : vector<504x128xi32>
      %and3A_2880 = arith.andi %eq3A_2879, %ge3A_2871 : vector<504x128xi1>
      %bitcast_convert_type3A_2881 = tpu.bitcast %get3A_2869 : vector<504x128xi32> -> vector<504x128xi32>
      %jit3A_2882 = arith.constant 0 : i32
      %broadcast_in_dim3A_2883 = vector.broadcast %jit3A_2882 : i32 to vector<504x128xi32>
      %select_n3A_2884 = arith.select %and3A_2880, %bitcast_convert_type3A_2881, %broadcast_in_dim3A_2883 : vector<504x128xi1>, vector<504x128xi32>
      %reduce_sum3A_2885 = arith.constant dense<0> : vector<128xi32>
      %reduce_sum3A_2886 = vector.multi_reduction <add>, %select_n3A_2884, %reduce_sum3A_2885 [0] : vector<504x128xi32> to vector<128xi32>
      %broadcast_in_dim3A_2887 = vector.shape_cast %reduce_sum3A_2886 : vector<128xi32> to vector<1x128xi32>
      %bitcast_convert_type3A_2888 = tpu.bitcast %broadcast_in_dim3A_2887 : vector<1x128xi32> -> vector<1x128xi32>
      %gt3A_2889 = arith.constant 0 : i32
      %gt3A_2890 = vector.broadcast %gt3A_2889 : i32 to vector<1x128xi32>
      %gt3A_2891 = arith.cmpi ugt, %bitcast_convert_type3A_2888, %gt3A_2890 : vector<1x128xi32>
      %mul3A_2892 = arith.constant 128 : i32
      %mul3A_2893 = vector.broadcast %mul3A_2892 : i32 to vector<1x128xi32>
      %mul3A_2894 = arith.muli %broadcast_in_dim3A_2877, %mul3A_2893 : vector<1x128xi32>
      %add3A_2895 = arith.addi %mul3A_2894, %iota3A_49 : vector<1x128xi32>
      %add3A_2896 = arith.constant 1073741824 : i32
      %add3A_2897 = arith.constant 768 : i32
      %add3A_2898 = arith.addi %add3A_2896, %add3A_2897 : i32
      %add3A_2899 = vector.broadcast %add3A_2898 : i32 to vector<1x128xi32>
      %add3A_2900 = arith.addi %add3A_2899, %iota3A_49 : vector<1x128xi32>
      %select_n3A_2901 = arith.select %gt3A_2891, %add3A_2895, %add3A_2900 : vector<1x128xi1>, vector<1x128xi32>
      %jit3A_2902 = arith.constant 0 : i32
      %broadcast_in_dim3A_2903 = vector.broadcast %jit3A_2902 : i32 to vector<504x128xi32>
      %select_n3A_2904 = arith.select %and3A_2880, %broadcast_in_dim3A_2903, %get3A_2869 : vector<504x128xi1>, vector<504x128xi32>
      %swap3A_2905 = arith.constant 0 : index
      %swap3A_2906 = arith.constant 0 : index
      %swap3A_2907 = vector.load %arg4[%swap3A_2905, %swap3A_2906] : memref<504x128xi32, #tpu.memory_space<vmem>>, vector<504x128xi32>
      tpu.vector_store %arg4[%swap3A_2905, %swap3A_2906], %select_n3A_2904 {strides = array<i32>} : memref<504x128xi32, #tpu.memory_space<vmem>>, vector<504x128xi32>,
      %swap3A_2908 = arith.constant 6 : index
      %swap3A_2909 = arith.constant 0 : index
      %swap3A_2910 = vector.load %arg5[%swap3A_2908, %swap3A_2909] : memref<16x128xi32, #tpu.memory_space<vmem>>, vector<1x128xi32>
      tpu.vector_store %arg5[%swap3A_2908, %swap3A_2909], %bitcast_convert_type3A_2888 {strides = array<i32>} : memref<16x128xi32, #tpu.memory_space<vmem>>, vector<1x128xi32>,
      %swap3A_2911 = arith.constant 6 : index
      %swap3A_2912 = arith.constant 0 : index
      %swap3A_2913 = vector.load %arg6[%swap3A_2911, %swap3A_2912] : memref<16x128xi32, #tpu.memory_space<vmem>>, vector<1x128xi32>
      tpu.vector_store %arg6[%swap3A_2911, %swap3A_2912], %select_n3A_2901 {strides = array<i32>} : memref<16x128xi32, #tpu.memory_space<vmem>>, vector<1x128xi32>,
      %get3A_2914 = arith.constant 0 : index
      %get3A_2915 = arith.constant 0 : index
      %get3A_2916 = vector.load %arg4[%get3A_2914, %get3A_2915] : memref<504x128xi32, #tpu.memory_space<vmem>>, vector<504x128xi32>
      %ge3A_2917 = vector.broadcast %scan3A_46 : i32 to vector<504x128xi32>
      %ge3A_2918 = arith.cmpi uge, %get3A_2916, %ge3A_2917 : vector<504x128xi32>
      %jit3A_2919 = arith.constant 1048576 : i32
      %broadcast_in_dim3A_2920 = vector.broadcast %jit3A_2919 : i32 to vector<504x128xi32>
      %select_n3A_2921 = arith.select %ge3A_2918, %iota3A_48, %broadcast_in_dim3A_2920 : vector<504x128xi1>, vector<504x128xi32>
      %reduce_min3A_2922 = arith.constant dense<2147483647> : vector<128xi32>
      %reduce_min3A_2923 = vector.multi_reduction <minsi>, %select_n3A_2921, %reduce_min3A_2922 [0] : vector<504x128xi32> to vector<128xi32>
      %broadcast_in_dim3A_2924 = vector.shape_cast %reduce_min3A_2923 : vector<128xi32> to vector<1x128xi32>
      %eq3A_2925 = vector.broadcast %broadcast_in_dim3A_2924 : vector<1x128xi32> to vector<504x128xi32>
      %eq3A_2926 = arith.cmpi eq, %iota3A_48, %eq3A_2925 : vector<504x128xi32>
      %and3A_2927 = arith.andi %eq3A_2926, %ge3A_2918 : vector<504x128xi1>
      %bitcast_convert_type3A_2928 = tpu.bitcast %get3A_2916 : vector<504x128xi32> -> vector<504x128xi32>
      %jit3A_2929 = arith.constant 0 : i32
      %broadcast_in_dim3A_2930 = vector.broadcast %jit3A_2929 : i32 to vector<504x128xi32>
      %select_n3A_2931 = arith.select %and3A_2927, %bitcast_convert_type3A_2928, %broadcast_in_dim3A_2930 : vector<504x128xi1>, vector<504x128xi32>
      %reduce_sum3A_2932 = arith.constant dense<0> : vector<128xi32>
      %reduce_sum3A_2933 = vector.multi_reduction <add>, %select_n3A_2931, %reduce_sum3A_2932 [0] : vector<504x128xi32> to vector<128xi32>
      %broadcast_in_dim3A_2934 = vector.shape_cast %reduce_sum3A_2933 : vector<128xi32> to vector<1x128xi32>
      %bitcast_convert_type3A_2935 = tpu.bitcast %broadcast_in_dim3A_2934 : vector<1x128xi32> -> vector<1x128xi32>
      %gt3A_2936 = arith.constant 0 : i32
      %gt3A_2937 = vector.broadcast %gt3A_2936 : i32 to vector<1x128xi32>
      %gt3A_2938 = arith.cmpi ugt, %bitcast_convert_type3A_2935, %gt3A_2937 : vector<1x128xi32>
      %mul3A_2939 = arith.constant 128 : i32
      %mul3A_2940 = vector.broadcast %mul3A_2939 : i32 to vector<1x128xi32>
      %mul3A_2941 = arith.muli %broadcast_in_dim3A_2924, %mul3A_2940 : vector<1x128xi32>
      %add3A_2942 = arith.addi %mul3A_2941, %iota3A_49 : vector<1x128xi32>
      %add3A_2943 = arith.constant 1073741824 : i32
      %add3A_2944 = arith.constant 896 : i32
      %add3A_2945 = arith.addi %add3A_2943, %add3A_2944 : i32
      %add3A_2946 = vector.broadcast %add3A_2945 : i32 to vector<1x128xi32>
      %add3A_2947 = arith.addi %add3A_2946, %iota3A_49 : vector<1x128xi32>
      %select_n3A_2948 = arith.select %gt3A_2938, %add3A_2942, %add3A_2947 : vector<1x128xi1>, vector<1x128xi32>
      %jit3A_2949 = arith.constant 0 : i32
      %broadcast_in_dim3A_2950 = vector.broadcast %jit3A_2949 : i32 to vector<504x128xi32>
      %select_n3A_2951 = arith.select %and3A_2927, %broadcast_in_dim3A_2950, %get3A_2916 : vector<504x128xi1>, vector<504x128xi32>
      %swap3A_2952 = arith.constant 0 : index
      %swap3A_2953 = arith.constant 0 : index
      %swap3A_2954 = vector.load %arg4[%swap3A_2952, %swap3A_2953] : memref<504x128xi32, #tpu.memory_space<vmem>>, vector<504x128xi32>
      tpu.vector_store %arg4[%swap3A_2952, %swap3A_2953], %select_n3A_2951 {strides = array<i32>} : memref<504x128xi32, #tpu.memory_space<vmem>>, vector<504x128xi32>,
      %swap3A_2955 = arith.constant 7 : index
      %swap3A_2956 = arith.constant 0 : index
      %swap3A_2957 = vector.load %arg5[%swap3A_2955, %swap3A_2956] : memref<16x128xi32, #tpu.memory_space<vmem>>, vector<1x128xi32>
      tpu.vector_store %arg5[%swap3A_2955, %swap3A_2956], %bitcast_convert_type3A_2935 {strides = array<i32>} : memref<16x128xi32, #tpu.memory_space<vmem>>, vector<1x128xi32>,
      %swap3A_2958 = arith.constant 7 : index
      %swap3A_2959 = arith.constant 0 : index
      %swap3A_2960 = vector.load %arg6[%swap3A_2958, %swap3A_2959] : memref<16x128xi32, #tpu.memory_space<vmem>>, vector<1x128xi32>
      tpu.vector_store %arg6[%swap3A_2958, %swap3A_2959], %select_n3A_2948 {strides = array<i32>} : memref<16x128xi32, #tpu.memory_space<vmem>>, vector<1x128xi32>,
      %get3A_2961 = arith.constant 0 : index
      %get3A_2962 = arith.constant 0 : index
      %get3A_2963 = vector.load %arg4[%get3A_2961, %get3A_2962] : memref<504x128xi32, #tpu.memory_space<vmem>>, vector<504x128xi32>
      %ge3A_2964 = vector.broadcast %scan3A_46 : i32 to vector<504x128xi32>
      %ge3A_2965 = arith.cmpi uge, %get3A_2963, %ge3A_2964 : vector<504x128xi32>
      %jit3A_2966 = arith.constant 1048576 : i32
      %broadcast_in_dim3A_2967 = vector.broadcast %jit3A_2966 : i32 to vector<504x128xi32>
      %select_n3A_2968 = arith.select %ge3A_2965, %iota3A_48, %broadcast_in_dim3A_2967 : vector<504x128xi1>, vector<504x128xi32>
      %reduce_min3A_2969 = arith.constant dense<2147483647> : vector<128xi32>
      %reduce_min3A_2970 = vector.multi_reduction <minsi>, %select_n3A_2968, %reduce_min3A_2969 [0] : vector<504x128xi32> to vector<128xi32>
      %broadcast_in_dim3A_2971 = vector.shape_cast %reduce_min3A_2970 : vector<128xi32> to vector<1x128xi32>
      %eq3A_2972 = vector.broadcast %broadcast_in_dim3A_2971 : vector<1x128xi32> to vector<504x128xi32>
      %eq3A_2973 = arith.cmpi eq, %iota3A_48, %eq3A_2972 : vector<504x128xi32>
      %and3A_2974 = arith.andi %eq3A_2973, %ge3A_2965 : vector<504x128xi1>
      %bitcast_convert_type3A_2975 = tpu.bitcast %get3A_2963 : vector<504x128xi32> -> vector<504x128xi32>
      %jit3A_2976 = arith.constant 0 : i32
      %broadcast_in_dim3A_2977 = vector.broadcast %jit3A_2976 : i32 to vector<504x128xi32>
      %select_n3A_2978 = arith.select %and3A_2974, %bitcast_convert_type3A_2975, %broadcast_in_dim3A_2977 : vector<504x128xi1>, vector<504x128xi32>
      %reduce_sum3A_2979 = arith.constant dense<0> : vector<128xi32>
      %reduce_sum3A_2980 = vector.multi_reduction <add>, %select_n3A_2978, %reduce_sum3A_2979 [0] : vector<504x128xi32> to vector<128xi32>
      %broadcast_in_dim3A_2981 = vector.shape_cast %reduce_sum3A_2980 : vector<128xi32> to vector<1x128xi32>
      %bitcast_convert_type3A_2982 = tpu.bitcast %broadcast_in_dim3A_2981 : vector<1x128xi32> -> vector<1x128xi32>
      %gt3A_2983 = arith.constant 0 : i32
      %gt3A_2984 = vector.broadcast %gt3A_2983 : i32 to vector<1x128xi32>
      %gt3A_2985 = arith.cmpi ugt, %bitcast_convert_type3A_2982, %gt3A_2984 : vector<1x128xi32>
      %mul3A_2986 = arith.constant 128 : i32
      %mul3A_2987 = vector.broadcast %mul3A_2986 : i32 to vector<1x128xi32>
      %mul3A_2988 = arith.muli %broadcast_in_dim3A_2971, %mul3A_2987 : vector<1x128xi32>
      %add3A_2989 = arith.addi %mul3A_2988, %iota3A_49 : vector<1x128xi32>
      %add3A_2990 = arith.constant 1073741824 : i32
      %add3A_2991 = arith.constant 1024 : i32
      %add3A_2992 = arith.addi %add3A_2990, %add3A_2991 : i32
      %add3A_2993 = vector.broadcast %add3A_2992 : i32 to vector<1x128xi32>
      %add3A_2994 = arith.addi %add3A_2993, %iota3A_49 : vector<1x128xi32>
      %select_n3A_2995 = arith.select %gt3A_2985, %add3A_2989, %add3A_2994 : vector<1x128xi1>, vector<1x128xi32>
      %jit3A_2996 = arith.constant 0 : i32
      %broadcast_in_dim3A_2997 = vector.broadcast %jit3A_2996 : i32 to vector<504x128xi32>
      %select_n3A_2998 = arith.select %and3A_2974, %broadcast_in_dim3A_2997, %get3A_2963 : vector<504x128xi1>, vector<504x128xi32>
      %swap3A_2999 = arith.constant 0 : index
      %swap3A_3000 = arith.constant 0 : index
      %swap3A_3001 = vector.load %arg4[%swap3A_2999, %swap3A_3000] : memref<504x128xi32, #tpu.memory_space<vmem>>, vector<504x128xi32>
      tpu.vector_store %arg4[%swap3A_2999, %swap3A_3000], %select_n3A_2998 {strides = array<i32>} : memref<504x128xi32, #tpu.memory_space<vmem>>, vector<504x128xi32>,
      %swap3A_3002 = arith.constant 8 : index
      %swap3A_3003 = arith.constant 0 : index
      %swap3A_3004 = vector.load %arg5[%swap3A_3002, %swap3A_3003] : memref<16x128xi32, #tpu.memory_space<vmem>>, vector<1x128xi32>
      tpu.vector_store %arg5[%swap3A_3002, %swap3A_3003], %bitcast_convert_type3A_2982 {strides = array<i32>} : memref<16x128xi32, #tpu.memory_space<vmem>>, vector<1x128xi32>,
      %swap3A_3005 = arith.constant 8 : index
      %swap3A_3006 = arith.constant 0 : index
      %swap3A_3007 = vector.load %arg6[%swap3A_3005, %swap3A_3006] : memref<16x128xi32, #tpu.memory_space<vmem>>, vector<1x128xi32>
      tpu.vector_store %arg6[%swap3A_3005, %swap3A_3006], %select_n3A_2995 {strides = array<i32>} : memref<16x128xi32, #tpu.memory_space<vmem>>, vector<1x128xi32>,
      %get3A_3008 = arith.constant 0 : index
      %get3A_3009 = arith.constant 0 : index
      %get3A_3010 = vector.load %arg4[%get3A_3008, %get3A_3009] : memref<504x128xi32, #tpu.memory_space<vmem>>, vector<504x128xi32>
      %ge3A_3011 = vector.broadcast %scan3A_46 : i32 to vector<504x128xi32>
      %ge3A_3012 = arith.cmpi uge, %get3A_3010, %ge3A_3011 : vector<504x128xi32>
      %jit3A_3013 = arith.constant 1048576 : i32
      %broadcast_in_dim3A_3014 = vector.broadcast %jit3A_3013 : i32 to vector<504x128xi32>
      %select_n3A_3015 = arith.select %ge3A_3012, %iota3A_48, %broadcast_in_dim3A_3014 : vector<504x128xi1>, vector<504x128xi32>
      %reduce_min3A_3016 = arith.constant dense<2147483647> : vector<128xi32>
      %reduce_min3A_3017 = vector.multi_reduction <minsi>, %select_n3A_3015, %reduce_min3A_3016 [0] : vector<504x128xi32> to vector<128xi32>
      %broadcast_in_dim3A_3018 = vector.shape_cast %reduce_min3A_3017 : vector<128xi32> to vector<1x128xi32>
      %eq3A_3019 = vector.broadcast %broadcast_in_dim3A_3018 : vector<1x128xi32> to vector<504x128xi32>
      %eq3A_3020 = arith.cmpi eq, %iota3A_48, %eq3A_3019 : vector<504x128xi32>
      %and3A_3021 = arith.andi %eq3A_3020, %ge3A_3012 : vector<504x128xi1>
      %bitcast_convert_type3A_3022 = tpu.bitcast %get3A_3010 : vector<504x128xi32> -> vector<504x128xi32>
      %jit3A_3023 = arith.constant 0 : i32
      %broadcast_in_dim3A_3024 = vector.broadcast %jit3A_3023 : i32 to vector<504x128xi32>
      %select_n3A_3025 = arith.select %and3A_3021, %bitcast_convert_type3A_3022, %broadcast_in_dim3A_3024 : vector<504x128xi1>, vector<504x128xi32>
      %reduce_sum3A_3026 = arith.constant dense<0> : vector<128xi32>
      %reduce_sum3A_3027 = vector.multi_reduction <add>, %select_n3A_3025, %reduce_sum3A_3026 [0] : vector<504x128xi32> to vector<128xi32>
      %broadcast_in_dim3A_3028 = vector.shape_cast %reduce_sum3A_3027 : vector<128xi32> to vector<1x128xi32>
      %bitcast_convert_type3A_3029 = tpu.bitcast %broadcast_in_dim3A_3028 : vector<1x128xi32> -> vector<1x128xi32>
      %gt3A_3030 = arith.constant 0 : i32
      %gt3A_3031 = vector.broadcast %gt3A_3030 : i32 to vector<1x128xi32>
      %gt3A_3032 = arith.cmpi ugt, %bitcast_convert_type3A_3029, %gt3A_3031 : vector<1x128xi32>
      %mul3A_3033 = arith.constant 128 : i32
      %mul3A_3034 = vector.broadcast %mul3A_3033 : i32 to vector<1x128xi32>
      %mul3A_3035 = arith.muli %broadcast_in_dim3A_3018, %mul3A_3034 : vector<1x128xi32>
      %add3A_3036 = arith.addi %mul3A_3035, %iota3A_49 : vector<1x128xi32>
      %add3A_3037 = arith.constant 1073741824 : i32
      %add3A_3038 = arith.constant 1152 : i32
      %add3A_3039 = arith.addi %add3A_3037, %add3A_3038 : i32
      %add3A_3040 = vector.broadcast %add3A_3039 : i32 to vector<1x128xi32>
      %add3A_3041 = arith.addi %add3A_3040, %iota3A_49 : vector<1x128xi32>
      %select_n3A_3042 = arith.select %gt3A_3032, %add3A_3036, %add3A_3041 : vector<1x128xi1>, vector<1x128xi32>
      %jit3A_3043 = arith.constant 0 : i32
      %broadcast_in_dim3A_3044 = vector.broadcast %jit3A_3043 : i32 to vector<504x128xi32>
      %select_n3A_3045 = arith.select %and3A_3021, %broadcast_in_dim3A_3044, %get3A_3010 : vector<504x128xi1>, vector<504x128xi32>
      %swap3A_3046 = arith.constant 0 : index
      %swap3A_3047 = arith.constant 0 : index
      %swap3A_3048 = vector.load %arg4[%swap3A_3046, %swap3A_3047] : memref<504x128xi32, #tpu.memory_space<vmem>>, vector<504x128xi32>
      tpu.vector_store %arg4[%swap3A_3046, %swap3A_3047], %select_n3A_3045 {strides = array<i32>} : memref<504x128xi32, #tpu.memory_space<vmem>>, vector<504x128xi32>,
      %swap3A_3049 = arith.constant 9 : index
      %swap3A_3050 = arith.constant 0 : index
      %swap3A_3051 = vector.load %arg5[%swap3A_3049, %swap3A_3050] : memref<16x128xi32, #tpu.memory_space<vmem>>, vector<1x128xi32>
      tpu.vector_store %arg5[%swap3A_3049, %swap3A_3050], %bitcast_convert_type3A_3029 {strides = array<i32>} : memref<16x128xi32, #tpu.memory_space<vmem>>, vector<1x128xi32>,
      %swap3A_3052 = arith.constant 9 : index
      %swap3A_3053 = arith.constant 0 : index
      %swap3A_3054 = vector.load %arg6[%swap3A_3052, %swap3A_3053] : memref<16x128xi32, #tpu.memory_space<vmem>>, vector<1x128xi32>
      tpu.vector_store %arg6[%swap3A_3052, %swap3A_3053], %select_n3A_3042 {strides = array<i32>} : memref<16x128xi32, #tpu.memory_space<vmem>>, vector<1x128xi32>,
      %get3A_3055 = arith.constant 0 : index
      %get3A_3056 = arith.constant 0 : index
      %get3A_3057 = vector.load %arg4[%get3A_3055, %get3A_3056] : memref<504x128xi32, #tpu.memory_space<vmem>>, vector<504x128xi32>
      %ge3A_3058 = vector.broadcast %scan3A_46 : i32 to vector<504x128xi32>
      %ge3A_3059 = arith.cmpi uge, %get3A_3057, %ge3A_3058 : vector<504x128xi32>
      %jit3A_3060 = arith.constant 1048576 : i32
      %broadcast_in_dim3A_3061 = vector.broadcast %jit3A_3060 : i32 to vector<504x128xi32>
      %select_n3A_3062 = arith.select %ge3A_3059, %iota3A_48, %broadcast_in_dim3A_3061 : vector<504x128xi1>, vector<504x128xi32>
      %reduce_min3A_3063 = arith.constant dense<2147483647> : vector<128xi32>
      %reduce_min3A_3064 = vector.multi_reduction <minsi>, %select_n3A_3062, %reduce_min3A_3063 [0] : vector<504x128xi32> to vector<128xi32>
      %broadcast_in_dim3A_3065 = vector.shape_cast %reduce_min3A_3064 : vector<128xi32> to vector<1x128xi32>
      %eq3A_3066 = vector.broadcast %broadcast_in_dim3A_3065 : vector<1x128xi32> to vector<504x128xi32>
      %eq3A_3067 = arith.cmpi eq, %iota3A_48, %eq3A_3066 : vector<504x128xi32>
      %and3A_3068 = arith.andi %eq3A_3067, %ge3A_3059 : vector<504x128xi1>
      %bitcast_convert_type3A_3069 = tpu.bitcast %get3A_3057 : vector<504x128xi32> -> vector<504x128xi32>
      %jit3A_3070 = arith.constant 0 : i32
      %broadcast_in_dim3A_3071 = vector.broadcast %jit3A_3070 : i32 to vector<504x128xi32>
      %select_n3A_3072 = arith.select %and3A_3068, %bitcast_convert_type3A_3069, %broadcast_in_dim3A_3071 : vector<504x128xi1>, vector<504x128xi32>
      %reduce_sum3A_3073 = arith.constant dense<0> : vector<128xi32>
      %reduce_sum3A_3074 = vector.multi_reduction <add>, %select_n3A_3072, %reduce_sum3A_3073 [0] : vector<504x128xi32> to vector<128xi32>
      %broadcast_in_dim3A_3075 = vector.shape_cast %reduce_sum3A_3074 : vector<128xi32> to vector<1x128xi32>
      %bitcast_convert_type3A_3076 = tpu.bitcast %broadcast_in_dim3A_3075 : vector<1x128xi32> -> vector<1x128xi32>
      %gt3A_3077 = arith.constant 0 : i32
      %gt3A_3078 = vector.broadcast %gt3A_3077 : i32 to vector<1x128xi32>
      %gt3A_3079 = arith.cmpi ugt, %bitcast_convert_type3A_3076, %gt3A_3078 : vector<1x128xi32>
      %mul3A_3080 = arith.constant 128 : i32
      %mul3A_3081 = vector.broadcast %mul3A_3080 : i32 to vector<1x128xi32>
      %mul3A_3082 = arith.muli %broadcast_in_dim3A_3065, %mul3A_3081 : vector<1x128xi32>
      %add3A_3083 = arith.addi %mul3A_3082, %iota3A_49 : vector<1x128xi32>
      %add3A_3084 = arith.constant 1073741824 : i32
      %add3A_3085 = arith.constant 1280 : i32
      %add3A_3086 = arith.addi %add3A_3084, %add3A_3085 : i32
      %add3A_3087 = vector.broadcast %add3A_3086 : i32 to vector<1x128xi32>
      %add3A_3088 = arith.addi %add3A_3087, %iota3A_49 : vector<1x128xi32>
      %select_n3A_3089 = arith.select %gt3A_3079, %add3A_3083, %add3A_3088 : vector<1x128xi1>, vector<1x128xi32>
      %jit3A_3090 = arith.constant 0 : i32
      %broadcast_in_dim3A_3091 = vector.broadcast %jit3A_3090 : i32 to vector<504x128xi32>
      %select_n3A_3092 = arith.select %and3A_3068, %broadcast_in_dim3A_3091, %get3A_3057 : vector<504x128xi1>, vector<504x128xi32>
      %swap3A_3093 = arith.constant 0 : index
      %swap3A_3094 = arith.constant 0 : index
      %swap3A_3095 = vector.load %arg4[%swap3A_3093, %swap3A_3094] : memref<504x128xi32, #tpu.memory_space<vmem>>, vector<504x128xi32>
      tpu.vector_store %arg4[%swap3A_3093, %swap3A_3094], %select_n3A_3092 {strides = array<i32>} : memref<504x128xi32, #tpu.memory_space<vmem>>, vector<504x128xi32>,
      %swap3A_3096 = arith.constant 10 : index
      %swap3A_3097 = arith.constant 0 : index
      %swap3A_3098 = vector.load %arg5[%swap3A_3096, %swap3A_3097] : memref<16x128xi32, #tpu.memory_space<vmem>>, vector<1x128xi32>
      tpu.vector_store %arg5[%swap3A_3096, %swap3A_3097], %bitcast_convert_type3A_3076 {strides = array<i32>} : memref<16x128xi32, #tpu.memory_space<vmem>>, vector<1x128xi32>,
      %swap3A_3099 = arith.constant 10 : index
      %swap3A_3100 = arith.constant 0 : index
      %swap3A_3101 = vector.load %arg6[%swap3A_3099, %swap3A_3100] : memref<16x128xi32, #tpu.memory_space<vmem>>, vector<1x128xi32>
      tpu.vector_store %arg6[%swap3A_3099, %swap3A_3100], %select_n3A_3089 {strides = array<i32>} : memref<16x128xi32, #tpu.memory_space<vmem>>, vector<1x128xi32>,
      %get3A_3102 = arith.constant 0 : index
      %get3A_3103 = arith.constant 0 : index
      %get3A_3104 = vector.load %arg4[%get3A_3102, %get3A_3103] : memref<504x128xi32, #tpu.memory_space<vmem>>, vector<504x128xi32>
      %ge3A_3105 = vector.broadcast %scan3A_46 : i32 to vector<504x128xi32>
      %ge3A_3106 = arith.cmpi uge, %get3A_3104, %ge3A_3105 : vector<504x128xi32>
      %jit3A_3107 = arith.constant 1048576 : i32
      %broadcast_in_dim3A_3108 = vector.broadcast %jit3A_3107 : i32 to vector<504x128xi32>
      %select_n3A_3109 = arith.select %ge3A_3106, %iota3A_48, %broadcast_in_dim3A_3108 : vector<504x128xi1>, vector<504x128xi32>
      %reduce_min3A_3110 = arith.constant dense<2147483647> : vector<128xi32>
      %reduce_min3A_3111 = vector.multi_reduction <minsi>, %select_n3A_3109, %reduce_min3A_3110 [0] : vector<504x128xi32> to vector<128xi32>
      %broadcast_in_dim3A_3112 = vector.shape_cast %reduce_min3A_3111 : vector<128xi32> to vector<1x128xi32>
      %eq3A_3113 = vector.broadcast %broadcast_in_dim3A_3112 : vector<1x128xi32> to vector<504x128xi32>
      %eq3A_3114 = arith.cmpi eq, %iota3A_48, %eq3A_3113 : vector<504x128xi32>
      %and3A_3115 = arith.andi %eq3A_3114, %ge3A_3106 : vector<504x128xi1>
      %bitcast_convert_type3A_3116 = tpu.bitcast %get3A_3104 : vector<504x128xi32> -> vector<504x128xi32>
      %jit3A_3117 = arith.constant 0 : i32
      %broadcast_in_dim3A_3118 = vector.broadcast %jit3A_3117 : i32 to vector<504x128xi32>
      %select_n3A_3119 = arith.select %and3A_3115, %bitcast_convert_type3A_3116, %broadcast_in_dim3A_3118 : vector<504x128xi1>, vector<504x128xi32>
      %reduce_sum3A_3120 = arith.constant dense<0> : vector<128xi32>
      %reduce_sum3A_3121 = vector.multi_reduction <add>, %select_n3A_3119, %reduce_sum3A_3120 [0] : vector<504x128xi32> to vector<128xi32>
      %broadcast_in_dim3A_3122 = vector.shape_cast %reduce_sum3A_3121 : vector<128xi32> to vector<1x128xi32>
      %bitcast_convert_type3A_3123 = tpu.bitcast %broadcast_in_dim3A_3122 : vector<1x128xi32> -> vector<1x128xi32>
      %gt3A_3124 = arith.constant 0 : i32
      %gt3A_3125 = vector.broadcast %gt3A_3124 : i32 to vector<1x128xi32>
      %gt3A_3126 = arith.cmpi ugt, %bitcast_convert_type3A_3123, %gt3A_3125 : vector<1x128xi32>
      %mul3A_3127 = arith.constant 128 : i32
      %mul3A_3128 = vector.broadcast %mul3A_3127 : i32 to vector<1x128xi32>
      %mul3A_3129 = arith.muli %broadcast_in_dim3A_3112, %mul3A_3128 : vector<1x128xi32>
      %add3A_3130 = arith.addi %mul3A_3129, %iota3A_49 : vector<1x128xi32>
      %add3A_3131 = arith.constant 1073741824 : i32
      %add3A_3132 = arith.constant 1408 : i32
      %add3A_3133 = arith.addi %add3A_3131, %add3A_3132 : i32
      %add3A_3134 = vector.broadcast %add3A_3133 : i32 to vector<1x128xi32>
      %add3A_3135 = arith.addi %add3A_3134, %iota3A_49 : vector<1x128xi32>
      %select_n3A_3136 = arith.select %gt3A_3126, %add3A_3130, %add3A_3135 : vector<1x128xi1>, vector<1x128xi32>
      %jit3A_3137 = arith.constant 0 : i32
      %broadcast_in_dim3A_3138 = vector.broadcast %jit3A_3137 : i32 to vector<504x128xi32>
      %select_n3A_3139 = arith.select %and3A_3115, %broadcast_in_dim3A_3138, %get3A_3104 : vector<504x128xi1>, vector<504x128xi32>
      %swap3A_3140 = arith.constant 0 : index
      %swap3A_3141 = arith.constant 0 : index
      %swap3A_3142 = vector.load %arg4[%swap3A_3140, %swap3A_3141] : memref<504x128xi32, #tpu.memory_space<vmem>>, vector<504x128xi32>
      tpu.vector_store %arg4[%swap3A_3140, %swap3A_3141], %select_n3A_3139 {strides = array<i32>} : memref<504x128xi32, #tpu.memory_space<vmem>>, vector<504x128xi32>,
      %swap3A_3143 = arith.constant 11 : index
      %swap3A_3144 = arith.constant 0 : index
      %swap3A_3145 = vector.load %arg5[%swap3A_3143, %swap3A_3144] : memref<16x128xi32, #tpu.memory_space<vmem>>, vector<1x128xi32>
      tpu.vector_store %arg5[%swap3A_3143, %swap3A_3144], %bitcast_convert_type3A_3123 {strides = array<i32>} : memref<16x128xi32, #tpu.memory_space<vmem>>, vector<1x128xi32>,
      %swap3A_3146 = arith.constant 11 : index
      %swap3A_3147 = arith.constant 0 : index
      %swap3A_3148 = vector.load %arg6[%swap3A_3146, %swap3A_3147] : memref<16x128xi32, #tpu.memory_space<vmem>>, vector<1x128xi32>
      tpu.vector_store %arg6[%swap3A_3146, %swap3A_3147], %select_n3A_3136 {strides = array<i32>} : memref<16x128xi32, #tpu.memory_space<vmem>>, vector<1x128xi32>,
      %get3A_3149 = arith.constant 0 : index
      %get3A_3150 = arith.constant 0 : index
      %get3A_3151 = vector.load %arg4[%get3A_3149, %get3A_3150] : memref<504x128xi32, #tpu.memory_space<vmem>>, vector<504x128xi32>
      %ge3A_3152 = vector.broadcast %scan3A_46 : i32 to vector<504x128xi32>
      %ge3A_3153 = arith.cmpi uge, %get3A_3151, %ge3A_3152 : vector<504x128xi32>
      %jit3A_3154 = arith.constant 1048576 : i32
      %broadcast_in_dim3A_3155 = vector.broadcast %jit3A_3154 : i32 to vector<504x128xi32>
      %select_n3A_3156 = arith.select %ge3A_3153, %iota3A_48, %broadcast_in_dim3A_3155 : vector<504x128xi1>, vector<504x128xi32>
      %reduce_min3A_3157 = arith.constant dense<2147483647> : vector<128xi32>
      %reduce_min3A_3158 = vector.multi_reduction <minsi>, %select_n3A_3156, %reduce_min3A_3157 [0] : vector<504x128xi32> to vector<128xi32>
      %broadcast_in_dim3A_3159 = vector.shape_cast %reduce_min3A_3158 : vector<128xi32> to vector<1x128xi32>
      %eq3A_3160 = vector.broadcast %broadcast_in_dim3A_3159 : vector<1x128xi32> to vector<504x128xi32>
      %eq3A_3161 = arith.cmpi eq, %iota3A_48, %eq3A_3160 : vector<504x128xi32>
      %and3A_3162 = arith.andi %eq3A_3161, %ge3A_3153 : vector<504x128xi1>
      %bitcast_convert_type3A_3163 = tpu.bitcast %get3A_3151 : vector<504x128xi32> -> vector<504x128xi32>
      %jit3A_3164 = arith.constant 0 : i32
      %broadcast_in_dim3A_3165 = vector.broadcast %jit3A_3164 : i32 to vector<504x128xi32>
      %select_n3A_3166 = arith.select %and3A_3162, %bitcast_convert_type3A_3163, %broadcast_in_dim3A_3165 : vector<504x128xi1>, vector<504x128xi32>
      %reduce_sum3A_3167 = arith.constant dense<0> : vector<128xi32>
      %reduce_sum3A_3168 = vector.multi_reduction <add>, %select_n3A_3166, %reduce_sum3A_3167 [0] : vector<504x128xi32> to vector<128xi32>
      %broadcast_in_dim3A_3169 = vector.shape_cast %reduce_sum3A_3168 : vector<128xi32> to vector<1x128xi32>
      %bitcast_convert_type3A_3170 = tpu.bitcast %broadcast_in_dim3A_3169 : vector<1x128xi32> -> vector<1x128xi32>
      %gt3A_3171 = arith.constant 0 : i32
      %gt3A_3172 = vector.broadcast %gt3A_3171 : i32 to vector<1x128xi32>
      %gt3A_3173 = arith.cmpi ugt, %bitcast_convert_type3A_3170, %gt3A_3172 : vector<1x128xi32>
      %mul3A_3174 = arith.constant 128 : i32
      %mul3A_3175 = vector.broadcast %mul3A_3174 : i32 to vector<1x128xi32>
      %mul3A_3176 = arith.muli %broadcast_in_dim3A_3159, %mul3A_3175 : vector<1x128xi32>
      %add3A_3177 = arith.addi %mul3A_3176, %iota3A_49 : vector<1x128xi32>
      %add3A_3178 = arith.constant 1073741824 : i32
      %add3A_3179 = arith.constant 1536 : i32
      %add3A_3180 = arith.addi %add3A_3178, %add3A_3179 : i32
      %add3A_3181 = vector.broadcast %add3A_3180 : i32 to vector<1x128xi32>
      %add3A_3182 = arith.addi %add3A_3181, %iota3A_49 : vector<1x128xi32>
      %select_n3A_3183 = arith.select %gt3A_3173, %add3A_3177, %add3A_3182 : vector<1x128xi1>, vector<1x128xi32>
      %jit3A_3184 = arith.constant 0 : i32
      %broadcast_in_dim3A_3185 = vector.broadcast %jit3A_3184 : i32 to vector<504x128xi32>
      %select_n3A_3186 = arith.select %and3A_3162, %broadcast_in_dim3A_3185, %get3A_3151 : vector<504x128xi1>, vector<504x128xi32>
      %swap3A_3187 = arith.constant 0 : index
      %swap3A_3188 = arith.constant 0 : index
      %swap3A_3189 = vector.load %arg4[%swap3A_3187, %swap3A_3188] : memref<504x128xi32, #tpu.memory_space<vmem>>, vector<504x128xi32>
      tpu.vector_store %arg4[%swap3A_3187, %swap3A_3188], %select_n3A_3186 {strides = array<i32>} : memref<504x128xi32, #tpu.memory_space<vmem>>, vector<504x128xi32>,
      %swap3A_3190 = arith.constant 12 : index
      %swap3A_3191 = arith.constant 0 : index
      %swap3A_3192 = vector.load %arg5[%swap3A_3190, %swap3A_3191] : memref<16x128xi32, #tpu.memory_space<vmem>>, vector<1x128xi32>
      tpu.vector_store %arg5[%swap3A_3190, %swap3A_3191], %bitcast_convert_type3A_3170 {strides = array<i32>} : memref<16x128xi32, #tpu.memory_space<vmem>>, vector<1x128xi32>,
      %swap3A_3193 = arith.constant 12 : index
      %swap3A_3194 = arith.constant 0 : index
      %swap3A_3195 = vector.load %arg6[%swap3A_3193, %swap3A_3194] : memref<16x128xi32, #tpu.memory_space<vmem>>, vector<1x128xi32>
      tpu.vector_store %arg6[%swap3A_3193, %swap3A_3194], %select_n3A_3183 {strides = array<i32>} : memref<16x128xi32, #tpu.memory_space<vmem>>, vector<1x128xi32>,
      %get3A_3196 = arith.constant 0 : index
      %get3A_3197 = arith.constant 0 : index
      %get3A_3198 = vector.load %arg4[%get3A_3196, %get3A_3197] : memref<504x128xi32, #tpu.memory_space<vmem>>, vector<504x128xi32>
      %ge3A_3199 = vector.broadcast %scan3A_46 : i32 to vector<504x128xi32>
      %ge3A_3200 = arith.cmpi uge, %get3A_3198, %ge3A_3199 : vector<504x128xi32>
      %jit3A_3201 = arith.constant 1048576 : i32
      %broadcast_in_dim3A_3202 = vector.broadcast %jit3A_3201 : i32 to vector<504x128xi32>
      %select_n3A_3203 = arith.select %ge3A_3200, %iota3A_48, %broadcast_in_dim3A_3202 : vector<504x128xi1>, vector<504x128xi32>
      %reduce_min3A_3204 = arith.constant dense<2147483647> : vector<128xi32>
      %reduce_min3A_3205 = vector.multi_reduction <minsi>, %select_n3A_3203, %reduce_min3A_3204 [0] : vector<504x128xi32> to vector<128xi32>
      %broadcast_in_dim3A_3206 = vector.shape_cast %reduce_min3A_3205 : vector<128xi32> to vector<1x128xi32>
      %eq3A_3207 = vector.broadcast %broadcast_in_dim3A_3206 : vector<1x128xi32> to vector<504x128xi32>
      %eq3A_3208 = arith.cmpi eq, %iota3A_48, %eq3A_3207 : vector<504x128xi32>
      %and3A_3209 = arith.andi %eq3A_3208, %ge3A_3200 : vector<504x128xi1>
      %bitcast_convert_type3A_3210 = tpu.bitcast %get3A_3198 : vector<504x128xi32> -> vector<504x128xi32>
      %jit3A_3211 = arith.constant 0 : i32
      %broadcast_in_dim3A_3212 = vector.broadcast %jit3A_3211 : i32 to vector<504x128xi32>
      %select_n3A_3213 = arith.select %and3A_3209, %bitcast_convert_type3A_3210, %broadcast_in_dim3A_3212 : vector<504x128xi1>, vector<504x128xi32>
      %reduce_sum3A_3214 = arith.constant dense<0> : vector<128xi32>
      %reduce_sum3A_3215 = vector.multi_reduction <add>, %select_n3A_3213, %reduce_sum3A_3214 [0] : vector<504x128xi32> to vector<128xi32>
      %broadcast_in_dim3A_3216 = vector.shape_cast %reduce_sum3A_3215 : vector<128xi32> to vector<1x128xi32>
      %bitcast_convert_type3A_3217 = tpu.bitcast %broadcast_in_dim3A_3216 : vector<1x128xi32> -> vector<1x128xi32>
      %gt3A_3218 = arith.constant 0 : i32
      %gt3A_3219 = vector.broadcast %gt3A_3218 : i32 to vector<1x128xi32>
      %gt3A_3220 = arith.cmpi ugt, %bitcast_convert_type3A_3217, %gt3A_3219 : vector<1x128xi32>
      %mul3A_3221 = arith.constant 128 : i32
      %mul3A_3222 = vector.broadcast %mul3A_3221 : i32 to vector<1x128xi32>
      %mul3A_3223 = arith.muli %broadcast_in_dim3A_3206, %mul3A_3222 : vector<1x128xi32>
      %add3A_3224 = arith.addi %mul3A_3223, %iota3A_49 : vector<1x128xi32>
      %add3A_3225 = arith.constant 1073741824 : i32
      %add3A_3226 = arith.constant 1664 : i32
      %add3A_3227 = arith.addi %add3A_3225, %add3A_3226 : i32
      %add3A_3228 = vector.broadcast %add3A_3227 : i32 to vector<1x128xi32>
      %add3A_3229 = arith.addi %add3A_3228, %iota3A_49 : vector<1x128xi32>
      %select_n3A_3230 = arith.select %gt3A_3220, %add3A_3224, %add3A_3229 : vector<1x128xi1>, vector<1x128xi32>
      %jit3A_3231 = arith.constant 0 : i32
      %broadcast_in_dim3A_3232 = vector.broadcast %jit3A_3231 : i32 to vector<504x128xi32>
      %select_n3A_3233 = arith.select %and3A_3209, %broadcast_in_dim3A_3232, %get3A_3198 : vector<504x128xi1>, vector<504x128xi32>
      %swap3A_3234 = arith.constant 0 : index
      %swap3A_3235 = arith.constant 0 : index
      %swap3A_3236 = vector.load %arg4[%swap3A_3234, %swap3A_3235] : memref<504x128xi32, #tpu.memory_space<vmem>>, vector<504x128xi32>
      tpu.vector_store %arg4[%swap3A_3234, %swap3A_3235], %select_n3A_3233 {strides = array<i32>} : memref<504x128xi32, #tpu.memory_space<vmem>>, vector<504x128xi32>,
      %swap3A_3237 = arith.constant 13 : index
      %swap3A_3238 = arith.constant 0 : index
      %swap3A_3239 = vector.load %arg5[%swap3A_3237, %swap3A_3238] : memref<16x128xi32, #tpu.memory_space<vmem>>, vector<1x128xi32>
      tpu.vector_store %arg5[%swap3A_3237, %swap3A_3238], %bitcast_convert_type3A_3217 {strides = array<i32>} : memref<16x128xi32, #tpu.memory_space<vmem>>, vector<1x128xi32>,
      %swap3A_3240 = arith.constant 13 : index
      %swap3A_3241 = arith.constant 0 : index
      %swap3A_3242 = vector.load %arg6[%swap3A_3240, %swap3A_3241] : memref<16x128xi32, #tpu.memory_space<vmem>>, vector<1x128xi32>
      tpu.vector_store %arg6[%swap3A_3240, %swap3A_3241], %select_n3A_3230 {strides = array<i32>} : memref<16x128xi32, #tpu.memory_space<vmem>>, vector<1x128xi32>,
      %get3A_3243 = arith.constant 0 : index
      %get3A_3244 = arith.constant 0 : index
      %get3A_3245 = vector.load %arg4[%get3A_3243, %get3A_3244] : memref<504x128xi32, #tpu.memory_space<vmem>>, vector<504x128xi32>
      %ge3A_3246 = vector.broadcast %scan3A_46 : i32 to vector<504x128xi32>
      %ge3A_3247 = arith.cmpi uge, %get3A_3245, %ge3A_3246 : vector<504x128xi32>
      %jit3A_3248 = arith.constant 1048576 : i32
      %broadcast_in_dim3A_3249 = vector.broadcast %jit3A_3248 : i32 to vector<504x128xi32>
      %select_n3A_3250 = arith.select %ge3A_3247, %iota3A_48, %broadcast_in_dim3A_3249 : vector<504x128xi1>, vector<504x128xi32>
      %reduce_min3A_3251 = arith.constant dense<2147483647> : vector<128xi32>
      %reduce_min3A_3252 = vector.multi_reduction <minsi>, %select_n3A_3250, %reduce_min3A_3251 [0] : vector<504x128xi32> to vector<128xi32>
      %broadcast_in_dim3A_3253 = vector.shape_cast %reduce_min3A_3252 : vector<128xi32> to vector<1x128xi32>
      %eq3A_3254 = vector.broadcast %broadcast_in_dim3A_3253 : vector<1x128xi32> to vector<504x128xi32>
      %eq3A_3255 = arith.cmpi eq, %iota3A_48, %eq3A_3254 : vector<504x128xi32>
      %and3A_3256 = arith.andi %eq3A_3255, %ge3A_3247 : vector<504x128xi1>
      %bitcast_convert_type3A_3257 = tpu.bitcast %get3A_3245 : vector<504x128xi32> -> vector<504x128xi32>
      %jit3A_3258 = arith.constant 0 : i32
      %broadcast_in_dim3A_3259 = vector.broadcast %jit3A_3258 : i32 to vector<504x128xi32>
      %select_n3A_3260 = arith.select %and3A_3256, %bitcast_convert_type3A_3257, %broadcast_in_dim3A_3259 : vector<504x128xi1>, vector<504x128xi32>
      %reduce_sum3A_3261 = arith.constant dense<0> : vector<128xi32>
      %reduce_sum3A_3262 = vector.multi_reduction <add>, %select_n3A_3260, %reduce_sum3A_3261 [0] : vector<504x128xi32> to vector<128xi32>
      %broadcast_in_dim3A_3263 = vector.shape_cast %reduce_sum3A_3262 : vector<128xi32> to vector<1x128xi32>
      %bitcast_convert_type3A_3264 = tpu.bitcast %broadcast_in_dim3A_3263 : vector<1x128xi32> -> vector<1x128xi32>
      %gt3A_3265 = arith.constant 0 : i32
      %gt3A_3266 = vector.broadcast %gt3A_3265 : i32 to vector<1x128xi32>
      %gt3A_3267 = arith.cmpi ugt, %bitcast_convert_type3A_3264, %gt3A_3266 : vector<1x128xi32>
      %mul3A_3268 = arith.constant 128 : i32
      %mul3A_3269 = vector.broadcast %mul3A_3268 : i32 to vector<1x128xi32>
      %mul3A_3270 = arith.muli %broadcast_in_dim3A_3253, %mul3A_3269 : vector<1x128xi32>
      %add3A_3271 = arith.addi %mul3A_3270, %iota3A_49 : vector<1x128xi32>
      %add3A_3272 = arith.constant 1073741824 : i32
      %add3A_3273 = arith.constant 1792 : i32
      %add3A_3274 = arith.addi %add3A_3272, %add3A_3273 : i32
      %add3A_3275 = vector.broadcast %add3A_3274 : i32 to vector<1x128xi32>
      %add3A_3276 = arith.addi %add3A_3275, %iota3A_49 : vector<1x128xi32>
      %select_n3A_3277 = arith.select %gt3A_3267, %add3A_3271, %add3A_3276 : vector<1x128xi1>, vector<1x128xi32>
      %jit3A_3278 = arith.constant 0 : i32
      %broadcast_in_dim3A_3279 = vector.broadcast %jit3A_3278 : i32 to vector<504x128xi32>
      %select_n3A_3280 = arith.select %and3A_3256, %broadcast_in_dim3A_3279, %get3A_3245 : vector<504x128xi1>, vector<504x128xi32>
      %swap3A_3281 = arith.constant 0 : index
      %swap3A_3282 = arith.constant 0 : index
      %swap3A_3283 = vector.load %arg4[%swap3A_3281, %swap3A_3282] : memref<504x128xi32, #tpu.memory_space<vmem>>, vector<504x128xi32>
      tpu.vector_store %arg4[%swap3A_3281, %swap3A_3282], %select_n3A_3280 {strides = array<i32>} : memref<504x128xi32, #tpu.memory_space<vmem>>, vector<504x128xi32>,
      %swap3A_3284 = arith.constant 14 : index
      %swap3A_3285 = arith.constant 0 : index
      %swap3A_3286 = vector.load %arg5[%swap3A_3284, %swap3A_3285] : memref<16x128xi32, #tpu.memory_space<vmem>>, vector<1x128xi32>
      tpu.vector_store %arg5[%swap3A_3284, %swap3A_3285], %bitcast_convert_type3A_3264 {strides = array<i32>} : memref<16x128xi32, #tpu.memory_space<vmem>>, vector<1x128xi32>,
      %swap3A_3287 = arith.constant 14 : index
      %swap3A_3288 = arith.constant 0 : index
      %swap3A_3289 = vector.load %arg6[%swap3A_3287, %swap3A_3288] : memref<16x128xi32, #tpu.memory_space<vmem>>, vector<1x128xi32>
      tpu.vector_store %arg6[%swap3A_3287, %swap3A_3288], %select_n3A_3277 {strides = array<i32>} : memref<16x128xi32, #tpu.memory_space<vmem>>, vector<1x128xi32>,
      %get3A_3290 = arith.constant 0 : index
      %get3A_3291 = arith.constant 0 : index
      %get3A_3292 = vector.load %arg4[%get3A_3290, %get3A_3291] : memref<504x128xi32, #tpu.memory_space<vmem>>, vector<504x128xi32>
      %ge3A_3293 = vector.broadcast %scan3A_46 : i32 to vector<504x128xi32>
      %ge3A_3294 = arith.cmpi uge, %get3A_3292, %ge3A_3293 : vector<504x128xi32>
      %jit3A_3295 = arith.constant 1048576 : i32
      %broadcast_in_dim3A_3296 = vector.broadcast %jit3A_3295 : i32 to vector<504x128xi32>
      %select_n3A_3297 = arith.select %ge3A_3294, %iota3A_48, %broadcast_in_dim3A_3296 : vector<504x128xi1>, vector<504x128xi32>
      %reduce_min3A_3298 = arith.constant dense<2147483647> : vector<128xi32>
      %reduce_min3A_3299 = vector.multi_reduction <minsi>, %select_n3A_3297, %reduce_min3A_3298 [0] : vector<504x128xi32> to vector<128xi32>
      %broadcast_in_dim3A_3300 = vector.shape_cast %reduce_min3A_3299 : vector<128xi32> to vector<1x128xi32>
      %eq3A_3301 = vector.broadcast %broadcast_in_dim3A_3300 : vector<1x128xi32> to vector<504x128xi32>
      %eq3A_3302 = arith.cmpi eq, %iota3A_48, %eq3A_3301 : vector<504x128xi32>
      %and3A_3303 = arith.andi %eq3A_3302, %ge3A_3294 : vector<504x128xi1>
      %bitcast_convert_type3A_3304 = tpu.bitcast %get3A_3292 : vector<504x128xi32> -> vector<504x128xi32>
      %jit3A_3305 = arith.constant 0 : i32
      %broadcast_in_dim3A_3306 = vector.broadcast %jit3A_3305 : i32 to vector<504x128xi32>
      %select_n3A_3307 = arith.select %and3A_3303, %bitcast_convert_type3A_3304, %broadcast_in_dim3A_3306 : vector<504x128xi1>, vector<504x128xi32>
      %reduce_sum3A_3308 = arith.constant dense<0> : vector<128xi32>
      %reduce_sum3A_3309 = vector.multi_reduction <add>, %select_n3A_3307, %reduce_sum3A_3308 [0] : vector<504x128xi32> to vector<128xi32>
      %broadcast_in_dim3A_3310 = vector.shape_cast %reduce_sum3A_3309 : vector<128xi32> to vector<1x128xi32>
      %bitcast_convert_type3A_3311 = tpu.bitcast %broadcast_in_dim3A_3310 : vector<1x128xi32> -> vector<1x128xi32>
      %gt3A_3312 = arith.constant 0 : i32
      %gt3A_3313 = vector.broadcast %gt3A_3312 : i32 to vector<1x128xi32>
      %gt3A_3314 = arith.cmpi ugt, %bitcast_convert_type3A_3311, %gt3A_3313 : vector<1x128xi32>
      %mul3A_3315 = arith.constant 128 : i32
      %mul3A_3316 = vector.broadcast %mul3A_3315 : i32 to vector<1x128xi32>
      %mul3A_3317 = arith.muli %broadcast_in_dim3A_3300, %mul3A_3316 : vector<1x128xi32>
      %add3A_3318 = arith.addi %mul3A_3317, %iota3A_49 : vector<1x128xi32>
      %add3A_3319 = arith.constant 1073741824 : i32
      %add3A_3320 = arith.constant 1920 : i32
      %add3A_3321 = arith.addi %add3A_3319, %add3A_3320 : i32
      %add3A_3322 = vector.broadcast %add3A_3321 : i32 to vector<1x128xi32>
      %add3A_3323 = arith.addi %add3A_3322, %iota3A_49 : vector<1x128xi32>
      %select_n3A_3324 = arith.select %gt3A_3314, %add3A_3318, %add3A_3323 : vector<1x128xi1>, vector<1x128xi32>
      %jit3A_3325 = arith.constant 0 : i32
      %broadcast_in_dim3A_3326 = vector.broadcast %jit3A_3325 : i32 to vector<504x128xi32>
      %select_n3A_3327 = arith.select %and3A_3303, %broadcast_in_dim3A_3326, %get3A_3292 : vector<504x128xi1>, vector<504x128xi32>
      %swap3A_3328 = arith.constant 0 : index
      %swap3A_3329 = arith.constant 0 : index
      %swap3A_3330 = vector.load %arg4[%swap3A_3328, %swap3A_3329] : memref<504x128xi32, #tpu.memory_space<vmem>>, vector<504x128xi32>
      tpu.vector_store %arg4[%swap3A_3328, %swap3A_3329], %select_n3A_3327 {strides = array<i32>} : memref<504x128xi32, #tpu.memory_space<vmem>>, vector<504x128xi32>,
      %swap3A_3331 = arith.constant 15 : index
      %swap3A_3332 = arith.constant 0 : index
      %swap3A_3333 = vector.load %arg5[%swap3A_3331, %swap3A_3332] : memref<16x128xi32, #tpu.memory_space<vmem>>, vector<1x128xi32>
      tpu.vector_store %arg5[%swap3A_3331, %swap3A_3332], %bitcast_convert_type3A_3311 {strides = array<i32>} : memref<16x128xi32, #tpu.memory_space<vmem>>, vector<1x128xi32>,
      %swap3A_3334 = arith.constant 15 : index
      %swap3A_3335 = arith.constant 0 : index
      %swap3A_3336 = vector.load %arg6[%swap3A_3334, %swap3A_3335] : memref<16x128xi32, #tpu.memory_space<vmem>>, vector<1x128xi32>
      tpu.vector_store %arg6[%swap3A_3334, %swap3A_3335], %select_n3A_3324 {strides = array<i32>} : memref<16x128xi32, #tpu.memory_space<vmem>>, vector<1x128xi32>,
    } else {
    }
    %get3A_294 = arith.constant 0 : index
    %get3A_295 = arith.constant 0 : index
    %get3A_296 = vector.load %arg5[%get3A_294, %get3A_295] : memref<16x128xi32, #tpu.memory_space<vmem>>, vector<16x128xi32>
    %get3A_297 = arith.constant 0 : index
    %get3A_298 = arith.constant 0 : index
    %get3A_299 = vector.load %arg6[%get3A_297, %get3A_298] : memref<16x128xi32, #tpu.memory_space<vmem>>, vector<16x128xi32>
    %gt3A_300 = arith.constant 0 : i32
    %gt3A_301 = vector.broadcast %gt3A_300 : i32 to vector<16x128xi32>
    %gt3A_302 = arith.cmpi ugt, %get3A_296, %gt3A_301 : vector<16x128xi32>
    %ge3A_303 = arith.constant -2147483648 : i32
    %ge3A_304 = vector.broadcast %ge3A_303 : i32 to vector<16x128xi32>
    %ge3A_305 = arith.cmpi uge, %get3A_296, %ge3A_304 : vector<16x128xi32>
    %xor3A = arith.constant -2147483648 : i32
    %xor3A_306 = vector.broadcast %xor3A : i32 to vector<16x128xi32>
    %xor3A_307 = arith.xori %get3A_296, %xor3A_306 : vector<16x128xi32>
    %not3A_308 = arith.constant dense<-1> : vector<16x128xi32>
    %not3A_309 = arith.xori %get3A_296, %not3A_308 : vector<16x128xi32>
    %select_n3A_310 = arith.select %ge3A_305, %xor3A_307, %not3A_309 : vector<16x128xi1>, vector<16x128xi32>
    %bitcast_convert_type3A_311 = tpu.bitcast %select_n3A_310 : vector<16x128xi32> -> vector<16x128xf32>
    %jit3A_312 = arith.constant 0xFF800000 : f32
    %broadcast_in_dim3A_313 = vector.broadcast %jit3A_312 : f32 to vector<16x128xf32>
    %select_n3A_314 = arith.select %gt3A_302, %bitcast_convert_type3A_311, %broadcast_in_dim3A_313 : vector<16x128xi1>, vector<16x128xf32>
    %iota3A_315 = tpu.iota {dimensions = array<i32: 0>} : vector<16x128xi32>
    %iota3A_316 = tpu.iota {dimensions = array<i32: 1>} : vector<16x128xi32>
    %mul3A_317 = arith.constant 128 : i32
    %mul3A_318 = vector.broadcast %mul3A_317 : i32 to vector<16x128xi32>
    %mul3A_319 = arith.muli %iota3A_315, %mul3A_318 : vector<16x128xi32>
    %add3A_320 = arith.addi %mul3A_319, %iota3A_316 : vector<16x128xi32>
    %and3A_321 = arith.constant 2 : i32
    %and3A_322 = vector.broadcast %and3A_321 : i32 to vector<16x128xi32>
    %and3A_323 = arith.andi %add3A_320, %and3A_322 : vector<16x128xi32>
    %eq3A_324 = arith.constant 0 : i32
    %eq3A_325 = vector.broadcast %eq3A_324 : i32 to vector<16x128xi32>
    %eq3A_326 = arith.cmpi eq, %and3A_323, %eq3A_325 : vector<16x128xi32>
    %and3A_327 = arith.constant 1 : i32
    %and3A_328 = vector.broadcast %and3A_327 : i32 to vector<16x128xi32>
    %and3A_329 = arith.andi %add3A_320, %and3A_328 : vector<16x128xi32>
    %eq3A_330 = arith.constant 0 : i32
    %eq3A_331 = vector.broadcast %eq3A_330 : i32 to vector<16x128xi32>
    %eq3A_332 = arith.cmpi eq, %and3A_329, %eq3A_331 : vector<16x128xi32>
    %roll3A = arith.constant 127 : i32
    %roll3A_333 = tpu.dynamic_rotate %select_n3A_314 by %roll3A dim 1 : vector<16x128xf32>, i32 -> vector<16x128xf32>
    %roll3A_334 = arith.constant 1 : i32
    %roll3A_335 = tpu.dynamic_rotate %select_n3A_314 by %roll3A_334 dim 1 : vector<16x128xf32>, i32 -> vector<16x128xf32>
    %roll3A_336 = arith.constant 127 : i32
    %roll3A_337 = tpu.dynamic_rotate %get3A_299 by %roll3A_336 dim 1 : vector<16x128xi32>, i32 -> vector<16x128xi32>
    %roll3A_338 = arith.constant 1 : i32
    %roll3A_339 = tpu.dynamic_rotate %get3A_299 by %roll3A_338 dim 1 : vector<16x128xi32>, i32 -> vector<16x128xi32>
    %select_n3A_340 = arith.select %eq3A_332, %roll3A_333, %roll3A_335 : vector<16x128xi1>, vector<16x128xf32>
    %select_n3A_341 = arith.select %eq3A_332, %roll3A_337, %roll3A_339 : vector<16x128xi1>, vector<16x128xi32>
    %gt3A_342 = arith.cmpf ogt, %select_n3A_314, %select_n3A_340 : vector<16x128xf32>
    %eq3A_343 = arith.cmpf oeq, %select_n3A_314, %select_n3A_340 : vector<16x128xf32>
    %lt3A_344 = arith.cmpi slt, %get3A_299, %select_n3A_341 : vector<16x128xi32>
    %and3A_345 = arith.andi %eq3A_343, %lt3A_344 : vector<16x128xi1>
    %or3A_346 = arith.ori %gt3A_342, %and3A_345 : vector<16x128xi1>
    %eq3A_347 = arith.xori %or3A_346, %eq3A_332 : vector<16x128xi1>
    %eq3A_348 = arith.constant dense<true> : vector<16x128xi1>
    %eq3A_349 = arith.xori %eq3A_347, %eq3A_348 : vector<16x128xi1>
    %eq3A_350 = arith.xori %eq3A_349, %eq3A_326 : vector<16x128xi1>
    %eq3A_351 = arith.constant dense<true> : vector<16x128xi1>
    %eq3A_352 = arith.xori %eq3A_350, %eq3A_351 : vector<16x128xi1>
    %select_n3A_353 = arith.select %eq3A_352, %select_n3A_314, %select_n3A_340 : vector<16x128xi1>, vector<16x128xf32>
    %select_n3A_354 = arith.select %eq3A_352, %get3A_299, %select_n3A_341 : vector<16x128xi1>, vector<16x128xi32>
    %and3A_355 = arith.constant 4 : i32
    %and3A_356 = vector.broadcast %and3A_355 : i32 to vector<16x128xi32>
    %and3A_357 = arith.andi %add3A_320, %and3A_356 : vector<16x128xi32>
    %eq3A_358 = arith.constant 0 : i32
    %eq3A_359 = vector.broadcast %eq3A_358 : i32 to vector<16x128xi32>
    %eq3A_360 = arith.cmpi eq, %and3A_357, %eq3A_359 : vector<16x128xi32>
    %and3A_361 = arith.constant 2 : i32
    %and3A_362 = vector.broadcast %and3A_361 : i32 to vector<16x128xi32>
    %and3A_363 = arith.andi %add3A_320, %and3A_362 : vector<16x128xi32>
    %eq3A_364 = arith.constant 0 : i32
    %eq3A_365 = vector.broadcast %eq3A_364 : i32 to vector<16x128xi32>
    %eq3A_366 = arith.cmpi eq, %and3A_363, %eq3A_365 : vector<16x128xi32>
    %roll3A_367 = arith.constant 126 : i32
    %roll3A_368 = tpu.dynamic_rotate %select_n3A_353 by %roll3A_367 dim 1 : vector<16x128xf32>, i32 -> vector<16x128xf32>
    %roll3A_369 = arith.constant 2 : i32
    %roll3A_370 = tpu.dynamic_rotate %select_n3A_353 by %roll3A_369 dim 1 : vector<16x128xf32>, i32 -> vector<16x128xf32>
    %roll3A_371 = arith.constant 126 : i32
    %roll3A_372 = tpu.dynamic_rotate %select_n3A_354 by %roll3A_371 dim 1 : vector<16x128xi32>, i32 -> vector<16x128xi32>
    %roll3A_373 = arith.constant 2 : i32
    %roll3A_374 = tpu.dynamic_rotate %select_n3A_354 by %roll3A_373 dim 1 : vector<16x128xi32>, i32 -> vector<16x128xi32>
    %select_n3A_375 = arith.select %eq3A_366, %roll3A_368, %roll3A_370 : vector<16x128xi1>, vector<16x128xf32>
    %select_n3A_376 = arith.select %eq3A_366, %roll3A_372, %roll3A_374 : vector<16x128xi1>, vector<16x128xi32>
    %gt3A_377 = arith.cmpf ogt, %select_n3A_353, %select_n3A_375 : vector<16x128xf32>
    %eq3A_378 = arith.cmpf oeq, %select_n3A_353, %select_n3A_375 : vector<16x128xf32>
    %lt3A_379 = arith.cmpi slt, %select_n3A_354, %select_n3A_376 : vector<16x128xi32>
    %and3A_380 = arith.andi %eq3A_378, %lt3A_379 : vector<16x128xi1>
    %or3A_381 = arith.ori %gt3A_377, %and3A_380 : vector<16x128xi1>
    %eq3A_382 = arith.xori %or3A_381, %eq3A_366 : vector<16x128xi1>
    %eq3A_383 = arith.constant dense<true> : vector<16x128xi1>
    %eq3A_384 = arith.xori %eq3A_382, %eq3A_383 : vector<16x128xi1>
    %eq3A_385 = arith.xori %eq3A_384, %eq3A_360 : vector<16x128xi1>
    %eq3A_386 = arith.constant dense<true> : vector<16x128xi1>
    %eq3A_387 = arith.xori %eq3A_385, %eq3A_386 : vector<16x128xi1>
    %select_n3A_388 = arith.select %eq3A_387, %select_n3A_353, %select_n3A_375 : vector<16x128xi1>, vector<16x128xf32>
    %select_n3A_389 = arith.select %eq3A_387, %select_n3A_354, %select_n3A_376 : vector<16x128xi1>, vector<16x128xi32>
    %and3A_390 = arith.constant 1 : i32
    %and3A_391 = vector.broadcast %and3A_390 : i32 to vector<16x128xi32>
    %and3A_392 = arith.andi %add3A_320, %and3A_391 : vector<16x128xi32>
    %eq3A_393 = arith.constant 0 : i32
    %eq3A_394 = vector.broadcast %eq3A_393 : i32 to vector<16x128xi32>
    %eq3A_395 = arith.cmpi eq, %and3A_392, %eq3A_394 : vector<16x128xi32>
    %roll3A_396 = arith.constant 127 : i32
    %roll3A_397 = tpu.dynamic_rotate %select_n3A_388 by %roll3A_396 dim 1 : vector<16x128xf32>, i32 -> vector<16x128xf32>
    %roll3A_398 = arith.constant 1 : i32
    %roll3A_399 = tpu.dynamic_rotate %select_n3A_388 by %roll3A_398 dim 1 : vector<16x128xf32>, i32 -> vector<16x128xf32>
    %roll3A_400 = arith.constant 127 : i32
    %roll3A_401 = tpu.dynamic_rotate %select_n3A_389 by %roll3A_400 dim 1 : vector<16x128xi32>, i32 -> vector<16x128xi32>
    %roll3A_402 = arith.constant 1 : i32
    %roll3A_403 = tpu.dynamic_rotate %select_n3A_389 by %roll3A_402 dim 1 : vector<16x128xi32>, i32 -> vector<16x128xi32>
    %select_n3A_404 = arith.select %eq3A_395, %roll3A_397, %roll3A_399 : vector<16x128xi1>, vector<16x128xf32>
    %select_n3A_405 = arith.select %eq3A_395, %roll3A_401, %roll3A_403 : vector<16x128xi1>, vector<16x128xi32>
    %gt3A_406 = arith.cmpf ogt, %select_n3A_388, %select_n3A_404 : vector<16x128xf32>
    %eq3A_407 = arith.cmpf oeq, %select_n3A_388, %select_n3A_404 : vector<16x128xf32>
    %lt3A_408 = arith.cmpi slt, %select_n3A_389, %select_n3A_405 : vector<16x128xi32>
    %and3A_409 = arith.andi %eq3A_407, %lt3A_408 : vector<16x128xi1>
    %or3A_410 = arith.ori %gt3A_406, %and3A_409 : vector<16x128xi1>
    %eq3A_411 = arith.xori %or3A_410, %eq3A_395 : vector<16x128xi1>
    %eq3A_412 = arith.constant dense<true> : vector<16x128xi1>
    %eq3A_413 = arith.xori %eq3A_411, %eq3A_412 : vector<16x128xi1>
    %eq3A_414 = arith.xori %eq3A_413, %eq3A_360 : vector<16x128xi1>
    %eq3A_415 = arith.constant dense<true> : vector<16x128xi1>
    %eq3A_416 = arith.xori %eq3A_414, %eq3A_415 : vector<16x128xi1>
    %select_n3A_417 = arith.select %eq3A_416, %select_n3A_388, %select_n3A_404 : vector<16x128xi1>, vector<16x128xf32>
    %select_n3A_418 = arith.select %eq3A_416, %select_n3A_389, %select_n3A_405 : vector<16x128xi1>, vector<16x128xi32>
    %and3A_419 = arith.constant 8 : i32
    %and3A_420 = vector.broadcast %and3A_419 : i32 to vector<16x128xi32>
    %and3A_421 = arith.andi %add3A_320, %and3A_420 : vector<16x128xi32>
    %eq3A_422 = arith.constant 0 : i32
    %eq3A_423 = vector.broadcast %eq3A_422 : i32 to vector<16x128xi32>
    %eq3A_424 = arith.cmpi eq, %and3A_421, %eq3A_423 : vector<16x128xi32>
    %and3A_425 = arith.constant 4 : i32
    %and3A_426 = vector.broadcast %and3A_425 : i32 to vector<16x128xi32>
    %and3A_427 = arith.andi %add3A_320, %and3A_426 : vector<16x128xi32>
    %eq3A_428 = arith.constant 0 : i32
    %eq3A_429 = vector.broadcast %eq3A_428 : i32 to vector<16x128xi32>
    %eq3A_430 = arith.cmpi eq, %and3A_427, %eq3A_429 : vector<16x128xi32>
    %roll3A_431 = arith.constant 124 : i32
    %roll3A_432 = tpu.dynamic_rotate %select_n3A_417 by %roll3A_431 dim 1 : vector<16x128xf32>, i32 -> vector<16x128xf32>
    %roll3A_433 = arith.constant 4 : i32
    %roll3A_434 = tpu.dynamic_rotate %select_n3A_417 by %roll3A_433 dim 1 : vector<16x128xf32>, i32 -> vector<16x128xf32>
    %roll3A_435 = arith.constant 124 : i32
    %roll3A_436 = tpu.dynamic_rotate %select_n3A_418 by %roll3A_435 dim 1 : vector<16x128xi32>, i32 -> vector<16x128xi32>
    %roll3A_437 = arith.constant 4 : i32
    %roll3A_438 = tpu.dynamic_rotate %select_n3A_418 by %roll3A_437 dim 1 : vector<16x128xi32>, i32 -> vector<16x128xi32>
    %select_n3A_439 = arith.select %eq3A_430, %roll3A_432, %roll3A_434 : vector<16x128xi1>, vector<16x128xf32>
    %select_n3A_440 = arith.select %eq3A_430, %roll3A_436, %roll3A_438 : vector<16x128xi1>, vector<16x128xi32>
    %gt3A_441 = arith.cmpf ogt, %select_n3A_417, %select_n3A_439 : vector<16x128xf32>
    %eq3A_442 = arith.cmpf oeq, %select_n3A_417, %select_n3A_439 : vector<16x128xf32>
    %lt3A_443 = arith.cmpi slt, %select_n3A_418, %select_n3A_440 : vector<16x128xi32>
    %and3A_444 = arith.andi %eq3A_442, %lt3A_443 : vector<16x128xi1>
    %or3A_445 = arith.ori %gt3A_441, %and3A_444 : vector<16x128xi1>
    %eq3A_446 = arith.xori %or3A_445, %eq3A_430 : vector<16x128xi1>
    %eq3A_447 = arith.constant dense<true> : vector<16x128xi1>
    %eq3A_448 = arith.xori %eq3A_446, %eq3A_447 : vector<16x128xi1>
    %eq3A_449 = arith.xori %eq3A_448, %eq3A_424 : vector<16x128xi1>
    %eq3A_450 = arith.constant dense<true> : vector<16x128xi1>
    %eq3A_451 = arith.xori %eq3A_449, %eq3A_450 : vector<16x128xi1>
    %select_n3A_452 = arith.select %eq3A_451, %select_n3A_417, %select_n3A_439 : vector<16x128xi1>, vector<16x128xf32>
    %select_n3A_453 = arith.select %eq3A_451, %select_n3A_418, %select_n3A_440 : vector<16x128xi1>, vector<16x128xi32>
    %and3A_454 = arith.constant 2 : i32
    %and3A_455 = vector.broadcast %and3A_454 : i32 to vector<16x128xi32>
    %and3A_456 = arith.andi %add3A_320, %and3A_455 : vector<16x128xi32>
    %eq3A_457 = arith.constant 0 : i32
    %eq3A_458 = vector.broadcast %eq3A_457 : i32 to vector<16x128xi32>
    %eq3A_459 = arith.cmpi eq, %and3A_456, %eq3A_458 : vector<16x128xi32>
    %roll3A_460 = arith.constant 126 : i32
    %roll3A_461 = tpu.dynamic_rotate %select_n3A_452 by %roll3A_460 dim 1 : vector<16x128xf32>, i32 -> vector<16x128xf32>
    %roll3A_462 = arith.constant 2 : i32
    %roll3A_463 = tpu.dynamic_rotate %select_n3A_452 by %roll3A_462 dim 1 : vector<16x128xf32>, i32 -> vector<16x128xf32>
    %roll3A_464 = arith.constant 126 : i32
    %roll3A_465 = tpu.dynamic_rotate %select_n3A_453 by %roll3A_464 dim 1 : vector<16x128xi32>, i32 -> vector<16x128xi32>
    %roll3A_466 = arith.constant 2 : i32
    %roll3A_467 = tpu.dynamic_rotate %select_n3A_453 by %roll3A_466 dim 1 : vector<16x128xi32>, i32 -> vector<16x128xi32>
    %select_n3A_468 = arith.select %eq3A_459, %roll3A_461, %roll3A_463 : vector<16x128xi1>, vector<16x128xf32>
    %select_n3A_469 = arith.select %eq3A_459, %roll3A_465, %roll3A_467 : vector<16x128xi1>, vector<16x128xi32>
    %gt3A_470 = arith.cmpf ogt, %select_n3A_452, %select_n3A_468 : vector<16x128xf32>
    %eq3A_471 = arith.cmpf oeq, %select_n3A_452, %select_n3A_468 : vector<16x128xf32>
    %lt3A_472 = arith.cmpi slt, %select_n3A_453, %select_n3A_469 : vector<16x128xi32>
    %and3A_473 = arith.andi %eq3A_471, %lt3A_472 : vector<16x128xi1>
    %or3A_474 = arith.ori %gt3A_470, %and3A_473 : vector<16x128xi1>
    %eq3A_475 = arith.xori %or3A_474, %eq3A_459 : vector<16x128xi1>
    %eq3A_476 = arith.constant dense<true> : vector<16x128xi1>
    %eq3A_477 = arith.xori %eq3A_475, %eq3A_476 : vector<16x128xi1>
    %eq3A_478 = arith.xori %eq3A_477, %eq3A_424 : vector<16x128xi1>
    %eq3A_479 = arith.constant dense<true> : vector<16x128xi1>
    %eq3A_480 = arith.xori %eq3A_478, %eq3A_479 : vector<16x128xi1>
    %select_n3A_481 = arith.select %eq3A_480, %select_n3A_452, %select_n3A_468 : vector<16x128xi1>, vector<16x128xf32>
    %select_n3A_482 = arith.select %eq3A_480, %select_n3A_453, %select_n3A_469 : vector<16x128xi1>, vector<16x128xi32>
    %and3A_483 = arith.constant 1 : i32
    %and3A_484 = vector.broadcast %and3A_483 : i32 to vector<16x128xi32>
    %and3A_485 = arith.andi %add3A_320, %and3A_484 : vector<16x128xi32>
    %eq3A_486 = arith.constant 0 : i32
    %eq3A_487 = vector.broadcast %eq3A_486 : i32 to vector<16x128xi32>
    %eq3A_488 = arith.cmpi eq, %and3A_485, %eq3A_487 : vector<16x128xi32>
    %roll3A_489 = arith.constant 127 : i32
    %roll3A_490 = tpu.dynamic_rotate %select_n3A_481 by %roll3A_489 dim 1 : vector<16x128xf32>, i32 -> vector<16x128xf32>
    %roll3A_491 = arith.constant 1 : i32
    %roll3A_492 = tpu.dynamic_rotate %select_n3A_481 by %roll3A_491 dim 1 : vector<16x128xf32>, i32 -> vector<16x128xf32>
    %roll3A_493 = arith.constant 127 : i32
    %roll3A_494 = tpu.dynamic_rotate %select_n3A_482 by %roll3A_493 dim 1 : vector<16x128xi32>, i32 -> vector<16x128xi32>
    %roll3A_495 = arith.constant 1 : i32
    %roll3A_496 = tpu.dynamic_rotate %select_n3A_482 by %roll3A_495 dim 1 : vector<16x128xi32>, i32 -> vector<16x128xi32>
    %select_n3A_497 = arith.select %eq3A_488, %roll3A_490, %roll3A_492 : vector<16x128xi1>, vector<16x128xf32>
    %select_n3A_498 = arith.select %eq3A_488, %roll3A_494, %roll3A_496 : vector<16x128xi1>, vector<16x128xi32>
    %gt3A_499 = arith.cmpf ogt, %select_n3A_481, %select_n3A_497 : vector<16x128xf32>
    %eq3A_500 = arith.cmpf oeq, %select_n3A_481, %select_n3A_497 : vector<16x128xf32>
    %lt3A_501 = arith.cmpi slt, %select_n3A_482, %select_n3A_498 : vector<16x128xi32>
    %and3A_502 = arith.andi %eq3A_500, %lt3A_501 : vector<16x128xi1>
    %or3A_503 = arith.ori %gt3A_499, %and3A_502 : vector<16x128xi1>
    %eq3A_504 = arith.xori %or3A_503, %eq3A_488 : vector<16x128xi1>
    %eq3A_505 = arith.constant dense<true> : vector<16x128xi1>
    %eq3A_506 = arith.xori %eq3A_504, %eq3A_505 : vector<16x128xi1>
    %eq3A_507 = arith.xori %eq3A_506, %eq3A_424 : vector<16x128xi1>
    %eq3A_508 = arith.constant dense<true> : vector<16x128xi1>
    %eq3A_509 = arith.xori %eq3A_507, %eq3A_508 : vector<16x128xi1>
    %select_n3A_510 = arith.select %eq3A_509, %select_n3A_481, %select_n3A_497 : vector<16x128xi1>, vector<16x128xf32>
    %select_n3A_511 = arith.select %eq3A_509, %select_n3A_482, %select_n3A_498 : vector<16x128xi1>, vector<16x128xi32>
    %and3A_512 = arith.constant 16 : i32
    %and3A_513 = vector.broadcast %and3A_512 : i32 to vector<16x128xi32>
    %and3A_514 = arith.andi %add3A_320, %and3A_513 : vector<16x128xi32>
    %eq3A_515 = arith.constant 0 : i32
    %eq3A_516 = vector.broadcast %eq3A_515 : i32 to vector<16x128xi32>
    %eq3A_517 = arith.cmpi eq, %and3A_514, %eq3A_516 : vector<16x128xi32>
    %and3A_518 = arith.constant 8 : i32
    %and3A_519 = vector.broadcast %and3A_518 : i32 to vector<16x128xi32>
    %and3A_520 = arith.andi %add3A_320, %and3A_519 : vector<16x128xi32>
    %eq3A_521 = arith.constant 0 : i32
    %eq3A_522 = vector.broadcast %eq3A_521 : i32 to vector<16x128xi32>
    %eq3A_523 = arith.cmpi eq, %and3A_520, %eq3A_522 : vector<16x128xi32>
    %roll3A_524 = arith.constant 120 : i32
    %roll3A_525 = tpu.dynamic_rotate %select_n3A_510 by %roll3A_524 dim 1 : vector<16x128xf32>, i32 -> vector<16x128xf32>
    %roll3A_526 = arith.constant 8 : i32
    %roll3A_527 = tpu.dynamic_rotate %select_n3A_510 by %roll3A_526 dim 1 : vector<16x128xf32>, i32 -> vector<16x128xf32>
    %roll3A_528 = arith.constant 120 : i32
    %roll3A_529 = tpu.dynamic_rotate %select_n3A_511 by %roll3A_528 dim 1 : vector<16x128xi32>, i32 -> vector<16x128xi32>
    %roll3A_530 = arith.constant 8 : i32
    %roll3A_531 = tpu.dynamic_rotate %select_n3A_511 by %roll3A_530 dim 1 : vector<16x128xi32>, i32 -> vector<16x128xi32>
    %select_n3A_532 = arith.select %eq3A_523, %roll3A_525, %roll3A_527 : vector<16x128xi1>, vector<16x128xf32>
    %select_n3A_533 = arith.select %eq3A_523, %roll3A_529, %roll3A_531 : vector<16x128xi1>, vector<16x128xi32>
    %gt3A_534 = arith.cmpf ogt, %select_n3A_510, %select_n3A_532 : vector<16x128xf32>
    %eq3A_535 = arith.cmpf oeq, %select_n3A_510, %select_n3A_532 : vector<16x128xf32>
    %lt3A_536 = arith.cmpi slt, %select_n3A_511, %select_n3A_533 : vector<16x128xi32>
    %and3A_537 = arith.andi %eq3A_535, %lt3A_536 : vector<16x128xi1>
    %or3A_538 = arith.ori %gt3A_534, %and3A_537 : vector<16x128xi1>
    %eq3A_539 = arith.xori %or3A_538, %eq3A_523 : vector<16x128xi1>
    %eq3A_540 = arith.constant dense<true> : vector<16x128xi1>
    %eq3A_541 = arith.xori %eq3A_539, %eq3A_540 : vector<16x128xi1>
    %eq3A_542 = arith.xori %eq3A_541, %eq3A_517 : vector<16x128xi1>
    %eq3A_543 = arith.constant dense<true> : vector<16x128xi1>
    %eq3A_544 = arith.xori %eq3A_542, %eq3A_543 : vector<16x128xi1>
    %select_n3A_545 = arith.select %eq3A_544, %select_n3A_510, %select_n3A_532 : vector<16x128xi1>, vector<16x128xf32>
    %select_n3A_546 = arith.select %eq3A_544, %select_n3A_511, %select_n3A_533 : vector<16x128xi1>, vector<16x128xi32>
    %and3A_547 = arith.constant 4 : i32
    %and3A_548 = vector.broadcast %and3A_547 : i32 to vector<16x128xi32>
    %and3A_549 = arith.andi %add3A_320, %and3A_548 : vector<16x128xi32>
    %eq3A_550 = arith.constant 0 : i32
    %eq3A_551 = vector.broadcast %eq3A_550 : i32 to vector<16x128xi32>
    %eq3A_552 = arith.cmpi eq, %and3A_549, %eq3A_551 : vector<16x128xi32>
    %roll3A_553 = arith.constant 124 : i32
    %roll3A_554 = tpu.dynamic_rotate %select_n3A_545 by %roll3A_553 dim 1 : vector<16x128xf32>, i32 -> vector<16x128xf32>
    %roll3A_555 = arith.constant 4 : i32
    %roll3A_556 = tpu.dynamic_rotate %select_n3A_545 by %roll3A_555 dim 1 : vector<16x128xf32>, i32 -> vector<16x128xf32>
    %roll3A_557 = arith.constant 124 : i32
    %roll3A_558 = tpu.dynamic_rotate %select_n3A_546 by %roll3A_557 dim 1 : vector<16x128xi32>, i32 -> vector<16x128xi32>
    %roll3A_559 = arith.constant 4 : i32
    %roll3A_560 = tpu.dynamic_rotate %select_n3A_546 by %roll3A_559 dim 1 : vector<16x128xi32>, i32 -> vector<16x128xi32>
    %select_n3A_561 = arith.select %eq3A_552, %roll3A_554, %roll3A_556 : vector<16x128xi1>, vector<16x128xf32>
    %select_n3A_562 = arith.select %eq3A_552, %roll3A_558, %roll3A_560 : vector<16x128xi1>, vector<16x128xi32>
    %gt3A_563 = arith.cmpf ogt, %select_n3A_545, %select_n3A_561 : vector<16x128xf32>
    %eq3A_564 = arith.cmpf oeq, %select_n3A_545, %select_n3A_561 : vector<16x128xf32>
    %lt3A_565 = arith.cmpi slt, %select_n3A_546, %select_n3A_562 : vector<16x128xi32>
    %and3A_566 = arith.andi %eq3A_564, %lt3A_565 : vector<16x128xi1>
    %or3A_567 = arith.ori %gt3A_563, %and3A_566 : vector<16x128xi1>
    %eq3A_568 = arith.xori %or3A_567, %eq3A_552 : vector<16x128xi1>
    %eq3A_569 = arith.constant dense<true> : vector<16x128xi1>
    %eq3A_570 = arith.xori %eq3A_568, %eq3A_569 : vector<16x128xi1>
    %eq3A_571 = arith.xori %eq3A_570, %eq3A_517 : vector<16x128xi1>
    %eq3A_572 = arith.constant dense<true> : vector<16x128xi1>
    %eq3A_573 = arith.xori %eq3A_571, %eq3A_572 : vector<16x128xi1>
    %select_n3A_574 = arith.select %eq3A_573, %select_n3A_545, %select_n3A_561 : vector<16x128xi1>, vector<16x128xf32>
    %select_n3A_575 = arith.select %eq3A_573, %select_n3A_546, %select_n3A_562 : vector<16x128xi1>, vector<16x128xi32>
    %and3A_576 = arith.constant 2 : i32
    %and3A_577 = vector.broadcast %and3A_576 : i32 to vector<16x128xi32>
    %and3A_578 = arith.andi %add3A_320, %and3A_577 : vector<16x128xi32>
    %eq3A_579 = arith.constant 0 : i32
    %eq3A_580 = vector.broadcast %eq3A_579 : i32 to vector<16x128xi32>
    %eq3A_581 = arith.cmpi eq, %and3A_578, %eq3A_580 : vector<16x128xi32>
    %roll3A_582 = arith.constant 126 : i32
    %roll3A_583 = tpu.dynamic_rotate %select_n3A_574 by %roll3A_582 dim 1 : vector<16x128xf32>, i32 -> vector<16x128xf32>
    %roll3A_584 = arith.constant 2 : i32
    %roll3A_585 = tpu.dynamic_rotate %select_n3A_574 by %roll3A_584 dim 1 : vector<16x128xf32>, i32 -> vector<16x128xf32>
    %roll3A_586 = arith.constant 126 : i32
    %roll3A_587 = tpu.dynamic_rotate %select_n3A_575 by %roll3A_586 dim 1 : vector<16x128xi32>, i32 -> vector<16x128xi32>
    %roll3A_588 = arith.constant 2 : i32
    %roll3A_589 = tpu.dynamic_rotate %select_n3A_575 by %roll3A_588 dim 1 : vector<16x128xi32>, i32 -> vector<16x128xi32>
    %select_n3A_590 = arith.select %eq3A_581, %roll3A_583, %roll3A_585 : vector<16x128xi1>, vector<16x128xf32>
    %select_n3A_591 = arith.select %eq3A_581, %roll3A_587, %roll3A_589 : vector<16x128xi1>, vector<16x128xi32>
    %gt3A_592 = arith.cmpf ogt, %select_n3A_574, %select_n3A_590 : vector<16x128xf32>
    %eq3A_593 = arith.cmpf oeq, %select_n3A_574, %select_n3A_590 : vector<16x128xf32>
    %lt3A_594 = arith.cmpi slt, %select_n3A_575, %select_n3A_591 : vector<16x128xi32>
    %and3A_595 = arith.andi %eq3A_593, %lt3A_594 : vector<16x128xi1>
    %or3A_596 = arith.ori %gt3A_592, %and3A_595 : vector<16x128xi1>
    %eq3A_597 = arith.xori %or3A_596, %eq3A_581 : vector<16x128xi1>
    %eq3A_598 = arith.constant dense<true> : vector<16x128xi1>
    %eq3A_599 = arith.xori %eq3A_597, %eq3A_598 : vector<16x128xi1>
    %eq3A_600 = arith.xori %eq3A_599, %eq3A_517 : vector<16x128xi1>
    %eq3A_601 = arith.constant dense<true> : vector<16x128xi1>
    %eq3A_602 = arith.xori %eq3A_600, %eq3A_601 : vector<16x128xi1>
    %select_n3A_603 = arith.select %eq3A_602, %select_n3A_574, %select_n3A_590 : vector<16x128xi1>, vector<16x128xf32>
    %select_n3A_604 = arith.select %eq3A_602, %select_n3A_575, %select_n3A_591 : vector<16x128xi1>, vector<16x128xi32>
    %and3A_605 = arith.constant 1 : i32
    %and3A_606 = vector.broadcast %and3A_605 : i32 to vector<16x128xi32>
    %and3A_607 = arith.andi %add3A_320, %and3A_606 : vector<16x128xi32>
    %eq3A_608 = arith.constant 0 : i32
    %eq3A_609 = vector.broadcast %eq3A_608 : i32 to vector<16x128xi32>
    %eq3A_610 = arith.cmpi eq, %and3A_607, %eq3A_609 : vector<16x128xi32>
    %roll3A_611 = arith.constant 127 : i32
    %roll3A_612 = tpu.dynamic_rotate %select_n3A_603 by %roll3A_611 dim 1 : vector<16x128xf32>, i32 -> vector<16x128xf32>
    %roll3A_613 = arith.constant 1 : i32
    %roll3A_614 = tpu.dynamic_rotate %select_n3A_603 by %roll3A_613 dim 1 : vector<16x128xf32>, i32 -> vector<16x128xf32>
    %roll3A_615 = arith.constant 127 : i32
    %roll3A_616 = tpu.dynamic_rotate %select_n3A_604 by %roll3A_615 dim 1 : vector<16x128xi32>, i32 -> vector<16x128xi32>
    %roll3A_617 = arith.constant 1 : i32
    %roll3A_618 = tpu.dynamic_rotate %select_n3A_604 by %roll3A_617 dim 1 : vector<16x128xi32>, i32 -> vector<16x128xi32>
    %select_n3A_619 = arith.select %eq3A_610, %roll3A_612, %roll3A_614 : vector<16x128xi1>, vector<16x128xf32>
    %select_n3A_620 = arith.select %eq3A_610, %roll3A_616, %roll3A_618 : vector<16x128xi1>, vector<16x128xi32>
    %gt3A_621 = arith.cmpf ogt, %select_n3A_603, %select_n3A_619 : vector<16x128xf32>
    %eq3A_622 = arith.cmpf oeq, %select_n3A_603, %select_n3A_619 : vector<16x128xf32>
    %lt3A_623 = arith.cmpi slt, %select_n3A_604, %select_n3A_620 : vector<16x128xi32>
    %and3A_624 = arith.andi %eq3A_622, %lt3A_623 : vector<16x128xi1>
    %or3A_625 = arith.ori %gt3A_621, %and3A_624 : vector<16x128xi1>
    %eq3A_626 = arith.xori %or3A_625, %eq3A_610 : vector<16x128xi1>
    %eq3A_627 = arith.constant dense<true> : vector<16x128xi1>
    %eq3A_628 = arith.xori %eq3A_626, %eq3A_627 : vector<16x128xi1>
    %eq3A_629 = arith.xori %eq3A_628, %eq3A_517 : vector<16x128xi1>
    %eq3A_630 = arith.constant dense<true> : vector<16x128xi1>
    %eq3A_631 = arith.xori %eq3A_629, %eq3A_630 : vector<16x128xi1>
    %select_n3A_632 = arith.select %eq3A_631, %select_n3A_603, %select_n3A_619 : vector<16x128xi1>, vector<16x128xf32>
    %select_n3A_633 = arith.select %eq3A_631, %select_n3A_604, %select_n3A_620 : vector<16x128xi1>, vector<16x128xi32>
    %and3A_634 = arith.constant 32 : i32
    %and3A_635 = vector.broadcast %and3A_634 : i32 to vector<16x128xi32>
    %and3A_636 = arith.andi %add3A_320, %and3A_635 : vector<16x128xi32>
    %eq3A_637 = arith.constant 0 : i32
    %eq3A_638 = vector.broadcast %eq3A_637 : i32 to vector<16x128xi32>
    %eq3A_639 = arith.cmpi eq, %and3A_636, %eq3A_638 : vector<16x128xi32>
    %and3A_640 = arith.constant 16 : i32
    %and3A_641 = vector.broadcast %and3A_640 : i32 to vector<16x128xi32>
    %and3A_642 = arith.andi %add3A_320, %and3A_641 : vector<16x128xi32>
    %eq3A_643 = arith.constant 0 : i32
    %eq3A_644 = vector.broadcast %eq3A_643 : i32 to vector<16x128xi32>
    %eq3A_645 = arith.cmpi eq, %and3A_642, %eq3A_644 : vector<16x128xi32>
    %roll3A_646 = arith.constant 112 : i32
    %roll3A_647 = tpu.dynamic_rotate %select_n3A_632 by %roll3A_646 dim 1 : vector<16x128xf32>, i32 -> vector<16x128xf32>
    %roll3A_648 = arith.constant 16 : i32
    %roll3A_649 = tpu.dynamic_rotate %select_n3A_632 by %roll3A_648 dim 1 : vector<16x128xf32>, i32 -> vector<16x128xf32>
    %roll3A_650 = arith.constant 112 : i32
    %roll3A_651 = tpu.dynamic_rotate %select_n3A_633 by %roll3A_650 dim 1 : vector<16x128xi32>, i32 -> vector<16x128xi32>
    %roll3A_652 = arith.constant 16 : i32
    %roll3A_653 = tpu.dynamic_rotate %select_n3A_633 by %roll3A_652 dim 1 : vector<16x128xi32>, i32 -> vector<16x128xi32>
    %select_n3A_654 = arith.select %eq3A_645, %roll3A_647, %roll3A_649 : vector<16x128xi1>, vector<16x128xf32>
    %select_n3A_655 = arith.select %eq3A_645, %roll3A_651, %roll3A_653 : vector<16x128xi1>, vector<16x128xi32>
    %gt3A_656 = arith.cmpf ogt, %select_n3A_632, %select_n3A_654 : vector<16x128xf32>
    %eq3A_657 = arith.cmpf oeq, %select_n3A_632, %select_n3A_654 : vector<16x128xf32>
    %lt3A_658 = arith.cmpi slt, %select_n3A_633, %select_n3A_655 : vector<16x128xi32>
    %and3A_659 = arith.andi %eq3A_657, %lt3A_658 : vector<16x128xi1>
    %or3A_660 = arith.ori %gt3A_656, %and3A_659 : vector<16x128xi1>
    %eq3A_661 = arith.xori %or3A_660, %eq3A_645 : vector<16x128xi1>
    %eq3A_662 = arith.constant dense<true> : vector<16x128xi1>
    %eq3A_663 = arith.xori %eq3A_661, %eq3A_662 : vector<16x128xi1>
    %eq3A_664 = arith.xori %eq3A_663, %eq3A_639 : vector<16x128xi1>
    %eq3A_665 = arith.constant dense<true> : vector<16x128xi1>
    %eq3A_666 = arith.xori %eq3A_664, %eq3A_665 : vector<16x128xi1>
    %select_n3A_667 = arith.select %eq3A_666, %select_n3A_632, %select_n3A_654 : vector<16x128xi1>, vector<16x128xf32>
    %select_n3A_668 = arith.select %eq3A_666, %select_n3A_633, %select_n3A_655 : vector<16x128xi1>, vector<16x128xi32>
    %and3A_669 = arith.constant 8 : i32
    %and3A_670 = vector.broadcast %and3A_669 : i32 to vector<16x128xi32>
    %and3A_671 = arith.andi %add3A_320, %and3A_670 : vector<16x128xi32>
    %eq3A_672 = arith.constant 0 : i32
    %eq3A_673 = vector.broadcast %eq3A_672 : i32 to vector<16x128xi32>
    %eq3A_674 = arith.cmpi eq, %and3A_671, %eq3A_673 : vector<16x128xi32>
    %roll3A_675 = arith.constant 120 : i32
    %roll3A_676 = tpu.dynamic_rotate %select_n3A_667 by %roll3A_675 dim 1 : vector<16x128xf32>, i32 -> vector<16x128xf32>
    %roll3A_677 = arith.constant 8 : i32
    %roll3A_678 = tpu.dynamic_rotate %select_n3A_667 by %roll3A_677 dim 1 : vector<16x128xf32>, i32 -> vector<16x128xf32>
    %roll3A_679 = arith.constant 120 : i32
    %roll3A_680 = tpu.dynamic_rotate %select_n3A_668 by %roll3A_679 dim 1 : vector<16x128xi32>, i32 -> vector<16x128xi32>
    %roll3A_681 = arith.constant 8 : i32
    %roll3A_682 = tpu.dynamic_rotate %select_n3A_668 by %roll3A_681 dim 1 : vector<16x128xi32>, i32 -> vector<16x128xi32>
    %select_n3A_683 = arith.select %eq3A_674, %roll3A_676, %roll3A_678 : vector<16x128xi1>, vector<16x128xf32>
    %select_n3A_684 = arith.select %eq3A_674, %roll3A_680, %roll3A_682 : vector<16x128xi1>, vector<16x128xi32>
    %gt3A_685 = arith.cmpf ogt, %select_n3A_667, %select_n3A_683 : vector<16x128xf32>
    %eq3A_686 = arith.cmpf oeq, %select_n3A_667, %select_n3A_683 : vector<16x128xf32>
    %lt3A_687 = arith.cmpi slt, %select_n3A_668, %select_n3A_684 : vector<16x128xi32>
    %and3A_688 = arith.andi %eq3A_686, %lt3A_687 : vector<16x128xi1>
    %or3A_689 = arith.ori %gt3A_685, %and3A_688 : vector<16x128xi1>
    %eq3A_690 = arith.xori %or3A_689, %eq3A_674 : vector<16x128xi1>
    %eq3A_691 = arith.constant dense<true> : vector<16x128xi1>
    %eq3A_692 = arith.xori %eq3A_690, %eq3A_691 : vector<16x128xi1>
    %eq3A_693 = arith.xori %eq3A_692, %eq3A_639 : vector<16x128xi1>
    %eq3A_694 = arith.constant dense<true> : vector<16x128xi1>
    %eq3A_695 = arith.xori %eq3A_693, %eq3A_694 : vector<16x128xi1>
    %select_n3A_696 = arith.select %eq3A_695, %select_n3A_667, %select_n3A_683 : vector<16x128xi1>, vector<16x128xf32>
    %select_n3A_697 = arith.select %eq3A_695, %select_n3A_668, %select_n3A_684 : vector<16x128xi1>, vector<16x128xi32>
    %and3A_698 = arith.constant 4 : i32
    %and3A_699 = vector.broadcast %and3A_698 : i32 to vector<16x128xi32>
    %and3A_700 = arith.andi %add3A_320, %and3A_699 : vector<16x128xi32>
    %eq3A_701 = arith.constant 0 : i32
    %eq3A_702 = vector.broadcast %eq3A_701 : i32 to vector<16x128xi32>
    %eq3A_703 = arith.cmpi eq, %and3A_700, %eq3A_702 : vector<16x128xi32>
    %roll3A_704 = arith.constant 124 : i32
    %roll3A_705 = tpu.dynamic_rotate %select_n3A_696 by %roll3A_704 dim 1 : vector<16x128xf32>, i32 -> vector<16x128xf32>
    %roll3A_706 = arith.constant 4 : i32
    %roll3A_707 = tpu.dynamic_rotate %select_n3A_696 by %roll3A_706 dim 1 : vector<16x128xf32>, i32 -> vector<16x128xf32>
    %roll3A_708 = arith.constant 124 : i32
    %roll3A_709 = tpu.dynamic_rotate %select_n3A_697 by %roll3A_708 dim 1 : vector<16x128xi32>, i32 -> vector<16x128xi32>
    %roll3A_710 = arith.constant 4 : i32
    %roll3A_711 = tpu.dynamic_rotate %select_n3A_697 by %roll3A_710 dim 1 : vector<16x128xi32>, i32 -> vector<16x128xi32>
    %select_n3A_712 = arith.select %eq3A_703, %roll3A_705, %roll3A_707 : vector<16x128xi1>, vector<16x128xf32>
    %select_n3A_713 = arith.select %eq3A_703, %roll3A_709, %roll3A_711 : vector<16x128xi1>, vector<16x128xi32>
    %gt3A_714 = arith.cmpf ogt, %select_n3A_696, %select_n3A_712 : vector<16x128xf32>
    %eq3A_715 = arith.cmpf oeq, %select_n3A_696, %select_n3A_712 : vector<16x128xf32>
    %lt3A_716 = arith.cmpi slt, %select_n3A_697, %select_n3A_713 : vector<16x128xi32>
    %and3A_717 = arith.andi %eq3A_715, %lt3A_716 : vector<16x128xi1>
    %or3A_718 = arith.ori %gt3A_714, %and3A_717 : vector<16x128xi1>
    %eq3A_719 = arith.xori %or3A_718, %eq3A_703 : vector<16x128xi1>
    %eq3A_720 = arith.constant dense<true> : vector<16x128xi1>
    %eq3A_721 = arith.xori %eq3A_719, %eq3A_720 : vector<16x128xi1>
    %eq3A_722 = arith.xori %eq3A_721, %eq3A_639 : vector<16x128xi1>
    %eq3A_723 = arith.constant dense<true> : vector<16x128xi1>
    %eq3A_724 = arith.xori %eq3A_722, %eq3A_723 : vector<16x128xi1>
    %select_n3A_725 = arith.select %eq3A_724, %select_n3A_696, %select_n3A_712 : vector<16x128xi1>, vector<16x128xf32>
    %select_n3A_726 = arith.select %eq3A_724, %select_n3A_697, %select_n3A_713 : vector<16x128xi1>, vector<16x128xi32>
    %and3A_727 = arith.constant 2 : i32
    %and3A_728 = vector.broadcast %and3A_727 : i32 to vector<16x128xi32>
    %and3A_729 = arith.andi %add3A_320, %and3A_728 : vector<16x128xi32>
    %eq3A_730 = arith.constant 0 : i32
    %eq3A_731 = vector.broadcast %eq3A_730 : i32 to vector<16x128xi32>
    %eq3A_732 = arith.cmpi eq, %and3A_729, %eq3A_731 : vector<16x128xi32>
    %roll3A_733 = arith.constant 126 : i32
    %roll3A_734 = tpu.dynamic_rotate %select_n3A_725 by %roll3A_733 dim 1 : vector<16x128xf32>, i32 -> vector<16x128xf32>
    %roll3A_735 = arith.constant 2 : i32
    %roll3A_736 = tpu.dynamic_rotate %select_n3A_725 by %roll3A_735 dim 1 : vector<16x128xf32>, i32 -> vector<16x128xf32>
    %roll3A_737 = arith.constant 126 : i32
    %roll3A_738 = tpu.dynamic_rotate %select_n3A_726 by %roll3A_737 dim 1 : vector<16x128xi32>, i32 -> vector<16x128xi32>
    %roll3A_739 = arith.constant 2 : i32
    %roll3A_740 = tpu.dynamic_rotate %select_n3A_726 by %roll3A_739 dim 1 : vector<16x128xi32>, i32 -> vector<16x128xi32>
    %select_n3A_741 = arith.select %eq3A_732, %roll3A_734, %roll3A_736 : vector<16x128xi1>, vector<16x128xf32>
    %select_n3A_742 = arith.select %eq3A_732, %roll3A_738, %roll3A_740 : vector<16x128xi1>, vector<16x128xi32>
    %gt3A_743 = arith.cmpf ogt, %select_n3A_725, %select_n3A_741 : vector<16x128xf32>
    %eq3A_744 = arith.cmpf oeq, %select_n3A_725, %select_n3A_741 : vector<16x128xf32>
    %lt3A_745 = arith.cmpi slt, %select_n3A_726, %select_n3A_742 : vector<16x128xi32>
    %and3A_746 = arith.andi %eq3A_744, %lt3A_745 : vector<16x128xi1>
    %or3A_747 = arith.ori %gt3A_743, %and3A_746 : vector<16x128xi1>
    %eq3A_748 = arith.xori %or3A_747, %eq3A_732 : vector<16x128xi1>
    %eq3A_749 = arith.constant dense<true> : vector<16x128xi1>
    %eq3A_750 = arith.xori %eq3A_748, %eq3A_749 : vector<16x128xi1>
    %eq3A_751 = arith.xori %eq3A_750, %eq3A_639 : vector<16x128xi1>
    %eq3A_752 = arith.constant dense<true> : vector<16x128xi1>
    %eq3A_753 = arith.xori %eq3A_751, %eq3A_752 : vector<16x128xi1>
    %select_n3A_754 = arith.select %eq3A_753, %select_n3A_725, %select_n3A_741 : vector<16x128xi1>, vector<16x128xf32>
    %select_n3A_755 = arith.select %eq3A_753, %select_n3A_726, %select_n3A_742 : vector<16x128xi1>, vector<16x128xi32>
    %and3A_756 = arith.constant 1 : i32
    %and3A_757 = vector.broadcast %and3A_756 : i32 to vector<16x128xi32>
    %and3A_758 = arith.andi %add3A_320, %and3A_757 : vector<16x128xi32>
    %eq3A_759 = arith.constant 0 : i32
    %eq3A_760 = vector.broadcast %eq3A_759 : i32 to vector<16x128xi32>
    %eq3A_761 = arith.cmpi eq, %and3A_758, %eq3A_760 : vector<16x128xi32>
    %roll3A_762 = arith.constant 127 : i32
    %roll3A_763 = tpu.dynamic_rotate %select_n3A_754 by %roll3A_762 dim 1 : vector<16x128xf32>, i32 -> vector<16x128xf32>
    %roll3A_764 = arith.constant 1 : i32
    %roll3A_765 = tpu.dynamic_rotate %select_n3A_754 by %roll3A_764 dim 1 : vector<16x128xf32>, i32 -> vector<16x128xf32>
    %roll3A_766 = arith.constant 127 : i32
    %roll3A_767 = tpu.dynamic_rotate %select_n3A_755 by %roll3A_766 dim 1 : vector<16x128xi32>, i32 -> vector<16x128xi32>
    %roll3A_768 = arith.constant 1 : i32
    %roll3A_769 = tpu.dynamic_rotate %select_n3A_755 by %roll3A_768 dim 1 : vector<16x128xi32>, i32 -> vector<16x128xi32>
    %select_n3A_770 = arith.select %eq3A_761, %roll3A_763, %roll3A_765 : vector<16x128xi1>, vector<16x128xf32>
    %select_n3A_771 = arith.select %eq3A_761, %roll3A_767, %roll3A_769 : vector<16x128xi1>, vector<16x128xi32>
    %gt3A_772 = arith.cmpf ogt, %select_n3A_754, %select_n3A_770 : vector<16x128xf32>
    %eq3A_773 = arith.cmpf oeq, %select_n3A_754, %select_n3A_770 : vector<16x128xf32>
    %lt3A_774 = arith.cmpi slt, %select_n3A_755, %select_n3A_771 : vector<16x128xi32>
    %and3A_775 = arith.andi %eq3A_773, %lt3A_774 : vector<16x128xi1>
    %or3A_776 = arith.ori %gt3A_772, %and3A_775 : vector<16x128xi1>
    %eq3A_777 = arith.xori %or3A_776, %eq3A_761 : vector<16x128xi1>
    %eq3A_778 = arith.constant dense<true> : vector<16x128xi1>
    %eq3A_779 = arith.xori %eq3A_777, %eq3A_778 : vector<16x128xi1>
    %eq3A_780 = arith.xori %eq3A_779, %eq3A_639 : vector<16x128xi1>
    %eq3A_781 = arith.constant dense<true> : vector<16x128xi1>
    %eq3A_782 = arith.xori %eq3A_780, %eq3A_781 : vector<16x128xi1>
    %select_n3A_783 = arith.select %eq3A_782, %select_n3A_754, %select_n3A_770 : vector<16x128xi1>, vector<16x128xf32>
    %select_n3A_784 = arith.select %eq3A_782, %select_n3A_755, %select_n3A_771 : vector<16x128xi1>, vector<16x128xi32>
    %and3A_785 = arith.constant 64 : i32
    %and3A_786 = vector.broadcast %and3A_785 : i32 to vector<16x128xi32>
    %and3A_787 = arith.andi %add3A_320, %and3A_786 : vector<16x128xi32>
    %eq3A_788 = arith.constant 0 : i32
    %eq3A_789 = vector.broadcast %eq3A_788 : i32 to vector<16x128xi32>
    %eq3A_790 = arith.cmpi eq, %and3A_787, %eq3A_789 : vector<16x128xi32>
    %and3A_791 = arith.constant 32 : i32
    %and3A_792 = vector.broadcast %and3A_791 : i32 to vector<16x128xi32>
    %and3A_793 = arith.andi %add3A_320, %and3A_792 : vector<16x128xi32>
    %eq3A_794 = arith.constant 0 : i32
    %eq3A_795 = vector.broadcast %eq3A_794 : i32 to vector<16x128xi32>
    %eq3A_796 = arith.cmpi eq, %and3A_793, %eq3A_795 : vector<16x128xi32>
    %roll3A_797 = arith.constant 96 : i32
    %roll3A_798 = tpu.dynamic_rotate %select_n3A_783 by %roll3A_797 dim 1 : vector<16x128xf32>, i32 -> vector<16x128xf32>
    %roll3A_799 = arith.constant 32 : i32
    %roll3A_800 = tpu.dynamic_rotate %select_n3A_783 by %roll3A_799 dim 1 : vector<16x128xf32>, i32 -> vector<16x128xf32>
    %roll3A_801 = arith.constant 96 : i32
    %roll3A_802 = tpu.dynamic_rotate %select_n3A_784 by %roll3A_801 dim 1 : vector<16x128xi32>, i32 -> vector<16x128xi32>
    %roll3A_803 = arith.constant 32 : i32
    %roll3A_804 = tpu.dynamic_rotate %select_n3A_784 by %roll3A_803 dim 1 : vector<16x128xi32>, i32 -> vector<16x128xi32>
    %select_n3A_805 = arith.select %eq3A_796, %roll3A_798, %roll3A_800 : vector<16x128xi1>, vector<16x128xf32>
    %select_n3A_806 = arith.select %eq3A_796, %roll3A_802, %roll3A_804 : vector<16x128xi1>, vector<16x128xi32>
    %gt3A_807 = arith.cmpf ogt, %select_n3A_783, %select_n3A_805 : vector<16x128xf32>
    %eq3A_808 = arith.cmpf oeq, %select_n3A_783, %select_n3A_805 : vector<16x128xf32>
    %lt3A_809 = arith.cmpi slt, %select_n3A_784, %select_n3A_806 : vector<16x128xi32>
    %and3A_810 = arith.andi %eq3A_808, %lt3A_809 : vector<16x128xi1>
    %or3A_811 = arith.ori %gt3A_807, %and3A_810 : vector<16x128xi1>
    %eq3A_812 = arith.xori %or3A_811, %eq3A_796 : vector<16x128xi1>
    %eq3A_813 = arith.constant dense<true> : vector<16x128xi1>
    %eq3A_814 = arith.xori %eq3A_812, %eq3A_813 : vector<16x128xi1>
    %eq3A_815 = arith.xori %eq3A_814, %eq3A_790 : vector<16x128xi1>
    %eq3A_816 = arith.constant dense<true> : vector<16x128xi1>
    %eq3A_817 = arith.xori %eq3A_815, %eq3A_816 : vector<16x128xi1>
    %select_n3A_818 = arith.select %eq3A_817, %select_n3A_783, %select_n3A_805 : vector<16x128xi1>, vector<16x128xf32>
    %select_n3A_819 = arith.select %eq3A_817, %select_n3A_784, %select_n3A_806 : vector<16x128xi1>, vector<16x128xi32>
    %and3A_820 = arith.constant 16 : i32
    %and3A_821 = vector.broadcast %and3A_820 : i32 to vector<16x128xi32>
    %and3A_822 = arith.andi %add3A_320, %and3A_821 : vector<16x128xi32>
    %eq3A_823 = arith.constant 0 : i32
    %eq3A_824 = vector.broadcast %eq3A_823 : i32 to vector<16x128xi32>
    %eq3A_825 = arith.cmpi eq, %and3A_822, %eq3A_824 : vector<16x128xi32>
    %roll3A_826 = arith.constant 112 : i32
    %roll3A_827 = tpu.dynamic_rotate %select_n3A_818 by %roll3A_826 dim 1 : vector<16x128xf32>, i32 -> vector<16x128xf32>
    %roll3A_828 = arith.constant 16 : i32
    %roll3A_829 = tpu.dynamic_rotate %select_n3A_818 by %roll3A_828 dim 1 : vector<16x128xf32>, i32 -> vector<16x128xf32>
    %roll3A_830 = arith.constant 112 : i32
    %roll3A_831 = tpu.dynamic_rotate %select_n3A_819 by %roll3A_830 dim 1 : vector<16x128xi32>, i32 -> vector<16x128xi32>
    %roll3A_832 = arith.constant 16 : i32
    %roll3A_833 = tpu.dynamic_rotate %select_n3A_819 by %roll3A_832 dim 1 : vector<16x128xi32>, i32 -> vector<16x128xi32>
    %select_n3A_834 = arith.select %eq3A_825, %roll3A_827, %roll3A_829 : vector<16x128xi1>, vector<16x128xf32>
    %select_n3A_835 = arith.select %eq3A_825, %roll3A_831, %roll3A_833 : vector<16x128xi1>, vector<16x128xi32>
    %gt3A_836 = arith.cmpf ogt, %select_n3A_818, %select_n3A_834 : vector<16x128xf32>
    %eq3A_837 = arith.cmpf oeq, %select_n3A_818, %select_n3A_834 : vector<16x128xf32>
    %lt3A_838 = arith.cmpi slt, %select_n3A_819, %select_n3A_835 : vector<16x128xi32>
    %and3A_839 = arith.andi %eq3A_837, %lt3A_838 : vector<16x128xi1>
    %or3A_840 = arith.ori %gt3A_836, %and3A_839 : vector<16x128xi1>
    %eq3A_841 = arith.xori %or3A_840, %eq3A_825 : vector<16x128xi1>
    %eq3A_842 = arith.constant dense<true> : vector<16x128xi1>
    %eq3A_843 = arith.xori %eq3A_841, %eq3A_842 : vector<16x128xi1>
    %eq3A_844 = arith.xori %eq3A_843, %eq3A_790 : vector<16x128xi1>
    %eq3A_845 = arith.constant dense<true> : vector<16x128xi1>
    %eq3A_846 = arith.xori %eq3A_844, %eq3A_845 : vector<16x128xi1>
    %select_n3A_847 = arith.select %eq3A_846, %select_n3A_818, %select_n3A_834 : vector<16x128xi1>, vector<16x128xf32>
    %select_n3A_848 = arith.select %eq3A_846, %select_n3A_819, %select_n3A_835 : vector<16x128xi1>, vector<16x128xi32>
    %and3A_849 = arith.constant 8 : i32
    %and3A_850 = vector.broadcast %and3A_849 : i32 to vector<16x128xi32>
    %and3A_851 = arith.andi %add3A_320, %and3A_850 : vector<16x128xi32>
    %eq3A_852 = arith.constant 0 : i32
    %eq3A_853 = vector.broadcast %eq3A_852 : i32 to vector<16x128xi32>
    %eq3A_854 = arith.cmpi eq, %and3A_851, %eq3A_853 : vector<16x128xi32>
    %roll3A_855 = arith.constant 120 : i32
    %roll3A_856 = tpu.dynamic_rotate %select_n3A_847 by %roll3A_855 dim 1 : vector<16x128xf32>, i32 -> vector<16x128xf32>
    %roll3A_857 = arith.constant 8 : i32
    %roll3A_858 = tpu.dynamic_rotate %select_n3A_847 by %roll3A_857 dim 1 : vector<16x128xf32>, i32 -> vector<16x128xf32>
    %roll3A_859 = arith.constant 120 : i32
    %roll3A_860 = tpu.dynamic_rotate %select_n3A_848 by %roll3A_859 dim 1 : vector<16x128xi32>, i32 -> vector<16x128xi32>
    %roll3A_861 = arith.constant 8 : i32
    %roll3A_862 = tpu.dynamic_rotate %select_n3A_848 by %roll3A_861 dim 1 : vector<16x128xi32>, i32 -> vector<16x128xi32>
    %select_n3A_863 = arith.select %eq3A_854, %roll3A_856, %roll3A_858 : vector<16x128xi1>, vector<16x128xf32>
    %select_n3A_864 = arith.select %eq3A_854, %roll3A_860, %roll3A_862 : vector<16x128xi1>, vector<16x128xi32>
    %gt3A_865 = arith.cmpf ogt, %select_n3A_847, %select_n3A_863 : vector<16x128xf32>
    %eq3A_866 = arith.cmpf oeq, %select_n3A_847, %select_n3A_863 : vector<16x128xf32>
    %lt3A_867 = arith.cmpi slt, %select_n3A_848, %select_n3A_864 : vector<16x128xi32>
    %and3A_868 = arith.andi %eq3A_866, %lt3A_867 : vector<16x128xi1>
    %or3A_869 = arith.ori %gt3A_865, %and3A_868 : vector<16x128xi1>
    %eq3A_870 = arith.xori %or3A_869, %eq3A_854 : vector<16x128xi1>
    %eq3A_871 = arith.constant dense<true> : vector<16x128xi1>
    %eq3A_872 = arith.xori %eq3A_870, %eq3A_871 : vector<16x128xi1>
    %eq3A_873 = arith.xori %eq3A_872, %eq3A_790 : vector<16x128xi1>
    %eq3A_874 = arith.constant dense<true> : vector<16x128xi1>
    %eq3A_875 = arith.xori %eq3A_873, %eq3A_874 : vector<16x128xi1>
    %select_n3A_876 = arith.select %eq3A_875, %select_n3A_847, %select_n3A_863 : vector<16x128xi1>, vector<16x128xf32>
    %select_n3A_877 = arith.select %eq3A_875, %select_n3A_848, %select_n3A_864 : vector<16x128xi1>, vector<16x128xi32>
    %and3A_878 = arith.constant 4 : i32
    %and3A_879 = vector.broadcast %and3A_878 : i32 to vector<16x128xi32>
    %and3A_880 = arith.andi %add3A_320, %and3A_879 : vector<16x128xi32>
    %eq3A_881 = arith.constant 0 : i32
    %eq3A_882 = vector.broadcast %eq3A_881 : i32 to vector<16x128xi32>
    %eq3A_883 = arith.cmpi eq, %and3A_880, %eq3A_882 : vector<16x128xi32>
    %roll3A_884 = arith.constant 124 : i32
    %roll3A_885 = tpu.dynamic_rotate %select_n3A_876 by %roll3A_884 dim 1 : vector<16x128xf32>, i32 -> vector<16x128xf32>
    %roll3A_886 = arith.constant 4 : i32
    %roll3A_887 = tpu.dynamic_rotate %select_n3A_876 by %roll3A_886 dim 1 : vector<16x128xf32>, i32 -> vector<16x128xf32>
    %roll3A_888 = arith.constant 124 : i32
    %roll3A_889 = tpu.dynamic_rotate %select_n3A_877 by %roll3A_888 dim 1 : vector<16x128xi32>, i32 -> vector<16x128xi32>
    %roll3A_890 = arith.constant 4 : i32
    %roll3A_891 = tpu.dynamic_rotate %select_n3A_877 by %roll3A_890 dim 1 : vector<16x128xi32>, i32 -> vector<16x128xi32>
    %select_n3A_892 = arith.select %eq3A_883, %roll3A_885, %roll3A_887 : vector<16x128xi1>, vector<16x128xf32>
    %select_n3A_893 = arith.select %eq3A_883, %roll3A_889, %roll3A_891 : vector<16x128xi1>, vector<16x128xi32>
    %gt3A_894 = arith.cmpf ogt, %select_n3A_876, %select_n3A_892 : vector<16x128xf32>
    %eq3A_895 = arith.cmpf oeq, %select_n3A_876, %select_n3A_892 : vector<16x128xf32>
    %lt3A_896 = arith.cmpi slt, %select_n3A_877, %select_n3A_893 : vector<16x128xi32>
    %and3A_897 = arith.andi %eq3A_895, %lt3A_896 : vector<16x128xi1>
    %or3A_898 = arith.ori %gt3A_894, %and3A_897 : vector<16x128xi1>
    %eq3A_899 = arith.xori %or3A_898, %eq3A_883 : vector<16x128xi1>
    %eq3A_900 = arith.constant dense<true> : vector<16x128xi1>
    %eq3A_901 = arith.xori %eq3A_899, %eq3A_900 : vector<16x128xi1>
    %eq3A_902 = arith.xori %eq3A_901, %eq3A_790 : vector<16x128xi1>
    %eq3A_903 = arith.constant dense<true> : vector<16x128xi1>
    %eq3A_904 = arith.xori %eq3A_902, %eq3A_903 : vector<16x128xi1>
    %select_n3A_905 = arith.select %eq3A_904, %select_n3A_876, %select_n3A_892 : vector<16x128xi1>, vector<16x128xf32>
    %select_n3A_906 = arith.select %eq3A_904, %select_n3A_877, %select_n3A_893 : vector<16x128xi1>, vector<16x128xi32>
    %and3A_907 = arith.constant 2 : i32
    %and3A_908 = vector.broadcast %and3A_907 : i32 to vector<16x128xi32>
    %and3A_909 = arith.andi %add3A_320, %and3A_908 : vector<16x128xi32>
    %eq3A_910 = arith.constant 0 : i32
    %eq3A_911 = vector.broadcast %eq3A_910 : i32 to vector<16x128xi32>
    %eq3A_912 = arith.cmpi eq, %and3A_909, %eq3A_911 : vector<16x128xi32>
    %roll3A_913 = arith.constant 126 : i32
    %roll3A_914 = tpu.dynamic_rotate %select_n3A_905 by %roll3A_913 dim 1 : vector<16x128xf32>, i32 -> vector<16x128xf32>
    %roll3A_915 = arith.constant 2 : i32
    %roll3A_916 = tpu.dynamic_rotate %select_n3A_905 by %roll3A_915 dim 1 : vector<16x128xf32>, i32 -> vector<16x128xf32>
    %roll3A_917 = arith.constant 126 : i32
    %roll3A_918 = tpu.dynamic_rotate %select_n3A_906 by %roll3A_917 dim 1 : vector<16x128xi32>, i32 -> vector<16x128xi32>
    %roll3A_919 = arith.constant 2 : i32
    %roll3A_920 = tpu.dynamic_rotate %select_n3A_906 by %roll3A_919 dim 1 : vector<16x128xi32>, i32 -> vector<16x128xi32>
    %select_n3A_921 = arith.select %eq3A_912, %roll3A_914, %roll3A_916 : vector<16x128xi1>, vector<16x128xf32>
    %select_n3A_922 = arith.select %eq3A_912, %roll3A_918, %roll3A_920 : vector<16x128xi1>, vector<16x128xi32>
    %gt3A_923 = arith.cmpf ogt, %select_n3A_905, %select_n3A_921 : vector<16x128xf32>
    %eq3A_924 = arith.cmpf oeq, %select_n3A_905, %select_n3A_921 : vector<16x128xf32>
    %lt3A_925 = arith.cmpi slt, %select_n3A_906, %select_n3A_922 : vector<16x128xi32>
    %and3A_926 = arith.andi %eq3A_924, %lt3A_925 : vector<16x128xi1>
    %or3A_927 = arith.ori %gt3A_923, %and3A_926 : vector<16x128xi1>
    %eq3A_928 = arith.xori %or3A_927, %eq3A_912 : vector<16x128xi1>
    %eq3A_929 = arith.constant dense<true> : vector<16x128xi1>
    %eq3A_930 = arith.xori %eq3A_928, %eq3A_929 : vector<16x128xi1>
    %eq3A_931 = arith.xori %eq3A_930, %eq3A_790 : vector<16x128xi1>
    %eq3A_932 = arith.constant dense<true> : vector<16x128xi1>
    %eq3A_933 = arith.xori %eq3A_931, %eq3A_932 : vector<16x128xi1>
    %select_n3A_934 = arith.select %eq3A_933, %select_n3A_905, %select_n3A_921 : vector<16x128xi1>, vector<16x128xf32>
    %select_n3A_935 = arith.select %eq3A_933, %select_n3A_906, %select_n3A_922 : vector<16x128xi1>, vector<16x128xi32>
    %and3A_936 = arith.constant 1 : i32
    %and3A_937 = vector.broadcast %and3A_936 : i32 to vector<16x128xi32>
    %and3A_938 = arith.andi %add3A_320, %and3A_937 : vector<16x128xi32>
    %eq3A_939 = arith.constant 0 : i32
    %eq3A_940 = vector.broadcast %eq3A_939 : i32 to vector<16x128xi32>
    %eq3A_941 = arith.cmpi eq, %and3A_938, %eq3A_940 : vector<16x128xi32>
    %roll3A_942 = arith.constant 127 : i32
    %roll3A_943 = tpu.dynamic_rotate %select_n3A_934 by %roll3A_942 dim 1 : vector<16x128xf32>, i32 -> vector<16x128xf32>
    %roll3A_944 = arith.constant 1 : i32
    %roll3A_945 = tpu.dynamic_rotate %select_n3A_934 by %roll3A_944 dim 1 : vector<16x128xf32>, i32 -> vector<16x128xf32>
    %roll3A_946 = arith.constant 127 : i32
    %roll3A_947 = tpu.dynamic_rotate %select_n3A_935 by %roll3A_946 dim 1 : vector<16x128xi32>, i32 -> vector<16x128xi32>
    %roll3A_948 = arith.constant 1 : i32
    %roll3A_949 = tpu.dynamic_rotate %select_n3A_935 by %roll3A_948 dim 1 : vector<16x128xi32>, i32 -> vector<16x128xi32>
    %select_n3A_950 = arith.select %eq3A_941, %roll3A_943, %roll3A_945 : vector<16x128xi1>, vector<16x128xf32>
    %select_n3A_951 = arith.select %eq3A_941, %roll3A_947, %roll3A_949 : vector<16x128xi1>, vector<16x128xi32>
    %gt3A_952 = arith.cmpf ogt, %select_n3A_934, %select_n3A_950 : vector<16x128xf32>
    %eq3A_953 = arith.cmpf oeq, %select_n3A_934, %select_n3A_950 : vector<16x128xf32>
    %lt3A_954 = arith.cmpi slt, %select_n3A_935, %select_n3A_951 : vector<16x128xi32>
    %and3A_955 = arith.andi %eq3A_953, %lt3A_954 : vector<16x128xi1>
    %or3A_956 = arith.ori %gt3A_952, %and3A_955 : vector<16x128xi1>
    %eq3A_957 = arith.xori %or3A_956, %eq3A_941 : vector<16x128xi1>
    %eq3A_958 = arith.constant dense<true> : vector<16x128xi1>
    %eq3A_959 = arith.xori %eq3A_957, %eq3A_958 : vector<16x128xi1>
    %eq3A_960 = arith.xori %eq3A_959, %eq3A_790 : vector<16x128xi1>
    %eq3A_961 = arith.constant dense<true> : vector<16x128xi1>
    %eq3A_962 = arith.xori %eq3A_960, %eq3A_961 : vector<16x128xi1>
    %select_n3A_963 = arith.select %eq3A_962, %select_n3A_934, %select_n3A_950 : vector<16x128xi1>, vector<16x128xf32>
    %select_n3A_964 = arith.select %eq3A_962, %select_n3A_935, %select_n3A_951 : vector<16x128xi1>, vector<16x128xi32>
    %and3A_965 = arith.constant 128 : i32
    %and3A_966 = vector.broadcast %and3A_965 : i32 to vector<16x128xi32>
    %and3A_967 = arith.andi %add3A_320, %and3A_966 : vector<16x128xi32>
    %eq3A_968 = arith.constant 0 : i32
    %eq3A_969 = vector.broadcast %eq3A_968 : i32 to vector<16x128xi32>
    %eq3A_970 = arith.cmpi eq, %and3A_967, %eq3A_969 : vector<16x128xi32>
    %and3A_971 = arith.constant 64 : i32
    %and3A_972 = vector.broadcast %and3A_971 : i32 to vector<16x128xi32>
    %and3A_973 = arith.andi %add3A_320, %and3A_972 : vector<16x128xi32>
    %eq3A_974 = arith.constant 0 : i32
    %eq3A_975 = vector.broadcast %eq3A_974 : i32 to vector<16x128xi32>
    %eq3A_976 = arith.cmpi eq, %and3A_973, %eq3A_975 : vector<16x128xi32>
    %roll3A_977 = arith.constant 64 : i32
    %roll3A_978 = tpu.dynamic_rotate %select_n3A_963 by %roll3A_977 dim 1 : vector<16x128xf32>, i32 -> vector<16x128xf32>
    %roll3A_979 = arith.constant 64 : i32
    %roll3A_980 = tpu.dynamic_rotate %select_n3A_963 by %roll3A_979 dim 1 : vector<16x128xf32>, i32 -> vector<16x128xf32>
    %roll3A_981 = arith.constant 64 : i32
    %roll3A_982 = tpu.dynamic_rotate %select_n3A_964 by %roll3A_981 dim 1 : vector<16x128xi32>, i32 -> vector<16x128xi32>
    %roll3A_983 = arith.constant 64 : i32
    %roll3A_984 = tpu.dynamic_rotate %select_n3A_964 by %roll3A_983 dim 1 : vector<16x128xi32>, i32 -> vector<16x128xi32>
    %select_n3A_985 = arith.select %eq3A_976, %roll3A_978, %roll3A_980 : vector<16x128xi1>, vector<16x128xf32>
    %select_n3A_986 = arith.select %eq3A_976, %roll3A_982, %roll3A_984 : vector<16x128xi1>, vector<16x128xi32>
    %gt3A_987 = arith.cmpf ogt, %select_n3A_963, %select_n3A_985 : vector<16x128xf32>
    %eq3A_988 = arith.cmpf oeq, %select_n3A_963, %select_n3A_985 : vector<16x128xf32>
    %lt3A_989 = arith.cmpi slt, %select_n3A_964, %select_n3A_986 : vector<16x128xi32>
    %and3A_990 = arith.andi %eq3A_988, %lt3A_989 : vector<16x128xi1>
    %or3A_991 = arith.ori %gt3A_987, %and3A_990 : vector<16x128xi1>
    %eq3A_992 = arith.xori %or3A_991, %eq3A_976 : vector<16x128xi1>
    %eq3A_993 = arith.constant dense<true> : vector<16x128xi1>
    %eq3A_994 = arith.xori %eq3A_992, %eq3A_993 : vector<16x128xi1>
    %eq3A_995 = arith.xori %eq3A_994, %eq3A_970 : vector<16x128xi1>
    %eq3A_996 = arith.constant dense<true> : vector<16x128xi1>
    %eq3A_997 = arith.xori %eq3A_995, %eq3A_996 : vector<16x128xi1>
    %select_n3A_998 = arith.select %eq3A_997, %select_n3A_963, %select_n3A_985 : vector<16x128xi1>, vector<16x128xf32>
    %select_n3A_999 = arith.select %eq3A_997, %select_n3A_964, %select_n3A_986 : vector<16x128xi1>, vector<16x128xi32>
    %and3A_1000 = arith.constant 32 : i32
    %and3A_1001 = vector.broadcast %and3A_1000 : i32 to vector<16x128xi32>
    %and3A_1002 = arith.andi %add3A_320, %and3A_1001 : vector<16x128xi32>
    %eq3A_1003 = arith.constant 0 : i32
    %eq3A_1004 = vector.broadcast %eq3A_1003 : i32 to vector<16x128xi32>
    %eq3A_1005 = arith.cmpi eq, %and3A_1002, %eq3A_1004 : vector<16x128xi32>
    %roll3A_1006 = arith.constant 96 : i32
    %roll3A_1007 = tpu.dynamic_rotate %select_n3A_998 by %roll3A_1006 dim 1 : vector<16x128xf32>, i32 -> vector<16x128xf32>
    %roll3A_1008 = arith.constant 32 : i32
    %roll3A_1009 = tpu.dynamic_rotate %select_n3A_998 by %roll3A_1008 dim 1 : vector<16x128xf32>, i32 -> vector<16x128xf32>
    %roll3A_1010 = arith.constant 96 : i32
    %roll3A_1011 = tpu.dynamic_rotate %select_n3A_999 by %roll3A_1010 dim 1 : vector<16x128xi32>, i32 -> vector<16x128xi32>
    %roll3A_1012 = arith.constant 32 : i32
    %roll3A_1013 = tpu.dynamic_rotate %select_n3A_999 by %roll3A_1012 dim 1 : vector<16x128xi32>, i32 -> vector<16x128xi32>
    %select_n3A_1014 = arith.select %eq3A_1005, %roll3A_1007, %roll3A_1009 : vector<16x128xi1>, vector<16x128xf32>
    %select_n3A_1015 = arith.select %eq3A_1005, %roll3A_1011, %roll3A_1013 : vector<16x128xi1>, vector<16x128xi32>
    %gt3A_1016 = arith.cmpf ogt, %select_n3A_998, %select_n3A_1014 : vector<16x128xf32>
    %eq3A_1017 = arith.cmpf oeq, %select_n3A_998, %select_n3A_1014 : vector<16x128xf32>
    %lt3A_1018 = arith.cmpi slt, %select_n3A_999, %select_n3A_1015 : vector<16x128xi32>
    %and3A_1019 = arith.andi %eq3A_1017, %lt3A_1018 : vector<16x128xi1>
    %or3A_1020 = arith.ori %gt3A_1016, %and3A_1019 : vector<16x128xi1>
    %eq3A_1021 = arith.xori %or3A_1020, %eq3A_1005 : vector<16x128xi1>
    %eq3A_1022 = arith.constant dense<true> : vector<16x128xi1>
    %eq3A_1023 = arith.xori %eq3A_1021, %eq3A_1022 : vector<16x128xi1>
    %eq3A_1024 = arith.xori %eq3A_1023, %eq3A_970 : vector<16x128xi1>
    %eq3A_1025 = arith.constant dense<true> : vector<16x128xi1>
    %eq3A_1026 = arith.xori %eq3A_1024, %eq3A_1025 : vector<16x128xi1>
    %select_n3A_1027 = arith.select %eq3A_1026, %select_n3A_998, %select_n3A_1014 : vector<16x128xi1>, vector<16x128xf32>
    %select_n3A_1028 = arith.select %eq3A_1026, %select_n3A_999, %select_n3A_1015 : vector<16x128xi1>, vector<16x128xi32>
    %and3A_1029 = arith.constant 16 : i32
    %and3A_1030 = vector.broadcast %and3A_1029 : i32 to vector<16x128xi32>
    %and3A_1031 = arith.andi %add3A_320, %and3A_1030 : vector<16x128xi32>
    %eq3A_1032 = arith.constant 0 : i32
    %eq3A_1033 = vector.broadcast %eq3A_1032 : i32 to vector<16x128xi32>
    %eq3A_1034 = arith.cmpi eq, %and3A_1031, %eq3A_1033 : vector<16x128xi32>
    %roll3A_1035 = arith.constant 112 : i32
    %roll3A_1036 = tpu.dynamic_rotate %select_n3A_1027 by %roll3A_1035 dim 1 : vector<16x128xf32>, i32 -> vector<16x128xf32>
    %roll3A_1037 = arith.constant 16 : i32
    %roll3A_1038 = tpu.dynamic_rotate %select_n3A_1027 by %roll3A_1037 dim 1 : vector<16x128xf32>, i32 -> vector<16x128xf32>
    %roll3A_1039 = arith.constant 112 : i32
    %roll3A_1040 = tpu.dynamic_rotate %select_n3A_1028 by %roll3A_1039 dim 1 : vector<16x128xi32>, i32 -> vector<16x128xi32>
    %roll3A_1041 = arith.constant 16 : i32
    %roll3A_1042 = tpu.dynamic_rotate %select_n3A_1028 by %roll3A_1041 dim 1 : vector<16x128xi32>, i32 -> vector<16x128xi32>
    %select_n3A_1043 = arith.select %eq3A_1034, %roll3A_1036, %roll3A_1038 : vector<16x128xi1>, vector<16x128xf32>
    %select_n3A_1044 = arith.select %eq3A_1034, %roll3A_1040, %roll3A_1042 : vector<16x128xi1>, vector<16x128xi32>
    %gt3A_1045 = arith.cmpf ogt, %select_n3A_1027, %select_n3A_1043 : vector<16x128xf32>
    %eq3A_1046 = arith.cmpf oeq, %select_n3A_1027, %select_n3A_1043 : vector<16x128xf32>
    %lt3A_1047 = arith.cmpi slt, %select_n3A_1028, %select_n3A_1044 : vector<16x128xi32>
    %and3A_1048 = arith.andi %eq3A_1046, %lt3A_1047 : vector<16x128xi1>
    %or3A_1049 = arith.ori %gt3A_1045, %and3A_1048 : vector<16x128xi1>
    %eq3A_1050 = arith.xori %or3A_1049, %eq3A_1034 : vector<16x128xi1>
    %eq3A_1051 = arith.constant dense<true> : vector<16x128xi1>
    %eq3A_1052 = arith.xori %eq3A_1050, %eq3A_1051 : vector<16x128xi1>
    %eq3A_1053 = arith.xori %eq3A_1052, %eq3A_970 : vector<16x128xi1>
    %eq3A_1054 = arith.constant dense<true> : vector<16x128xi1>
    %eq3A_1055 = arith.xori %eq3A_1053, %eq3A_1054 : vector<16x128xi1>
    %select_n3A_1056 = arith.select %eq3A_1055, %select_n3A_1027, %select_n3A_1043 : vector<16x128xi1>, vector<16x128xf32>
    %select_n3A_1057 = arith.select %eq3A_1055, %select_n3A_1028, %select_n3A_1044 : vector<16x128xi1>, vector<16x128xi32>
    %and3A_1058 = arith.constant 8 : i32
    %and3A_1059 = vector.broadcast %and3A_1058 : i32 to vector<16x128xi32>
    %and3A_1060 = arith.andi %add3A_320, %and3A_1059 : vector<16x128xi32>
    %eq3A_1061 = arith.constant 0 : i32
    %eq3A_1062 = vector.broadcast %eq3A_1061 : i32 to vector<16x128xi32>
    %eq3A_1063 = arith.cmpi eq, %and3A_1060, %eq3A_1062 : vector<16x128xi32>
    %roll3A_1064 = arith.constant 120 : i32
    %roll3A_1065 = tpu.dynamic_rotate %select_n3A_1056 by %roll3A_1064 dim 1 : vector<16x128xf32>, i32 -> vector<16x128xf32>
    %roll3A_1066 = arith.constant 8 : i32
    %roll3A_1067 = tpu.dynamic_rotate %select_n3A_1056 by %roll3A_1066 dim 1 : vector<16x128xf32>, i32 -> vector<16x128xf32>
    %roll3A_1068 = arith.constant 120 : i32
    %roll3A_1069 = tpu.dynamic_rotate %select_n3A_1057 by %roll3A_1068 dim 1 : vector<16x128xi32>, i32 -> vector<16x128xi32>
    %roll3A_1070 = arith.constant 8 : i32
    %roll3A_1071 = tpu.dynamic_rotate %select_n3A_1057 by %roll3A_1070 dim 1 : vector<16x128xi32>, i32 -> vector<16x128xi32>
    %select_n3A_1072 = arith.select %eq3A_1063, %roll3A_1065, %roll3A_1067 : vector<16x128xi1>, vector<16x128xf32>
    %select_n3A_1073 = arith.select %eq3A_1063, %roll3A_1069, %roll3A_1071 : vector<16x128xi1>, vector<16x128xi32>
    %gt3A_1074 = arith.cmpf ogt, %select_n3A_1056, %select_n3A_1072 : vector<16x128xf32>
    %eq3A_1075 = arith.cmpf oeq, %select_n3A_1056, %select_n3A_1072 : vector<16x128xf32>
    %lt3A_1076 = arith.cmpi slt, %select_n3A_1057, %select_n3A_1073 : vector<16x128xi32>
    %and3A_1077 = arith.andi %eq3A_1075, %lt3A_1076 : vector<16x128xi1>
    %or3A_1078 = arith.ori %gt3A_1074, %and3A_1077 : vector<16x128xi1>
    %eq3A_1079 = arith.xori %or3A_1078, %eq3A_1063 : vector<16x128xi1>
    %eq3A_1080 = arith.constant dense<true> : vector<16x128xi1>
    %eq3A_1081 = arith.xori %eq3A_1079, %eq3A_1080 : vector<16x128xi1>
    %eq3A_1082 = arith.xori %eq3A_1081, %eq3A_970 : vector<16x128xi1>
    %eq3A_1083 = arith.constant dense<true> : vector<16x128xi1>
    %eq3A_1084 = arith.xori %eq3A_1082, %eq3A_1083 : vector<16x128xi1>
    %select_n3A_1085 = arith.select %eq3A_1084, %select_n3A_1056, %select_n3A_1072 : vector<16x128xi1>, vector<16x128xf32>
    %select_n3A_1086 = arith.select %eq3A_1084, %select_n3A_1057, %select_n3A_1073 : vector<16x128xi1>, vector<16x128xi32>
    %and3A_1087 = arith.constant 4 : i32
    %and3A_1088 = vector.broadcast %and3A_1087 : i32 to vector<16x128xi32>
    %and3A_1089 = arith.andi %add3A_320, %and3A_1088 : vector<16x128xi32>
    %eq3A_1090 = arith.constant 0 : i32
    %eq3A_1091 = vector.broadcast %eq3A_1090 : i32 to vector<16x128xi32>
    %eq3A_1092 = arith.cmpi eq, %and3A_1089, %eq3A_1091 : vector<16x128xi32>
    %roll3A_1093 = arith.constant 124 : i32
    %roll3A_1094 = tpu.dynamic_rotate %select_n3A_1085 by %roll3A_1093 dim 1 : vector<16x128xf32>, i32 -> vector<16x128xf32>
    %roll3A_1095 = arith.constant 4 : i32
    %roll3A_1096 = tpu.dynamic_rotate %select_n3A_1085 by %roll3A_1095 dim 1 : vector<16x128xf32>, i32 -> vector<16x128xf32>
    %roll3A_1097 = arith.constant 124 : i32
    %roll3A_1098 = tpu.dynamic_rotate %select_n3A_1086 by %roll3A_1097 dim 1 : vector<16x128xi32>, i32 -> vector<16x128xi32>
    %roll3A_1099 = arith.constant 4 : i32
    %roll3A_1100 = tpu.dynamic_rotate %select_n3A_1086 by %roll3A_1099 dim 1 : vector<16x128xi32>, i32 -> vector<16x128xi32>
    %select_n3A_1101 = arith.select %eq3A_1092, %roll3A_1094, %roll3A_1096 : vector<16x128xi1>, vector<16x128xf32>
    %select_n3A_1102 = arith.select %eq3A_1092, %roll3A_1098, %roll3A_1100 : vector<16x128xi1>, vector<16x128xi32>
    %gt3A_1103 = arith.cmpf ogt, %select_n3A_1085, %select_n3A_1101 : vector<16x128xf32>
    %eq3A_1104 = arith.cmpf oeq, %select_n3A_1085, %select_n3A_1101 : vector<16x128xf32>
    %lt3A_1105 = arith.cmpi slt, %select_n3A_1086, %select_n3A_1102 : vector<16x128xi32>
    %and3A_1106 = arith.andi %eq3A_1104, %lt3A_1105 : vector<16x128xi1>
    %or3A_1107 = arith.ori %gt3A_1103, %and3A_1106 : vector<16x128xi1>
    %eq3A_1108 = arith.xori %or3A_1107, %eq3A_1092 : vector<16x128xi1>
    %eq3A_1109 = arith.constant dense<true> : vector<16x128xi1>
    %eq3A_1110 = arith.xori %eq3A_1108, %eq3A_1109 : vector<16x128xi1>
    %eq3A_1111 = arith.xori %eq3A_1110, %eq3A_970 : vector<16x128xi1>
    %eq3A_1112 = arith.constant dense<true> : vector<16x128xi1>
    %eq3A_1113 = arith.xori %eq3A_1111, %eq3A_1112 : vector<16x128xi1>
    %select_n3A_1114 = arith.select %eq3A_1113, %select_n3A_1085, %select_n3A_1101 : vector<16x128xi1>, vector<16x128xf32>
    %select_n3A_1115 = arith.select %eq3A_1113, %select_n3A_1086, %select_n3A_1102 : vector<16x128xi1>, vector<16x128xi32>
    %and3A_1116 = arith.constant 2 : i32
    %and3A_1117 = vector.broadcast %and3A_1116 : i32 to vector<16x128xi32>
    %and3A_1118 = arith.andi %add3A_320, %and3A_1117 : vector<16x128xi32>
    %eq3A_1119 = arith.constant 0 : i32
    %eq3A_1120 = vector.broadcast %eq3A_1119 : i32 to vector<16x128xi32>
    %eq3A_1121 = arith.cmpi eq, %and3A_1118, %eq3A_1120 : vector<16x128xi32>
    %roll3A_1122 = arith.constant 126 : i32
    %roll3A_1123 = tpu.dynamic_rotate %select_n3A_1114 by %roll3A_1122 dim 1 : vector<16x128xf32>, i32 -> vector<16x128xf32>
    %roll3A_1124 = arith.constant 2 : i32
    %roll3A_1125 = tpu.dynamic_rotate %select_n3A_1114 by %roll3A_1124 dim 1 : vector<16x128xf32>, i32 -> vector<16x128xf32>
    %roll3A_1126 = arith.constant 126 : i32
    %roll3A_1127 = tpu.dynamic_rotate %select_n3A_1115 by %roll3A_1126 dim 1 : vector<16x128xi32>, i32 -> vector<16x128xi32>
    %roll3A_1128 = arith.constant 2 : i32
    %roll3A_1129 = tpu.dynamic_rotate %select_n3A_1115 by %roll3A_1128 dim 1 : vector<16x128xi32>, i32 -> vector<16x128xi32>
    %select_n3A_1130 = arith.select %eq3A_1121, %roll3A_1123, %roll3A_1125 : vector<16x128xi1>, vector<16x128xf32>
    %select_n3A_1131 = arith.select %eq3A_1121, %roll3A_1127, %roll3A_1129 : vector<16x128xi1>, vector<16x128xi32>
    %gt3A_1132 = arith.cmpf ogt, %select_n3A_1114, %select_n3A_1130 : vector<16x128xf32>
    %eq3A_1133 = arith.cmpf oeq, %select_n3A_1114, %select_n3A_1130 : vector<16x128xf32>
    %lt3A_1134 = arith.cmpi slt, %select_n3A_1115, %select_n3A_1131 : vector<16x128xi32>
    %and3A_1135 = arith.andi %eq3A_1133, %lt3A_1134 : vector<16x128xi1>
    %or3A_1136 = arith.ori %gt3A_1132, %and3A_1135 : vector<16x128xi1>
    %eq3A_1137 = arith.xori %or3A_1136, %eq3A_1121 : vector<16x128xi1>
    %eq3A_1138 = arith.constant dense<true> : vector<16x128xi1>
    %eq3A_1139 = arith.xori %eq3A_1137, %eq3A_1138 : vector<16x128xi1>
    %eq3A_1140 = arith.xori %eq3A_1139, %eq3A_970 : vector<16x128xi1>
    %eq3A_1141 = arith.constant dense<true> : vector<16x128xi1>
    %eq3A_1142 = arith.xori %eq3A_1140, %eq3A_1141 : vector<16x128xi1>
    %select_n3A_1143 = arith.select %eq3A_1142, %select_n3A_1114, %select_n3A_1130 : vector<16x128xi1>, vector<16x128xf32>
    %select_n3A_1144 = arith.select %eq3A_1142, %select_n3A_1115, %select_n3A_1131 : vector<16x128xi1>, vector<16x128xi32>
    %and3A_1145 = arith.constant 1 : i32
    %and3A_1146 = vector.broadcast %and3A_1145 : i32 to vector<16x128xi32>
    %and3A_1147 = arith.andi %add3A_320, %and3A_1146 : vector<16x128xi32>
    %eq3A_1148 = arith.constant 0 : i32
    %eq3A_1149 = vector.broadcast %eq3A_1148 : i32 to vector<16x128xi32>
    %eq3A_1150 = arith.cmpi eq, %and3A_1147, %eq3A_1149 : vector<16x128xi32>
    %roll3A_1151 = arith.constant 127 : i32
    %roll3A_1152 = tpu.dynamic_rotate %select_n3A_1143 by %roll3A_1151 dim 1 : vector<16x128xf32>, i32 -> vector<16x128xf32>
    %roll3A_1153 = arith.constant 1 : i32
    %roll3A_1154 = tpu.dynamic_rotate %select_n3A_1143 by %roll3A_1153 dim 1 : vector<16x128xf32>, i32 -> vector<16x128xf32>
    %roll3A_1155 = arith.constant 127 : i32
    %roll3A_1156 = tpu.dynamic_rotate %select_n3A_1144 by %roll3A_1155 dim 1 : vector<16x128xi32>, i32 -> vector<16x128xi32>
    %roll3A_1157 = arith.constant 1 : i32
    %roll3A_1158 = tpu.dynamic_rotate %select_n3A_1144 by %roll3A_1157 dim 1 : vector<16x128xi32>, i32 -> vector<16x128xi32>
    %select_n3A_1159 = arith.select %eq3A_1150, %roll3A_1152, %roll3A_1154 : vector<16x128xi1>, vector<16x128xf32>
    %select_n3A_1160 = arith.select %eq3A_1150, %roll3A_1156, %roll3A_1158 : vector<16x128xi1>, vector<16x128xi32>
    %gt3A_1161 = arith.cmpf ogt, %select_n3A_1143, %select_n3A_1159 : vector<16x128xf32>
    %eq3A_1162 = arith.cmpf oeq, %select_n3A_1143, %select_n3A_1159 : vector<16x128xf32>
    %lt3A_1163 = arith.cmpi slt, %select_n3A_1144, %select_n3A_1160 : vector<16x128xi32>
    %and3A_1164 = arith.andi %eq3A_1162, %lt3A_1163 : vector<16x128xi1>
    %or3A_1165 = arith.ori %gt3A_1161, %and3A_1164 : vector<16x128xi1>
    %eq3A_1166 = arith.xori %or3A_1165, %eq3A_1150 : vector<16x128xi1>
    %eq3A_1167 = arith.constant dense<true> : vector<16x128xi1>
    %eq3A_1168 = arith.xori %eq3A_1166, %eq3A_1167 : vector<16x128xi1>
    %eq3A_1169 = arith.xori %eq3A_1168, %eq3A_970 : vector<16x128xi1>
    %eq3A_1170 = arith.constant dense<true> : vector<16x128xi1>
    %eq3A_1171 = arith.xori %eq3A_1169, %eq3A_1170 : vector<16x128xi1>
    %select_n3A_1172 = arith.select %eq3A_1171, %select_n3A_1143, %select_n3A_1159 : vector<16x128xi1>, vector<16x128xf32>
    %select_n3A_1173 = arith.select %eq3A_1171, %select_n3A_1144, %select_n3A_1160 : vector<16x128xi1>, vector<16x128xi32>
    %and3A_1174 = arith.constant 256 : i32
    %and3A_1175 = vector.broadcast %and3A_1174 : i32 to vector<16x128xi32>
    %and3A_1176 = arith.andi %add3A_320, %and3A_1175 : vector<16x128xi32>
    %eq3A_1177 = arith.constant 0 : i32
    %eq3A_1178 = vector.broadcast %eq3A_1177 : i32 to vector<16x128xi32>
    %eq3A_1179 = arith.cmpi eq, %and3A_1176, %eq3A_1178 : vector<16x128xi32>
    %and3A_1180 = arith.constant 128 : i32
    %and3A_1181 = vector.broadcast %and3A_1180 : i32 to vector<16x128xi32>
    %and3A_1182 = arith.andi %add3A_320, %and3A_1181 : vector<16x128xi32>
    %eq3A_1183 = arith.constant 0 : i32
    %eq3A_1184 = vector.broadcast %eq3A_1183 : i32 to vector<16x128xi32>
    %eq3A_1185 = arith.cmpi eq, %and3A_1182, %eq3A_1184 : vector<16x128xi32>
    %slice3A_1186 = vector.extract_strided_slice %select_n3A_1172 {offsets = [1, 0], sizes = [15, 128], strides = [1, 1]} : vector<16x128xf32> to vector<15x128xf32>
    %slice3A_1187 = vector.extract_strided_slice %select_n3A_1172 {offsets = [0, 0], sizes = [1, 128], strides = [1, 1]} : vector<16x128xf32> to vector<1x128xf32>
    %concatenate3A = tpu.concatenate %slice3A_1186, %slice3A_1187 in 0 : vector<15x128xf32>, vector<1x128xf32> -> vector<16x128xf32>
    %slice3A_1188 = vector.extract_strided_slice %select_n3A_1172 {offsets = [15, 0], sizes = [1, 128], strides = [1, 1]} : vector<16x128xf32> to vector<1x128xf32>
    %slice3A_1189 = vector.extract_strided_slice %select_n3A_1172 {offsets = [0, 0], sizes = [15, 128], strides = [1, 1]} : vector<16x128xf32> to vector<15x128xf32>
    %concatenate3A_1190 = tpu.concatenate %slice3A_1188, %slice3A_1189 in 0 : vector<1x128xf32>, vector<15x128xf32> -> vector<16x128xf32>
    %slice3A_1191 = vector.extract_strided_slice %select_n3A_1173 {offsets = [1, 0], sizes = [15, 128], strides = [1, 1]} : vector<16x128xi32> to vector<15x128xi32>
    %slice3A_1192 = vector.extract_strided_slice %select_n3A_1173 {offsets = [0, 0], sizes = [1, 128], strides = [1, 1]} : vector<16x128xi32> to vector<1x128xi32>
    %concatenate3A_1193 = tpu.concatenate %slice3A_1191, %slice3A_1192 in 0 : vector<15x128xi32>, vector<1x128xi32> -> vector<16x128xi32>
    %slice3A_1194 = vector.extract_strided_slice %select_n3A_1173 {offsets = [15, 0], sizes = [1, 128], strides = [1, 1]} : vector<16x128xi32> to vector<1x128xi32>
    %slice3A_1195 = vector.extract_strided_slice %select_n3A_1173 {offsets = [0, 0], sizes = [15, 128], strides = [1, 1]} : vector<16x128xi32> to vector<15x128xi32>
    %concatenate3A_1196 = tpu.concatenate %slice3A_1194, %slice3A_1195 in 0 : vector<1x128xi32>, vector<15x128xi32> -> vector<16x128xi32>
    %select_n3A_1197 = arith.select %eq3A_1185, %concatenate3A, %concatenate3A_1190 : vector<16x128xi1>, vector<16x128xf32>
    %select_n3A_1198 = arith.select %eq3A_1185, %concatenate3A_1193, %concatenate3A_1196 : vector<16x128xi1>, vector<16x128xi32>
    %gt3A_1199 = arith.cmpf ogt, %select_n3A_1172, %select_n3A_1197 : vector<16x128xf32>
    %eq3A_1200 = arith.cmpf oeq, %select_n3A_1172, %select_n3A_1197 : vector<16x128xf32>
    %lt3A_1201 = arith.cmpi slt, %select_n3A_1173, %select_n3A_1198 : vector<16x128xi32>
    %and3A_1202 = arith.andi %eq3A_1200, %lt3A_1201 : vector<16x128xi1>
    %or3A_1203 = arith.ori %gt3A_1199, %and3A_1202 : vector<16x128xi1>
    %eq3A_1204 = arith.xori %or3A_1203, %eq3A_1185 : vector<16x128xi1>
    %eq3A_1205 = arith.constant dense<true> : vector<16x128xi1>
    %eq3A_1206 = arith.xori %eq3A_1204, %eq3A_1205 : vector<16x128xi1>
    %eq3A_1207 = arith.xori %eq3A_1206, %eq3A_1179 : vector<16x128xi1>
    %eq3A_1208 = arith.constant dense<true> : vector<16x128xi1>
    %eq3A_1209 = arith.xori %eq3A_1207, %eq3A_1208 : vector<16x128xi1>
    %select_n3A_1210 = arith.select %eq3A_1209, %select_n3A_1172, %select_n3A_1197 : vector<16x128xi1>, vector<16x128xf32>
    %select_n3A_1211 = arith.select %eq3A_1209, %select_n3A_1173, %select_n3A_1198 : vector<16x128xi1>, vector<16x128xi32>
    %and3A_1212 = arith.constant 64 : i32
    %and3A_1213 = vector.broadcast %and3A_1212 : i32 to vector<16x128xi32>
    %and3A_1214 = arith.andi %add3A_320, %and3A_1213 : vector<16x128xi32>
    %eq3A_1215 = arith.constant 0 : i32
    %eq3A_1216 = vector.broadcast %eq3A_1215 : i32 to vector<16x128xi32>
    %eq3A_1217 = arith.cmpi eq, %and3A_1214, %eq3A_1216 : vector<16x128xi32>
    %roll3A_1218 = arith.constant 64 : i32
    %roll3A_1219 = tpu.dynamic_rotate %select_n3A_1210 by %roll3A_1218 dim 1 : vector<16x128xf32>, i32 -> vector<16x128xf32>
    %roll3A_1220 = arith.constant 64 : i32
    %roll3A_1221 = tpu.dynamic_rotate %select_n3A_1210 by %roll3A_1220 dim 1 : vector<16x128xf32>, i32 -> vector<16x128xf32>
    %roll3A_1222 = arith.constant 64 : i32
    %roll3A_1223 = tpu.dynamic_rotate %select_n3A_1211 by %roll3A_1222 dim 1 : vector<16x128xi32>, i32 -> vector<16x128xi32>
    %roll3A_1224 = arith.constant 64 : i32
    %roll3A_1225 = tpu.dynamic_rotate %select_n3A_1211 by %roll3A_1224 dim 1 : vector<16x128xi32>, i32 -> vector<16x128xi32>
    %select_n3A_1226 = arith.select %eq3A_1217, %roll3A_1219, %roll3A_1221 : vector<16x128xi1>, vector<16x128xf32>
    %select_n3A_1227 = arith.select %eq3A_1217, %roll3A_1223, %roll3A_1225 : vector<16x128xi1>, vector<16x128xi32>
    %gt3A_1228 = arith.cmpf ogt, %select_n3A_1210, %select_n3A_1226 : vector<16x128xf32>
    %eq3A_1229 = arith.cmpf oeq, %select_n3A_1210, %select_n3A_1226 : vector<16x128xf32>
    %lt3A_1230 = arith.cmpi slt, %select_n3A_1211, %select_n3A_1227 : vector<16x128xi32>
    %and3A_1231 = arith.andi %eq3A_1229, %lt3A_1230 : vector<16x128xi1>
    %or3A_1232 = arith.ori %gt3A_1228, %and3A_1231 : vector<16x128xi1>
    %eq3A_1233 = arith.xori %or3A_1232, %eq3A_1217 : vector<16x128xi1>
    %eq3A_1234 = arith.constant dense<true> : vector<16x128xi1>
    %eq3A_1235 = arith.xori %eq3A_1233, %eq3A_1234 : vector<16x128xi1>
    %eq3A_1236 = arith.xori %eq3A_1235, %eq3A_1179 : vector<16x128xi1>
    %eq3A_1237 = arith.constant dense<true> : vector<16x128xi1>
    %eq3A_1238 = arith.xori %eq3A_1236, %eq3A_1237 : vector<16x128xi1>
    %select_n3A_1239 = arith.select %eq3A_1238, %select_n3A_1210, %select_n3A_1226 : vector<16x128xi1>, vector<16x128xf32>
    %select_n3A_1240 = arith.select %eq3A_1238, %select_n3A_1211, %select_n3A_1227 : vector<16x128xi1>, vector<16x128xi32>
    %and3A_1241 = arith.constant 32 : i32
    %and3A_1242 = vector.broadcast %and3A_1241 : i32 to vector<16x128xi32>
    %and3A_1243 = arith.andi %add3A_320, %and3A_1242 : vector<16x128xi32>
    %eq3A_1244 = arith.constant 0 : i32
    %eq3A_1245 = vector.broadcast %eq3A_1244 : i32 to vector<16x128xi32>
    %eq3A_1246 = arith.cmpi eq, %and3A_1243, %eq3A_1245 : vector<16x128xi32>
    %roll3A_1247 = arith.constant 96 : i32
    %roll3A_1248 = tpu.dynamic_rotate %select_n3A_1239 by %roll3A_1247 dim 1 : vector<16x128xf32>, i32 -> vector<16x128xf32>
    %roll3A_1249 = arith.constant 32 : i32
    %roll3A_1250 = tpu.dynamic_rotate %select_n3A_1239 by %roll3A_1249 dim 1 : vector<16x128xf32>, i32 -> vector<16x128xf32>
    %roll3A_1251 = arith.constant 96 : i32
    %roll3A_1252 = tpu.dynamic_rotate %select_n3A_1240 by %roll3A_1251 dim 1 : vector<16x128xi32>, i32 -> vector<16x128xi32>
    %roll3A_1253 = arith.constant 32 : i32
    %roll3A_1254 = tpu.dynamic_rotate %select_n3A_1240 by %roll3A_1253 dim 1 : vector<16x128xi32>, i32 -> vector<16x128xi32>
    %select_n3A_1255 = arith.select %eq3A_1246, %roll3A_1248, %roll3A_1250 : vector<16x128xi1>, vector<16x128xf32>
    %select_n3A_1256 = arith.select %eq3A_1246, %roll3A_1252, %roll3A_1254 : vector<16x128xi1>, vector<16x128xi32>
    %gt3A_1257 = arith.cmpf ogt, %select_n3A_1239, %select_n3A_1255 : vector<16x128xf32>
    %eq3A_1258 = arith.cmpf oeq, %select_n3A_1239, %select_n3A_1255 : vector<16x128xf32>
    %lt3A_1259 = arith.cmpi slt, %select_n3A_1240, %select_n3A_1256 : vector<16x128xi32>
    %and3A_1260 = arith.andi %eq3A_1258, %lt3A_1259 : vector<16x128xi1>
    %or3A_1261 = arith.ori %gt3A_1257, %and3A_1260 : vector<16x128xi1>
    %eq3A_1262 = arith.xori %or3A_1261, %eq3A_1246 : vector<16x128xi1>
    %eq3A_1263 = arith.constant dense<true> : vector<16x128xi1>
    %eq3A_1264 = arith.xori %eq3A_1262, %eq3A_1263 : vector<16x128xi1>
    %eq3A_1265 = arith.xori %eq3A_1264, %eq3A_1179 : vector<16x128xi1>
    %eq3A_1266 = arith.constant dense<true> : vector<16x128xi1>
    %eq3A_1267 = arith.xori %eq3A_1265, %eq3A_1266 : vector<16x128xi1>
    %select_n3A_1268 = arith.select %eq3A_1267, %select_n3A_1239, %select_n3A_1255 : vector<16x128xi1>, vector<16x128xf32>
    %select_n3A_1269 = arith.select %eq3A_1267, %select_n3A_1240, %select_n3A_1256 : vector<16x128xi1>, vector<16x128xi32>
    %and3A_1270 = arith.constant 16 : i32
    %and3A_1271 = vector.broadcast %and3A_1270 : i32 to vector<16x128xi32>
    %and3A_1272 = arith.andi %add3A_320, %and3A_1271 : vector<16x128xi32>
    %eq3A_1273 = arith.constant 0 : i32
    %eq3A_1274 = vector.broadcast %eq3A_1273 : i32 to vector<16x128xi32>
    %eq3A_1275 = arith.cmpi eq, %and3A_1272, %eq3A_1274 : vector<16x128xi32>
    %roll3A_1276 = arith.constant 112 : i32
    %roll3A_1277 = tpu.dynamic_rotate %select_n3A_1268 by %roll3A_1276 dim 1 : vector<16x128xf32>, i32 -> vector<16x128xf32>
    %roll3A_1278 = arith.constant 16 : i32
    %roll3A_1279 = tpu.dynamic_rotate %select_n3A_1268 by %roll3A_1278 dim 1 : vector<16x128xf32>, i32 -> vector<16x128xf32>
    %roll3A_1280 = arith.constant 112 : i32
    %roll3A_1281 = tpu.dynamic_rotate %select_n3A_1269 by %roll3A_1280 dim 1 : vector<16x128xi32>, i32 -> vector<16x128xi32>
    %roll3A_1282 = arith.constant 16 : i32
    %roll3A_1283 = tpu.dynamic_rotate %select_n3A_1269 by %roll3A_1282 dim 1 : vector<16x128xi32>, i32 -> vector<16x128xi32>
    %select_n3A_1284 = arith.select %eq3A_1275, %roll3A_1277, %roll3A_1279 : vector<16x128xi1>, vector<16x128xf32>
    %select_n3A_1285 = arith.select %eq3A_1275, %roll3A_1281, %roll3A_1283 : vector<16x128xi1>, vector<16x128xi32>
    %gt3A_1286 = arith.cmpf ogt, %select_n3A_1268, %select_n3A_1284 : vector<16x128xf32>
    %eq3A_1287 = arith.cmpf oeq, %select_n3A_1268, %select_n3A_1284 : vector<16x128xf32>
    %lt3A_1288 = arith.cmpi slt, %select_n3A_1269, %select_n3A_1285 : vector<16x128xi32>
    %and3A_1289 = arith.andi %eq3A_1287, %lt3A_1288 : vector<16x128xi1>
    %or3A_1290 = arith.ori %gt3A_1286, %and3A_1289 : vector<16x128xi1>
    %eq3A_1291 = arith.xori %or3A_1290, %eq3A_1275 : vector<16x128xi1>
    %eq3A_1292 = arith.constant dense<true> : vector<16x128xi1>
    %eq3A_1293 = arith.xori %eq3A_1291, %eq3A_1292 : vector<16x128xi1>
    %eq3A_1294 = arith.xori %eq3A_1293, %eq3A_1179 : vector<16x128xi1>
    %eq3A_1295 = arith.constant dense<true> : vector<16x128xi1>
    %eq3A_1296 = arith.xori %eq3A_1294, %eq3A_1295 : vector<16x128xi1>
    %select_n3A_1297 = arith.select %eq3A_1296, %select_n3A_1268, %select_n3A_1284 : vector<16x128xi1>, vector<16x128xf32>
    %select_n3A_1298 = arith.select %eq3A_1296, %select_n3A_1269, %select_n3A_1285 : vector<16x128xi1>, vector<16x128xi32>
    %and3A_1299 = arith.constant 8 : i32
    %and3A_1300 = vector.broadcast %and3A_1299 : i32 to vector<16x128xi32>
    %and3A_1301 = arith.andi %add3A_320, %and3A_1300 : vector<16x128xi32>
    %eq3A_1302 = arith.constant 0 : i32
    %eq3A_1303 = vector.broadcast %eq3A_1302 : i32 to vector<16x128xi32>
    %eq3A_1304 = arith.cmpi eq, %and3A_1301, %eq3A_1303 : vector<16x128xi32>
    %roll3A_1305 = arith.constant 120 : i32
    %roll3A_1306 = tpu.dynamic_rotate %select_n3A_1297 by %roll3A_1305 dim 1 : vector<16x128xf32>, i32 -> vector<16x128xf32>
    %roll3A_1307 = arith.constant 8 : i32
    %roll3A_1308 = tpu.dynamic_rotate %select_n3A_1297 by %roll3A_1307 dim 1 : vector<16x128xf32>, i32 -> vector<16x128xf32>
    %roll3A_1309 = arith.constant 120 : i32
    %roll3A_1310 = tpu.dynamic_rotate %select_n3A_1298 by %roll3A_1309 dim 1 : vector<16x128xi32>, i32 -> vector<16x128xi32>
    %roll3A_1311 = arith.constant 8 : i32
    %roll3A_1312 = tpu.dynamic_rotate %select_n3A_1298 by %roll3A_1311 dim 1 : vector<16x128xi32>, i32 -> vector<16x128xi32>
    %select_n3A_1313 = arith.select %eq3A_1304, %roll3A_1306, %roll3A_1308 : vector<16x128xi1>, vector<16x128xf32>
    %select_n3A_1314 = arith.select %eq3A_1304, %roll3A_1310, %roll3A_1312 : vector<16x128xi1>, vector<16x128xi32>
    %gt3A_1315 = arith.cmpf ogt, %select_n3A_1297, %select_n3A_1313 : vector<16x128xf32>
    %eq3A_1316 = arith.cmpf oeq, %select_n3A_1297, %select_n3A_1313 : vector<16x128xf32>
    %lt3A_1317 = arith.cmpi slt, %select_n3A_1298, %select_n3A_1314 : vector<16x128xi32>
    %and3A_1318 = arith.andi %eq3A_1316, %lt3A_1317 : vector<16x128xi1>
    %or3A_1319 = arith.ori %gt3A_1315, %and3A_1318 : vector<16x128xi1>
    %eq3A_1320 = arith.xori %or3A_1319, %eq3A_1304 : vector<16x128xi1>
    %eq3A_1321 = arith.constant dense<true> : vector<16x128xi1>
    %eq3A_1322 = arith.xori %eq3A_1320, %eq3A_1321 : vector<16x128xi1>
    %eq3A_1323 = arith.xori %eq3A_1322, %eq3A_1179 : vector<16x128xi1>
    %eq3A_1324 = arith.constant dense<true> : vector<16x128xi1>
    %eq3A_1325 = arith.xori %eq3A_1323, %eq3A_1324 : vector<16x128xi1>
    %select_n3A_1326 = arith.select %eq3A_1325, %select_n3A_1297, %select_n3A_1313 : vector<16x128xi1>, vector<16x128xf32>
    %select_n3A_1327 = arith.select %eq3A_1325, %select_n3A_1298, %select_n3A_1314 : vector<16x128xi1>, vector<16x128xi32>
    %and3A_1328 = arith.constant 4 : i32
    %and3A_1329 = vector.broadcast %and3A_1328 : i32 to vector<16x128xi32>
    %and3A_1330 = arith.andi %add3A_320, %and3A_1329 : vector<16x128xi32>
    %eq3A_1331 = arith.constant 0 : i32
    %eq3A_1332 = vector.broadcast %eq3A_1331 : i32 to vector<16x128xi32>
    %eq3A_1333 = arith.cmpi eq, %and3A_1330, %eq3A_1332 : vector<16x128xi32>
    %roll3A_1334 = arith.constant 124 : i32
    %roll3A_1335 = tpu.dynamic_rotate %select_n3A_1326 by %roll3A_1334 dim 1 : vector<16x128xf32>, i32 -> vector<16x128xf32>
    %roll3A_1336 = arith.constant 4 : i32
    %roll3A_1337 = tpu.dynamic_rotate %select_n3A_1326 by %roll3A_1336 dim 1 : vector<16x128xf32>, i32 -> vector<16x128xf32>
    %roll3A_1338 = arith.constant 124 : i32
    %roll3A_1339 = tpu.dynamic_rotate %select_n3A_1327 by %roll3A_1338 dim 1 : vector<16x128xi32>, i32 -> vector<16x128xi32>
    %roll3A_1340 = arith.constant 4 : i32
    %roll3A_1341 = tpu.dynamic_rotate %select_n3A_1327 by %roll3A_1340 dim 1 : vector<16x128xi32>, i32 -> vector<16x128xi32>
    %select_n3A_1342 = arith.select %eq3A_1333, %roll3A_1335, %roll3A_1337 : vector<16x128xi1>, vector<16x128xf32>
    %select_n3A_1343 = arith.select %eq3A_1333, %roll3A_1339, %roll3A_1341 : vector<16x128xi1>, vector<16x128xi32>
    %gt3A_1344 = arith.cmpf ogt, %select_n3A_1326, %select_n3A_1342 : vector<16x128xf32>
    %eq3A_1345 = arith.cmpf oeq, %select_n3A_1326, %select_n3A_1342 : vector<16x128xf32>
    %lt3A_1346 = arith.cmpi slt, %select_n3A_1327, %select_n3A_1343 : vector<16x128xi32>
    %and3A_1347 = arith.andi %eq3A_1345, %lt3A_1346 : vector<16x128xi1>
    %or3A_1348 = arith.ori %gt3A_1344, %and3A_1347 : vector<16x128xi1>
    %eq3A_1349 = arith.xori %or3A_1348, %eq3A_1333 : vector<16x128xi1>
    %eq3A_1350 = arith.constant dense<true> : vector<16x128xi1>
    %eq3A_1351 = arith.xori %eq3A_1349, %eq3A_1350 : vector<16x128xi1>
    %eq3A_1352 = arith.xori %eq3A_1351, %eq3A_1179 : vector<16x128xi1>
    %eq3A_1353 = arith.constant dense<true> : vector<16x128xi1>
    %eq3A_1354 = arith.xori %eq3A_1352, %eq3A_1353 : vector<16x128xi1>
    %select_n3A_1355 = arith.select %eq3A_1354, %select_n3A_1326, %select_n3A_1342 : vector<16x128xi1>, vector<16x128xf32>
    %select_n3A_1356 = arith.select %eq3A_1354, %select_n3A_1327, %select_n3A_1343 : vector<16x128xi1>, vector<16x128xi32>
    %and3A_1357 = arith.constant 2 : i32
    %and3A_1358 = vector.broadcast %and3A_1357 : i32 to vector<16x128xi32>
    %and3A_1359 = arith.andi %add3A_320, %and3A_1358 : vector<16x128xi32>
    %eq3A_1360 = arith.constant 0 : i32
    %eq3A_1361 = vector.broadcast %eq3A_1360 : i32 to vector<16x128xi32>
    %eq3A_1362 = arith.cmpi eq, %and3A_1359, %eq3A_1361 : vector<16x128xi32>
    %roll3A_1363 = arith.constant 126 : i32
    %roll3A_1364 = tpu.dynamic_rotate %select_n3A_1355 by %roll3A_1363 dim 1 : vector<16x128xf32>, i32 -> vector<16x128xf32>
    %roll3A_1365 = arith.constant 2 : i32
    %roll3A_1366 = tpu.dynamic_rotate %select_n3A_1355 by %roll3A_1365 dim 1 : vector<16x128xf32>, i32 -> vector<16x128xf32>
    %roll3A_1367 = arith.constant 126 : i32
    %roll3A_1368 = tpu.dynamic_rotate %select_n3A_1356 by %roll3A_1367 dim 1 : vector<16x128xi32>, i32 -> vector<16x128xi32>
    %roll3A_1369 = arith.constant 2 : i32
    %roll3A_1370 = tpu.dynamic_rotate %select_n3A_1356 by %roll3A_1369 dim 1 : vector<16x128xi32>, i32 -> vector<16x128xi32>
    %select_n3A_1371 = arith.select %eq3A_1362, %roll3A_1364, %roll3A_1366 : vector<16x128xi1>, vector<16x128xf32>
    %select_n3A_1372 = arith.select %eq3A_1362, %roll3A_1368, %roll3A_1370 : vector<16x128xi1>, vector<16x128xi32>
    %gt3A_1373 = arith.cmpf ogt, %select_n3A_1355, %select_n3A_1371 : vector<16x128xf32>
    %eq3A_1374 = arith.cmpf oeq, %select_n3A_1355, %select_n3A_1371 : vector<16x128xf32>
    %lt3A_1375 = arith.cmpi slt, %select_n3A_1356, %select_n3A_1372 : vector<16x128xi32>
    %and3A_1376 = arith.andi %eq3A_1374, %lt3A_1375 : vector<16x128xi1>
    %or3A_1377 = arith.ori %gt3A_1373, %and3A_1376 : vector<16x128xi1>
    %eq3A_1378 = arith.xori %or3A_1377, %eq3A_1362 : vector<16x128xi1>
    %eq3A_1379 = arith.constant dense<true> : vector<16x128xi1>
    %eq3A_1380 = arith.xori %eq3A_1378, %eq3A_1379 : vector<16x128xi1>
    %eq3A_1381 = arith.xori %eq3A_1380, %eq3A_1179 : vector<16x128xi1>
    %eq3A_1382 = arith.constant dense<true> : vector<16x128xi1>
    %eq3A_1383 = arith.xori %eq3A_1381, %eq3A_1382 : vector<16x128xi1>
    %select_n3A_1384 = arith.select %eq3A_1383, %select_n3A_1355, %select_n3A_1371 : vector<16x128xi1>, vector<16x128xf32>
    %select_n3A_1385 = arith.select %eq3A_1383, %select_n3A_1356, %select_n3A_1372 : vector<16x128xi1>, vector<16x128xi32>
    %and3A_1386 = arith.constant 1 : i32
    %and3A_1387 = vector.broadcast %and3A_1386 : i32 to vector<16x128xi32>
    %and3A_1388 = arith.andi %add3A_320, %and3A_1387 : vector<16x128xi32>
    %eq3A_1389 = arith.constant 0 : i32
    %eq3A_1390 = vector.broadcast %eq3A_1389 : i32 to vector<16x128xi32>
    %eq3A_1391 = arith.cmpi eq, %and3A_1388, %eq3A_1390 : vector<16x128xi32>
    %roll3A_1392 = arith.constant 127 : i32
    %roll3A_1393 = tpu.dynamic_rotate %select_n3A_1384 by %roll3A_1392 dim 1 : vector<16x128xf32>, i32 -> vector<16x128xf32>
    %roll3A_1394 = arith.constant 1 : i32
    %roll3A_1395 = tpu.dynamic_rotate %select_n3A_1384 by %roll3A_1394 dim 1 : vector<16x128xf32>, i32 -> vector<16x128xf32>
    %roll3A_1396 = arith.constant 127 : i32
    %roll3A_1397 = tpu.dynamic_rotate %select_n3A_1385 by %roll3A_1396 dim 1 : vector<16x128xi32>, i32 -> vector<16x128xi32>
    %roll3A_1398 = arith.constant 1 : i32
    %roll3A_1399 = tpu.dynamic_rotate %select_n3A_1385 by %roll3A_1398 dim 1 : vector<16x128xi32>, i32 -> vector<16x128xi32>
    %select_n3A_1400 = arith.select %eq3A_1391, %roll3A_1393, %roll3A_1395 : vector<16x128xi1>, vector<16x128xf32>
    %select_n3A_1401 = arith.select %eq3A_1391, %roll3A_1397, %roll3A_1399 : vector<16x128xi1>, vector<16x128xi32>
    %gt3A_1402 = arith.cmpf ogt, %select_n3A_1384, %select_n3A_1400 : vector<16x128xf32>
    %eq3A_1403 = arith.cmpf oeq, %select_n3A_1384, %select_n3A_1400 : vector<16x128xf32>
    %lt3A_1404 = arith.cmpi slt, %select_n3A_1385, %select_n3A_1401 : vector<16x128xi32>
    %and3A_1405 = arith.andi %eq3A_1403, %lt3A_1404 : vector<16x128xi1>
    %or3A_1406 = arith.ori %gt3A_1402, %and3A_1405 : vector<16x128xi1>
    %eq3A_1407 = arith.xori %or3A_1406, %eq3A_1391 : vector<16x128xi1>
    %eq3A_1408 = arith.constant dense<true> : vector<16x128xi1>
    %eq3A_1409 = arith.xori %eq3A_1407, %eq3A_1408 : vector<16x128xi1>
    %eq3A_1410 = arith.xori %eq3A_1409, %eq3A_1179 : vector<16x128xi1>
    %eq3A_1411 = arith.constant dense<true> : vector<16x128xi1>
    %eq3A_1412 = arith.xori %eq3A_1410, %eq3A_1411 : vector<16x128xi1>
    %select_n3A_1413 = arith.select %eq3A_1412, %select_n3A_1384, %select_n3A_1400 : vector<16x128xi1>, vector<16x128xf32>
    %select_n3A_1414 = arith.select %eq3A_1412, %select_n3A_1385, %select_n3A_1401 : vector<16x128xi1>, vector<16x128xi32>
    %and3A_1415 = arith.constant 512 : i32
    %and3A_1416 = vector.broadcast %and3A_1415 : i32 to vector<16x128xi32>
    %and3A_1417 = arith.andi %add3A_320, %and3A_1416 : vector<16x128xi32>
    %eq3A_1418 = arith.constant 0 : i32
    %eq3A_1419 = vector.broadcast %eq3A_1418 : i32 to vector<16x128xi32>
    %eq3A_1420 = arith.cmpi eq, %and3A_1417, %eq3A_1419 : vector<16x128xi32>
    %and3A_1421 = arith.constant 256 : i32
    %and3A_1422 = vector.broadcast %and3A_1421 : i32 to vector<16x128xi32>
    %and3A_1423 = arith.andi %add3A_320, %and3A_1422 : vector<16x128xi32>
    %eq3A_1424 = arith.constant 0 : i32
    %eq3A_1425 = vector.broadcast %eq3A_1424 : i32 to vector<16x128xi32>
    %eq3A_1426 = arith.cmpi eq, %and3A_1423, %eq3A_1425 : vector<16x128xi32>
    %slice3A_1427 = vector.extract_strided_slice %select_n3A_1413 {offsets = [2, 0], sizes = [14, 128], strides = [1, 1]} : vector<16x128xf32> to vector<14x128xf32>
    %slice3A_1428 = vector.extract_strided_slice %select_n3A_1413 {offsets = [0, 0], sizes = [2, 128], strides = [1, 1]} : vector<16x128xf32> to vector<2x128xf32>
    %concatenate3A_1429 = tpu.concatenate %slice3A_1427, %slice3A_1428 in 0 : vector<14x128xf32>, vector<2x128xf32> -> vector<16x128xf32>
    %slice3A_1430 = vector.extract_strided_slice %select_n3A_1413 {offsets = [14, 0], sizes = [2, 128], strides = [1, 1]} : vector<16x128xf32> to vector<2x128xf32>
    %slice3A_1431 = vector.extract_strided_slice %select_n3A_1413 {offsets = [0, 0], sizes = [14, 128], strides = [1, 1]} : vector<16x128xf32> to vector<14x128xf32>
    %concatenate3A_1432 = tpu.concatenate %slice3A_1430, %slice3A_1431 in 0 : vector<2x128xf32>, vector<14x128xf32> -> vector<16x128xf32>
    %slice3A_1433 = vector.extract_strided_slice %select_n3A_1414 {offsets = [2, 0], sizes = [14, 128], strides = [1, 1]} : vector<16x128xi32> to vector<14x128xi32>
    %slice3A_1434 = vector.extract_strided_slice %select_n3A_1414 {offsets = [0, 0], sizes = [2, 128], strides = [1, 1]} : vector<16x128xi32> to vector<2x128xi32>
    %concatenate3A_1435 = tpu.concatenate %slice3A_1433, %slice3A_1434 in 0 : vector<14x128xi32>, vector<2x128xi32> -> vector<16x128xi32>
    %slice3A_1436 = vector.extract_strided_slice %select_n3A_1414 {offsets = [14, 0], sizes = [2, 128], strides = [1, 1]} : vector<16x128xi32> to vector<2x128xi32>
    %slice3A_1437 = vector.extract_strided_slice %select_n3A_1414 {offsets = [0, 0], sizes = [14, 128], strides = [1, 1]} : vector<16x128xi32> to vector<14x128xi32>
    %concatenate3A_1438 = tpu.concatenate %slice3A_1436, %slice3A_1437 in 0 : vector<2x128xi32>, vector<14x128xi32> -> vector<16x128xi32>
    %select_n3A_1439 = arith.select %eq3A_1426, %concatenate3A_1429, %concatenate3A_1432 : vector<16x128xi1>, vector<16x128xf32>
    %select_n3A_1440 = arith.select %eq3A_1426, %concatenate3A_1435, %concatenate3A_1438 : vector<16x128xi1>, vector<16x128xi32>
    %gt3A_1441 = arith.cmpf ogt, %select_n3A_1413, %select_n3A_1439 : vector<16x128xf32>
    %eq3A_1442 = arith.cmpf oeq, %select_n3A_1413, %select_n3A_1439 : vector<16x128xf32>
    %lt3A_1443 = arith.cmpi slt, %select_n3A_1414, %select_n3A_1440 : vector<16x128xi32>
    %and3A_1444 = arith.andi %eq3A_1442, %lt3A_1443 : vector<16x128xi1>
    %or3A_1445 = arith.ori %gt3A_1441, %and3A_1444 : vector<16x128xi1>
    %eq3A_1446 = arith.xori %or3A_1445, %eq3A_1426 : vector<16x128xi1>
    %eq3A_1447 = arith.constant dense<true> : vector<16x128xi1>
    %eq3A_1448 = arith.xori %eq3A_1446, %eq3A_1447 : vector<16x128xi1>
    %eq3A_1449 = arith.xori %eq3A_1448, %eq3A_1420 : vector<16x128xi1>
    %eq3A_1450 = arith.constant dense<true> : vector<16x128xi1>
    %eq3A_1451 = arith.xori %eq3A_1449, %eq3A_1450 : vector<16x128xi1>
    %select_n3A_1452 = arith.select %eq3A_1451, %select_n3A_1413, %select_n3A_1439 : vector<16x128xi1>, vector<16x128xf32>
    %select_n3A_1453 = arith.select %eq3A_1451, %select_n3A_1414, %select_n3A_1440 : vector<16x128xi1>, vector<16x128xi32>
    %and3A_1454 = arith.constant 128 : i32
    %and3A_1455 = vector.broadcast %and3A_1454 : i32 to vector<16x128xi32>
    %and3A_1456 = arith.andi %add3A_320, %and3A_1455 : vector<16x128xi32>
    %eq3A_1457 = arith.constant 0 : i32
    %eq3A_1458 = vector.broadcast %eq3A_1457 : i32 to vector<16x128xi32>
    %eq3A_1459 = arith.cmpi eq, %and3A_1456, %eq3A_1458 : vector<16x128xi32>
    %slice3A_1460 = vector.extract_strided_slice %select_n3A_1452 {offsets = [1, 0], sizes = [15, 128], strides = [1, 1]} : vector<16x128xf32> to vector<15x128xf32>
    %slice3A_1461 = vector.extract_strided_slice %select_n3A_1452 {offsets = [0, 0], sizes = [1, 128], strides = [1, 1]} : vector<16x128xf32> to vector<1x128xf32>
    %concatenate3A_1462 = tpu.concatenate %slice3A_1460, %slice3A_1461 in 0 : vector<15x128xf32>, vector<1x128xf32> -> vector<16x128xf32>
    %slice3A_1463 = vector.extract_strided_slice %select_n3A_1452 {offsets = [15, 0], sizes = [1, 128], strides = [1, 1]} : vector<16x128xf32> to vector<1x128xf32>
    %slice3A_1464 = vector.extract_strided_slice %select_n3A_1452 {offsets = [0, 0], sizes = [15, 128], strides = [1, 1]} : vector<16x128xf32> to vector<15x128xf32>
    %concatenate3A_1465 = tpu.concatenate %slice3A_1463, %slice3A_1464 in 0 : vector<1x128xf32>, vector<15x128xf32> -> vector<16x128xf32>
    %slice3A_1466 = vector.extract_strided_slice %select_n3A_1453 {offsets = [1, 0], sizes = [15, 128], strides = [1, 1]} : vector<16x128xi32> to vector<15x128xi32>
    %slice3A_1467 = vector.extract_strided_slice %select_n3A_1453 {offsets = [0, 0], sizes = [1, 128], strides = [1, 1]} : vector<16x128xi32> to vector<1x128xi32>
    %concatenate3A_1468 = tpu.concatenate %slice3A_1466, %slice3A_1467 in 0 : vector<15x128xi32>, vector<1x128xi32> -> vector<16x128xi32>
    %slice3A_1469 = vector.extract_strided_slice %select_n3A_1453 {offsets = [15, 0], sizes = [1, 128], strides = [1, 1]} : vector<16x128xi32> to vector<1x128xi32>
    %slice3A_1470 = vector.extract_strided_slice %select_n3A_1453 {offsets = [0, 0], sizes = [15, 128], strides = [1, 1]} : vector<16x128xi32> to vector<15x128xi32>
    %concatenate3A_1471 = tpu.concatenate %slice3A_1469, %slice3A_1470 in 0 : vector<1x128xi32>, vector<15x128xi32> -> vector<16x128xi32>
    %select_n3A_1472 = arith.select %eq3A_1459, %concatenate3A_1462, %concatenate3A_1465 : vector<16x128xi1>, vector<16x128xf32>
    %select_n3A_1473 = arith.select %eq3A_1459, %concatenate3A_1468, %concatenate3A_1471 : vector<16x128xi1>, vector<16x128xi32>
    %gt3A_1474 = arith.cmpf ogt, %select_n3A_1452, %select_n3A_1472 : vector<16x128xf32>
    %eq3A_1475 = arith.cmpf oeq, %select_n3A_1452, %select_n3A_1472 : vector<16x128xf32>
    %lt3A_1476 = arith.cmpi slt, %select_n3A_1453, %select_n3A_1473 : vector<16x128xi32>
    %and3A_1477 = arith.andi %eq3A_1475, %lt3A_1476 : vector<16x128xi1>
    %or3A_1478 = arith.ori %gt3A_1474, %and3A_1477 : vector<16x128xi1>
    %eq3A_1479 = arith.xori %or3A_1478, %eq3A_1459 : vector<16x128xi1>
    %eq3A_1480 = arith.constant dense<true> : vector<16x128xi1>
    %eq3A_1481 = arith.xori %eq3A_1479, %eq3A_1480 : vector<16x128xi1>
    %eq3A_1482 = arith.xori %eq3A_1481, %eq3A_1420 : vector<16x128xi1>
    %eq3A_1483 = arith.constant dense<true> : vector<16x128xi1>
    %eq3A_1484 = arith.xori %eq3A_1482, %eq3A_1483 : vector<16x128xi1>
    %select_n3A_1485 = arith.select %eq3A_1484, %select_n3A_1452, %select_n3A_1472 : vector<16x128xi1>, vector<16x128xf32>
    %select_n3A_1486 = arith.select %eq3A_1484, %select_n3A_1453, %select_n3A_1473 : vector<16x128xi1>, vector<16x128xi32>
    %and3A_1487 = arith.constant 64 : i32
    %and3A_1488 = vector.broadcast %and3A_1487 : i32 to vector<16x128xi32>
    %and3A_1489 = arith.andi %add3A_320, %and3A_1488 : vector<16x128xi32>
    %eq3A_1490 = arith.constant 0 : i32
    %eq3A_1491 = vector.broadcast %eq3A_1490 : i32 to vector<16x128xi32>
    %eq3A_1492 = arith.cmpi eq, %and3A_1489, %eq3A_1491 : vector<16x128xi32>
    %roll3A_1493 = arith.constant 64 : i32
    %roll3A_1494 = tpu.dynamic_rotate %select_n3A_1485 by %roll3A_1493 dim 1 : vector<16x128xf32>, i32 -> vector<16x128xf32>
    %roll3A_1495 = arith.constant 64 : i32
    %roll3A_1496 = tpu.dynamic_rotate %select_n3A_1485 by %roll3A_1495 dim 1 : vector<16x128xf32>, i32 -> vector<16x128xf32>
    %roll3A_1497 = arith.constant 64 : i32
    %roll3A_1498 = tpu.dynamic_rotate %select_n3A_1486 by %roll3A_1497 dim 1 : vector<16x128xi32>, i32 -> vector<16x128xi32>
    %roll3A_1499 = arith.constant 64 : i32
    %roll3A_1500 = tpu.dynamic_rotate %select_n3A_1486 by %roll3A_1499 dim 1 : vector<16x128xi32>, i32 -> vector<16x128xi32>
    %select_n3A_1501 = arith.select %eq3A_1492, %roll3A_1494, %roll3A_1496 : vector<16x128xi1>, vector<16x128xf32>
    %select_n3A_1502 = arith.select %eq3A_1492, %roll3A_1498, %roll3A_1500 : vector<16x128xi1>, vector<16x128xi32>
    %gt3A_1503 = arith.cmpf ogt, %select_n3A_1485, %select_n3A_1501 : vector<16x128xf32>
    %eq3A_1504 = arith.cmpf oeq, %select_n3A_1485, %select_n3A_1501 : vector<16x128xf32>
    %lt3A_1505 = arith.cmpi slt, %select_n3A_1486, %select_n3A_1502 : vector<16x128xi32>
    %and3A_1506 = arith.andi %eq3A_1504, %lt3A_1505 : vector<16x128xi1>
    %or3A_1507 = arith.ori %gt3A_1503, %and3A_1506 : vector<16x128xi1>
    %eq3A_1508 = arith.xori %or3A_1507, %eq3A_1492 : vector<16x128xi1>
    %eq3A_1509 = arith.constant dense<true> : vector<16x128xi1>
    %eq3A_1510 = arith.xori %eq3A_1508, %eq3A_1509 : vector<16x128xi1>
    %eq3A_1511 = arith.xori %eq3A_1510, %eq3A_1420 : vector<16x128xi1>
    %eq3A_1512 = arith.constant dense<true> : vector<16x128xi1>
    %eq3A_1513 = arith.xori %eq3A_1511, %eq3A_1512 : vector<16x128xi1>
    %select_n3A_1514 = arith.select %eq3A_1513, %select_n3A_1485, %select_n3A_1501 : vector<16x128xi1>, vector<16x128xf32>
    %select_n3A_1515 = arith.select %eq3A_1513, %select_n3A_1486, %select_n3A_1502 : vector<16x128xi1>, vector<16x128xi32>
    %and3A_1516 = arith.constant 32 : i32
    %and3A_1517 = vector.broadcast %and3A_1516 : i32 to vector<16x128xi32>
    %and3A_1518 = arith.andi %add3A_320, %and3A_1517 : vector<16x128xi32>
    %eq3A_1519 = arith.constant 0 : i32
    %eq3A_1520 = vector.broadcast %eq3A_1519 : i32 to vector<16x128xi32>
    %eq3A_1521 = arith.cmpi eq, %and3A_1518, %eq3A_1520 : vector<16x128xi32>
    %roll3A_1522 = arith.constant 96 : i32
    %roll3A_1523 = tpu.dynamic_rotate %select_n3A_1514 by %roll3A_1522 dim 1 : vector<16x128xf32>, i32 -> vector<16x128xf32>
    %roll3A_1524 = arith.constant 32 : i32
    %roll3A_1525 = tpu.dynamic_rotate %select_n3A_1514 by %roll3A_1524 dim 1 : vector<16x128xf32>, i32 -> vector<16x128xf32>
    %roll3A_1526 = arith.constant 96 : i32
    %roll3A_1527 = tpu.dynamic_rotate %select_n3A_1515 by %roll3A_1526 dim 1 : vector<16x128xi32>, i32 -> vector<16x128xi32>
    %roll3A_1528 = arith.constant 32 : i32
    %roll3A_1529 = tpu.dynamic_rotate %select_n3A_1515 by %roll3A_1528 dim 1 : vector<16x128xi32>, i32 -> vector<16x128xi32>
    %select_n3A_1530 = arith.select %eq3A_1521, %roll3A_1523, %roll3A_1525 : vector<16x128xi1>, vector<16x128xf32>
    %select_n3A_1531 = arith.select %eq3A_1521, %roll3A_1527, %roll3A_1529 : vector<16x128xi1>, vector<16x128xi32>
    %gt3A_1532 = arith.cmpf ogt, %select_n3A_1514, %select_n3A_1530 : vector<16x128xf32>
    %eq3A_1533 = arith.cmpf oeq, %select_n3A_1514, %select_n3A_1530 : vector<16x128xf32>
    %lt3A_1534 = arith.cmpi slt, %select_n3A_1515, %select_n3A_1531 : vector<16x128xi32>
    %and3A_1535 = arith.andi %eq3A_1533, %lt3A_1534 : vector<16x128xi1>
    %or3A_1536 = arith.ori %gt3A_1532, %and3A_1535 : vector<16x128xi1>
    %eq3A_1537 = arith.xori %or3A_1536, %eq3A_1521 : vector<16x128xi1>
    %eq3A_1538 = arith.constant dense<true> : vector<16x128xi1>
    %eq3A_1539 = arith.xori %eq3A_1537, %eq3A_1538 : vector<16x128xi1>
    %eq3A_1540 = arith.xori %eq3A_1539, %eq3A_1420 : vector<16x128xi1>
    %eq3A_1541 = arith.constant dense<true> : vector<16x128xi1>
    %eq3A_1542 = arith.xori %eq3A_1540, %eq3A_1541 : vector<16x128xi1>
    %select_n3A_1543 = arith.select %eq3A_1542, %select_n3A_1514, %select_n3A_1530 : vector<16x128xi1>, vector<16x128xf32>
    %select_n3A_1544 = arith.select %eq3A_1542, %select_n3A_1515, %select_n3A_1531 : vector<16x128xi1>, vector<16x128xi32>
    %and3A_1545 = arith.constant 16 : i32
    %and3A_1546 = vector.broadcast %and3A_1545 : i32 to vector<16x128xi32>
    %and3A_1547 = arith.andi %add3A_320, %and3A_1546 : vector<16x128xi32>
    %eq3A_1548 = arith.constant 0 : i32
    %eq3A_1549 = vector.broadcast %eq3A_1548 : i32 to vector<16x128xi32>
    %eq3A_1550 = arith.cmpi eq, %and3A_1547, %eq3A_1549 : vector<16x128xi32>
    %roll3A_1551 = arith.constant 112 : i32
    %roll3A_1552 = tpu.dynamic_rotate %select_n3A_1543 by %roll3A_1551 dim 1 : vector<16x128xf32>, i32 -> vector<16x128xf32>
    %roll3A_1553 = arith.constant 16 : i32
    %roll3A_1554 = tpu.dynamic_rotate %select_n3A_1543 by %roll3A_1553 dim 1 : vector<16x128xf32>, i32 -> vector<16x128xf32>
    %roll3A_1555 = arith.constant 112 : i32
    %roll3A_1556 = tpu.dynamic_rotate %select_n3A_1544 by %roll3A_1555 dim 1 : vector<16x128xi32>, i32 -> vector<16x128xi32>
    %roll3A_1557 = arith.constant 16 : i32
    %roll3A_1558 = tpu.dynamic_rotate %select_n3A_1544 by %roll3A_1557 dim 1 : vector<16x128xi32>, i32 -> vector<16x128xi32>
    %select_n3A_1559 = arith.select %eq3A_1550, %roll3A_1552, %roll3A_1554 : vector<16x128xi1>, vector<16x128xf32>
    %select_n3A_1560 = arith.select %eq3A_1550, %roll3A_1556, %roll3A_1558 : vector<16x128xi1>, vector<16x128xi32>
    %gt3A_1561 = arith.cmpf ogt, %select_n3A_1543, %select_n3A_1559 : vector<16x128xf32>
    %eq3A_1562 = arith.cmpf oeq, %select_n3A_1543, %select_n3A_1559 : vector<16x128xf32>
    %lt3A_1563 = arith.cmpi slt, %select_n3A_1544, %select_n3A_1560 : vector<16x128xi32>
    %and3A_1564 = arith.andi %eq3A_1562, %lt3A_1563 : vector<16x128xi1>
    %or3A_1565 = arith.ori %gt3A_1561, %and3A_1564 : vector<16x128xi1>
    %eq3A_1566 = arith.xori %or3A_1565, %eq3A_1550 : vector<16x128xi1>
    %eq3A_1567 = arith.constant dense<true> : vector<16x128xi1>
    %eq3A_1568 = arith.xori %eq3A_1566, %eq3A_1567 : vector<16x128xi1>
    %eq3A_1569 = arith.xori %eq3A_1568, %eq3A_1420 : vector<16x128xi1>
    %eq3A_1570 = arith.constant dense<true> : vector<16x128xi1>
    %eq3A_1571 = arith.xori %eq3A_1569, %eq3A_1570 : vector<16x128xi1>
    %select_n3A_1572 = arith.select %eq3A_1571, %select_n3A_1543, %select_n3A_1559 : vector<16x128xi1>, vector<16x128xf32>
    %select_n3A_1573 = arith.select %eq3A_1571, %select_n3A_1544, %select_n3A_1560 : vector<16x128xi1>, vector<16x128xi32>
    %and3A_1574 = arith.constant 8 : i32
    %and3A_1575 = vector.broadcast %and3A_1574 : i32 to vector<16x128xi32>
    %and3A_1576 = arith.andi %add3A_320, %and3A_1575 : vector<16x128xi32>
    %eq3A_1577 = arith.constant 0 : i32
    %eq3A_1578 = vector.broadcast %eq3A_1577 : i32 to vector<16x128xi32>
    %eq3A_1579 = arith.cmpi eq, %and3A_1576, %eq3A_1578 : vector<16x128xi32>
    %roll3A_1580 = arith.constant 120 : i32
    %roll3A_1581 = tpu.dynamic_rotate %select_n3A_1572 by %roll3A_1580 dim 1 : vector<16x128xf32>, i32 -> vector<16x128xf32>
    %roll3A_1582 = arith.constant 8 : i32
    %roll3A_1583 = tpu.dynamic_rotate %select_n3A_1572 by %roll3A_1582 dim 1 : vector<16x128xf32>, i32 -> vector<16x128xf32>
    %roll3A_1584 = arith.constant 120 : i32
    %roll3A_1585 = tpu.dynamic_rotate %select_n3A_1573 by %roll3A_1584 dim 1 : vector<16x128xi32>, i32 -> vector<16x128xi32>
    %roll3A_1586 = arith.constant 8 : i32
    %roll3A_1587 = tpu.dynamic_rotate %select_n3A_1573 by %roll3A_1586 dim 1 : vector<16x128xi32>, i32 -> vector<16x128xi32>
    %select_n3A_1588 = arith.select %eq3A_1579, %roll3A_1581, %roll3A_1583 : vector<16x128xi1>, vector<16x128xf32>
    %select_n3A_1589 = arith.select %eq3A_1579, %roll3A_1585, %roll3A_1587 : vector<16x128xi1>, vector<16x128xi32>
    %gt3A_1590 = arith.cmpf ogt, %select_n3A_1572, %select_n3A_1588 : vector<16x128xf32>
    %eq3A_1591 = arith.cmpf oeq, %select_n3A_1572, %select_n3A_1588 : vector<16x128xf32>
    %lt3A_1592 = arith.cmpi slt, %select_n3A_1573, %select_n3A_1589 : vector<16x128xi32>
    %and3A_1593 = arith.andi %eq3A_1591, %lt3A_1592 : vector<16x128xi1>
    %or3A_1594 = arith.ori %gt3A_1590, %and3A_1593 : vector<16x128xi1>
    %eq3A_1595 = arith.xori %or3A_1594, %eq3A_1579 : vector<16x128xi1>
    %eq3A_1596 = arith.constant dense<true> : vector<16x128xi1>
    %eq3A_1597 = arith.xori %eq3A_1595, %eq3A_1596 : vector<16x128xi1>
    %eq3A_1598 = arith.xori %eq3A_1597, %eq3A_1420 : vector<16x128xi1>
    %eq3A_1599 = arith.constant dense<true> : vector<16x128xi1>
    %eq3A_1600 = arith.xori %eq3A_1598, %eq3A_1599 : vector<16x128xi1>
    %select_n3A_1601 = arith.select %eq3A_1600, %select_n3A_1572, %select_n3A_1588 : vector<16x128xi1>, vector<16x128xf32>
    %select_n3A_1602 = arith.select %eq3A_1600, %select_n3A_1573, %select_n3A_1589 : vector<16x128xi1>, vector<16x128xi32>
    %and3A_1603 = arith.constant 4 : i32
    %and3A_1604 = vector.broadcast %and3A_1603 : i32 to vector<16x128xi32>
    %and3A_1605 = arith.andi %add3A_320, %and3A_1604 : vector<16x128xi32>
    %eq3A_1606 = arith.constant 0 : i32
    %eq3A_1607 = vector.broadcast %eq3A_1606 : i32 to vector<16x128xi32>
    %eq3A_1608 = arith.cmpi eq, %and3A_1605, %eq3A_1607 : vector<16x128xi32>
    %roll3A_1609 = arith.constant 124 : i32
    %roll3A_1610 = tpu.dynamic_rotate %select_n3A_1601 by %roll3A_1609 dim 1 : vector<16x128xf32>, i32 -> vector<16x128xf32>
    %roll3A_1611 = arith.constant 4 : i32
    %roll3A_1612 = tpu.dynamic_rotate %select_n3A_1601 by %roll3A_1611 dim 1 : vector<16x128xf32>, i32 -> vector<16x128xf32>
    %roll3A_1613 = arith.constant 124 : i32
    %roll3A_1614 = tpu.dynamic_rotate %select_n3A_1602 by %roll3A_1613 dim 1 : vector<16x128xi32>, i32 -> vector<16x128xi32>
    %roll3A_1615 = arith.constant 4 : i32
    %roll3A_1616 = tpu.dynamic_rotate %select_n3A_1602 by %roll3A_1615 dim 1 : vector<16x128xi32>, i32 -> vector<16x128xi32>
    %select_n3A_1617 = arith.select %eq3A_1608, %roll3A_1610, %roll3A_1612 : vector<16x128xi1>, vector<16x128xf32>
    %select_n3A_1618 = arith.select %eq3A_1608, %roll3A_1614, %roll3A_1616 : vector<16x128xi1>, vector<16x128xi32>
    %gt3A_1619 = arith.cmpf ogt, %select_n3A_1601, %select_n3A_1617 : vector<16x128xf32>
    %eq3A_1620 = arith.cmpf oeq, %select_n3A_1601, %select_n3A_1617 : vector<16x128xf32>
    %lt3A_1621 = arith.cmpi slt, %select_n3A_1602, %select_n3A_1618 : vector<16x128xi32>
    %and3A_1622 = arith.andi %eq3A_1620, %lt3A_1621 : vector<16x128xi1>
    %or3A_1623 = arith.ori %gt3A_1619, %and3A_1622 : vector<16x128xi1>
    %eq3A_1624 = arith.xori %or3A_1623, %eq3A_1608 : vector<16x128xi1>
    %eq3A_1625 = arith.constant dense<true> : vector<16x128xi1>
    %eq3A_1626 = arith.xori %eq3A_1624, %eq3A_1625 : vector<16x128xi1>
    %eq3A_1627 = arith.xori %eq3A_1626, %eq3A_1420 : vector<16x128xi1>
    %eq3A_1628 = arith.constant dense<true> : vector<16x128xi1>
    %eq3A_1629 = arith.xori %eq3A_1627, %eq3A_1628 : vector<16x128xi1>
    %select_n3A_1630 = arith.select %eq3A_1629, %select_n3A_1601, %select_n3A_1617 : vector<16x128xi1>, vector<16x128xf32>
    %select_n3A_1631 = arith.select %eq3A_1629, %select_n3A_1602, %select_n3A_1618 : vector<16x128xi1>, vector<16x128xi32>
    %and3A_1632 = arith.constant 2 : i32
    %and3A_1633 = vector.broadcast %and3A_1632 : i32 to vector<16x128xi32>
    %and3A_1634 = arith.andi %add3A_320, %and3A_1633 : vector<16x128xi32>
    %eq3A_1635 = arith.constant 0 : i32
    %eq3A_1636 = vector.broadcast %eq3A_1635 : i32 to vector<16x128xi32>
    %eq3A_1637 = arith.cmpi eq, %and3A_1634, %eq3A_1636 : vector<16x128xi32>
    %roll3A_1638 = arith.constant 126 : i32
    %roll3A_1639 = tpu.dynamic_rotate %select_n3A_1630 by %roll3A_1638 dim 1 : vector<16x128xf32>, i32 -> vector<16x128xf32>
    %roll3A_1640 = arith.constant 2 : i32
    %roll3A_1641 = tpu.dynamic_rotate %select_n3A_1630 by %roll3A_1640 dim 1 : vector<16x128xf32>, i32 -> vector<16x128xf32>
    %roll3A_1642 = arith.constant 126 : i32
    %roll3A_1643 = tpu.dynamic_rotate %select_n3A_1631 by %roll3A_1642 dim 1 : vector<16x128xi32>, i32 -> vector<16x128xi32>
    %roll3A_1644 = arith.constant 2 : i32
    %roll3A_1645 = tpu.dynamic_rotate %select_n3A_1631 by %roll3A_1644 dim 1 : vector<16x128xi32>, i32 -> vector<16x128xi32>
    %select_n3A_1646 = arith.select %eq3A_1637, %roll3A_1639, %roll3A_1641 : vector<16x128xi1>, vector<16x128xf32>
    %select_n3A_1647 = arith.select %eq3A_1637, %roll3A_1643, %roll3A_1645 : vector<16x128xi1>, vector<16x128xi32>
    %gt3A_1648 = arith.cmpf ogt, %select_n3A_1630, %select_n3A_1646 : vector<16x128xf32>
    %eq3A_1649 = arith.cmpf oeq, %select_n3A_1630, %select_n3A_1646 : vector<16x128xf32>
    %lt3A_1650 = arith.cmpi slt, %select_n3A_1631, %select_n3A_1647 : vector<16x128xi32>
    %and3A_1651 = arith.andi %eq3A_1649, %lt3A_1650 : vector<16x128xi1>
    %or3A_1652 = arith.ori %gt3A_1648, %and3A_1651 : vector<16x128xi1>
    %eq3A_1653 = arith.xori %or3A_1652, %eq3A_1637 : vector<16x128xi1>
    %eq3A_1654 = arith.constant dense<true> : vector<16x128xi1>
    %eq3A_1655 = arith.xori %eq3A_1653, %eq3A_1654 : vector<16x128xi1>
    %eq3A_1656 = arith.xori %eq3A_1655, %eq3A_1420 : vector<16x128xi1>
    %eq3A_1657 = arith.constant dense<true> : vector<16x128xi1>
    %eq3A_1658 = arith.xori %eq3A_1656, %eq3A_1657 : vector<16x128xi1>
    %select_n3A_1659 = arith.select %eq3A_1658, %select_n3A_1630, %select_n3A_1646 : vector<16x128xi1>, vector<16x128xf32>
    %select_n3A_1660 = arith.select %eq3A_1658, %select_n3A_1631, %select_n3A_1647 : vector<16x128xi1>, vector<16x128xi32>
    %and3A_1661 = arith.constant 1 : i32
    %and3A_1662 = vector.broadcast %and3A_1661 : i32 to vector<16x128xi32>
    %and3A_1663 = arith.andi %add3A_320, %and3A_1662 : vector<16x128xi32>
    %eq3A_1664 = arith.constant 0 : i32
    %eq3A_1665 = vector.broadcast %eq3A_1664 : i32 to vector<16x128xi32>
    %eq3A_1666 = arith.cmpi eq, %and3A_1663, %eq3A_1665 : vector<16x128xi32>
    %roll3A_1667 = arith.constant 127 : i32
    %roll3A_1668 = tpu.dynamic_rotate %select_n3A_1659 by %roll3A_1667 dim 1 : vector<16x128xf32>, i32 -> vector<16x128xf32>
    %roll3A_1669 = arith.constant 1 : i32
    %roll3A_1670 = tpu.dynamic_rotate %select_n3A_1659 by %roll3A_1669 dim 1 : vector<16x128xf32>, i32 -> vector<16x128xf32>
    %roll3A_1671 = arith.constant 127 : i32
    %roll3A_1672 = tpu.dynamic_rotate %select_n3A_1660 by %roll3A_1671 dim 1 : vector<16x128xi32>, i32 -> vector<16x128xi32>
    %roll3A_1673 = arith.constant 1 : i32
    %roll3A_1674 = tpu.dynamic_rotate %select_n3A_1660 by %roll3A_1673 dim 1 : vector<16x128xi32>, i32 -> vector<16x128xi32>
    %select_n3A_1675 = arith.select %eq3A_1666, %roll3A_1668, %roll3A_1670 : vector<16x128xi1>, vector<16x128xf32>
    %select_n3A_1676 = arith.select %eq3A_1666, %roll3A_1672, %roll3A_1674 : vector<16x128xi1>, vector<16x128xi32>
    %gt3A_1677 = arith.cmpf ogt, %select_n3A_1659, %select_n3A_1675 : vector<16x128xf32>
    %eq3A_1678 = arith.cmpf oeq, %select_n3A_1659, %select_n3A_1675 : vector<16x128xf32>
    %lt3A_1679 = arith.cmpi slt, %select_n3A_1660, %select_n3A_1676 : vector<16x128xi32>
    %and3A_1680 = arith.andi %eq3A_1678, %lt3A_1679 : vector<16x128xi1>
    %or3A_1681 = arith.ori %gt3A_1677, %and3A_1680 : vector<16x128xi1>
    %eq3A_1682 = arith.xori %or3A_1681, %eq3A_1666 : vector<16x128xi1>
    %eq3A_1683 = arith.constant dense<true> : vector<16x128xi1>
    %eq3A_1684 = arith.xori %eq3A_1682, %eq3A_1683 : vector<16x128xi1>
    %eq3A_1685 = arith.xori %eq3A_1684, %eq3A_1420 : vector<16x128xi1>
    %eq3A_1686 = arith.constant dense<true> : vector<16x128xi1>
    %eq3A_1687 = arith.xori %eq3A_1685, %eq3A_1686 : vector<16x128xi1>
    %select_n3A_1688 = arith.select %eq3A_1687, %select_n3A_1659, %select_n3A_1675 : vector<16x128xi1>, vector<16x128xf32>
    %select_n3A_1689 = arith.select %eq3A_1687, %select_n3A_1660, %select_n3A_1676 : vector<16x128xi1>, vector<16x128xi32>
    %and3A_1690 = arith.constant 1024 : i32
    %and3A_1691 = vector.broadcast %and3A_1690 : i32 to vector<16x128xi32>
    %and3A_1692 = arith.andi %add3A_320, %and3A_1691 : vector<16x128xi32>
    %eq3A_1693 = arith.constant 0 : i32
    %eq3A_1694 = vector.broadcast %eq3A_1693 : i32 to vector<16x128xi32>
    %eq3A_1695 = arith.cmpi eq, %and3A_1692, %eq3A_1694 : vector<16x128xi32>
    %and3A_1696 = arith.constant 512 : i32
    %and3A_1697 = vector.broadcast %and3A_1696 : i32 to vector<16x128xi32>
    %and3A_1698 = arith.andi %add3A_320, %and3A_1697 : vector<16x128xi32>
    %eq3A_1699 = arith.constant 0 : i32
    %eq3A_1700 = vector.broadcast %eq3A_1699 : i32 to vector<16x128xi32>
    %eq3A_1701 = arith.cmpi eq, %and3A_1698, %eq3A_1700 : vector<16x128xi32>
    %slice3A_1702 = vector.extract_strided_slice %select_n3A_1688 {offsets = [4, 0], sizes = [12, 128], strides = [1, 1]} : vector<16x128xf32> to vector<12x128xf32>
    %slice3A_1703 = vector.extract_strided_slice %select_n3A_1688 {offsets = [0, 0], sizes = [4, 128], strides = [1, 1]} : vector<16x128xf32> to vector<4x128xf32>
    %concatenate3A_1704 = tpu.concatenate %slice3A_1702, %slice3A_1703 in 0 : vector<12x128xf32>, vector<4x128xf32> -> vector<16x128xf32>
    %slice3A_1705 = vector.extract_strided_slice %select_n3A_1688 {offsets = [12, 0], sizes = [4, 128], strides = [1, 1]} : vector<16x128xf32> to vector<4x128xf32>
    %slice3A_1706 = vector.extract_strided_slice %select_n3A_1688 {offsets = [0, 0], sizes = [12, 128], strides = [1, 1]} : vector<16x128xf32> to vector<12x128xf32>
    %concatenate3A_1707 = tpu.concatenate %slice3A_1705, %slice3A_1706 in 0 : vector<4x128xf32>, vector<12x128xf32> -> vector<16x128xf32>
    %slice3A_1708 = vector.extract_strided_slice %select_n3A_1689 {offsets = [4, 0], sizes = [12, 128], strides = [1, 1]} : vector<16x128xi32> to vector<12x128xi32>
    %slice3A_1709 = vector.extract_strided_slice %select_n3A_1689 {offsets = [0, 0], sizes = [4, 128], strides = [1, 1]} : vector<16x128xi32> to vector<4x128xi32>
    %concatenate3A_1710 = tpu.concatenate %slice3A_1708, %slice3A_1709 in 0 : vector<12x128xi32>, vector<4x128xi32> -> vector<16x128xi32>
    %slice3A_1711 = vector.extract_strided_slice %select_n3A_1689 {offsets = [12, 0], sizes = [4, 128], strides = [1, 1]} : vector<16x128xi32> to vector<4x128xi32>
    %slice3A_1712 = vector.extract_strided_slice %select_n3A_1689 {offsets = [0, 0], sizes = [12, 128], strides = [1, 1]} : vector<16x128xi32> to vector<12x128xi32>
    %concatenate3A_1713 = tpu.concatenate %slice3A_1711, %slice3A_1712 in 0 : vector<4x128xi32>, vector<12x128xi32> -> vector<16x128xi32>
    %select_n3A_1714 = arith.select %eq3A_1701, %concatenate3A_1704, %concatenate3A_1707 : vector<16x128xi1>, vector<16x128xf32>
    %select_n3A_1715 = arith.select %eq3A_1701, %concatenate3A_1710, %concatenate3A_1713 : vector<16x128xi1>, vector<16x128xi32>
    %gt3A_1716 = arith.cmpf ogt, %select_n3A_1688, %select_n3A_1714 : vector<16x128xf32>
    %eq3A_1717 = arith.cmpf oeq, %select_n3A_1688, %select_n3A_1714 : vector<16x128xf32>
    %lt3A_1718 = arith.cmpi slt, %select_n3A_1689, %select_n3A_1715 : vector<16x128xi32>
    %and3A_1719 = arith.andi %eq3A_1717, %lt3A_1718 : vector<16x128xi1>
    %or3A_1720 = arith.ori %gt3A_1716, %and3A_1719 : vector<16x128xi1>
    %eq3A_1721 = arith.xori %or3A_1720, %eq3A_1701 : vector<16x128xi1>
    %eq3A_1722 = arith.constant dense<true> : vector<16x128xi1>
    %eq3A_1723 = arith.xori %eq3A_1721, %eq3A_1722 : vector<16x128xi1>
    %eq3A_1724 = arith.xori %eq3A_1723, %eq3A_1695 : vector<16x128xi1>
    %eq3A_1725 = arith.constant dense<true> : vector<16x128xi1>
    %eq3A_1726 = arith.xori %eq3A_1724, %eq3A_1725 : vector<16x128xi1>
    %select_n3A_1727 = arith.select %eq3A_1726, %select_n3A_1688, %select_n3A_1714 : vector<16x128xi1>, vector<16x128xf32>
    %select_n3A_1728 = arith.select %eq3A_1726, %select_n3A_1689, %select_n3A_1715 : vector<16x128xi1>, vector<16x128xi32>
    %and3A_1729 = arith.constant 256 : i32
    %and3A_1730 = vector.broadcast %and3A_1729 : i32 to vector<16x128xi32>
    %and3A_1731 = arith.andi %add3A_320, %and3A_1730 : vector<16x128xi32>
    %eq3A_1732 = arith.constant 0 : i32
    %eq3A_1733 = vector.broadcast %eq3A_1732 : i32 to vector<16x128xi32>
    %eq3A_1734 = arith.cmpi eq, %and3A_1731, %eq3A_1733 : vector<16x128xi32>
    %slice3A_1735 = vector.extract_strided_slice %select_n3A_1727 {offsets = [2, 0], sizes = [14, 128], strides = [1, 1]} : vector<16x128xf32> to vector<14x128xf32>
    %slice3A_1736 = vector.extract_strided_slice %select_n3A_1727 {offsets = [0, 0], sizes = [2, 128], strides = [1, 1]} : vector<16x128xf32> to vector<2x128xf32>
    %concatenate3A_1737 = tpu.concatenate %slice3A_1735, %slice3A_1736 in 0 : vector<14x128xf32>, vector<2x128xf32> -> vector<16x128xf32>
    %slice3A_1738 = vector.extract_strided_slice %select_n3A_1727 {offsets = [14, 0], sizes = [2, 128], strides = [1, 1]} : vector<16x128xf32> to vector<2x128xf32>
    %slice3A_1739 = vector.extract_strided_slice %select_n3A_1727 {offsets = [0, 0], sizes = [14, 128], strides = [1, 1]} : vector<16x128xf32> to vector<14x128xf32>
    %concatenate3A_1740 = tpu.concatenate %slice3A_1738, %slice3A_1739 in 0 : vector<2x128xf32>, vector<14x128xf32> -> vector<16x128xf32>
    %slice3A_1741 = vector.extract_strided_slice %select_n3A_1728 {offsets = [2, 0], sizes = [14, 128], strides = [1, 1]} : vector<16x128xi32> to vector<14x128xi32>
    %slice3A_1742 = vector.extract_strided_slice %select_n3A_1728 {offsets = [0, 0], sizes = [2, 128], strides = [1, 1]} : vector<16x128xi32> to vector<2x128xi32>
    %concatenate3A_1743 = tpu.concatenate %slice3A_1741, %slice3A_1742 in 0 : vector<14x128xi32>, vector<2x128xi32> -> vector<16x128xi32>
    %slice3A_1744 = vector.extract_strided_slice %select_n3A_1728 {offsets = [14, 0], sizes = [2, 128], strides = [1, 1]} : vector<16x128xi32> to vector<2x128xi32>
    %slice3A_1745 = vector.extract_strided_slice %select_n3A_1728 {offsets = [0, 0], sizes = [14, 128], strides = [1, 1]} : vector<16x128xi32> to vector<14x128xi32>
    %concatenate3A_1746 = tpu.concatenate %slice3A_1744, %slice3A_1745 in 0 : vector<2x128xi32>, vector<14x128xi32> -> vector<16x128xi32>
    %select_n3A_1747 = arith.select %eq3A_1734, %concatenate3A_1737, %concatenate3A_1740 : vector<16x128xi1>, vector<16x128xf32>
    %select_n3A_1748 = arith.select %eq3A_1734, %concatenate3A_1743, %concatenate3A_1746 : vector<16x128xi1>, vector<16x128xi32>
    %gt3A_1749 = arith.cmpf ogt, %select_n3A_1727, %select_n3A_1747 : vector<16x128xf32>
    %eq3A_1750 = arith.cmpf oeq, %select_n3A_1727, %select_n3A_1747 : vector<16x128xf32>
    %lt3A_1751 = arith.cmpi slt, %select_n3A_1728, %select_n3A_1748 : vector<16x128xi32>
    %and3A_1752 = arith.andi %eq3A_1750, %lt3A_1751 : vector<16x128xi1>
    %or3A_1753 = arith.ori %gt3A_1749, %and3A_1752 : vector<16x128xi1>
    %eq3A_1754 = arith.xori %or3A_1753, %eq3A_1734 : vector<16x128xi1>
    %eq3A_1755 = arith.constant dense<true> : vector<16x128xi1>
    %eq3A_1756 = arith.xori %eq3A_1754, %eq3A_1755 : vector<16x128xi1>
    %eq3A_1757 = arith.xori %eq3A_1756, %eq3A_1695 : vector<16x128xi1>
    %eq3A_1758 = arith.constant dense<true> : vector<16x128xi1>
    %eq3A_1759 = arith.xori %eq3A_1757, %eq3A_1758 : vector<16x128xi1>
    %select_n3A_1760 = arith.select %eq3A_1759, %select_n3A_1727, %select_n3A_1747 : vector<16x128xi1>, vector<16x128xf32>
    %select_n3A_1761 = arith.select %eq3A_1759, %select_n3A_1728, %select_n3A_1748 : vector<16x128xi1>, vector<16x128xi32>
    %and3A_1762 = arith.constant 128 : i32
    %and3A_1763 = vector.broadcast %and3A_1762 : i32 to vector<16x128xi32>
    %and3A_1764 = arith.andi %add3A_320, %and3A_1763 : vector<16x128xi32>
    %eq3A_1765 = arith.constant 0 : i32
    %eq3A_1766 = vector.broadcast %eq3A_1765 : i32 to vector<16x128xi32>
    %eq3A_1767 = arith.cmpi eq, %and3A_1764, %eq3A_1766 : vector<16x128xi32>
    %slice3A_1768 = vector.extract_strided_slice %select_n3A_1760 {offsets = [1, 0], sizes = [15, 128], strides = [1, 1]} : vector<16x128xf32> to vector<15x128xf32>
    %slice3A_1769 = vector.extract_strided_slice %select_n3A_1760 {offsets = [0, 0], sizes = [1, 128], strides = [1, 1]} : vector<16x128xf32> to vector<1x128xf32>
    %concatenate3A_1770 = tpu.concatenate %slice3A_1768, %slice3A_1769 in 0 : vector<15x128xf32>, vector<1x128xf32> -> vector<16x128xf32>
    %slice3A_1771 = vector.extract_strided_slice %select_n3A_1760 {offsets = [15, 0], sizes = [1, 128], strides = [1, 1]} : vector<16x128xf32> to vector<1x128xf32>
    %slice3A_1772 = vector.extract_strided_slice %select_n3A_1760 {offsets = [0, 0], sizes = [15, 128], strides = [1, 1]} : vector<16x128xf32> to vector<15x128xf32>
    %concatenate3A_1773 = tpu.concatenate %slice3A_1771, %slice3A_1772 in 0 : vector<1x128xf32>, vector<15x128xf32> -> vector<16x128xf32>
    %slice3A_1774 = vector.extract_strided_slice %select_n3A_1761 {offsets = [1, 0], sizes = [15, 128], strides = [1, 1]} : vector<16x128xi32> to vector<15x128xi32>
    %slice3A_1775 = vector.extract_strided_slice %select_n3A_1761 {offsets = [0, 0], sizes = [1, 128], strides = [1, 1]} : vector<16x128xi32> to vector<1x128xi32>
    %concatenate3A_1776 = tpu.concatenate %slice3A_1774, %slice3A_1775 in 0 : vector<15x128xi32>, vector<1x128xi32> -> vector<16x128xi32>
    %slice3A_1777 = vector.extract_strided_slice %select_n3A_1761 {offsets = [15, 0], sizes = [1, 128], strides = [1, 1]} : vector<16x128xi32> to vector<1x128xi32>
    %slice3A_1778 = vector.extract_strided_slice %select_n3A_1761 {offsets = [0, 0], sizes = [15, 128], strides = [1, 1]} : vector<16x128xi32> to vector<15x128xi32>
    %concatenate3A_1779 = tpu.concatenate %slice3A_1777, %slice3A_1778 in 0 : vector<1x128xi32>, vector<15x128xi32> -> vector<16x128xi32>
    %select_n3A_1780 = arith.select %eq3A_1767, %concatenate3A_1770, %concatenate3A_1773 : vector<16x128xi1>, vector<16x128xf32>
    %select_n3A_1781 = arith.select %eq3A_1767, %concatenate3A_1776, %concatenate3A_1779 : vector<16x128xi1>, vector<16x128xi32>
    %gt3A_1782 = arith.cmpf ogt, %select_n3A_1760, %select_n3A_1780 : vector<16x128xf32>
    %eq3A_1783 = arith.cmpf oeq, %select_n3A_1760, %select_n3A_1780 : vector<16x128xf32>
    %lt3A_1784 = arith.cmpi slt, %select_n3A_1761, %select_n3A_1781 : vector<16x128xi32>
    %and3A_1785 = arith.andi %eq3A_1783, %lt3A_1784 : vector<16x128xi1>
    %or3A_1786 = arith.ori %gt3A_1782, %and3A_1785 : vector<16x128xi1>
    %eq3A_1787 = arith.xori %or3A_1786, %eq3A_1767 : vector<16x128xi1>
    %eq3A_1788 = arith.constant dense<true> : vector<16x128xi1>
    %eq3A_1789 = arith.xori %eq3A_1787, %eq3A_1788 : vector<16x128xi1>
    %eq3A_1790 = arith.xori %eq3A_1789, %eq3A_1695 : vector<16x128xi1>
    %eq3A_1791 = arith.constant dense<true> : vector<16x128xi1>
    %eq3A_1792 = arith.xori %eq3A_1790, %eq3A_1791 : vector<16x128xi1>
    %select_n3A_1793 = arith.select %eq3A_1792, %select_n3A_1760, %select_n3A_1780 : vector<16x128xi1>, vector<16x128xf32>
    %select_n3A_1794 = arith.select %eq3A_1792, %select_n3A_1761, %select_n3A_1781 : vector<16x128xi1>, vector<16x128xi32>
    %and3A_1795 = arith.constant 64 : i32
    %and3A_1796 = vector.broadcast %and3A_1795 : i32 to vector<16x128xi32>
    %and3A_1797 = arith.andi %add3A_320, %and3A_1796 : vector<16x128xi32>
    %eq3A_1798 = arith.constant 0 : i32
    %eq3A_1799 = vector.broadcast %eq3A_1798 : i32 to vector<16x128xi32>
    %eq3A_1800 = arith.cmpi eq, %and3A_1797, %eq3A_1799 : vector<16x128xi32>
    %roll3A_1801 = arith.constant 64 : i32
    %roll3A_1802 = tpu.dynamic_rotate %select_n3A_1793 by %roll3A_1801 dim 1 : vector<16x128xf32>, i32 -> vector<16x128xf32>
    %roll3A_1803 = arith.constant 64 : i32
    %roll3A_1804 = tpu.dynamic_rotate %select_n3A_1793 by %roll3A_1803 dim 1 : vector<16x128xf32>, i32 -> vector<16x128xf32>
    %roll3A_1805 = arith.constant 64 : i32
    %roll3A_1806 = tpu.dynamic_rotate %select_n3A_1794 by %roll3A_1805 dim 1 : vector<16x128xi32>, i32 -> vector<16x128xi32>
    %roll3A_1807 = arith.constant 64 : i32
    %roll3A_1808 = tpu.dynamic_rotate %select_n3A_1794 by %roll3A_1807 dim 1 : vector<16x128xi32>, i32 -> vector<16x128xi32>
    %select_n3A_1809 = arith.select %eq3A_1800, %roll3A_1802, %roll3A_1804 : vector<16x128xi1>, vector<16x128xf32>
    %select_n3A_1810 = arith.select %eq3A_1800, %roll3A_1806, %roll3A_1808 : vector<16x128xi1>, vector<16x128xi32>
    %gt3A_1811 = arith.cmpf ogt, %select_n3A_1793, %select_n3A_1809 : vector<16x128xf32>
    %eq3A_1812 = arith.cmpf oeq, %select_n3A_1793, %select_n3A_1809 : vector<16x128xf32>
    %lt3A_1813 = arith.cmpi slt, %select_n3A_1794, %select_n3A_1810 : vector<16x128xi32>
    %and3A_1814 = arith.andi %eq3A_1812, %lt3A_1813 : vector<16x128xi1>
    %or3A_1815 = arith.ori %gt3A_1811, %and3A_1814 : vector<16x128xi1>
    %eq3A_1816 = arith.xori %or3A_1815, %eq3A_1800 : vector<16x128xi1>
    %eq3A_1817 = arith.constant dense<true> : vector<16x128xi1>
    %eq3A_1818 = arith.xori %eq3A_1816, %eq3A_1817 : vector<16x128xi1>
    %eq3A_1819 = arith.xori %eq3A_1818, %eq3A_1695 : vector<16x128xi1>
    %eq3A_1820 = arith.constant dense<true> : vector<16x128xi1>
    %eq3A_1821 = arith.xori %eq3A_1819, %eq3A_1820 : vector<16x128xi1>
    %select_n3A_1822 = arith.select %eq3A_1821, %select_n3A_1793, %select_n3A_1809 : vector<16x128xi1>, vector<16x128xf32>
    %select_n3A_1823 = arith.select %eq3A_1821, %select_n3A_1794, %select_n3A_1810 : vector<16x128xi1>, vector<16x128xi32>
    %and3A_1824 = arith.constant 32 : i32
    %and3A_1825 = vector.broadcast %and3A_1824 : i32 to vector<16x128xi32>
    %and3A_1826 = arith.andi %add3A_320, %and3A_1825 : vector<16x128xi32>
    %eq3A_1827 = arith.constant 0 : i32
    %eq3A_1828 = vector.broadcast %eq3A_1827 : i32 to vector<16x128xi32>
    %eq3A_1829 = arith.cmpi eq, %and3A_1826, %eq3A_1828 : vector<16x128xi32>
    %roll3A_1830 = arith.constant 96 : i32
    %roll3A_1831 = tpu.dynamic_rotate %select_n3A_1822 by %roll3A_1830 dim 1 : vector<16x128xf32>, i32 -> vector<16x128xf32>
    %roll3A_1832 = arith.constant 32 : i32
    %roll3A_1833 = tpu.dynamic_rotate %select_n3A_1822 by %roll3A_1832 dim 1 : vector<16x128xf32>, i32 -> vector<16x128xf32>
    %roll3A_1834 = arith.constant 96 : i32
    %roll3A_1835 = tpu.dynamic_rotate %select_n3A_1823 by %roll3A_1834 dim 1 : vector<16x128xi32>, i32 -> vector<16x128xi32>
    %roll3A_1836 = arith.constant 32 : i32
    %roll3A_1837 = tpu.dynamic_rotate %select_n3A_1823 by %roll3A_1836 dim 1 : vector<16x128xi32>, i32 -> vector<16x128xi32>
    %select_n3A_1838 = arith.select %eq3A_1829, %roll3A_1831, %roll3A_1833 : vector<16x128xi1>, vector<16x128xf32>
    %select_n3A_1839 = arith.select %eq3A_1829, %roll3A_1835, %roll3A_1837 : vector<16x128xi1>, vector<16x128xi32>
    %gt3A_1840 = arith.cmpf ogt, %select_n3A_1822, %select_n3A_1838 : vector<16x128xf32>
    %eq3A_1841 = arith.cmpf oeq, %select_n3A_1822, %select_n3A_1838 : vector<16x128xf32>
    %lt3A_1842 = arith.cmpi slt, %select_n3A_1823, %select_n3A_1839 : vector<16x128xi32>
    %and3A_1843 = arith.andi %eq3A_1841, %lt3A_1842 : vector<16x128xi1>
    %or3A_1844 = arith.ori %gt3A_1840, %and3A_1843 : vector<16x128xi1>
    %eq3A_1845 = arith.xori %or3A_1844, %eq3A_1829 : vector<16x128xi1>
    %eq3A_1846 = arith.constant dense<true> : vector<16x128xi1>
    %eq3A_1847 = arith.xori %eq3A_1845, %eq3A_1846 : vector<16x128xi1>
    %eq3A_1848 = arith.xori %eq3A_1847, %eq3A_1695 : vector<16x128xi1>
    %eq3A_1849 = arith.constant dense<true> : vector<16x128xi1>
    %eq3A_1850 = arith.xori %eq3A_1848, %eq3A_1849 : vector<16x128xi1>
    %select_n3A_1851 = arith.select %eq3A_1850, %select_n3A_1822, %select_n3A_1838 : vector<16x128xi1>, vector<16x128xf32>
    %select_n3A_1852 = arith.select %eq3A_1850, %select_n3A_1823, %select_n3A_1839 : vector<16x128xi1>, vector<16x128xi32>
    %and3A_1853 = arith.constant 16 : i32
    %and3A_1854 = vector.broadcast %and3A_1853 : i32 to vector<16x128xi32>
    %and3A_1855 = arith.andi %add3A_320, %and3A_1854 : vector<16x128xi32>
    %eq3A_1856 = arith.constant 0 : i32
    %eq3A_1857 = vector.broadcast %eq3A_1856 : i32 to vector<16x128xi32>
    %eq3A_1858 = arith.cmpi eq, %and3A_1855, %eq3A_1857 : vector<16x128xi32>
    %roll3A_1859 = arith.constant 112 : i32
    %roll3A_1860 = tpu.dynamic_rotate %select_n3A_1851 by %roll3A_1859 dim 1 : vector<16x128xf32>, i32 -> vector<16x128xf32>
    %roll3A_1861 = arith.constant 16 : i32
    %roll3A_1862 = tpu.dynamic_rotate %select_n3A_1851 by %roll3A_1861 dim 1 : vector<16x128xf32>, i32 -> vector<16x128xf32>
    %roll3A_1863 = arith.constant 112 : i32
    %roll3A_1864 = tpu.dynamic_rotate %select_n3A_1852 by %roll3A_1863 dim 1 : vector<16x128xi32>, i32 -> vector<16x128xi32>
    %roll3A_1865 = arith.constant 16 : i32
    %roll3A_1866 = tpu.dynamic_rotate %select_n3A_1852 by %roll3A_1865 dim 1 : vector<16x128xi32>, i32 -> vector<16x128xi32>
    %select_n3A_1867 = arith.select %eq3A_1858, %roll3A_1860, %roll3A_1862 : vector<16x128xi1>, vector<16x128xf32>
    %select_n3A_1868 = arith.select %eq3A_1858, %roll3A_1864, %roll3A_1866 : vector<16x128xi1>, vector<16x128xi32>
    %gt3A_1869 = arith.cmpf ogt, %select_n3A_1851, %select_n3A_1867 : vector<16x128xf32>
    %eq3A_1870 = arith.cmpf oeq, %select_n3A_1851, %select_n3A_1867 : vector<16x128xf32>
    %lt3A_1871 = arith.cmpi slt, %select_n3A_1852, %select_n3A_1868 : vector<16x128xi32>
    %and3A_1872 = arith.andi %eq3A_1870, %lt3A_1871 : vector<16x128xi1>
    %or3A_1873 = arith.ori %gt3A_1869, %and3A_1872 : vector<16x128xi1>
    %eq3A_1874 = arith.xori %or3A_1873, %eq3A_1858 : vector<16x128xi1>
    %eq3A_1875 = arith.constant dense<true> : vector<16x128xi1>
    %eq3A_1876 = arith.xori %eq3A_1874, %eq3A_1875 : vector<16x128xi1>
    %eq3A_1877 = arith.xori %eq3A_1876, %eq3A_1695 : vector<16x128xi1>
    %eq3A_1878 = arith.constant dense<true> : vector<16x128xi1>
    %eq3A_1879 = arith.xori %eq3A_1877, %eq3A_1878 : vector<16x128xi1>
    %select_n3A_1880 = arith.select %eq3A_1879, %select_n3A_1851, %select_n3A_1867 : vector<16x128xi1>, vector<16x128xf32>
    %select_n3A_1881 = arith.select %eq3A_1879, %select_n3A_1852, %select_n3A_1868 : vector<16x128xi1>, vector<16x128xi32>
    %and3A_1882 = arith.constant 8 : i32
    %and3A_1883 = vector.broadcast %and3A_1882 : i32 to vector<16x128xi32>
    %and3A_1884 = arith.andi %add3A_320, %and3A_1883 : vector<16x128xi32>
    %eq3A_1885 = arith.constant 0 : i32
    %eq3A_1886 = vector.broadcast %eq3A_1885 : i32 to vector<16x128xi32>
    %eq3A_1887 = arith.cmpi eq, %and3A_1884, %eq3A_1886 : vector<16x128xi32>
    %roll3A_1888 = arith.constant 120 : i32
    %roll3A_1889 = tpu.dynamic_rotate %select_n3A_1880 by %roll3A_1888 dim 1 : vector<16x128xf32>, i32 -> vector<16x128xf32>
    %roll3A_1890 = arith.constant 8 : i32
    %roll3A_1891 = tpu.dynamic_rotate %select_n3A_1880 by %roll3A_1890 dim 1 : vector<16x128xf32>, i32 -> vector<16x128xf32>
    %roll3A_1892 = arith.constant 120 : i32
    %roll3A_1893 = tpu.dynamic_rotate %select_n3A_1881 by %roll3A_1892 dim 1 : vector<16x128xi32>, i32 -> vector<16x128xi32>
    %roll3A_1894 = arith.constant 8 : i32
    %roll3A_1895 = tpu.dynamic_rotate %select_n3A_1881 by %roll3A_1894 dim 1 : vector<16x128xi32>, i32 -> vector<16x128xi32>
    %select_n3A_1896 = arith.select %eq3A_1887, %roll3A_1889, %roll3A_1891 : vector<16x128xi1>, vector<16x128xf32>
    %select_n3A_1897 = arith.select %eq3A_1887, %roll3A_1893, %roll3A_1895 : vector<16x128xi1>, vector<16x128xi32>
    %gt3A_1898 = arith.cmpf ogt, %select_n3A_1880, %select_n3A_1896 : vector<16x128xf32>
    %eq3A_1899 = arith.cmpf oeq, %select_n3A_1880, %select_n3A_1896 : vector<16x128xf32>
    %lt3A_1900 = arith.cmpi slt, %select_n3A_1881, %select_n3A_1897 : vector<16x128xi32>
    %and3A_1901 = arith.andi %eq3A_1899, %lt3A_1900 : vector<16x128xi1>
    %or3A_1902 = arith.ori %gt3A_1898, %and3A_1901 : vector<16x128xi1>
    %eq3A_1903 = arith.xori %or3A_1902, %eq3A_1887 : vector<16x128xi1>
    %eq3A_1904 = arith.constant dense<true> : vector<16x128xi1>
    %eq3A_1905 = arith.xori %eq3A_1903, %eq3A_1904 : vector<16x128xi1>
    %eq3A_1906 = arith.xori %eq3A_1905, %eq3A_1695 : vector<16x128xi1>
    %eq3A_1907 = arith.constant dense<true> : vector<16x128xi1>
    %eq3A_1908 = arith.xori %eq3A_1906, %eq3A_1907 : vector<16x128xi1>
    %select_n3A_1909 = arith.select %eq3A_1908, %select_n3A_1880, %select_n3A_1896 : vector<16x128xi1>, vector<16x128xf32>
    %select_n3A_1910 = arith.select %eq3A_1908, %select_n3A_1881, %select_n3A_1897 : vector<16x128xi1>, vector<16x128xi32>
    %and3A_1911 = arith.constant 4 : i32
    %and3A_1912 = vector.broadcast %and3A_1911 : i32 to vector<16x128xi32>
    %and3A_1913 = arith.andi %add3A_320, %and3A_1912 : vector<16x128xi32>
    %eq3A_1914 = arith.constant 0 : i32
    %eq3A_1915 = vector.broadcast %eq3A_1914 : i32 to vector<16x128xi32>
    %eq3A_1916 = arith.cmpi eq, %and3A_1913, %eq3A_1915 : vector<16x128xi32>
    %roll3A_1917 = arith.constant 124 : i32
    %roll3A_1918 = tpu.dynamic_rotate %select_n3A_1909 by %roll3A_1917 dim 1 : vector<16x128xf32>, i32 -> vector<16x128xf32>
    %roll3A_1919 = arith.constant 4 : i32
    %roll3A_1920 = tpu.dynamic_rotate %select_n3A_1909 by %roll3A_1919 dim 1 : vector<16x128xf32>, i32 -> vector<16x128xf32>
    %roll3A_1921 = arith.constant 124 : i32
    %roll3A_1922 = tpu.dynamic_rotate %select_n3A_1910 by %roll3A_1921 dim 1 : vector<16x128xi32>, i32 -> vector<16x128xi32>
    %roll3A_1923 = arith.constant 4 : i32
    %roll3A_1924 = tpu.dynamic_rotate %select_n3A_1910 by %roll3A_1923 dim 1 : vector<16x128xi32>, i32 -> vector<16x128xi32>
    %select_n3A_1925 = arith.select %eq3A_1916, %roll3A_1918, %roll3A_1920 : vector<16x128xi1>, vector<16x128xf32>
    %select_n3A_1926 = arith.select %eq3A_1916, %roll3A_1922, %roll3A_1924 : vector<16x128xi1>, vector<16x128xi32>
    %gt3A_1927 = arith.cmpf ogt, %select_n3A_1909, %select_n3A_1925 : vector<16x128xf32>
    %eq3A_1928 = arith.cmpf oeq, %select_n3A_1909, %select_n3A_1925 : vector<16x128xf32>
    %lt3A_1929 = arith.cmpi slt, %select_n3A_1910, %select_n3A_1926 : vector<16x128xi32>
    %and3A_1930 = arith.andi %eq3A_1928, %lt3A_1929 : vector<16x128xi1>
    %or3A_1931 = arith.ori %gt3A_1927, %and3A_1930 : vector<16x128xi1>
    %eq3A_1932 = arith.xori %or3A_1931, %eq3A_1916 : vector<16x128xi1>
    %eq3A_1933 = arith.constant dense<true> : vector<16x128xi1>
    %eq3A_1934 = arith.xori %eq3A_1932, %eq3A_1933 : vector<16x128xi1>
    %eq3A_1935 = arith.xori %eq3A_1934, %eq3A_1695 : vector<16x128xi1>
    %eq3A_1936 = arith.constant dense<true> : vector<16x128xi1>
    %eq3A_1937 = arith.xori %eq3A_1935, %eq3A_1936 : vector<16x128xi1>
    %select_n3A_1938 = arith.select %eq3A_1937, %select_n3A_1909, %select_n3A_1925 : vector<16x128xi1>, vector<16x128xf32>
    %select_n3A_1939 = arith.select %eq3A_1937, %select_n3A_1910, %select_n3A_1926 : vector<16x128xi1>, vector<16x128xi32>
    %and3A_1940 = arith.constant 2 : i32
    %and3A_1941 = vector.broadcast %and3A_1940 : i32 to vector<16x128xi32>
    %and3A_1942 = arith.andi %add3A_320, %and3A_1941 : vector<16x128xi32>
    %eq3A_1943 = arith.constant 0 : i32
    %eq3A_1944 = vector.broadcast %eq3A_1943 : i32 to vector<16x128xi32>
    %eq3A_1945 = arith.cmpi eq, %and3A_1942, %eq3A_1944 : vector<16x128xi32>
    %roll3A_1946 = arith.constant 126 : i32
    %roll3A_1947 = tpu.dynamic_rotate %select_n3A_1938 by %roll3A_1946 dim 1 : vector<16x128xf32>, i32 -> vector<16x128xf32>
    %roll3A_1948 = arith.constant 2 : i32
    %roll3A_1949 = tpu.dynamic_rotate %select_n3A_1938 by %roll3A_1948 dim 1 : vector<16x128xf32>, i32 -> vector<16x128xf32>
    %roll3A_1950 = arith.constant 126 : i32
    %roll3A_1951 = tpu.dynamic_rotate %select_n3A_1939 by %roll3A_1950 dim 1 : vector<16x128xi32>, i32 -> vector<16x128xi32>
    %roll3A_1952 = arith.constant 2 : i32
    %roll3A_1953 = tpu.dynamic_rotate %select_n3A_1939 by %roll3A_1952 dim 1 : vector<16x128xi32>, i32 -> vector<16x128xi32>
    %select_n3A_1954 = arith.select %eq3A_1945, %roll3A_1947, %roll3A_1949 : vector<16x128xi1>, vector<16x128xf32>
    %select_n3A_1955 = arith.select %eq3A_1945, %roll3A_1951, %roll3A_1953 : vector<16x128xi1>, vector<16x128xi32>
    %gt3A_1956 = arith.cmpf ogt, %select_n3A_1938, %select_n3A_1954 : vector<16x128xf32>
    %eq3A_1957 = arith.cmpf oeq, %select_n3A_1938, %select_n3A_1954 : vector<16x128xf32>
    %lt3A_1958 = arith.cmpi slt, %select_n3A_1939, %select_n3A_1955 : vector<16x128xi32>
    %and3A_1959 = arith.andi %eq3A_1957, %lt3A_1958 : vector<16x128xi1>
    %or3A_1960 = arith.ori %gt3A_1956, %and3A_1959 : vector<16x128xi1>
    %eq3A_1961 = arith.xori %or3A_1960, %eq3A_1945 : vector<16x128xi1>
    %eq3A_1962 = arith.constant dense<true> : vector<16x128xi1>
    %eq3A_1963 = arith.xori %eq3A_1961, %eq3A_1962 : vector<16x128xi1>
    %eq3A_1964 = arith.xori %eq3A_1963, %eq3A_1695 : vector<16x128xi1>
    %eq3A_1965 = arith.constant dense<true> : vector<16x128xi1>
    %eq3A_1966 = arith.xori %eq3A_1964, %eq3A_1965 : vector<16x128xi1>
    %select_n3A_1967 = arith.select %eq3A_1966, %select_n3A_1938, %select_n3A_1954 : vector<16x128xi1>, vector<16x128xf32>
    %select_n3A_1968 = arith.select %eq3A_1966, %select_n3A_1939, %select_n3A_1955 : vector<16x128xi1>, vector<16x128xi32>
    %and3A_1969 = arith.constant 1 : i32
    %and3A_1970 = vector.broadcast %and3A_1969 : i32 to vector<16x128xi32>
    %and3A_1971 = arith.andi %add3A_320, %and3A_1970 : vector<16x128xi32>
    %eq3A_1972 = arith.constant 0 : i32
    %eq3A_1973 = vector.broadcast %eq3A_1972 : i32 to vector<16x128xi32>
    %eq3A_1974 = arith.cmpi eq, %and3A_1971, %eq3A_1973 : vector<16x128xi32>
    %roll3A_1975 = arith.constant 127 : i32
    %roll3A_1976 = tpu.dynamic_rotate %select_n3A_1967 by %roll3A_1975 dim 1 : vector<16x128xf32>, i32 -> vector<16x128xf32>
    %roll3A_1977 = arith.constant 1 : i32
    %roll3A_1978 = tpu.dynamic_rotate %select_n3A_1967 by %roll3A_1977 dim 1 : vector<16x128xf32>, i32 -> vector<16x128xf32>
    %roll3A_1979 = arith.constant 127 : i32
    %roll3A_1980 = tpu.dynamic_rotate %select_n3A_1968 by %roll3A_1979 dim 1 : vector<16x128xi32>, i32 -> vector<16x128xi32>
    %roll3A_1981 = arith.constant 1 : i32
    %roll3A_1982 = tpu.dynamic_rotate %select_n3A_1968 by %roll3A_1981 dim 1 : vector<16x128xi32>, i32 -> vector<16x128xi32>
    %select_n3A_1983 = arith.select %eq3A_1974, %roll3A_1976, %roll3A_1978 : vector<16x128xi1>, vector<16x128xf32>
    %select_n3A_1984 = arith.select %eq3A_1974, %roll3A_1980, %roll3A_1982 : vector<16x128xi1>, vector<16x128xi32>
    %gt3A_1985 = arith.cmpf ogt, %select_n3A_1967, %select_n3A_1983 : vector<16x128xf32>
    %eq3A_1986 = arith.cmpf oeq, %select_n3A_1967, %select_n3A_1983 : vector<16x128xf32>
    %lt3A_1987 = arith.cmpi slt, %select_n3A_1968, %select_n3A_1984 : vector<16x128xi32>
    %and3A_1988 = arith.andi %eq3A_1986, %lt3A_1987 : vector<16x128xi1>
    %or3A_1989 = arith.ori %gt3A_1985, %and3A_1988 : vector<16x128xi1>
    %eq3A_1990 = arith.xori %or3A_1989, %eq3A_1974 : vector<16x128xi1>
    %eq3A_1991 = arith.constant dense<true> : vector<16x128xi1>
    %eq3A_1992 = arith.xori %eq3A_1990, %eq3A_1991 : vector<16x128xi1>
    %eq3A_1993 = arith.xori %eq3A_1992, %eq3A_1695 : vector<16x128xi1>
    %eq3A_1994 = arith.constant dense<true> : vector<16x128xi1>
    %eq3A_1995 = arith.xori %eq3A_1993, %eq3A_1994 : vector<16x128xi1>
    %select_n3A_1996 = arith.select %eq3A_1995, %select_n3A_1967, %select_n3A_1983 : vector<16x128xi1>, vector<16x128xf32>
    %select_n3A_1997 = arith.select %eq3A_1995, %select_n3A_1968, %select_n3A_1984 : vector<16x128xi1>, vector<16x128xi32>
    %and3A_1998 = arith.constant 2048 : i32
    %and3A_1999 = vector.broadcast %and3A_1998 : i32 to vector<16x128xi32>
    %and3A_2000 = arith.andi %add3A_320, %and3A_1999 : vector<16x128xi32>
    %eq3A_2001 = arith.constant 0 : i32
    %eq3A_2002 = vector.broadcast %eq3A_2001 : i32 to vector<16x128xi32>
    %eq3A_2003 = arith.cmpi eq, %and3A_2000, %eq3A_2002 : vector<16x128xi32>
    %and3A_2004 = arith.constant 1024 : i32
    %and3A_2005 = vector.broadcast %and3A_2004 : i32 to vector<16x128xi32>
    %and3A_2006 = arith.andi %add3A_320, %and3A_2005 : vector<16x128xi32>
    %eq3A_2007 = arith.constant 0 : i32
    %eq3A_2008 = vector.broadcast %eq3A_2007 : i32 to vector<16x128xi32>
    %eq3A_2009 = arith.cmpi eq, %and3A_2006, %eq3A_2008 : vector<16x128xi32>
    %slice3A_2010 = vector.extract_strided_slice %select_n3A_1996 {offsets = [8, 0], sizes = [8, 128], strides = [1, 1]} : vector<16x128xf32> to vector<8x128xf32>
    %slice3A_2011 = vector.extract_strided_slice %select_n3A_1996 {offsets = [0, 0], sizes = [8, 128], strides = [1, 1]} : vector<16x128xf32> to vector<8x128xf32>
    %concatenate3A_2012 = tpu.concatenate %slice3A_2010, %slice3A_2011 in 0 : vector<8x128xf32>, vector<8x128xf32> -> vector<16x128xf32>
    %slice3A_2013 = vector.extract_strided_slice %select_n3A_1996 {offsets = [8, 0], sizes = [8, 128], strides = [1, 1]} : vector<16x128xf32> to vector<8x128xf32>
    %slice3A_2014 = vector.extract_strided_slice %select_n3A_1996 {offsets = [0, 0], sizes = [8, 128], strides = [1, 1]} : vector<16x128xf32> to vector<8x128xf32>
    %concatenate3A_2015 = tpu.concatenate %slice3A_2013, %slice3A_2014 in 0 : vector<8x128xf32>, vector<8x128xf32> -> vector<16x128xf32>
    %slice3A_2016 = vector.extract_strided_slice %select_n3A_1997 {offsets = [8, 0], sizes = [8, 128], strides = [1, 1]} : vector<16x128xi32> to vector<8x128xi32>
    %slice3A_2017 = vector.extract_strided_slice %select_n3A_1997 {offsets = [0, 0], sizes = [8, 128], strides = [1, 1]} : vector<16x128xi32> to vector<8x128xi32>
    %concatenate3A_2018 = tpu.concatenate %slice3A_2016, %slice3A_2017 in 0 : vector<8x128xi32>, vector<8x128xi32> -> vector<16x128xi32>
    %slice3A_2019 = vector.extract_strided_slice %select_n3A_1997 {offsets = [8, 0], sizes = [8, 128], strides = [1, 1]} : vector<16x128xi32> to vector<8x128xi32>
    %slice3A_2020 = vector.extract_strided_slice %select_n3A_1997 {offsets = [0, 0], sizes = [8, 128], strides = [1, 1]} : vector<16x128xi32> to vector<8x128xi32>
    %concatenate3A_2021 = tpu.concatenate %slice3A_2019, %slice3A_2020 in 0 : vector<8x128xi32>, vector<8x128xi32> -> vector<16x128xi32>
    %select_n3A_2022 = arith.select %eq3A_2009, %concatenate3A_2012, %concatenate3A_2015 : vector<16x128xi1>, vector<16x128xf32>
    %select_n3A_2023 = arith.select %eq3A_2009, %concatenate3A_2018, %concatenate3A_2021 : vector<16x128xi1>, vector<16x128xi32>
    %gt3A_2024 = arith.cmpf ogt, %select_n3A_1996, %select_n3A_2022 : vector<16x128xf32>
    %eq3A_2025 = arith.cmpf oeq, %select_n3A_1996, %select_n3A_2022 : vector<16x128xf32>
    %lt3A_2026 = arith.cmpi slt, %select_n3A_1997, %select_n3A_2023 : vector<16x128xi32>
    %and3A_2027 = arith.andi %eq3A_2025, %lt3A_2026 : vector<16x128xi1>
    %or3A_2028 = arith.ori %gt3A_2024, %and3A_2027 : vector<16x128xi1>
    %eq3A_2029 = arith.xori %or3A_2028, %eq3A_2009 : vector<16x128xi1>
    %eq3A_2030 = arith.constant dense<true> : vector<16x128xi1>
    %eq3A_2031 = arith.xori %eq3A_2029, %eq3A_2030 : vector<16x128xi1>
    %eq3A_2032 = arith.xori %eq3A_2031, %eq3A_2003 : vector<16x128xi1>
    %eq3A_2033 = arith.constant dense<true> : vector<16x128xi1>
    %eq3A_2034 = arith.xori %eq3A_2032, %eq3A_2033 : vector<16x128xi1>
    %select_n3A_2035 = arith.select %eq3A_2034, %select_n3A_1996, %select_n3A_2022 : vector<16x128xi1>, vector<16x128xf32>
    %select_n3A_2036 = arith.select %eq3A_2034, %select_n3A_1997, %select_n3A_2023 : vector<16x128xi1>, vector<16x128xi32>
    %and3A_2037 = arith.constant 512 : i32
    %and3A_2038 = vector.broadcast %and3A_2037 : i32 to vector<16x128xi32>
    %and3A_2039 = arith.andi %add3A_320, %and3A_2038 : vector<16x128xi32>
    %eq3A_2040 = arith.constant 0 : i32
    %eq3A_2041 = vector.broadcast %eq3A_2040 : i32 to vector<16x128xi32>
    %eq3A_2042 = arith.cmpi eq, %and3A_2039, %eq3A_2041 : vector<16x128xi32>
    %slice3A_2043 = vector.extract_strided_slice %select_n3A_2035 {offsets = [4, 0], sizes = [12, 128], strides = [1, 1]} : vector<16x128xf32> to vector<12x128xf32>
    %slice3A_2044 = vector.extract_strided_slice %select_n3A_2035 {offsets = [0, 0], sizes = [4, 128], strides = [1, 1]} : vector<16x128xf32> to vector<4x128xf32>
    %concatenate3A_2045 = tpu.concatenate %slice3A_2043, %slice3A_2044 in 0 : vector<12x128xf32>, vector<4x128xf32> -> vector<16x128xf32>
    %slice3A_2046 = vector.extract_strided_slice %select_n3A_2035 {offsets = [12, 0], sizes = [4, 128], strides = [1, 1]} : vector<16x128xf32> to vector<4x128xf32>
    %slice3A_2047 = vector.extract_strided_slice %select_n3A_2035 {offsets = [0, 0], sizes = [12, 128], strides = [1, 1]} : vector<16x128xf32> to vector<12x128xf32>
    %concatenate3A_2048 = tpu.concatenate %slice3A_2046, %slice3A_2047 in 0 : vector<4x128xf32>, vector<12x128xf32> -> vector<16x128xf32>
    %slice3A_2049 = vector.extract_strided_slice %select_n3A_2036 {offsets = [4, 0], sizes = [12, 128], strides = [1, 1]} : vector<16x128xi32> to vector<12x128xi32>
    %slice3A_2050 = vector.extract_strided_slice %select_n3A_2036 {offsets = [0, 0], sizes = [4, 128], strides = [1, 1]} : vector<16x128xi32> to vector<4x128xi32>
    %concatenate3A_2051 = tpu.concatenate %slice3A_2049, %slice3A_2050 in 0 : vector<12x128xi32>, vector<4x128xi32> -> vector<16x128xi32>
    %slice3A_2052 = vector.extract_strided_slice %select_n3A_2036 {offsets = [12, 0], sizes = [4, 128], strides = [1, 1]} : vector<16x128xi32> to vector<4x128xi32>
    %slice3A_2053 = vector.extract_strided_slice %select_n3A_2036 {offsets = [0, 0], sizes = [12, 128], strides = [1, 1]} : vector<16x128xi32> to vector<12x128xi32>
    %concatenate3A_2054 = tpu.concatenate %slice3A_2052, %slice3A_2053 in 0 : vector<4x128xi32>, vector<12x128xi32> -> vector<16x128xi32>
    %select_n3A_2055 = arith.select %eq3A_2042, %concatenate3A_2045, %concatenate3A_2048 : vector<16x128xi1>, vector<16x128xf32>
    %select_n3A_2056 = arith.select %eq3A_2042, %concatenate3A_2051, %concatenate3A_2054 : vector<16x128xi1>, vector<16x128xi32>
    %gt3A_2057 = arith.cmpf ogt, %select_n3A_2035, %select_n3A_2055 : vector<16x128xf32>
    %eq3A_2058 = arith.cmpf oeq, %select_n3A_2035, %select_n3A_2055 : vector<16x128xf32>
    %lt3A_2059 = arith.cmpi slt, %select_n3A_2036, %select_n3A_2056 : vector<16x128xi32>
    %and3A_2060 = arith.andi %eq3A_2058, %lt3A_2059 : vector<16x128xi1>
    %or3A_2061 = arith.ori %gt3A_2057, %and3A_2060 : vector<16x128xi1>
    %eq3A_2062 = arith.xori %or3A_2061, %eq3A_2042 : vector<16x128xi1>
    %eq3A_2063 = arith.constant dense<true> : vector<16x128xi1>
    %eq3A_2064 = arith.xori %eq3A_2062, %eq3A_2063 : vector<16x128xi1>
    %eq3A_2065 = arith.xori %eq3A_2064, %eq3A_2003 : vector<16x128xi1>
    %eq3A_2066 = arith.constant dense<true> : vector<16x128xi1>
    %eq3A_2067 = arith.xori %eq3A_2065, %eq3A_2066 : vector<16x128xi1>
    %select_n3A_2068 = arith.select %eq3A_2067, %select_n3A_2035, %select_n3A_2055 : vector<16x128xi1>, vector<16x128xf32>
    %select_n3A_2069 = arith.select %eq3A_2067, %select_n3A_2036, %select_n3A_2056 : vector<16x128xi1>, vector<16x128xi32>
    %and3A_2070 = arith.constant 256 : i32
    %and3A_2071 = vector.broadcast %and3A_2070 : i32 to vector<16x128xi32>
    %and3A_2072 = arith.andi %add3A_320, %and3A_2071 : vector<16x128xi32>
    %eq3A_2073 = arith.constant 0 : i32
    %eq3A_2074 = vector.broadcast %eq3A_2073 : i32 to vector<16x128xi32>
    %eq3A_2075 = arith.cmpi eq, %and3A_2072, %eq3A_2074 : vector<16x128xi32>
    %slice3A_2076 = vector.extract_strided_slice %select_n3A_2068 {offsets = [2, 0], sizes = [14, 128], strides = [1, 1]} : vector<16x128xf32> to vector<14x128xf32>
    %slice3A_2077 = vector.extract_strided_slice %select_n3A_2068 {offsets = [0, 0], sizes = [2, 128], strides = [1, 1]} : vector<16x128xf32> to vector<2x128xf32>
    %concatenate3A_2078 = tpu.concatenate %slice3A_2076, %slice3A_2077 in 0 : vector<14x128xf32>, vector<2x128xf32> -> vector<16x128xf32>
    %slice3A_2079 = vector.extract_strided_slice %select_n3A_2068 {offsets = [14, 0], sizes = [2, 128], strides = [1, 1]} : vector<16x128xf32> to vector<2x128xf32>
    %slice3A_2080 = vector.extract_strided_slice %select_n3A_2068 {offsets = [0, 0], sizes = [14, 128], strides = [1, 1]} : vector<16x128xf32> to vector<14x128xf32>
    %concatenate3A_2081 = tpu.concatenate %slice3A_2079, %slice3A_2080 in 0 : vector<2x128xf32>, vector<14x128xf32> -> vector<16x128xf32>
    %slice3A_2082 = vector.extract_strided_slice %select_n3A_2069 {offsets = [2, 0], sizes = [14, 128], strides = [1, 1]} : vector<16x128xi32> to vector<14x128xi32>
    %slice3A_2083 = vector.extract_strided_slice %select_n3A_2069 {offsets = [0, 0], sizes = [2, 128], strides = [1, 1]} : vector<16x128xi32> to vector<2x128xi32>
    %concatenate3A_2084 = tpu.concatenate %slice3A_2082, %slice3A_2083 in 0 : vector<14x128xi32>, vector<2x128xi32> -> vector<16x128xi32>
    %slice3A_2085 = vector.extract_strided_slice %select_n3A_2069 {offsets = [14, 0], sizes = [2, 128], strides = [1, 1]} : vector<16x128xi32> to vector<2x128xi32>
    %slice3A_2086 = vector.extract_strided_slice %select_n3A_2069 {offsets = [0, 0], sizes = [14, 128], strides = [1, 1]} : vector<16x128xi32> to vector<14x128xi32>
    %concatenate3A_2087 = tpu.concatenate %slice3A_2085, %slice3A_2086 in 0 : vector<2x128xi32>, vector<14x128xi32> -> vector<16x128xi32>
    %select_n3A_2088 = arith.select %eq3A_2075, %concatenate3A_2078, %concatenate3A_2081 : vector<16x128xi1>, vector<16x128xf32>
    %select_n3A_2089 = arith.select %eq3A_2075, %concatenate3A_2084, %concatenate3A_2087 : vector<16x128xi1>, vector<16x128xi32>
    %gt3A_2090 = arith.cmpf ogt, %select_n3A_2068, %select_n3A_2088 : vector<16x128xf32>
    %eq3A_2091 = arith.cmpf oeq, %select_n3A_2068, %select_n3A_2088 : vector<16x128xf32>
    %lt3A_2092 = arith.cmpi slt, %select_n3A_2069, %select_n3A_2089 : vector<16x128xi32>
    %and3A_2093 = arith.andi %eq3A_2091, %lt3A_2092 : vector<16x128xi1>
    %or3A_2094 = arith.ori %gt3A_2090, %and3A_2093 : vector<16x128xi1>
    %eq3A_2095 = arith.xori %or3A_2094, %eq3A_2075 : vector<16x128xi1>
    %eq3A_2096 = arith.constant dense<true> : vector<16x128xi1>
    %eq3A_2097 = arith.xori %eq3A_2095, %eq3A_2096 : vector<16x128xi1>
    %eq3A_2098 = arith.xori %eq3A_2097, %eq3A_2003 : vector<16x128xi1>
    %eq3A_2099 = arith.constant dense<true> : vector<16x128xi1>
    %eq3A_2100 = arith.xori %eq3A_2098, %eq3A_2099 : vector<16x128xi1>
    %select_n3A_2101 = arith.select %eq3A_2100, %select_n3A_2068, %select_n3A_2088 : vector<16x128xi1>, vector<16x128xf32>
    %select_n3A_2102 = arith.select %eq3A_2100, %select_n3A_2069, %select_n3A_2089 : vector<16x128xi1>, vector<16x128xi32>
    %and3A_2103 = arith.constant 128 : i32
    %and3A_2104 = vector.broadcast %and3A_2103 : i32 to vector<16x128xi32>
    %and3A_2105 = arith.andi %add3A_320, %and3A_2104 : vector<16x128xi32>
    %eq3A_2106 = arith.constant 0 : i32
    %eq3A_2107 = vector.broadcast %eq3A_2106 : i32 to vector<16x128xi32>
    %eq3A_2108 = arith.cmpi eq, %and3A_2105, %eq3A_2107 : vector<16x128xi32>
    %slice3A_2109 = vector.extract_strided_slice %select_n3A_2101 {offsets = [1, 0], sizes = [15, 128], strides = [1, 1]} : vector<16x128xf32> to vector<15x128xf32>
    %slice3A_2110 = vector.extract_strided_slice %select_n3A_2101 {offsets = [0, 0], sizes = [1, 128], strides = [1, 1]} : vector<16x128xf32> to vector<1x128xf32>
    %concatenate3A_2111 = tpu.concatenate %slice3A_2109, %slice3A_2110 in 0 : vector<15x128xf32>, vector<1x128xf32> -> vector<16x128xf32>
    %slice3A_2112 = vector.extract_strided_slice %select_n3A_2101 {offsets = [15, 0], sizes = [1, 128], strides = [1, 1]} : vector<16x128xf32> to vector<1x128xf32>
    %slice3A_2113 = vector.extract_strided_slice %select_n3A_2101 {offsets = [0, 0], sizes = [15, 128], strides = [1, 1]} : vector<16x128xf32> to vector<15x128xf32>
    %concatenate3A_2114 = tpu.concatenate %slice3A_2112, %slice3A_2113 in 0 : vector<1x128xf32>, vector<15x128xf32> -> vector<16x128xf32>
    %slice3A_2115 = vector.extract_strided_slice %select_n3A_2102 {offsets = [1, 0], sizes = [15, 128], strides = [1, 1]} : vector<16x128xi32> to vector<15x128xi32>
    %slice3A_2116 = vector.extract_strided_slice %select_n3A_2102 {offsets = [0, 0], sizes = [1, 128], strides = [1, 1]} : vector<16x128xi32> to vector<1x128xi32>
    %concatenate3A_2117 = tpu.concatenate %slice3A_2115, %slice3A_2116 in 0 : vector<15x128xi32>, vector<1x128xi32> -> vector<16x128xi32>
    %slice3A_2118 = vector.extract_strided_slice %select_n3A_2102 {offsets = [15, 0], sizes = [1, 128], strides = [1, 1]} : vector<16x128xi32> to vector<1x128xi32>
    %slice3A_2119 = vector.extract_strided_slice %select_n3A_2102 {offsets = [0, 0], sizes = [15, 128], strides = [1, 1]} : vector<16x128xi32> to vector<15x128xi32>
    %concatenate3A_2120 = tpu.concatenate %slice3A_2118, %slice3A_2119 in 0 : vector<1x128xi32>, vector<15x128xi32> -> vector<16x128xi32>
    %select_n3A_2121 = arith.select %eq3A_2108, %concatenate3A_2111, %concatenate3A_2114 : vector<16x128xi1>, vector<16x128xf32>
    %select_n3A_2122 = arith.select %eq3A_2108, %concatenate3A_2117, %concatenate3A_2120 : vector<16x128xi1>, vector<16x128xi32>
    %gt3A_2123 = arith.cmpf ogt, %select_n3A_2101, %select_n3A_2121 : vector<16x128xf32>
    %eq3A_2124 = arith.cmpf oeq, %select_n3A_2101, %select_n3A_2121 : vector<16x128xf32>
    %lt3A_2125 = arith.cmpi slt, %select_n3A_2102, %select_n3A_2122 : vector<16x128xi32>
    %and3A_2126 = arith.andi %eq3A_2124, %lt3A_2125 : vector<16x128xi1>
    %or3A_2127 = arith.ori %gt3A_2123, %and3A_2126 : vector<16x128xi1>
    %eq3A_2128 = arith.xori %or3A_2127, %eq3A_2108 : vector<16x128xi1>
    %eq3A_2129 = arith.constant dense<true> : vector<16x128xi1>
    %eq3A_2130 = arith.xori %eq3A_2128, %eq3A_2129 : vector<16x128xi1>
    %eq3A_2131 = arith.xori %eq3A_2130, %eq3A_2003 : vector<16x128xi1>
    %eq3A_2132 = arith.constant dense<true> : vector<16x128xi1>
    %eq3A_2133 = arith.xori %eq3A_2131, %eq3A_2132 : vector<16x128xi1>
    %select_n3A_2134 = arith.select %eq3A_2133, %select_n3A_2101, %select_n3A_2121 : vector<16x128xi1>, vector<16x128xf32>
    %select_n3A_2135 = arith.select %eq3A_2133, %select_n3A_2102, %select_n3A_2122 : vector<16x128xi1>, vector<16x128xi32>
    %and3A_2136 = arith.constant 64 : i32
    %and3A_2137 = vector.broadcast %and3A_2136 : i32 to vector<16x128xi32>
    %and3A_2138 = arith.andi %add3A_320, %and3A_2137 : vector<16x128xi32>
    %eq3A_2139 = arith.constant 0 : i32
    %eq3A_2140 = vector.broadcast %eq3A_2139 : i32 to vector<16x128xi32>
    %eq3A_2141 = arith.cmpi eq, %and3A_2138, %eq3A_2140 : vector<16x128xi32>
    %roll3A_2142 = arith.constant 64 : i32
    %roll3A_2143 = tpu.dynamic_rotate %select_n3A_2134 by %roll3A_2142 dim 1 : vector<16x128xf32>, i32 -> vector<16x128xf32>
    %roll3A_2144 = arith.constant 64 : i32
    %roll3A_2145 = tpu.dynamic_rotate %select_n3A_2134 by %roll3A_2144 dim 1 : vector<16x128xf32>, i32 -> vector<16x128xf32>
    %roll3A_2146 = arith.constant 64 : i32
    %roll3A_2147 = tpu.dynamic_rotate %select_n3A_2135 by %roll3A_2146 dim 1 : vector<16x128xi32>, i32 -> vector<16x128xi32>
    %roll3A_2148 = arith.constant 64 : i32
    %roll3A_2149 = tpu.dynamic_rotate %select_n3A_2135 by %roll3A_2148 dim 1 : vector<16x128xi32>, i32 -> vector<16x128xi32>
    %select_n3A_2150 = arith.select %eq3A_2141, %roll3A_2143, %roll3A_2145 : vector<16x128xi1>, vector<16x128xf32>
    %select_n3A_2151 = arith.select %eq3A_2141, %roll3A_2147, %roll3A_2149 : vector<16x128xi1>, vector<16x128xi32>
    %gt3A_2152 = arith.cmpf ogt, %select_n3A_2134, %select_n3A_2150 : vector<16x128xf32>
    %eq3A_2153 = arith.cmpf oeq, %select_n3A_2134, %select_n3A_2150 : vector<16x128xf32>
    %lt3A_2154 = arith.cmpi slt, %select_n3A_2135, %select_n3A_2151 : vector<16x128xi32>
    %and3A_2155 = arith.andi %eq3A_2153, %lt3A_2154 : vector<16x128xi1>
    %or3A_2156 = arith.ori %gt3A_2152, %and3A_2155 : vector<16x128xi1>
    %eq3A_2157 = arith.xori %or3A_2156, %eq3A_2141 : vector<16x128xi1>
    %eq3A_2158 = arith.constant dense<true> : vector<16x128xi1>
    %eq3A_2159 = arith.xori %eq3A_2157, %eq3A_2158 : vector<16x128xi1>
    %eq3A_2160 = arith.xori %eq3A_2159, %eq3A_2003 : vector<16x128xi1>
    %eq3A_2161 = arith.constant dense<true> : vector<16x128xi1>
    %eq3A_2162 = arith.xori %eq3A_2160, %eq3A_2161 : vector<16x128xi1>
    %select_n3A_2163 = arith.select %eq3A_2162, %select_n3A_2134, %select_n3A_2150 : vector<16x128xi1>, vector<16x128xf32>
    %select_n3A_2164 = arith.select %eq3A_2162, %select_n3A_2135, %select_n3A_2151 : vector<16x128xi1>, vector<16x128xi32>
    %and3A_2165 = arith.constant 32 : i32
    %and3A_2166 = vector.broadcast %and3A_2165 : i32 to vector<16x128xi32>
    %and3A_2167 = arith.andi %add3A_320, %and3A_2166 : vector<16x128xi32>
    %eq3A_2168 = arith.constant 0 : i32
    %eq3A_2169 = vector.broadcast %eq3A_2168 : i32 to vector<16x128xi32>
    %eq3A_2170 = arith.cmpi eq, %and3A_2167, %eq3A_2169 : vector<16x128xi32>
    %roll3A_2171 = arith.constant 96 : i32
    %roll3A_2172 = tpu.dynamic_rotate %select_n3A_2163 by %roll3A_2171 dim 1 : vector<16x128xf32>, i32 -> vector<16x128xf32>
    %roll3A_2173 = arith.constant 32 : i32
    %roll3A_2174 = tpu.dynamic_rotate %select_n3A_2163 by %roll3A_2173 dim 1 : vector<16x128xf32>, i32 -> vector<16x128xf32>
    %roll3A_2175 = arith.constant 96 : i32
    %roll3A_2176 = tpu.dynamic_rotate %select_n3A_2164 by %roll3A_2175 dim 1 : vector<16x128xi32>, i32 -> vector<16x128xi32>
    %roll3A_2177 = arith.constant 32 : i32
    %roll3A_2178 = tpu.dynamic_rotate %select_n3A_2164 by %roll3A_2177 dim 1 : vector<16x128xi32>, i32 -> vector<16x128xi32>
    %select_n3A_2179 = arith.select %eq3A_2170, %roll3A_2172, %roll3A_2174 : vector<16x128xi1>, vector<16x128xf32>
    %select_n3A_2180 = arith.select %eq3A_2170, %roll3A_2176, %roll3A_2178 : vector<16x128xi1>, vector<16x128xi32>
    %gt3A_2181 = arith.cmpf ogt, %select_n3A_2163, %select_n3A_2179 : vector<16x128xf32>
    %eq3A_2182 = arith.cmpf oeq, %select_n3A_2163, %select_n3A_2179 : vector<16x128xf32>
    %lt3A_2183 = arith.cmpi slt, %select_n3A_2164, %select_n3A_2180 : vector<16x128xi32>
    %and3A_2184 = arith.andi %eq3A_2182, %lt3A_2183 : vector<16x128xi1>
    %or3A_2185 = arith.ori %gt3A_2181, %and3A_2184 : vector<16x128xi1>
    %eq3A_2186 = arith.xori %or3A_2185, %eq3A_2170 : vector<16x128xi1>
    %eq3A_2187 = arith.constant dense<true> : vector<16x128xi1>
    %eq3A_2188 = arith.xori %eq3A_2186, %eq3A_2187 : vector<16x128xi1>
    %eq3A_2189 = arith.xori %eq3A_2188, %eq3A_2003 : vector<16x128xi1>
    %eq3A_2190 = arith.constant dense<true> : vector<16x128xi1>
    %eq3A_2191 = arith.xori %eq3A_2189, %eq3A_2190 : vector<16x128xi1>
    %select_n3A_2192 = arith.select %eq3A_2191, %select_n3A_2163, %select_n3A_2179 : vector<16x128xi1>, vector<16x128xf32>
    %select_n3A_2193 = arith.select %eq3A_2191, %select_n3A_2164, %select_n3A_2180 : vector<16x128xi1>, vector<16x128xi32>
    %and3A_2194 = arith.constant 16 : i32
    %and3A_2195 = vector.broadcast %and3A_2194 : i32 to vector<16x128xi32>
    %and3A_2196 = arith.andi %add3A_320, %and3A_2195 : vector<16x128xi32>
    %eq3A_2197 = arith.constant 0 : i32
    %eq3A_2198 = vector.broadcast %eq3A_2197 : i32 to vector<16x128xi32>
    %eq3A_2199 = arith.cmpi eq, %and3A_2196, %eq3A_2198 : vector<16x128xi32>
    %roll3A_2200 = arith.constant 112 : i32
    %roll3A_2201 = tpu.dynamic_rotate %select_n3A_2192 by %roll3A_2200 dim 1 : vector<16x128xf32>, i32 -> vector<16x128xf32>
    %roll3A_2202 = arith.constant 16 : i32
    %roll3A_2203 = tpu.dynamic_rotate %select_n3A_2192 by %roll3A_2202 dim 1 : vector<16x128xf32>, i32 -> vector<16x128xf32>
    %roll3A_2204 = arith.constant 112 : i32
    %roll3A_2205 = tpu.dynamic_rotate %select_n3A_2193 by %roll3A_2204 dim 1 : vector<16x128xi32>, i32 -> vector<16x128xi32>
    %roll3A_2206 = arith.constant 16 : i32
    %roll3A_2207 = tpu.dynamic_rotate %select_n3A_2193 by %roll3A_2206 dim 1 : vector<16x128xi32>, i32 -> vector<16x128xi32>
    %select_n3A_2208 = arith.select %eq3A_2199, %roll3A_2201, %roll3A_2203 : vector<16x128xi1>, vector<16x128xf32>
    %select_n3A_2209 = arith.select %eq3A_2199, %roll3A_2205, %roll3A_2207 : vector<16x128xi1>, vector<16x128xi32>
    %gt3A_2210 = arith.cmpf ogt, %select_n3A_2192, %select_n3A_2208 : vector<16x128xf32>
    %eq3A_2211 = arith.cmpf oeq, %select_n3A_2192, %select_n3A_2208 : vector<16x128xf32>
    %lt3A_2212 = arith.cmpi slt, %select_n3A_2193, %select_n3A_2209 : vector<16x128xi32>
    %and3A_2213 = arith.andi %eq3A_2211, %lt3A_2212 : vector<16x128xi1>
    %or3A_2214 = arith.ori %gt3A_2210, %and3A_2213 : vector<16x128xi1>
    %eq3A_2215 = arith.xori %or3A_2214, %eq3A_2199 : vector<16x128xi1>
    %eq3A_2216 = arith.constant dense<true> : vector<16x128xi1>
    %eq3A_2217 = arith.xori %eq3A_2215, %eq3A_2216 : vector<16x128xi1>
    %eq3A_2218 = arith.xori %eq3A_2217, %eq3A_2003 : vector<16x128xi1>
    %eq3A_2219 = arith.constant dense<true> : vector<16x128xi1>
    %eq3A_2220 = arith.xori %eq3A_2218, %eq3A_2219 : vector<16x128xi1>
    %select_n3A_2221 = arith.select %eq3A_2220, %select_n3A_2192, %select_n3A_2208 : vector<16x128xi1>, vector<16x128xf32>
    %select_n3A_2222 = arith.select %eq3A_2220, %select_n3A_2193, %select_n3A_2209 : vector<16x128xi1>, vector<16x128xi32>
    %and3A_2223 = arith.constant 8 : i32
    %and3A_2224 = vector.broadcast %and3A_2223 : i32 to vector<16x128xi32>
    %and3A_2225 = arith.andi %add3A_320, %and3A_2224 : vector<16x128xi32>
    %eq3A_2226 = arith.constant 0 : i32
    %eq3A_2227 = vector.broadcast %eq3A_2226 : i32 to vector<16x128xi32>
    %eq3A_2228 = arith.cmpi eq, %and3A_2225, %eq3A_2227 : vector<16x128xi32>
    %roll3A_2229 = arith.constant 120 : i32
    %roll3A_2230 = tpu.dynamic_rotate %select_n3A_2221 by %roll3A_2229 dim 1 : vector<16x128xf32>, i32 -> vector<16x128xf32>
    %roll3A_2231 = arith.constant 8 : i32
    %roll3A_2232 = tpu.dynamic_rotate %select_n3A_2221 by %roll3A_2231 dim 1 : vector<16x128xf32>, i32 -> vector<16x128xf32>
    %roll3A_2233 = arith.constant 120 : i32
    %roll3A_2234 = tpu.dynamic_rotate %select_n3A_2222 by %roll3A_2233 dim 1 : vector<16x128xi32>, i32 -> vector<16x128xi32>
    %roll3A_2235 = arith.constant 8 : i32
    %roll3A_2236 = tpu.dynamic_rotate %select_n3A_2222 by %roll3A_2235 dim 1 : vector<16x128xi32>, i32 -> vector<16x128xi32>
    %select_n3A_2237 = arith.select %eq3A_2228, %roll3A_2230, %roll3A_2232 : vector<16x128xi1>, vector<16x128xf32>
    %select_n3A_2238 = arith.select %eq3A_2228, %roll3A_2234, %roll3A_2236 : vector<16x128xi1>, vector<16x128xi32>
    %gt3A_2239 = arith.cmpf ogt, %select_n3A_2221, %select_n3A_2237 : vector<16x128xf32>
    %eq3A_2240 = arith.cmpf oeq, %select_n3A_2221, %select_n3A_2237 : vector<16x128xf32>
    %lt3A_2241 = arith.cmpi slt, %select_n3A_2222, %select_n3A_2238 : vector<16x128xi32>
    %and3A_2242 = arith.andi %eq3A_2240, %lt3A_2241 : vector<16x128xi1>
    %or3A_2243 = arith.ori %gt3A_2239, %and3A_2242 : vector<16x128xi1>
    %eq3A_2244 = arith.xori %or3A_2243, %eq3A_2228 : vector<16x128xi1>
    %eq3A_2245 = arith.constant dense<true> : vector<16x128xi1>
    %eq3A_2246 = arith.xori %eq3A_2244, %eq3A_2245 : vector<16x128xi1>
    %eq3A_2247 = arith.xori %eq3A_2246, %eq3A_2003 : vector<16x128xi1>
    %eq3A_2248 = arith.constant dense<true> : vector<16x128xi1>
    %eq3A_2249 = arith.xori %eq3A_2247, %eq3A_2248 : vector<16x128xi1>
    %select_n3A_2250 = arith.select %eq3A_2249, %select_n3A_2221, %select_n3A_2237 : vector<16x128xi1>, vector<16x128xf32>
    %select_n3A_2251 = arith.select %eq3A_2249, %select_n3A_2222, %select_n3A_2238 : vector<16x128xi1>, vector<16x128xi32>
    %and3A_2252 = arith.constant 4 : i32
    %and3A_2253 = vector.broadcast %and3A_2252 : i32 to vector<16x128xi32>
    %and3A_2254 = arith.andi %add3A_320, %and3A_2253 : vector<16x128xi32>
    %eq3A_2255 = arith.constant 0 : i32
    %eq3A_2256 = vector.broadcast %eq3A_2255 : i32 to vector<16x128xi32>
    %eq3A_2257 = arith.cmpi eq, %and3A_2254, %eq3A_2256 : vector<16x128xi32>
    %roll3A_2258 = arith.constant 124 : i32
    %roll3A_2259 = tpu.dynamic_rotate %select_n3A_2250 by %roll3A_2258 dim 1 : vector<16x128xf32>, i32 -> vector<16x128xf32>
    %roll3A_2260 = arith.constant 4 : i32
    %roll3A_2261 = tpu.dynamic_rotate %select_n3A_2250 by %roll3A_2260 dim 1 : vector<16x128xf32>, i32 -> vector<16x128xf32>
    %roll3A_2262 = arith.constant 124 : i32
    %roll3A_2263 = tpu.dynamic_rotate %select_n3A_2251 by %roll3A_2262 dim 1 : vector<16x128xi32>, i32 -> vector<16x128xi32>
    %roll3A_2264 = arith.constant 4 : i32
    %roll3A_2265 = tpu.dynamic_rotate %select_n3A_2251 by %roll3A_2264 dim 1 : vector<16x128xi32>, i32 -> vector<16x128xi32>
    %select_n3A_2266 = arith.select %eq3A_2257, %roll3A_2259, %roll3A_2261 : vector<16x128xi1>, vector<16x128xf32>
    %select_n3A_2267 = arith.select %eq3A_2257, %roll3A_2263, %roll3A_2265 : vector<16x128xi1>, vector<16x128xi32>
    %gt3A_2268 = arith.cmpf ogt, %select_n3A_2250, %select_n3A_2266 : vector<16x128xf32>
    %eq3A_2269 = arith.cmpf oeq, %select_n3A_2250, %select_n3A_2266 : vector<16x128xf32>
    %lt3A_2270 = arith.cmpi slt, %select_n3A_2251, %select_n3A_2267 : vector<16x128xi32>
    %and3A_2271 = arith.andi %eq3A_2269, %lt3A_2270 : vector<16x128xi1>
    %or3A_2272 = arith.ori %gt3A_2268, %and3A_2271 : vector<16x128xi1>
    %eq3A_2273 = arith.xori %or3A_2272, %eq3A_2257 : vector<16x128xi1>
    %eq3A_2274 = arith.constant dense<true> : vector<16x128xi1>
    %eq3A_2275 = arith.xori %eq3A_2273, %eq3A_2274 : vector<16x128xi1>
    %eq3A_2276 = arith.xori %eq3A_2275, %eq3A_2003 : vector<16x128xi1>
    %eq3A_2277 = arith.constant dense<true> : vector<16x128xi1>
    %eq3A_2278 = arith.xori %eq3A_2276, %eq3A_2277 : vector<16x128xi1>
    %select_n3A_2279 = arith.select %eq3A_2278, %select_n3A_2250, %select_n3A_2266 : vector<16x128xi1>, vector<16x128xf32>
    %select_n3A_2280 = arith.select %eq3A_2278, %select_n3A_2251, %select_n3A_2267 : vector<16x128xi1>, vector<16x128xi32>
    %and3A_2281 = arith.constant 2 : i32
    %and3A_2282 = vector.broadcast %and3A_2281 : i32 to vector<16x128xi32>
    %and3A_2283 = arith.andi %add3A_320, %and3A_2282 : vector<16x128xi32>
    %eq3A_2284 = arith.constant 0 : i32
    %eq3A_2285 = vector.broadcast %eq3A_2284 : i32 to vector<16x128xi32>
    %eq3A_2286 = arith.cmpi eq, %and3A_2283, %eq3A_2285 : vector<16x128xi32>
    %roll3A_2287 = arith.constant 126 : i32
    %roll3A_2288 = tpu.dynamic_rotate %select_n3A_2279 by %roll3A_2287 dim 1 : vector<16x128xf32>, i32 -> vector<16x128xf32>
    %roll3A_2289 = arith.constant 2 : i32
    %roll3A_2290 = tpu.dynamic_rotate %select_n3A_2279 by %roll3A_2289 dim 1 : vector<16x128xf32>, i32 -> vector<16x128xf32>
    %roll3A_2291 = arith.constant 126 : i32
    %roll3A_2292 = tpu.dynamic_rotate %select_n3A_2280 by %roll3A_2291 dim 1 : vector<16x128xi32>, i32 -> vector<16x128xi32>
    %roll3A_2293 = arith.constant 2 : i32
    %roll3A_2294 = tpu.dynamic_rotate %select_n3A_2280 by %roll3A_2293 dim 1 : vector<16x128xi32>, i32 -> vector<16x128xi32>
    %select_n3A_2295 = arith.select %eq3A_2286, %roll3A_2288, %roll3A_2290 : vector<16x128xi1>, vector<16x128xf32>
    %select_n3A_2296 = arith.select %eq3A_2286, %roll3A_2292, %roll3A_2294 : vector<16x128xi1>, vector<16x128xi32>
    %gt3A_2297 = arith.cmpf ogt, %select_n3A_2279, %select_n3A_2295 : vector<16x128xf32>
    %eq3A_2298 = arith.cmpf oeq, %select_n3A_2279, %select_n3A_2295 : vector<16x128xf32>
    %lt3A_2299 = arith.cmpi slt, %select_n3A_2280, %select_n3A_2296 : vector<16x128xi32>
    %and3A_2300 = arith.andi %eq3A_2298, %lt3A_2299 : vector<16x128xi1>
    %or3A_2301 = arith.ori %gt3A_2297, %and3A_2300 : vector<16x128xi1>
    %eq3A_2302 = arith.xori %or3A_2301, %eq3A_2286 : vector<16x128xi1>
    %eq3A_2303 = arith.constant dense<true> : vector<16x128xi1>
    %eq3A_2304 = arith.xori %eq3A_2302, %eq3A_2303 : vector<16x128xi1>
    %eq3A_2305 = arith.xori %eq3A_2304, %eq3A_2003 : vector<16x128xi1>
    %eq3A_2306 = arith.constant dense<true> : vector<16x128xi1>
    %eq3A_2307 = arith.xori %eq3A_2305, %eq3A_2306 : vector<16x128xi1>
    %select_n3A_2308 = arith.select %eq3A_2307, %select_n3A_2279, %select_n3A_2295 : vector<16x128xi1>, vector<16x128xf32>
    %select_n3A_2309 = arith.select %eq3A_2307, %select_n3A_2280, %select_n3A_2296 : vector<16x128xi1>, vector<16x128xi32>
    %and3A_2310 = arith.constant 1 : i32
    %and3A_2311 = vector.broadcast %and3A_2310 : i32 to vector<16x128xi32>
    %and3A_2312 = arith.andi %add3A_320, %and3A_2311 : vector<16x128xi32>
    %eq3A_2313 = arith.constant 0 : i32
    %eq3A_2314 = vector.broadcast %eq3A_2313 : i32 to vector<16x128xi32>
    %eq3A_2315 = arith.cmpi eq, %and3A_2312, %eq3A_2314 : vector<16x128xi32>
    %roll3A_2316 = arith.constant 127 : i32
    %roll3A_2317 = tpu.dynamic_rotate %select_n3A_2308 by %roll3A_2316 dim 1 : vector<16x128xf32>, i32 -> vector<16x128xf32>
    %roll3A_2318 = arith.constant 1 : i32
    %roll3A_2319 = tpu.dynamic_rotate %select_n3A_2308 by %roll3A_2318 dim 1 : vector<16x128xf32>, i32 -> vector<16x128xf32>
    %roll3A_2320 = arith.constant 127 : i32
    %roll3A_2321 = tpu.dynamic_rotate %select_n3A_2309 by %roll3A_2320 dim 1 : vector<16x128xi32>, i32 -> vector<16x128xi32>
    %roll3A_2322 = arith.constant 1 : i32
    %roll3A_2323 = tpu.dynamic_rotate %select_n3A_2309 by %roll3A_2322 dim 1 : vector<16x128xi32>, i32 -> vector<16x128xi32>
    %select_n3A_2324 = arith.select %eq3A_2315, %roll3A_2317, %roll3A_2319 : vector<16x128xi1>, vector<16x128xf32>
    %select_n3A_2325 = arith.select %eq3A_2315, %roll3A_2321, %roll3A_2323 : vector<16x128xi1>, vector<16x128xi32>
    %gt3A_2326 = arith.cmpf ogt, %select_n3A_2308, %select_n3A_2324 : vector<16x128xf32>
    %eq3A_2327 = arith.cmpf oeq, %select_n3A_2308, %select_n3A_2324 : vector<16x128xf32>
    %lt3A_2328 = arith.cmpi slt, %select_n3A_2309, %select_n3A_2325 : vector<16x128xi32>
    %and3A_2329 = arith.andi %eq3A_2327, %lt3A_2328 : vector<16x128xi1>
    %or3A_2330 = arith.ori %gt3A_2326, %and3A_2329 : vector<16x128xi1>
    %eq3A_2331 = arith.xori %or3A_2330, %eq3A_2315 : vector<16x128xi1>
    %eq3A_2332 = arith.constant dense<true> : vector<16x128xi1>
    %eq3A_2333 = arith.xori %eq3A_2331, %eq3A_2332 : vector<16x128xi1>
    %eq3A_2334 = arith.xori %eq3A_2333, %eq3A_2003 : vector<16x128xi1>
    %eq3A_2335 = arith.constant dense<true> : vector<16x128xi1>
    %eq3A_2336 = arith.xori %eq3A_2334, %eq3A_2335 : vector<16x128xi1>
    %select_n3A_2337 = arith.select %eq3A_2336, %select_n3A_2308, %select_n3A_2324 : vector<16x128xi1>, vector<16x128xf32>
    %select_n3A_2338 = arith.select %eq3A_2336, %select_n3A_2309, %select_n3A_2325 : vector<16x128xi1>, vector<16x128xi32>
    %iota3A_2339 = tpu.iota {dimensions = array<i32: 1>} : vector<1x128xi32>
    %lt3A_2340 = arith.constant 64 : i32
    %lt3A_2341 = vector.broadcast %lt3A_2340 : i32 to vector<1x128xi32>
    %lt3A_2342 = arith.cmpi slt, %iota3A_2339, %lt3A_2341 : vector<1x128xi32>
    %slice3A_2343 = vector.extract_strided_slice %select_n3A_2337 {offsets = [0, 0], sizes = [1, 128], strides = [1, 1]} : vector<16x128xf32> to vector<1x128xf32>
    %jit3A_2344 = arith.constant 0xFF800000 : f32
    %broadcast_in_dim3A_2345 = vector.broadcast %jit3A_2344 : f32 to vector<1x128xf32>
    %select_n3A_2346 = arith.select %lt3A_2342, %slice3A_2343, %broadcast_in_dim3A_2345 : vector<1x128xi1>, vector<1x128xf32>
    %slice3A_2347 = vector.extract_strided_slice %select_n3A_2338 {offsets = [0, 0], sizes = [1, 128], strides = [1, 1]} : vector<16x128xi32> to vector<1x128xi32>
    %add3A_2348 = arith.constant 1073741824 : i32
    %add3A_2349 = vector.broadcast %add3A_2348 : i32 to vector<1x128xi32>
    %add3A_2350 = arith.addi %add3A_2349, %iota3A_2339 : vector<1x128xi32>
    %select_n3A_2351 = arith.select %lt3A_2342, %slice3A_2347, %add3A_2350 : vector<1x128xi1>, vector<1x128xi32>
    %reduce_max3A = vector.shape_cast %select_n3A_2346 : vector<1x128xf32> to vector<1x1x128xf32>
    %reduce_max3A_2352 = arith.constant dense<0xFF800000> : vector<1xf32>
    %reduce_max3A_2353 = vector.multi_reduction <maximumf>, %reduce_max3A, %reduce_max3A_2352 [1, 2] : vector<1x1x128xf32> to vector<1xf32>
    %reduce_max3A_2354 = vector.shape_cast %reduce_max3A_2353 : vector<1xf32> to vector<1x1x1xf32>
    %reduce_max3A_2355 = vector.extract %reduce_max3A_2354[0, 0, 0] : f32 from vector<1x1x1xf32>
    %sub3A_2356 = vector.broadcast %reduce_max3A_2355 : f32 to vector<1x128xf32>
    %sub3A_2357 = arith.subf %select_n3A_2346, %sub3A_2356 : vector<1x128xf32>
    %exp3A = math.exp %sub3A_2357 : vector<1x128xf32>
    %reduce_sum3A_2358 = vector.shape_cast %exp3A : vector<1x128xf32> to vector<1x1x128xf32>
    %reduce_sum3A_2359 = arith.constant dense<0.000000e+00> : vector<1xf32>
    %reduce_sum3A_2360 = vector.multi_reduction <add>, %reduce_sum3A_2358, %reduce_sum3A_2359 [1, 2] : vector<1x1x128xf32> to vector<1xf32>
    %reduce_sum3A_2361 = vector.shape_cast %reduce_sum3A_2360 : vector<1xf32> to vector<1x1x1xf32>
    %reduce_sum3A_2362 = vector.extract %reduce_sum3A_2361[0, 0, 0] : f32 from vector<1x1x1xf32>
    %div3A = vector.broadcast %reduce_sum3A_2362 : f32 to vector<1x128xf32>
    %div3A_2363 = arith.divf %exp3A, %div3A : vector<1x128xf32>
    %div3A_2364 = arith.constant 1.000000e+00 : f32
    %div3A_2365 = arith.divf %div3A_2364, %reduce_sum3A_2362 : f32
    %mul3A_2366 = arith.constant 5.000000e-02 : f32
    %mul3A_2367 = arith.mulf %mul3A_2366, %div3A_2365 : f32
    %ge3A_2368 = vector.broadcast %mul3A_2367 : f32 to vector<1x128xf32>
    %ge3A_2369 = arith.cmpf oge, %div3A_2363, %ge3A_2368 : vector<1x128xf32>
    %jit3A_2370 = arith.constant 0xFF800000 : f32
    %broadcast_in_dim3A_2371 = vector.broadcast %jit3A_2370 : f32 to vector<1x128xf32>
    %select_n3A_2372 = arith.select %ge3A_2369, %select_n3A_2346, %broadcast_in_dim3A_2371 : vector<1x128xi1>, vector<1x128xf32>
    %sub3A_2373 = vector.broadcast %reduce_max3A_2355 : f32 to vector<1x128xf32>
    %sub3A_2374 = arith.subf %select_n3A_2372, %sub3A_2373 : vector<1x128xf32>
    %exp3A_2375 = math.exp %sub3A_2374 : vector<1x128xf32>
    %reduce_sum3A_2376 = vector.shape_cast %exp3A_2375 : vector<1x128xf32> to vector<1x1x128xf32>
    %reduce_sum3A_2377 = arith.constant dense<0.000000e+00> : vector<1xf32>
    %reduce_sum3A_2378 = vector.multi_reduction <add>, %reduce_sum3A_2376, %reduce_sum3A_2377 [1, 2] : vector<1x1x128xf32> to vector<1xf32>
    %reduce_sum3A_2379 = vector.shape_cast %reduce_sum3A_2378 : vector<1xf32> to vector<1x1x1xf32>
    %reduce_sum3A_2380 = vector.extract %reduce_sum3A_2379[0, 0, 0] : f32 from vector<1x1x1xf32>
    %div3A_2381 = vector.broadcast %reduce_sum3A_2380 : f32 to vector<1x128xf32>
    %div3A_2382 = arith.divf %exp3A_2375, %div3A_2381 : vector<1x128xf32>
    %roll3A_2383 = arith.constant 1 : i32
    %roll3A_2384 = tpu.dynamic_rotate %div3A_2382 by %roll3A_2383 dim 1 : vector<1x128xf32>, i32 -> vector<1x128xf32>
    %ge3A_2385 = arith.constant 1 : i32
    %ge3A_2386 = vector.broadcast %ge3A_2385 : i32 to vector<1x128xi32>
    %ge3A_2387 = arith.cmpi sge, %iota3A_2339, %ge3A_2386 : vector<1x128xi32>
    %jit3A_2388 = arith.constant 0.000000e+00 : f32
    %broadcast_in_dim3A_2389 = vector.broadcast %jit3A_2388 : f32 to vector<1x128xf32>
    %select_n3A_2390 = arith.select %ge3A_2387, %roll3A_2384, %broadcast_in_dim3A_2389 : vector<1x128xi1>, vector<1x128xf32>
    %add3A_2391 = arith.addf %div3A_2382, %select_n3A_2390 : vector<1x128xf32>
    %roll3A_2392 = arith.constant 2 : i32
    %roll3A_2393 = tpu.dynamic_rotate %add3A_2391 by %roll3A_2392 dim 1 : vector<1x128xf32>, i32 -> vector<1x128xf32>
    %ge3A_2394 = arith.constant 2 : i32
    %ge3A_2395 = vector.broadcast %ge3A_2394 : i32 to vector<1x128xi32>
    %ge3A_2396 = arith.cmpi sge, %iota3A_2339, %ge3A_2395 : vector<1x128xi32>
    %jit3A_2397 = arith.constant 0.000000e+00 : f32
    %broadcast_in_dim3A_2398 = vector.broadcast %jit3A_2397 : f32 to vector<1x128xf32>
    %select_n3A_2399 = arith.select %ge3A_2396, %roll3A_2393, %broadcast_in_dim3A_2398 : vector<1x128xi1>, vector<1x128xf32>
    %add3A_2400 = arith.addf %add3A_2391, %select_n3A_2399 : vector<1x128xf32>
    %roll3A_2401 = arith.constant 4 : i32
    %roll3A_2402 = tpu.dynamic_rotate %add3A_2400 by %roll3A_2401 dim 1 : vector<1x128xf32>, i32 -> vector<1x128xf32>
    %ge3A_2403 = arith.constant 4 : i32
    %ge3A_2404 = vector.broadcast %ge3A_2403 : i32 to vector<1x128xi32>
    %ge3A_2405 = arith.cmpi sge, %iota3A_2339, %ge3A_2404 : vector<1x128xi32>
    %jit3A_2406 = arith.constant 0.000000e+00 : f32
    %broadcast_in_dim3A_2407 = vector.broadcast %jit3A_2406 : f32 to vector<1x128xf32>
    %select_n3A_2408 = arith.select %ge3A_2405, %roll3A_2402, %broadcast_in_dim3A_2407 : vector<1x128xi1>, vector<1x128xf32>
    %add3A_2409 = arith.addf %add3A_2400, %select_n3A_2408 : vector<1x128xf32>
    %roll3A_2410 = arith.constant 8 : i32
    %roll3A_2411 = tpu.dynamic_rotate %add3A_2409 by %roll3A_2410 dim 1 : vector<1x128xf32>, i32 -> vector<1x128xf32>
    %ge3A_2412 = arith.constant 8 : i32
    %ge3A_2413 = vector.broadcast %ge3A_2412 : i32 to vector<1x128xi32>
    %ge3A_2414 = arith.cmpi sge, %iota3A_2339, %ge3A_2413 : vector<1x128xi32>
    %jit3A_2415 = arith.constant 0.000000e+00 : f32
    %broadcast_in_dim3A_2416 = vector.broadcast %jit3A_2415 : f32 to vector<1x128xf32>
    %select_n3A_2417 = arith.select %ge3A_2414, %roll3A_2411, %broadcast_in_dim3A_2416 : vector<1x128xi1>, vector<1x128xf32>
    %add3A_2418 = arith.addf %add3A_2409, %select_n3A_2417 : vector<1x128xf32>
    %roll3A_2419 = arith.constant 16 : i32
    %roll3A_2420 = tpu.dynamic_rotate %add3A_2418 by %roll3A_2419 dim 1 : vector<1x128xf32>, i32 -> vector<1x128xf32>
    %ge3A_2421 = arith.constant 16 : i32
    %ge3A_2422 = vector.broadcast %ge3A_2421 : i32 to vector<1x128xi32>
    %ge3A_2423 = arith.cmpi sge, %iota3A_2339, %ge3A_2422 : vector<1x128xi32>
    %jit3A_2424 = arith.constant 0.000000e+00 : f32
    %broadcast_in_dim3A_2425 = vector.broadcast %jit3A_2424 : f32 to vector<1x128xf32>
    %select_n3A_2426 = arith.select %ge3A_2423, %roll3A_2420, %broadcast_in_dim3A_2425 : vector<1x128xi1>, vector<1x128xf32>
    %add3A_2427 = arith.addf %add3A_2418, %select_n3A_2426 : vector<1x128xf32>
    %roll3A_2428 = arith.constant 32 : i32
    %roll3A_2429 = tpu.dynamic_rotate %add3A_2427 by %roll3A_2428 dim 1 : vector<1x128xf32>, i32 -> vector<1x128xf32>
    %ge3A_2430 = arith.constant 32 : i32
    %ge3A_2431 = vector.broadcast %ge3A_2430 : i32 to vector<1x128xi32>
    %ge3A_2432 = arith.cmpi sge, %iota3A_2339, %ge3A_2431 : vector<1x128xi32>
    %jit3A_2433 = arith.constant 0.000000e+00 : f32
    %broadcast_in_dim3A_2434 = vector.broadcast %jit3A_2433 : f32 to vector<1x128xf32>
    %select_n3A_2435 = arith.select %ge3A_2432, %roll3A_2429, %broadcast_in_dim3A_2434 : vector<1x128xi1>, vector<1x128xf32>
    %add3A_2436 = arith.addf %add3A_2427, %select_n3A_2435 : vector<1x128xf32>
    %roll3A_2437 = arith.constant 64 : i32
    %roll3A_2438 = tpu.dynamic_rotate %add3A_2436 by %roll3A_2437 dim 1 : vector<1x128xf32>, i32 -> vector<1x128xf32>
    %ge3A_2439 = arith.constant 64 : i32
    %ge3A_2440 = vector.broadcast %ge3A_2439 : i32 to vector<1x128xi32>
    %ge3A_2441 = arith.cmpi sge, %iota3A_2339, %ge3A_2440 : vector<1x128xi32>
    %jit3A_2442 = arith.constant 0.000000e+00 : f32
    %broadcast_in_dim3A_2443 = vector.broadcast %jit3A_2442 : f32 to vector<1x128xf32>
    %select_n3A_2444 = arith.select %ge3A_2441, %roll3A_2438, %broadcast_in_dim3A_2443 : vector<1x128xi1>, vector<1x128xf32>
    %add3A_2445 = arith.addf %add3A_2436, %select_n3A_2444 : vector<1x128xf32>
    %roll3A_2446 = arith.constant 1 : i32
    %roll3A_2447 = tpu.dynamic_rotate %add3A_2445 by %roll3A_2446 dim 1 : vector<1x128xf32>, i32 -> vector<1x128xf32>
    %eq3A_2448 = arith.constant 0 : i32
    %eq3A_2449 = vector.broadcast %eq3A_2448 : i32 to vector<1x128xi32>
    %eq3A_2450 = arith.cmpi eq, %iota3A_2339, %eq3A_2449 : vector<1x128xi32>
    %jit3A_2451 = arith.constant 0.000000e+00 : f32
    %broadcast_in_dim3A_2452 = vector.broadcast %jit3A_2451 : f32 to vector<1x128xf32>
    %select_n3A_2453 = arith.select %eq3A_2450, %broadcast_in_dim3A_2452, %roll3A_2447 : vector<1x128xi1>, vector<1x128xf32>
    %le3A = arith.constant 0.899999976 : f32
    %le3A_2454 = vector.broadcast %le3A : f32 to vector<1x128xf32>
    %le3A_2455 = arith.cmpf ole, %select_n3A_2453, %le3A_2454 : vector<1x128xf32>
    %jit3A_2456 = arith.constant 0xFF800000 : f32
    %broadcast_in_dim3A_2457 = vector.broadcast %jit3A_2456 : f32 to vector<1x128xf32>
    %select_n3A_2458 = arith.select %le3A_2455, %select_n3A_2372, %broadcast_in_dim3A_2457 : vector<1x128xi1>, vector<1x128xf32>
    %div3A_2459 = arith.constant 8.500000e-01 : f32
    %div3A_2460 = vector.broadcast %div3A_2459 : f32 to vector<1x128xf32>
    %div3A_2461 = arith.divf %select_n3A_2458, %div3A_2460 : vector<1x128xf32>
    %div3A_2462 = arith.constant 8.500000e-01 : f32
    %div3A_2463 = arith.divf %reduce_max3A_2355, %div3A_2462 : f32
    %sub3A_2464 = vector.broadcast %div3A_2463 : f32 to vector<1x128xf32>
    %sub3A_2465 = arith.subf %div3A_2461, %sub3A_2464 : vector<1x128xf32>
    %exp3A_2466 = math.exp %sub3A_2465 : vector<1x128xf32>
    %reduce_sum3A_2467 = vector.shape_cast %exp3A_2466 : vector<1x128xf32> to vector<1x1x128xf32>
    %reduce_sum3A_2468 = arith.constant dense<0.000000e+00> : vector<1xf32>
    %reduce_sum3A_2469 = vector.multi_reduction <add>, %reduce_sum3A_2467, %reduce_sum3A_2468 [1, 2] : vector<1x1x128xf32> to vector<1xf32>
    %reduce_sum3A_2470 = vector.shape_cast %reduce_sum3A_2469 : vector<1xf32> to vector<1x1x1xf32>
    %reduce_sum3A_2471 = vector.extract %reduce_sum3A_2470[0, 0, 0] : f32 from vector<1x1x1xf32>
    %div3A_2472 = vector.broadcast %reduce_sum3A_2471 : f32 to vector<1x128xf32>
    %div3A_2473 = arith.divf %exp3A_2466, %div3A_2472 : vector<1x128xf32>
    %ge3A_2474 = arith.constant 1073741824 : i32
    %ge3A_2475 = vector.broadcast %ge3A_2474 : i32 to vector<1x128xi32>
    %ge3A_2476 = arith.cmpi sge, %select_n3A_2351, %ge3A_2475 : vector<1x128xi32>
    %add3A_2477 = arith.constant 151552 : i32
    %add3A_2478 = vector.broadcast %add3A_2477 : i32 to vector<1x128xi32>
    %add3A_2479 = arith.addi %add3A_2478, %select_n3A_2351 : vector<1x128xi32>
    %jit3A_2480 = arith.constant 0 : i32
    %broadcast_in_dim3A_2481 = vector.broadcast %jit3A_2480 : i32 to vector<1x128xi32>
    %select_n3A_2482 = arith.select %ge3A_2476, %broadcast_in_dim3A_2481, %add3A_2479 : vector<1x128xi1>, vector<1x128xi32>
    %bitcast_convert_type3A_2483 = tpu.bitcast %select_n3A_2482 : vector<1x128xi32> -> vector<1x128xi32>
    %broadcast_in_dim3A_2484 = arith.constant 0 : i32
    %broadcast_in_dim3A_2485 = vector.broadcast %broadcast_in_dim3A_2484 : i32 to vector<1x128xi32>
    %xor3A_2486 = arith.constant 466688986 : i32
    %xor3A_2487 = arith.constant 0 : i32
    %xor3A_2488 = arith.xori %xor3A_2486, %xor3A_2487 : i32
    %xor3A_2489 = arith.constant 1 : i32
    %xor3A_2490 = arith.xori %xor3A_2488, %xor3A_2489 : i32
    %add3A_2491 = arith.constant 0 : i32
    %add3A_2492 = vector.broadcast %add3A_2491 : i32 to vector<1x128xi32>
    %add3A_2493 = arith.addi %broadcast_in_dim3A_2485, %add3A_2492 : vector<1x128xi32>
    %add3A_2494 = arith.constant 1 : i32
    %add3A_2495 = vector.broadcast %add3A_2494 : i32 to vector<1x128xi32>
    %add3A_2496 = arith.addi %bitcast_convert_type3A_2483, %add3A_2495 : vector<1x128xi32>
    %add3A_2497 = arith.addi %add3A_2493, %add3A_2496 : vector<1x128xi32>
    %shift_left3A = arith.constant 13 : i32
    %shift_left3A_2498 = vector.broadcast %shift_left3A : i32 to vector<1x128xi32>
    %shift_left3A_2499 = arith.shli %add3A_2496, %shift_left3A_2498 : vector<1x128xi32>
    %shift_right_logical3A_2500 = arith.constant 19 : i32
    %shift_right_logical3A_2501 = vector.broadcast %shift_right_logical3A_2500 : i32 to vector<1x128xi32>
    %shift_right_logical3A_2502 = arith.shrui %add3A_2496, %shift_right_logical3A_2501 : vector<1x128xi32>
    %or3A_2503 = arith.ori %shift_left3A_2499, %shift_right_logical3A_2502 : vector<1x128xi32>
    %xor3A_2504 = arith.xori %or3A_2503, %add3A_2497 : vector<1x128xi32>
    %add3A_2505 = arith.addi %add3A_2497, %xor3A_2504 : vector<1x128xi32>
    %shift_left3A_2506 = arith.constant 15 : i32
    %shift_left3A_2507 = vector.broadcast %shift_left3A_2506 : i32 to vector<1x128xi32>
    %shift_left3A_2508 = arith.shli %xor3A_2504, %shift_left3A_2507 : vector<1x128xi32>
    %shift_right_logical3A_2509 = arith.constant 17 : i32
    %shift_right_logical3A_2510 = vector.broadcast %shift_right_logical3A_2509 : i32 to vector<1x128xi32>
    %shift_right_logical3A_2511 = arith.shrui %xor3A_2504, %shift_right_logical3A_2510 : vector<1x128xi32>
    %or3A_2512 = arith.ori %shift_left3A_2508, %shift_right_logical3A_2511 : vector<1x128xi32>
    %xor3A_2513 = arith.xori %or3A_2512, %add3A_2505 : vector<1x128xi32>
    %add3A_2514 = arith.addi %add3A_2505, %xor3A_2513 : vector<1x128xi32>
    %shift_left3A_2515 = arith.constant 26 : i32
    %shift_left3A_2516 = vector.broadcast %shift_left3A_2515 : i32 to vector<1x128xi32>
    %shift_left3A_2517 = arith.shli %xor3A_2513, %shift_left3A_2516 : vector<1x128xi32>
    %shift_right_logical3A_2518 = arith.constant 6 : i32
    %shift_right_logical3A_2519 = vector.broadcast %shift_right_logical3A_2518 : i32 to vector<1x128xi32>
    %shift_right_logical3A_2520 = arith.shrui %xor3A_2513, %shift_right_logical3A_2519 : vector<1x128xi32>
    %or3A_2521 = arith.ori %shift_left3A_2517, %shift_right_logical3A_2520 : vector<1x128xi32>
    %xor3A_2522 = arith.xori %or3A_2521, %add3A_2514 : vector<1x128xi32>
    %add3A_2523 = arith.addi %add3A_2514, %xor3A_2522 : vector<1x128xi32>
    %shift_left3A_2524 = arith.constant 6 : i32
    %shift_left3A_2525 = vector.broadcast %shift_left3A_2524 : i32 to vector<1x128xi32>
    %shift_left3A_2526 = arith.shli %xor3A_2522, %shift_left3A_2525 : vector<1x128xi32>
    %shift_right_logical3A_2527 = arith.constant 26 : i32
    %shift_right_logical3A_2528 = vector.broadcast %shift_right_logical3A_2527 : i32 to vector<1x128xi32>
    %shift_right_logical3A_2529 = arith.shrui %xor3A_2522, %shift_right_logical3A_2528 : vector<1x128xi32>
    %or3A_2530 = arith.ori %shift_left3A_2526, %shift_right_logical3A_2529 : vector<1x128xi32>
    %xor3A_2531 = arith.xori %or3A_2530, %add3A_2523 : vector<1x128xi32>
    %add3A_2532 = arith.constant 1 : i32
    %add3A_2533 = vector.broadcast %add3A_2532 : i32 to vector<1x128xi32>
    %add3A_2534 = arith.addi %add3A_2523, %add3A_2533 : vector<1x128xi32>
    %add3A_2535 = vector.broadcast %xor3A_2490 : i32 to vector<1x128xi32>
    %add3A_2536 = arith.addi %xor3A_2531, %add3A_2535 : vector<1x128xi32>
    %add3A_2537 = arith.constant 1 : i32
    %add3A_2538 = vector.broadcast %add3A_2537 : i32 to vector<1x128xi32>
    %add3A_2539 = arith.addi %add3A_2536, %add3A_2538 : vector<1x128xi32>
    %add3A_2540 = arith.addi %add3A_2534, %add3A_2539 : vector<1x128xi32>
    %shift_left3A_2541 = arith.constant 17 : i32
    %shift_left3A_2542 = vector.broadcast %shift_left3A_2541 : i32 to vector<1x128xi32>
    %shift_left3A_2543 = arith.shli %add3A_2539, %shift_left3A_2542 : vector<1x128xi32>
    %shift_right_logical3A_2544 = arith.constant 15 : i32
    %shift_right_logical3A_2545 = vector.broadcast %shift_right_logical3A_2544 : i32 to vector<1x128xi32>
    %shift_right_logical3A_2546 = arith.shrui %add3A_2539, %shift_right_logical3A_2545 : vector<1x128xi32>
    %or3A_2547 = arith.ori %shift_left3A_2543, %shift_right_logical3A_2546 : vector<1x128xi32>
    %xor3A_2548 = arith.xori %or3A_2547, %add3A_2540 : vector<1x128xi32>
    %add3A_2549 = arith.addi %add3A_2540, %xor3A_2548 : vector<1x128xi32>
    %shift_left3A_2550 = arith.constant 29 : i32
    %shift_left3A_2551 = vector.broadcast %shift_left3A_2550 : i32 to vector<1x128xi32>
    %shift_left3A_2552 = arith.shli %xor3A_2548, %shift_left3A_2551 : vector<1x128xi32>
    %shift_right_logical3A_2553 = arith.constant 3 : i32
    %shift_right_logical3A_2554 = vector.broadcast %shift_right_logical3A_2553 : i32 to vector<1x128xi32>
    %shift_right_logical3A_2555 = arith.shrui %xor3A_2548, %shift_right_logical3A_2554 : vector<1x128xi32>
    %or3A_2556 = arith.ori %shift_left3A_2552, %shift_right_logical3A_2555 : vector<1x128xi32>
    %xor3A_2557 = arith.xori %or3A_2556, %add3A_2549 : vector<1x128xi32>
    %add3A_2558 = arith.addi %add3A_2549, %xor3A_2557 : vector<1x128xi32>
    %shift_left3A_2559 = arith.constant 16 : i32
    %shift_left3A_2560 = vector.broadcast %shift_left3A_2559 : i32 to vector<1x128xi32>
    %shift_left3A_2561 = arith.shli %xor3A_2557, %shift_left3A_2560 : vector<1x128xi32>
    %shift_right_logical3A_2562 = arith.constant 16 : i32
    %shift_right_logical3A_2563 = vector.broadcast %shift_right_logical3A_2562 : i32 to vector<1x128xi32>
    %shift_right_logical3A_2564 = arith.shrui %xor3A_2557, %shift_right_logical3A_2563 : vector<1x128xi32>
    %or3A_2565 = arith.ori %shift_left3A_2561, %shift_right_logical3A_2564 : vector<1x128xi32>
    %xor3A_2566 = arith.xori %or3A_2565, %add3A_2558 : vector<1x128xi32>
    %add3A_2567 = arith.addi %add3A_2558, %xor3A_2566 : vector<1x128xi32>
    %shift_left3A_2568 = arith.constant 24 : i32
    %shift_left3A_2569 = vector.broadcast %shift_left3A_2568 : i32 to vector<1x128xi32>
    %shift_left3A_2570 = arith.shli %xor3A_2566, %shift_left3A_2569 : vector<1x128xi32>
    %shift_right_logical3A_2571 = arith.constant 8 : i32
    %shift_right_logical3A_2572 = vector.broadcast %shift_right_logical3A_2571 : i32 to vector<1x128xi32>
    %shift_right_logical3A_2573 = arith.shrui %xor3A_2566, %shift_right_logical3A_2572 : vector<1x128xi32>
    %or3A_2574 = arith.ori %shift_left3A_2570, %shift_right_logical3A_2573 : vector<1x128xi32>
    %xor3A_2575 = arith.xori %or3A_2574, %add3A_2567 : vector<1x128xi32>
    %add3A_2576 = vector.broadcast %xor3A_2490 : i32 to vector<1x128xi32>
    %add3A_2577 = arith.addi %add3A_2567, %add3A_2576 : vector<1x128xi32>
    %add3A_2578 = arith.constant 0 : i32
    %add3A_2579 = vector.broadcast %add3A_2578 : i32 to vector<1x128xi32>
    %add3A_2580 = arith.addi %xor3A_2575, %add3A_2579 : vector<1x128xi32>
    %add3A_2581 = arith.constant 2 : i32
    %add3A_2582 = vector.broadcast %add3A_2581 : i32 to vector<1x128xi32>
    %add3A_2583 = arith.addi %add3A_2580, %add3A_2582 : vector<1x128xi32>
    %add3A_2584 = arith.addi %add3A_2577, %add3A_2583 : vector<1x128xi32>
    %shift_left3A_2585 = arith.constant 13 : i32
    %shift_left3A_2586 = vector.broadcast %shift_left3A_2585 : i32 to vector<1x128xi32>
    %shift_left3A_2587 = arith.shli %add3A_2583, %shift_left3A_2586 : vector<1x128xi32>
    %shift_right_logical3A_2588 = arith.constant 19 : i32
    %shift_right_logical3A_2589 = vector.broadcast %shift_right_logical3A_2588 : i32 to vector<1x128xi32>
    %shift_right_logical3A_2590 = arith.shrui %add3A_2583, %shift_right_logical3A_2589 : vector<1x128xi32>
    %or3A_2591 = arith.ori %shift_left3A_2587, %shift_right_logical3A_2590 : vector<1x128xi32>
    %xor3A_2592 = arith.xori %or3A_2591, %add3A_2584 : vector<1x128xi32>
    %add3A_2593 = arith.addi %add3A_2584, %xor3A_2592 : vector<1x128xi32>
    %shift_left3A_2594 = arith.constant 15 : i32
    %shift_left3A_2595 = vector.broadcast %shift_left3A_2594 : i32 to vector<1x128xi32>
    %shift_left3A_2596 = arith.shli %xor3A_2592, %shift_left3A_2595 : vector<1x128xi32>
    %shift_right_logical3A_2597 = arith.constant 17 : i32
    %shift_right_logical3A_2598 = vector.broadcast %shift_right_logical3A_2597 : i32 to vector<1x128xi32>
    %shift_right_logical3A_2599 = arith.shrui %xor3A_2592, %shift_right_logical3A_2598 : vector<1x128xi32>
    %or3A_2600 = arith.ori %shift_left3A_2596, %shift_right_logical3A_2599 : vector<1x128xi32>
    %xor3A_2601 = arith.xori %or3A_2600, %add3A_2593 : vector<1x128xi32>
    %add3A_2602 = arith.addi %add3A_2593, %xor3A_2601 : vector<1x128xi32>
    %shift_left3A_2603 = arith.constant 26 : i32
    %shift_left3A_2604 = vector.broadcast %shift_left3A_2603 : i32 to vector<1x128xi32>
    %shift_left3A_2605 = arith.shli %xor3A_2601, %shift_left3A_2604 : vector<1x128xi32>
    %shift_right_logical3A_2606 = arith.constant 6 : i32
    %shift_right_logical3A_2607 = vector.broadcast %shift_right_logical3A_2606 : i32 to vector<1x128xi32>
    %shift_right_logical3A_2608 = arith.shrui %xor3A_2601, %shift_right_logical3A_2607 : vector<1x128xi32>
    %or3A_2609 = arith.ori %shift_left3A_2605, %shift_right_logical3A_2608 : vector<1x128xi32>
    %xor3A_2610 = arith.xori %or3A_2609, %add3A_2602 : vector<1x128xi32>
    %add3A_2611 = arith.addi %add3A_2602, %xor3A_2610 : vector<1x128xi32>
    %shift_left3A_2612 = arith.constant 6 : i32
    %shift_left3A_2613 = vector.broadcast %shift_left3A_2612 : i32 to vector<1x128xi32>
    %shift_left3A_2614 = arith.shli %xor3A_2610, %shift_left3A_2613 : vector<1x128xi32>
    %shift_right_logical3A_2615 = arith.constant 26 : i32
    %shift_right_logical3A_2616 = vector.broadcast %shift_right_logical3A_2615 : i32 to vector<1x128xi32>
    %shift_right_logical3A_2617 = arith.shrui %xor3A_2610, %shift_right_logical3A_2616 : vector<1x128xi32>
    %or3A_2618 = arith.ori %shift_left3A_2614, %shift_right_logical3A_2617 : vector<1x128xi32>
    %xor3A_2619 = arith.xori %or3A_2618, %add3A_2611 : vector<1x128xi32>
    %add3A_2620 = arith.constant 0 : i32
    %add3A_2621 = vector.broadcast %add3A_2620 : i32 to vector<1x128xi32>
    %add3A_2622 = arith.addi %add3A_2611, %add3A_2621 : vector<1x128xi32>
    %add3A_2623 = arith.constant 1 : i32
    %add3A_2624 = vector.broadcast %add3A_2623 : i32 to vector<1x128xi32>
    %add3A_2625 = arith.addi %xor3A_2619, %add3A_2624 : vector<1x128xi32>
    %add3A_2626 = arith.constant 3 : i32
    %add3A_2627 = vector.broadcast %add3A_2626 : i32 to vector<1x128xi32>
    %add3A_2628 = arith.addi %add3A_2625, %add3A_2627 : vector<1x128xi32>
    %add3A_2629 = arith.addi %add3A_2622, %add3A_2628 : vector<1x128xi32>
    %shift_left3A_2630 = arith.constant 17 : i32
    %shift_left3A_2631 = vector.broadcast %shift_left3A_2630 : i32 to vector<1x128xi32>
    %shift_left3A_2632 = arith.shli %add3A_2628, %shift_left3A_2631 : vector<1x128xi32>
    %shift_right_logical3A_2633 = arith.constant 15 : i32
    %shift_right_logical3A_2634 = vector.broadcast %shift_right_logical3A_2633 : i32 to vector<1x128xi32>
    %shift_right_logical3A_2635 = arith.shrui %add3A_2628, %shift_right_logical3A_2634 : vector<1x128xi32>
    %or3A_2636 = arith.ori %shift_left3A_2632, %shift_right_logical3A_2635 : vector<1x128xi32>
    %xor3A_2637 = arith.xori %or3A_2636, %add3A_2629 : vector<1x128xi32>
    %add3A_2638 = arith.addi %add3A_2629, %xor3A_2637 : vector<1x128xi32>
    %shift_left3A_2639 = arith.constant 29 : i32
    %shift_left3A_2640 = vector.broadcast %shift_left3A_2639 : i32 to vector<1x128xi32>
    %shift_left3A_2641 = arith.shli %xor3A_2637, %shift_left3A_2640 : vector<1x128xi32>
    %shift_right_logical3A_2642 = arith.constant 3 : i32
    %shift_right_logical3A_2643 = vector.broadcast %shift_right_logical3A_2642 : i32 to vector<1x128xi32>
    %shift_right_logical3A_2644 = arith.shrui %xor3A_2637, %shift_right_logical3A_2643 : vector<1x128xi32>
    %or3A_2645 = arith.ori %shift_left3A_2641, %shift_right_logical3A_2644 : vector<1x128xi32>
    %xor3A_2646 = arith.xori %or3A_2645, %add3A_2638 : vector<1x128xi32>
    %add3A_2647 = arith.addi %add3A_2638, %xor3A_2646 : vector<1x128xi32>
    %shift_left3A_2648 = arith.constant 16 : i32
    %shift_left3A_2649 = vector.broadcast %shift_left3A_2648 : i32 to vector<1x128xi32>
    %shift_left3A_2650 = arith.shli %xor3A_2646, %shift_left3A_2649 : vector<1x128xi32>
    %shift_right_logical3A_2651 = arith.constant 16 : i32
    %shift_right_logical3A_2652 = vector.broadcast %shift_right_logical3A_2651 : i32 to vector<1x128xi32>
    %shift_right_logical3A_2653 = arith.shrui %xor3A_2646, %shift_right_logical3A_2652 : vector<1x128xi32>
    %or3A_2654 = arith.ori %shift_left3A_2650, %shift_right_logical3A_2653 : vector<1x128xi32>
    %xor3A_2655 = arith.xori %or3A_2654, %add3A_2647 : vector<1x128xi32>
    %add3A_2656 = arith.addi %add3A_2647, %xor3A_2655 : vector<1x128xi32>
    %shift_left3A_2657 = arith.constant 24 : i32
    %shift_left3A_2658 = vector.broadcast %shift_left3A_2657 : i32 to vector<1x128xi32>
    %shift_left3A_2659 = arith.shli %xor3A_2655, %shift_left3A_2658 : vector<1x128xi32>
    %shift_right_logical3A_2660 = arith.constant 8 : i32
    %shift_right_logical3A_2661 = vector.broadcast %shift_right_logical3A_2660 : i32 to vector<1x128xi32>
    %shift_right_logical3A_2662 = arith.shrui %xor3A_2655, %shift_right_logical3A_2661 : vector<1x128xi32>
    %or3A_2663 = arith.ori %shift_left3A_2659, %shift_right_logical3A_2662 : vector<1x128xi32>
    %xor3A_2664 = arith.xori %or3A_2663, %add3A_2656 : vector<1x128xi32>
    %add3A_2665 = arith.constant 1 : i32
    %add3A_2666 = vector.broadcast %add3A_2665 : i32 to vector<1x128xi32>
    %add3A_2667 = arith.addi %add3A_2656, %add3A_2666 : vector<1x128xi32>
    %add3A_2668 = vector.broadcast %xor3A_2490 : i32 to vector<1x128xi32>
    %add3A_2669 = arith.addi %xor3A_2664, %add3A_2668 : vector<1x128xi32>
    %add3A_2670 = arith.constant 4 : i32
    %add3A_2671 = vector.broadcast %add3A_2670 : i32 to vector<1x128xi32>
    %add3A_2672 = arith.addi %add3A_2669, %add3A_2671 : vector<1x128xi32>
    %add3A_2673 = arith.addi %add3A_2667, %add3A_2672 : vector<1x128xi32>
    %shift_left3A_2674 = arith.constant 13 : i32
    %shift_left3A_2675 = vector.broadcast %shift_left3A_2674 : i32 to vector<1x128xi32>
    %shift_left3A_2676 = arith.shli %add3A_2672, %shift_left3A_2675 : vector<1x128xi32>
    %shift_right_logical3A_2677 = arith.constant 19 : i32
    %shift_right_logical3A_2678 = vector.broadcast %shift_right_logical3A_2677 : i32 to vector<1x128xi32>
    %shift_right_logical3A_2679 = arith.shrui %add3A_2672, %shift_right_logical3A_2678 : vector<1x128xi32>
    %or3A_2680 = arith.ori %shift_left3A_2676, %shift_right_logical3A_2679 : vector<1x128xi32>
    %xor3A_2681 = arith.xori %or3A_2680, %add3A_2673 : vector<1x128xi32>
    %add3A_2682 = arith.addi %add3A_2673, %xor3A_2681 : vector<1x128xi32>
    %shift_left3A_2683 = arith.constant 15 : i32
    %shift_left3A_2684 = vector.broadcast %shift_left3A_2683 : i32 to vector<1x128xi32>
    %shift_left3A_2685 = arith.shli %xor3A_2681, %shift_left3A_2684 : vector<1x128xi32>
    %shift_right_logical3A_2686 = arith.constant 17 : i32
    %shift_right_logical3A_2687 = vector.broadcast %shift_right_logical3A_2686 : i32 to vector<1x128xi32>
    %shift_right_logical3A_2688 = arith.shrui %xor3A_2681, %shift_right_logical3A_2687 : vector<1x128xi32>
    %or3A_2689 = arith.ori %shift_left3A_2685, %shift_right_logical3A_2688 : vector<1x128xi32>
    %xor3A_2690 = arith.xori %or3A_2689, %add3A_2682 : vector<1x128xi32>
    %add3A_2691 = arith.addi %add3A_2682, %xor3A_2690 : vector<1x128xi32>
    %shift_left3A_2692 = arith.constant 26 : i32
    %shift_left3A_2693 = vector.broadcast %shift_left3A_2692 : i32 to vector<1x128xi32>
    %shift_left3A_2694 = arith.shli %xor3A_2690, %shift_left3A_2693 : vector<1x128xi32>
    %shift_right_logical3A_2695 = arith.constant 6 : i32
    %shift_right_logical3A_2696 = vector.broadcast %shift_right_logical3A_2695 : i32 to vector<1x128xi32>
    %shift_right_logical3A_2697 = arith.shrui %xor3A_2690, %shift_right_logical3A_2696 : vector<1x128xi32>
    %or3A_2698 = arith.ori %shift_left3A_2694, %shift_right_logical3A_2697 : vector<1x128xi32>
    %xor3A_2699 = arith.xori %or3A_2698, %add3A_2691 : vector<1x128xi32>
    %add3A_2700 = arith.addi %add3A_2691, %xor3A_2699 : vector<1x128xi32>
    %shift_left3A_2701 = arith.constant 6 : i32
    %shift_left3A_2702 = vector.broadcast %shift_left3A_2701 : i32 to vector<1x128xi32>
    %shift_left3A_2703 = arith.shli %xor3A_2699, %shift_left3A_2702 : vector<1x128xi32>
    %shift_right_logical3A_2704 = arith.constant 26 : i32
    %shift_right_logical3A_2705 = vector.broadcast %shift_right_logical3A_2704 : i32 to vector<1x128xi32>
    %shift_right_logical3A_2706 = arith.shrui %xor3A_2699, %shift_right_logical3A_2705 : vector<1x128xi32>
    %or3A_2707 = arith.ori %shift_left3A_2703, %shift_right_logical3A_2706 : vector<1x128xi32>
    %xor3A_2708 = arith.xori %or3A_2707, %add3A_2700 : vector<1x128xi32>
    %add3A_2709 = vector.broadcast %xor3A_2490 : i32 to vector<1x128xi32>
    %add3A_2710 = arith.addi %add3A_2700, %add3A_2709 : vector<1x128xi32>
    %add3A_2711 = arith.constant 0 : i32
    %add3A_2712 = vector.broadcast %add3A_2711 : i32 to vector<1x128xi32>
    %add3A_2713 = arith.addi %xor3A_2708, %add3A_2712 : vector<1x128xi32>
    %add3A_2714 = arith.constant 5 : i32
    %add3A_2715 = vector.broadcast %add3A_2714 : i32 to vector<1x128xi32>
    %add3A_2716 = arith.addi %add3A_2713, %add3A_2715 : vector<1x128xi32>
    %xor3A_2717 = arith.xori %add3A_2710, %add3A_2716 : vector<1x128xi32>
    %shift_right_logical3A_2718 = arith.constant 9 : i32
    %shift_right_logical3A_2719 = vector.broadcast %shift_right_logical3A_2718 : i32 to vector<1x128xi32>
    %shift_right_logical3A_2720 = arith.shrui %xor3A_2717, %shift_right_logical3A_2719 : vector<1x128xi32>
    %or3A_2721 = arith.constant 1065353216 : i32
    %or3A_2722 = vector.broadcast %or3A_2721 : i32 to vector<1x128xi32>
    %or3A_2723 = arith.ori %shift_right_logical3A_2720, %or3A_2722 : vector<1x128xi32>
    %bitcast_convert_type3A_2724 = tpu.bitcast %or3A_2723 : vector<1x128xi32> -> vector<1x128xf32>
    %sub3A_2725 = arith.constant 1.000000e+00 : f32
    %sub3A_2726 = vector.broadcast %sub3A_2725 : f32 to vector<1x128xf32>
    %sub3A_2727 = arith.subf %bitcast_convert_type3A_2724, %sub3A_2726 : vector<1x128xf32>
    %add3A_2728 = arith.constant 1.17549435E-38 : f32
    %add3A_2729 = vector.broadcast %add3A_2728 : f32 to vector<1x128xf32>
    %add3A_2730 = arith.addf %sub3A_2727, %add3A_2729 : vector<1x128xf32>
    %max3A = arith.constant 1.17549435E-38 : f32
    %max3A_2731 = vector.broadcast %max3A : f32 to vector<1x128xf32>
    %max3A_2732 = arith.maximumf %max3A_2731, %add3A_2730 : vector<1x128xf32>
    %log3A = math.log %max3A_2732 : vector<1x128xf32>
    %neg3A = arith.constant 0.000000e+00 : f32
    %neg3A_2733 = vector.broadcast %neg3A : f32 to vector<1x128xf32>
    %neg3A_2734 = arith.subf %neg3A_2733, %log3A : vector<1x128xf32>
    %log3A_2735 = math.log %neg3A_2734 : vector<1x128xf32>
    %neg3A_2736 = arith.constant 0.000000e+00 : f32
    %neg3A_2737 = vector.broadcast %neg3A_2736 : f32 to vector<1x128xf32>
    %neg3A_2738 = arith.subf %neg3A_2737, %log3A_2735 : vector<1x128xf32>
    %add3A_2739 = arith.addf %div3A_2461, %neg3A_2738 : vector<1x128xf32>
    %reduce_max3A_2740 = vector.shape_cast %add3A_2739 : vector<1x128xf32> to vector<1x1x128xf32>
    %reduce_max3A_2741 = arith.constant dense<0xFF800000> : vector<1xf32>
    %reduce_max3A_2742 = vector.multi_reduction <maximumf>, %reduce_max3A_2740, %reduce_max3A_2741 [1, 2] : vector<1x1x128xf32> to vector<1xf32>
    %reduce_max3A_2743 = vector.shape_cast %reduce_max3A_2742 : vector<1xf32> to vector<1x1x1xf32>
    %reduce_max3A_2744 = vector.extract %reduce_max3A_2743[0, 0, 0] : f32 from vector<1x1x1xf32>
    %eq3A_2745 = vector.broadcast %reduce_max3A_2744 : f32 to vector<1x128xf32>
    %eq3A_2746 = arith.cmpf oeq, %add3A_2739, %eq3A_2745 : vector<1x128xf32>
    %jit3A_2747 = arith.constant 2147483647 : i32
    %broadcast_in_dim3A_2748 = vector.broadcast %jit3A_2747 : i32 to vector<1x128xi32>
    %select_n3A_2749 = arith.select %eq3A_2746, %select_n3A_2482, %broadcast_in_dim3A_2748 : vector<1x128xi1>, vector<1x128xi32>
    %reduce_min3A_2750 = vector.shape_cast %select_n3A_2749 : vector<1x128xi32> to vector<1x1x128xi32>
    %reduce_min3A_2751 = arith.constant dense<2147483647> : vector<1xi32>
    %reduce_min3A_2752 = vector.multi_reduction <minsi>, %reduce_min3A_2750, %reduce_min3A_2751 [1, 2] : vector<1x1x128xi32> to vector<1xi32>
    %reduce_min3A_2753 = vector.shape_cast %reduce_min3A_2752 : vector<1xi32> to vector<1x1x1xi32>
    %reduce_min3A_2754 = vector.extract %reduce_min3A_2753[0, 0, 0] : i32 from vector<1x1x1xi32>
    %swap3A_2755 = arith.constant 0 : index
    %swap3A_2756 = arith.constant 0 : index
    %swap3A_2757 = memref.load %arg3[%swap3A_2755, %swap3A_2756] : memref<1x1xi32, #tpu.memory_space<smem>>
    memref.store %reduce_min3A_2754, %arg3[%swap3A_2755, %swap3A_2756] : memref<1x1xi32, #tpu.memory_space<smem>>
    %ge3A_2758 = arith.constant 1073741824 : i32
    %ge3A_2759 = vector.broadcast %ge3A_2758 : i32 to vector<1x128xi32>
    %ge3A_2760 = arith.cmpi sge, %select_n3A_2351, %ge3A_2759 : vector<1x128xi32>
    %add3A_2761 = arith.constant 151552 : i32
    %add3A_2762 = vector.broadcast %add3A_2761 : i32 to vector<1x128xi32>
    %add3A_2763 = arith.addi %add3A_2762, %select_n3A_2351 : vector<1x128xi32>
    %jit3A_2764 = arith.constant 2147483647 : i32
    %broadcast_in_dim3A_2765 = vector.broadcast %jit3A_2764 : i32 to vector<1x128xi32>
    %select_n3A_2766 = arith.select %ge3A_2760, %broadcast_in_dim3A_2765, %add3A_2763 : vector<1x128xi1>, vector<1x128xi32>
    %swap3A_2767 = arith.constant 0 : index
    %swap3A_2768 = arith.constant 0 : index
    %swap3A_2769 = vector.load %arg1[%swap3A_2767, %swap3A_2768] : memref<1x128xf32, #tpu.memory_space<vmem>>, vector<1x128xf32>
    tpu.vector_store %arg1[%swap3A_2767, %swap3A_2768], %div3A_2473 {strides = array<i32>} : memref<1x128xf32, #tpu.memory_space<vmem>>, vector<1x128xf32>,
    %swap3A_2770 = arith.constant 0 : index
    %swap3A_2771 = arith.constant 0 : index
    %swap3A_2772 = vector.load %arg2[%swap3A_2770, %swap3A_2771] : memref<1x128xi32, #tpu.memory_space<vmem>>, vector<1x128xi32>
    tpu.vector_store %arg2[%swap3A_2770, %swap3A_2771], %select_n3A_2766 {strides = array<i32>} : memref<1x128xi32, #tpu.memory_space<vmem>>, vector<1x128xi32>,
    return
  }
}

</mosaic_0001>

<sc_bundles>
// kernel: kernel.4.cloned.1.call-start
scs
__scs_entry_jumppad:
0x0: {  	(pc) =	sbr.rel $0x88, $3  }
0x1: {  	(tag) =	ssettag $0x0;
	lr =	simm.s32 $0x1  }
0x2: {  	[smem:$0x3FA0] =	sst lr;
	_ =	strace $0xD0000000  }
0x3: {  	_ = 	snop  }
0x4: {  	_ = 	snop  }
0x5: {  	_ = 	snop  }
0x6: {  	_ = 	snop  }
0x7: {  	_ = 	snop  }
__scs_overlays_trampoline_lowered:
0x8: {  	[smem:$0x3FAF] =	sst s0  }
0x9: {  	[smem:$0x3FB0] =	sst s1  }
0xa: {  	[smem:$0x3FB1] =	sst s2  }
0xb: {  	[smem:$0x3FB2] =	sst s3  }
0xc: {  	[smem:$0x3FB3] =	sst s4  }
0xd: {  	[smem:$0x3FB4] =	sst s5  }
0xe: {  	[smem:$0x3FB5] =	sst s6  }
0xf: {  	[smem:$0x3FB6] =	sst s7  }
0x10: {  	[smem:$0x3FB7] =	sst s8  }
0x11: {  	[smem:$0x3FB8] =	sst s9;
	s0 =	simm.s32 @!p0 $0x0  }
0x12: {  	s1 =	sld [smem:$0x3F9E];
	s0 =	simm.s32 @p0 $0x1  }
0x13: {  	[smem:$0x3FB9] =	sst s0;
	s0 =	simm.s32 @!p1 $0x0  }
0x14: {  	s2 =	sld [smem:$0x3F9D];
	s0 =	simm.s32 @p1 $0x1  }
0x15: {  	[smem:$0x3FBA] =	sst s0;
	s0 =	simm.s32 @!p2 $0x0  }
0x16: {  	s3 =	sld [smem:$0x3FDB];
	s0 =	simm.s32 @p2 $0x1  }
0x17: {  	s4 =	simm.s32 $0x1BF5;
	[smem:$0x3FBC] =	sst s0  }
0x18: {  	s0 =	sld [smem:$0x3F9F];
	_ =	swait.ge [sflag:s4], $0x0  }
0x19: {  	s7 =	sld [smem:$0x3FA0]  }
0x1a: {  	s8 =	sadd.s32 $0xFFFFE003, lr  }
0x1b: {  	s9 =	sadd.s32 $0xFFFFFEF7, lr;
	s5 =	simm.s32 $0xFFFFFFFF;
	p2 =	slt.u32 s8, $0xFFFFF086  }
0x1c: {  	p1 =	slt.u32 s9, $0xF7A;
	s5 =	simm.s32 @!p2 $0x0  }
0x1d: {  	s5 =	simm.s32 @p1 $0x1;
	p0 =	seq.s32 s7, s2  }
0x1e: {  	s7 =	smul.u32 @!p0 $0xF7A, s2;
	p2 =	seq.s32 @!p0 s5, $0x0  }
0x1f: {  	s9 =	smul.u32 $0xF7A, s1;
	s8 =	simm.s32 @!p0 $0x1BF5;
	p2 =	por !p2, p0  }
0x20: {  	[sflag:s8] =	ssyncset.s32 @!p0 $0xFFFFF086;
	s6 =	sadd.s32 @!p0 s3, s7;
	s7 =	simm.s32 @!p0 $0x108  }
0x21: {  	s3 =	sadd.s32 s3, s9;
	s6 =	sadd.s32 @!p0 $0x88, s6;
	s7 =	simm.s32 @p2 $0x1082  }
0x22: {  	[simem:s7], [sflag:s8] =	dma.local @!p0 [hbm:s6], $0xF7A  }
0x23: {  	s9 =	sor.u32 $0xD0000000, s2;
	s6 =	simm.s32 $0x108;
	_ =	swait.ge @!p0 [sflag:s8], $0x0  }
0x24: {  	s3 =	sadd.s32 $0x88, s3;
	s6 =	simm.s32 @!p1 $0x1082;
	[sflag:s4] =	ssyncset.s32 $0xFFFFF086  }
0x25: {  	[simem:s6], [sflag:s4] =	dma.local [hbm:s3], $0xF7A  }
0x26: {  	[smem:$0x3FA0] =	sst s1;
	(tag) =	ssettag s2;
	_ =	strace s9  }
0x27: {  	s1 =	sld [smem:$0x3FB0]  }
0x28: {  	s2 =	sld [smem:$0x3FB1]  }
0x29: {  	s4 =	sld [smem:$0x3FB3]  }
0x2a: {  	p0 =	seq.s32 s5, $0x0;
	s5 =	sld [smem:$0x3FB4]  }
0x2b: {  	s6 =	sld [smem:$0x3FB5]  }
0x2c: {  	s7 =	sld [smem:$0x3FB6]  }
0x2d: {  	s3 =	simm.s32 $0x108;
	s8 =	sld [smem:$0x3FB7]  }
0x2e: {  	s3 =	simm.s32 @!p0 $0x1082;
	s9 =	sld [smem:$0x3FB8]  }
0x2f: {  	lr =	sadd.s32 s0, s3;
	s0 =	sld [smem:$0x3FAF]  }
0x30: {  	s3 =	sld [smem:$0x3FB2]  }
0x31: {  	[smem:$0x3FBB] =	sst s10  }
0x32: {  	s10 =	sld [smem:$0x3FB9];
	_ =	sdelay $0x3  }
0x33: {  	p0 =	seq.s32 s10, $0x1;
	s10 =	sld [smem:$0x3FBB];
	_ =	sdelay $0x3  }
0x34: {  	[smem:$0x3FBB] =	sst s10  }
0x35: {  	s10 =	sld [smem:$0x3FBA];
	_ =	sdelay $0x3  }
0x36: {  	p1 =	seq.s32 s10, $0x1;
	s10 =	sld [smem:$0x3FBB];
	_ =	sdelay $0x3  }
0x37: {  	[smem:$0x3FBB] =	sst s10  }
0x38: {  	s10 =	sld [smem:$0x3FBC]  }
0x39: {  	_ = 	snop;
	(pc) =	sbr.ind lr, $3  }
0x3a: {  	_ = 	snop  }
0x3b: {  	_ = 	snop  }
0x3c: {  	p2 =	seq.s32 s10, $0x1;
	s10 =	sld [smem:$0x3FBB]  }
0x3d: {  	_ =	shalt  }
0x3e: {  	_ =	shalt  }
0x3f: {  	_ =	shalt  }
0x40: {  	_ =	shalt  }
0x41: {  	_ =	shalt  }
0x42: {  	_ =	shalt  }
0x43: {  	_ =	shalt  }
0x44: {  	_ =	shalt  }
0x45: {  	_ =	shalt  }
0x46: {  	_ =	shalt  }
0x47: {  	_ =	shalt  }
0x48: {  	_ =	shalt  }
0x49: {  	_ =	shalt  }
0x4a: {  	_ =	shalt  }
0x4b: {  	_ =	shalt  }
0x4c: {  	_ =	shalt  }
0x4d: {  	_ =	shalt  }
0x4e: {  	_ =	shalt  }
0x4f: {  	_ =	shalt  }
0x50: {  	_ =	shalt  }
0x51: {  	_ =	shalt  }
0x52: {  	_ =	shalt  }
0x53: {  	_ =	shalt  }
0x54: {  	_ =	shalt  }
0x55: {  	_ =	shalt  }
0x56: {  	_ =	shalt  }
0x57: {  	_ =	shalt  }
0x58: {  	_ =	shalt  }
0x59: {  	_ =	shalt  }
0x5a: {  	_ =	shalt  }
0x5b: {  	_ =	shalt  }
0x5c: {  	_ =	shalt  }
0x5d: {  	_ =	shalt  }
0x5e: {  	_ =	shalt  }
0x5f: {  	_ =	shalt  }
0x60: {  	_ =	shalt  }
0x61: {  	_ =	shalt  }
0x62: {  	_ =	shalt  }
0x63: {  	_ =	shalt  }
0x64: {  	_ =	shalt  }
0x65: {  	_ =	shalt  }
0x66: {  	_ =	shalt  }
0x67: {  	_ =	shalt  }
0x68: {  	_ =	shalt  }
0x69: {  	_ =	shalt  }
0x6a: {  	_ =	shalt  }
0x6b: {  	_ =	shalt  }
0x6c: {  	_ =	shalt  }
0x6d: {  	_ =	shalt  }
0x6e: {  	_ =	shalt  }
0x6f: {  	_ =	shalt  }
0x70: {  	_ =	shalt  }
0x71: {  	_ =	shalt  }
0x72: {  	_ =	shalt  }
0x73: {  	_ =	shalt  }
0x74: {  	_ =	shalt  }
0x75: {  	_ =	shalt  }
0x76: {  	_ =	shalt  }
0x77: {  	_ =	shalt  }
0x78: {  	_ =	shalt  }
0x79: {  	_ =	shalt  }
0x7a: {  	_ =	shalt  }
0x7b: {  	_ =	shalt  }
0x7c: {  	_ =	shalt  }
0x7d: {  	_ =	shalt  }
0x7e: {  	_ =	shalt  }
0x7f: {  	_ =	shalt  }
0x80: {  	_ =	shalt  }
0x81: {  	_ =	shalt  }
0x82: {  	_ =	shalt  }
0x83: {  	_ =	shalt  }
0x84: {  	_ =	shalt  }
0x85: {  	_ =	shalt  }
0x86: {  	_ =	shalt  }
0x87: {  	_ =	shalt  }
.Lfunc_end0:
.L_simem_size_0:
called_computation_lowered:
.L_overlay_start_0:
0x88: {  	s2 =	sld [smem:$0x3FD9]  }
0x89: {  	s3 =	sld [smem:$0x3FFE];
	_ =	sdelay $0x1  }
0x8a: {  	s1 =	srdreg.scid  }
0x8b: {  	s0 =	sand.u32 $0x1, s1  }
0x8c: {  	s14 =	sshll.u32 s0, $0xA;
	s2 =	sadd.s32 s3, s2  }
0x8d: {  	s2 =	sadd.s32 s2, s14  }
0x8e: {  	[smem:$0x3FC7] =	sst s2  }
0x8f: {  	_ = 	snop  }
0x90: {  	s2 =	sld [smem:$0x3FD0];
	_ =	sdelay $0x2  }
0x91: {  	s15 =	simm.s32 $0xA;
	s4 =	simm.s32 $0x10  }
0x92: {  	[smem:s4], [sflag:s15] =	dma.local [hbm:s2], $0x1  }
0x93: {  	_ =	swait.eq [sflag:s15], $0x1  }
0x94: {  	[sflag:s15] =	ssyncset.done $0x0  }
0x95: {  	[sflag:s15] =	ssyncadd.s32 $0xFFFFFFFF  }
0x96: {  	s16 =	sld [smem:$0x10];
	(tm) =	ssettm $0x1  }
0x97: {  	s17 =	sld [smem:$0x3FFB];
	_ =	sdelay $0x3  }
0x98: {  	_ =	strace s17  }
0x99: {  	s3 =	sld [smem:$0x3FFC];
	_ =	sdelay $0x3  }
0x9a: {  	_ =	strace s3  }
0x9b: {  	s3 =	sld [smem:$0x3FFD];
	_ =	sdelay $0x3  }
0x9c: {  	_ =	strace s3  }
0x9d: {  	_ =	strace $0x8FFFFFFF  }
0x9e: {  	s18 =	sld [smem:$0x3FDB];
	_ =	sdelay $0x1  }
0x9f: {  	s19 =	simm.s32 $_scs_section_size  }
0xa0: {  	s5 =	simm.s32 $_size__tile_overlayer_lowered;
	s6 =	simm.s32 $_tile_overlayer_lowered  }
0xa1: {  	s22 =	simm.s32 $0x1BFF;
	s21 =	sshll.u32 s6, $0x1;
	s3 =	sadd.s32 s19, s18  }
0xa2: {  	s7 =	simm.s32 $0x0;
	s20 =	sshll.u32 s5, $0x1;
	s5 =	sadd.s32 s21, s3  }
0xa3: {  	[timem:s7], [sflag:s22] =	dma.local [hbm:s5], s20  }
0xa4: {  	_ =	swait.ge [sflag:s22], s20  }
0xa5: {  	s4 =	ssub.s32 $0x0, s20;
	[sflag:s22] =	ssyncset.done $0x0  }
0xa6: {  	[sflag:s22] =	ssyncadd.s32 s4;
	_ =	sdelay $0x1  }
0xa7: {  	s23 =	simm.s32 $0x1B8B  }
0xa8: {  	_ =	swait.ge [sflag:s23], $0x1  }
0xa9: {  	[sflag:s23] =	ssyncset.done $0x0  }
0xaa: {  	s25 =	simm.s32 $0x1B8E;
	s24 =	sld [smem:$0x3FFE];
	[sflag:s23] =	ssyncadd.s32 $0xFFFFFFFF  }
0xab: {  	s26 =	simm.s32 $execute0_lowered;
	[smem:$0x3FD2] =	sst s25  }
0xac: {  	s5 =	sshll.u32 s26, $0x1;
	_ =	strace $0x80000046;
	[dreg:$0x1] =	wrdreg $0xFFFFFFFF  }
0xad: {  	s28 =	simm.s32 $_size_execute0_lowered;
	s3 =	sadd.s32 s3, s5;
	[dreg:$0x0] =	wrdreg $0x0  }
0xae: {  	s5 =	sshll.u32 s28, $0x1;
	[dreg:$0x2] =	wrdreg s3  }
0xaf: {  	[dreg:$0x3] =	wrdreg s5  }
0xb0: {  	[dreg:$0x4] =	wrdreg $0xC0  }
0xb1: {  	_ =	task [dreg:s7], $0x5FFFF  }
0xb2: {  	[dreg:$0x1] =	wrdreg $0xFFFFFFFF  }
0xb3: {  	[dreg:$0x0] =	wrdreg $0x60  }
0xb4: {  	[dreg:$0x2] =	wrdreg s16  }
0xb5: {  	[dreg:$0x3] =	wrdreg s24  }
0xb6: {  	[dreg:$0x4] =	wrdreg $0x9  }
0xb7: {  	_ =	task.clear_ibuf [dreg:s7], $0x5FFFF;
	_ =	strace $0x90000046  }
0xb8: {  	s29 =	simm.s32 $0x9;
	_ =	strace $0x80000048  }
0xb9: {  	_ =	swait.ge [sflag:s29], $0x1  }
0xba: {  	[sflag:s29] =	ssyncadd.s32 $0xFFFFFFFF  }
0xbb: {  	_ =	strace $0x90000048  }
0xbc: {  	_ =	sfence  }
0xbd: {  	s30 =	sld [smem:$0x0];
	_ =	sdelay $0x2  }
0xbe: {  	s31 =	sshll.u32 s1, $0xD;
	s1 =	sshrl.u32 s1, $0x2  }
0xbf: {  	s3 =	sand.u32 $0x4000, s31;
	s1 =	sadd.s32 s1, s30  }
0xc0: {  	s0 =	sor.u32 s3, s0;
	s1 =	sshll.u32 s1, $0x11  }
0xc1: {  	s0 =	sor.u32 s1, s0  }
0xc2: {  	s0 =	sadd.s32 $0x8F2B, s0  }
0xc3: {  	[sflag:s0] =	ssyncadd.remote.s32 $0x1  }
0xc4: {  	_ =	sfence.sel $0xFFFF  }
0xc5: {  	[dreg:$0x0] =	wrdreg $0xFFFFFFFF;
	(pc) =	sbr.abs _section_cstart, $3  }
0xc6: {  	[dreg:$0x1] =	wrdreg $0xFFFFFFFF  }
0xc7: {  	_ =	task.clear_ibuf [dreg:s7], $0x2FFFF;
	_ =	strace $0x9FFFFFFF  }
0xc8: {  	(tm) =	ssettm $0x7FFFFFFF  }
0xc9: {  	_ =	shalt  }
tec
execute0_lowered:
.L_overlay_start_1:
0x0: {  	(tag) =	ssettag $0x1  }
0x1: {  	s2 =	rddreg [dreg:$0x0];
	s1 =	srdreg.scid  }
0x2: {  	s0 =	stileid.u32;
	s6 =	rddreg [dreg:$0x1];
	s3 =	simm.s32 $0x0  }
0x3: {  	s4 =	sand.u32 $0x1, s1;
	s5 =	sshll.u32 s0, $0x1;
	[smem:$0x7FF] =	sst s3  }
0x4: {  	s1 =	rddreg [dreg:$0x2];
	s8 =	sor.u32 s4, s5;
	_ =	strace $0x80000047  }
0x5: {  	s30 =	ssub.s32 $0x2, s4;
	s4 =	sadd.s32 $0xA00, s6;
	s7 =	smul.u32 $0x1A80, s8  }
.Ltmp0:
0x6: {  	s10 =	sshrl.u32 s30, $0x1;
	p0 =	seq.s32 s8, $0x1F;
	(pc) =	sbr.rel .LBB2_1-.Ltmp0, $4  }
0x7: {  	s8 =	simm.s32 $0x1;
	s10 =	ssub.s32 s30, s10;
	s9 =	sshrl.u32 s7, $0x3  }
0x8: {  	s11 =	sadd.s32 $0x1A80, s7;
	s31 =	sadd.s32 $0x1500, s7;
	v0 =	vmov s7;
	s7 =	smax.u32 s10, $0x1  }
0x9: {  	s10 =	simm.s32 $0x100;
	s9 =	sadd.s32 s9, s6;
	s6 =	sadd.s32 $0x72B0, s6  }
0xa: {  	v3 =	vimm.f32 $0.0e+00;
	v1 =	vmov s11;
	v2 =	vmov s31;
	s11 =	simm.s32 $0x0;
	s5 =	sadd.s32 $0xC00, s9;
	s9 =	simm.s32 $0x80  }
.LBB2_5:
0xb: {  	[tilespmem:s12+$0x170] =	vst v3  }
0xc: {  	[tilespmem:s12+$0x100] =	vst v3  }
0xd: {  	[tilespmem:s12+$0x110] =	vst v3  }
0xe: {  	[tilespmem:s12+$0x120] =	vst v3  }
0xf: {  	[tilespmem:s12+$0x130] =	vst v3  }
0x10: {  	[tilespmem:s12+$0x140] =	vst v3  }
0x11: {  	[tilespmem:s12+$0x150] =	vst v3  }
0x12: {  	[tilespmem:s12+$0x160] =	vst v3  }
0x13: {  	v4 =	vld [tilespmem:$0x80];
	_ =	sdelay $0x4  }
0x14: {  	vm0 =	vge.s32 v4, v0;
	vm1 =	vlt.s32 v4, v2  }
0x15: {  	vm0 =	vmand vm0, vm1  }
0x16: {  	v5 =	vld [tilespmem:$0x0];
	v4 =	vadd.s32 $0xFFFCCA80, v4;
	_ =	sdelay $0x4  }
0x17: {  	[tilespmem:v4+s10+$0x0] =	vst.idx.msk vm0, v5  }
0x18: {  	v4 =	vld [tilespmem:$0x90];
	_ =	sdelay $0x4  }
0x19: {  	vm10 =	vge.s32 v4, v0;
	vm11 =	vlt.s32 v4, v2  }
0x1a: {  	vm0 =	vmand vm10, vm11  }
0x1b: {  	v5 =	vld [tilespmem:$0x10];
	v4 =	vadd.s32 $0xFFFCCA80, v4;
	_ =	sdelay $0x4  }
0x1c: {  	[tilespmem:v4+s10+$0x0] =	vst.idx.msk vm0, v5  }
0x1d: {  	v4 =	vld [tilespmem:$0xA0];
	_ =	sdelay $0x4  }
0x1e: {  	vm12 =	vge.s32 v4, v0;
	vm13 =	vlt.s32 v4, v2  }
0x1f: {  	vm0 =	vmand vm12, vm13  }
0x20: {  	v5 =	vld [tilespmem:$0x20];
	v4 =	vadd.s32 $0xFFFCCA80, v4;
	_ =	sdelay $0x4  }
0x21: {  	[tilespmem:v4+s10+$0x0] =	vst.idx.msk vm0, v5  }
0x22: {  	v4 =	vld [tilespmem:$0xB0];
	_ =	sdelay $0x4  }
0x23: {  	vm14 =	vge.s32 v4, v0;
	vm15 =	vlt.s32 v4, v2  }
0x24: {  	vm0 =	vmand vm14, vm15  }
0x25: {  	v5 =	vld [tilespmem:$0x30];
	v4 =	vadd.s32 $0xFFFCCA80, v4;
	_ =	sdelay $0x4  }
0x26: {  	[tilespmem:v4+s10+$0x0] =	vst.idx.msk vm0, v5  }
0x27: {  	[hbm4b:s6+s3] =	stream.linear.scatter [tilespmem:s10], [sflag:$0x1], $0x1500, $0x38;
	[tilespmem:$0x1B80] =	vst v63  }
0x28: {  	_ =	swait.ge [sflag:s8], $0x1500  }
0x29: {  	[sflag:s8] =	ssyncset.done $0x0  }
0x2a: {  	[sflag:s8] =	ssyncadd.s32 $0xFFFFEB00  }
.LBB2_6:
0x2b: {  	s11 =	sadd.s32 $0x1, s11  }
0x2c: {  	p1 =	sne.s32 s11, s7  }
.Ltmp1:
0x2d: {  	_ = 	snop;
	(pc) =	sbr.rel @!p1 .LBB2_7-.Ltmp1, $1  }
0x2e: {  	_ =	sdelay $0x3  }
.LBB2_1:
0x2f: {  	[tilespmem:s3], [sflag:$0x1] =	stream.linear.gather [hbm4b:s2+s3], $0x80, $0x38;
	[tilespmem:$0x1B80] =	vst v63  }
0x30: {  	_ =	swait.ge [sflag:s8], $0x80  }
0x31: {  	[sflag:s8] =	ssyncset.done $0x0  }
.Ltmp2:
0x32: {  	[sflag:s8] =	ssyncadd.s32 $0xFFFFFF80;
	(pc) =	sbr.rel @!p0 .LBB2_2-.Ltmp2, $4  }
0x33: {  	[tilespmem:s9], [sflag:$0x1] =	stream.linear.gather [hbm4b:s4+s3], $0x80, $0x38;
	[tilespmem:$0x1B80] =	vst v63  }
0x34: {  	_ =	swait.ge [sflag:s8], $0x80  }
0x35: {  	[sflag:s8] =	ssyncset.done $0x0  }
0x36: {  	s12 =	sshra.s32 s3, $0x2;
	s13 =	sadd.s32 $0x200, s3;
	[sflag:s8] =	ssyncadd.s32 $0xFFFFFF80  }
.LBB2_4:
0x37: {  	p1 =	sne.s32 s13, $0x5200;
	[tilespmem:s12+$0x170] =	vst v3  }
0x38: {  	[tilespmem:s12+$0x100] =	vst v3  }
0x39: {  	[tilespmem:s12+$0x110] =	vst v3  }
.Ltmp3:
0x3a: {  	[tilespmem:s12+$0x120] =	vst v3;
	(pc) =	sbr.rel @p1 .LBB2_4-.Ltmp3, $4  }
0x3b: {  	[tilespmem:s12+$0x130] =	vst v3  }
0x3c: {  	[tilespmem:s12+$0x140] =	vst v3  }
0x3d: {  	[tilespmem:s12+$0x150] =	vst v3  }
0x3e: {  	[tilespmem:s12+$0x160] =	vst v3;
	s12 =	sshra.s32 s13, $0x2;
	s13 =	sadd.s32 $0x200, s13  }
.Ltmp4:
0x3f: {  	_ = 	snop;
	(pc) =	sbr.rel .LBB2_5-.Ltmp4, $1  }
0x40: {  	_ =	sdelay $0x3  }
.LBB2_2:
0x41: {  	p1 =	sne.s32 s13, $0x6800;
	[tilespmem:s12+$0x170] =	vst v3  }
0x42: {  	[tilespmem:s12+$0x100] =	vst v3  }
0x43: {  	[tilespmem:s12+$0x110] =	vst v3  }
.Ltmp5:
0x44: {  	[tilespmem:s12+$0x120] =	vst v3;
	(pc) =	sbr.rel @p1 .LBB2_2-.Ltmp5, $4  }
0x45: {  	[tilespmem:s12+$0x130] =	vst v3  }
0x46: {  	[tilespmem:s12+$0x140] =	vst v3  }
0x47: {  	[tilespmem:s12+$0x150] =	vst v3  }
0x48: {  	[tilespmem:s12+$0x160] =	vst v3;
	s12 =	sshra.s32 s13, $0x2;
	s13 =	sadd.s32 $0x200, s13  }
0x49: {  	[tilespmem:s12+$0x170] =	vst v3  }
0x4a: {  	[tilespmem:s12+$0x100] =	vst v3  }
0x4b: {  	[tilespmem:s12+$0x110] =	vst v3  }
0x4c: {  	[tilespmem:s12+$0x120] =	vst v3  }
0x4d: {  	[tilespmem:s12+$0x130] =	vst v3  }
0x4e: {  	[tilespmem:s12+$0x140] =	vst v3  }
0x4f: {  	[tilespmem:s12+$0x150] =	vst v3  }
0x50: {  	[tilespmem:s12+$0x160] =	vst v3  }
0x51: {  	v4 =	vld [tilespmem:$0x80];
	_ =	sdelay $0x4  }
0x52: {  	vm0 =	vge.s32 v4, v0;
	vm1 =	vlt.s32 v4, v1;
	v5 =	vsub.s32 v4, v0  }
0x53: {  	v4 =	vand.u32 $0x7F, v4;
	vm0 =	vmand vm0, vm1;
	v5 =	vand.u32 $0xFFFFFF80, v5  }
0x54: {  	v6 =	vld [tilespmem:$0x0];
	v4 =	vor.u32 v4, v5;
	_ =	sdelay $0x4  }
0x55: {  	[tilespmem:v4+s10+$0x0] =	vst.idx.msk vm0, v6  }
0x56: {  	v4 =	vld [tilespmem:$0x90];
	_ =	sdelay $0x4  }
0x57: {  	vm10 =	vge.s32 v4, v0;
	vm11 =	vlt.s32 v4, v1;
	v5 =	vsub.s32 v4, v0  }
0x58: {  	v4 =	vand.u32 $0x7F, v4;
	vm0 =	vmand vm10, vm11;
	v5 =	vand.u32 $0xFFFFFF80, v5  }
0x59: {  	v6 =	vld [tilespmem:$0x10];
	v4 =	vor.u32 v4, v5;
	_ =	sdelay $0x4  }
0x5a: {  	[tilespmem:v4+s10+$0x0] =	vst.idx.msk vm0, v6  }
0x5b: {  	v4 =	vld [tilespmem:$0xA0];
	_ =	sdelay $0x4  }
0x5c: {  	vm12 =	vge.s32 v4, v0;
	vm13 =	vlt.s32 v4, v1;
	v5 =	vsub.s32 v4, v0  }
0x5d: {  	v4 =	vand.u32 $0x7F, v4;
	vm0 =	vmand vm12, vm13;
	v5 =	vand.u32 $0xFFFFFF80, v5  }
0x5e: {  	v6 =	vld [tilespmem:$0x20];
	v4 =	vor.u32 v4, v5;
	_ =	sdelay $0x4  }
0x5f: {  	[tilespmem:v4+s10+$0x0] =	vst.idx.msk vm0, v6  }
0x60: {  	v4 =	vld [tilespmem:$0xB0];
	_ =	sdelay $0x4  }
0x61: {  	vm14 =	vge.s32 v4, v0;
	vm15 =	vlt.s32 v4, v1;
	v5 =	vsub.s32 v4, v0  }
0x62: {  	v4 =	vand.u32 $0x7F, v4;
	vm0 =	vmand vm14, vm15;
	v5 =	vand.u32 $0xFFFFFF80, v5  }
0x63: {  	v6 =	vld [tilespmem:$0x30];
	v4 =	vor.u32 v4, v5;
	_ =	sdelay $0x4  }
.Ltmp6:
0x64: {  	[tilespmem:v4+s10+$0x0] =	vst.idx.msk vm0, v6;
	(pc) =	sbr.rel .LBB2_6-.Ltmp6, $4  }
0x65: {  	[hbm4b:s5+s3] =	stream.linear.scatter [tilespmem:s10], [sflag:$0x1], $0x1A80, $0x38;
	[tilespmem:$0x1B80] =	vst v63  }
0x66: {  	_ =	swait.ge [sflag:s8], $0x1A80  }
0x67: {  	[sflag:s8] =	ssyncset.done $0x0  }
0x68: {  	[sflag:s8] =	ssyncadd.s32 $0xFFFFE580  }
.LBB2_7:
0x69: {  	_ =	sfence.sel $0x180000  }
0x6a: {  	[bflag:$0x0] =	sbarrier.arrive $0xFFFF  }
0x6b: {  	p0 =	sne.s32 s0, $0x0;
	_ =	strace $0x90000047  }
0x6c: {  	s0 =	sadd.s32 @!p0 $0x100000, s1;
	[bflag:$0x2] =	sbarrier.arrive $0xFFFF  }
0x6d: {  	[sflag:s0] =	ssyncadd.tile.s32 @!p0 $0x1;
	_ =	shalt  }
.Lfunc_end2:
_tile_overlayer_lowered:
.L_overlay_start_2:
0x6e: {  	(tag) =	ssettag $0x2  }
0x6f: {  	s0 =	rddreg [dreg:$0x0];
	s2 =	stileid.u32  }
0x70: {  	s1 =	rddreg [dreg:$0x1];
	p0 =	sne.s32 s2, $0x0  }
0x71: {  	s3 =	rddreg [dreg:$0x2];
	[bflag:$0x3] =	sbarrier.arrive $0xFFFF;
	s2 =	simm.s32 @!p0 $0x1C01  }
0x72: {  	[timem:s3], [sflag:s2] =	dma.local @!p0 [hbm:s0], s1  }
0x73: {  	s0 =	simm.s32 @!p0 $0x1  }
0x74: {  	_ =	swait.ge @!p0 [sflag:s0], s1  }
0x75: {  	s1 =	ssub.s32 @!p0 $0x0, s1;
	[sflag:s0] =	ssyncset.done @!p0 $0x0  }
0x76: {  	[sflag:s0] =	ssyncadd.s32 @!p0 s1  }
0x77: {  	[bflag:$0x3] =	sbarrier.arrive $0xFFFF  }
0x78: {  	_ =	shalt  }

</sc_bundles>
